<compile_context>
chip_gen: v7x
topology: tpu7x:2x2x1
jax: 0.10.2.dev20260603
libtpu: 0.0.44.dev20260713+nightly
codegen_flags: <defaults>
</compile_context>

<pallas_src>
import functools

import jax
import jax.numpy as jnp
from jax import lax
from jax.experimental import pallas as pl
from jax.experimental.pallas import tpu as pltpu
from jax.experimental.pallas import tpu_sc as plsc

C = 125
G = 8
NC = 2
NS = 16
NW = NC * NS
SB = 80


def _sc_pass(N, D, E, mode):
    NCH = E // (C * NW)
    NG = NCH // G
    NPAD = -(-N // (NS * SB)) * (NS * SB)
    NZ = NPAD // (NS * SB)
    NO = N // SB
    NOT = -(-NO // NS)

    mesh = plsc.VectorSubcoreMesh(core_axis_name="c", subcore_axis_name="s")

    scratch = [
        pltpu.VMEM((G, C), jnp.int32),
        pltpu.VMEM((C, D), jnp.float32),
        pltpu.VMEM((SB, D), jnp.float32),
        pltpu.VMEM_SHARED((NPAD, D), jnp.float32),
    ]
    if mode == "agg":
        scratch = ([pltpu.VMEM((G, C), jnp.int32)] + scratch
                   + [pltpu.VMEM((C, D), jnp.float32),
                      pltpu.SemaphoreType.DMA,
                      pltpu.SemaphoreType.DMA,
                      pltpu.SemaphoreType.DMA,
                      pltpu.SemaphoreType.DMA])
    else:
        scratch = scratch + [pltpu.SemaphoreType.DMA]

    @functools.partial(pl.kernel, mesh=mesh,
                       out_type=jax.ShapeDtypeStruct((NC * N, D),
                                                     jnp.float32),
                       scratch_types=scratch)
    def body(*refs):
        if mode == "agg":
            (h_hbm, src_hbm, dst_hbm, zrows_hbm,
             out_hbm, idxs, idxd, rows_a, zbuf, acc_sh,
             rows_b, gsem_a, gsem_b, ssem_a, ssem_b) = refs
            rows = (rows_a, rows_b)
            gsems = (gsem_a, gsem_b)
            ssems = (ssem_a, ssem_b)
        else:
            (dst_hbm, zrows_hbm, ones_hbm,
             out_hbm, idxd, ones_v, zbuf, acc_sh, ssem) = refs
        cid = lax.axis_index("c")
        sid = lax.axis_index("s")
        w = cid * NS + sid

        pltpu.sync_copy(zrows_hbm, zbuf)
        for t in range(NZ):
            z0 = (sid * NZ + t) * SB
            pltpu.sync_copy(zbuf, acc_sh.at[pl.ds(z0, SB)])
        if mode == "deg":
            pltpu.sync_copy(ones_hbm, ones_v)
        plsc.subcore_barrier()

        if mode == "agg":

            @pl.loop(0, NG)
            def _(g):
                base = w * NCH + g * G
                pltpu.sync_copy(src_hbm.at[pl.ds(base, G)], idxs)
                pltpu.sync_copy(dst_hbm.at[pl.ds(base, G)], idxd)
                pltpu.async_copy(h_hbm.at[idxs.at[0]], rows[0], gsems[0])
                for k in range(G):
                    p = k % 2
                    pltpu.make_async_copy(
                        h_hbm.at[idxs.at[k]], rows[p], gsems[p]).wait()
                    pltpu.async_copy(rows[p], acc_sh.at[idxd.at[k]],
                                     ssems[p], add=True)
                    if k + 1 < G:
                        if k >= 1:
                            pltpu.make_async_copy(
                                rows[1 - p], acc_sh.at[idxd.at[k]],
                                ssems[1 - p]).wait()
                        pltpu.async_copy(h_hbm.at[idxs.at[k + 1]],
                                         rows[1 - p], gsems[1 - p])
                pltpu.make_async_copy(rows[0], acc_sh.at[idxd.at[G - 2]],
                                      ssems[0]).wait()
                pltpu.make_async_copy(rows[1], acc_sh.at[idxd.at[G - 1]],
                                      ssems[1]).wait()
        else:

            @pl.loop(0, NG)
            def _(g):
                base = w * NCH + g * G
                pltpu.sync_copy(dst_hbm.at[pl.ds(base, G)], idxd)
                for k in range(G):
                    pltpu.async_copy(ones_v, acc_sh.at[idxd.at[k]], ssem,
                                     add=True)
                for k in range(G):
                    pltpu.make_async_copy(ones_v, acc_sh.at[idxd.at[k]],
                                          ssem).wait()

        plsc.subcore_barrier()
        for t in range(NOT):
            c = sid + t * NS

            @pl.when(c < NO)
            def _():
                r0 = c * SB
                pltpu.sync_copy(acc_sh.at[pl.ds(r0, SB)], zbuf)
                pltpu.sync_copy(zbuf, out_hbm.at[pl.ds(cid * N + r0, SB)])

    return body


def _tc_layer(N, D, relu):
    BM = 1000
    nblk = N // BM

    def body(h_ref, a0_ref, a1_ref, d0_ref, d1_ref, ws_ref, wn_ref, b_ref,
             o_ref):
        deg = jnp.maximum(d0_ref[:, :1] + d1_ref[:, :1], 1.0)
        mean = (a0_ref[:, :] + a1_ref[:, :]) / deg
        acc = jnp.dot(h_ref[:, :], ws_ref[:, :],
                      preferred_element_type=jnp.float32)
        acc = acc + jnp.dot(mean, wn_ref[:, :],
                            preferred_element_type=jnp.float32)
        acc = acc + b_ref[:, :]
        o_ref[:, :] = jnp.maximum(acc, 0.0) if relu else acc

    return pl.pallas_call(
        body,
        grid=(nblk,),
        in_specs=[
            pl.BlockSpec((BM, D), lambda i: (i, 0)),
            pl.BlockSpec((BM, D), lambda i: (i, 0)),
            pl.BlockSpec((BM, D), lambda i: (i + nblk, 0)),
            pl.BlockSpec((BM, 8), lambda i: (i, 0)),
            pl.BlockSpec((BM, 8), lambda i: (i + nblk, 0)),
            pl.BlockSpec((D, D), lambda i: (0, 0)),
            pl.BlockSpec((D, D), lambda i: (0, 0)),
            pl.BlockSpec((1, D), lambda i: (0, 0)),
        ],
        out_specs=pl.BlockSpec((BM, D), lambda i: (i, 0)),
        out_shape=jax.ShapeDtypeStruct((N, D), jnp.float32),
    )


def kernel(features, edge_index, Ws, Wn, b):
    N, D = features.shape
    E = edge_index.shape[1]
    L = Ws.shape[0]

    src2d = edge_index[0].reshape(-1, C)
    dst2d = edge_index[1].reshape(-1, C)
    zrows = jnp.zeros((SB, D), jnp.float32)
    ones = jnp.ones((C, D), jnp.float32)

    deg_fn = _sc_pass(N, D, E, mode="deg")
    agg_fn = _sc_pass(N, D, E, mode="agg")
    deg = deg_fn(dst2d, zrows, ones)[:, :8]

    h = features
    for i in range(L):
        agg = agg_fn(h, src2d, dst2d, zrows)
        h = _tc_layer(N, D, relu=(i < L - 1))(
            h, agg, agg, deg, deg, Ws[i], Wn[i], b[i].reshape(1, D))
    return h

# --- scband reference (transcript-rebuilt; emitter-appended) ---
"""Pipeline reference for scband-gnn-31860067402229 (READ-ONLY COPY).

The authoritative reference and input builder live on the scoring server;
editing this copy changes nothing except your own understanding.
"""

import jax, jax.numpy as jnp
import numpy as np

N = 10000
E = 320000
D = 128
L = 3


def setup_inputs(seed: int = 0) -> dict:
    key = jax.random.key(seed)
    ks = jax.random.split(key, 6)
    features = jax.random.normal(ks[0], (N, D), dtype=jnp.float32)
    edge_index = jax.random.randint(ks[1], (2, E), 0, N, dtype=jnp.int32)
    # DGL SAGEConv('mean') parameters per layer: fc_self weight, fc_neigh weight, bias.
    # All layer dims are 128 -> 128 -> 128 (input_dim=hidden_dim=output_dim=128, num_layers=3).
    Ws = jax.random.normal(ks[2], (L, D, D), dtype=jnp.float32) * 0.05
    Wn = jax.random.normal(ks[3], (L, D, D), dtype=jnp.float32) * 0.05
    b = jnp.zeros((L, D), dtype=jnp.float32)
    return {"features": features, "edge_index": edge_index, "Ws": Ws, "Wn": Wn, "b": b}


def reference(features, edge_index, Ws, Wn, b):
    # GraphSAGE (mean aggregator), DGL semantics: out = fc_self(h_dst) + fc_neigh(mean_neigh) + bias
    # Blocks are modeled as the same full graph at every layer (num_dst_nodes == N).
    src = edge_index[0]
    dst = edge_index[1]
    deg = jax.ops.segment_sum(jnp.ones((E,), jnp.float32), dst, num_segments=N)
    deg = jnp.clip(deg, 1.0)[:, None]
    h = features
    for i in range(L):
        msg = jnp.take(h, src, axis=0)                      # gather over edges
        agg = jax.ops.segment_sum(msg, dst, num_segments=N) # scatter-add to dst nodes
        mean_neigh = agg / deg
        h_new = h @ Ws[i] + mean_neigh @ Wn[i] + b[i]
        if i < L - 1:
            h_new = jax.nn.relu(h_new)
        h = h_new
    return h

if __name__ == "__main__":
    import jax
    _d = setup_inputs()
    print(jax.jit(kernel)(*tuple(_d.values())))

</pallas_src>

<mosaic_0001>
#map = affine_map<(d0, d1) -> (0, 0)>
module attributes {stable_mosaic.version = 14 : i64} {
  func.func @body(%arg0: i32, %arg1: i32, %arg2: memref<10000x128xf32, #tpu.memory_space<hbm>>, %arg3: memref<2560x125xi32, #tpu.memory_space<hbm>>, %arg4: memref<2560x125xi32, #tpu.memory_space<hbm>>, %arg5: memref<80x128xf32, #tpu.memory_space<hbm>>, %arg6: memref<20000x128xf32, #tpu.memory_space<hbm>>, %arg7: memref<8x125xi32, #tpu.memory_space<vmem>>, %arg8: memref<8x125xi32, #tpu.memory_space<vmem>>, %arg9: memref<125x128xf32, #tpu.memory_space<vmem>>, %arg10: memref<80x128xf32, #tpu.memory_space<vmem>>, %arg11: memref<10240x128xf32, #tpu.memory_space<vmem_shared>>, %arg12: memref<125x128xf32, #tpu.memory_space<vmem>>, %arg13: memref<!tpu.dma_semaphore, #tpu.memory_space<semaphore_mem>>, %arg14: memref<!tpu.dma_semaphore, #tpu.memory_space<semaphore_mem>>, %arg15: memref<!tpu.dma_semaphore, #tpu.memory_space<semaphore_mem>>, %arg16: memref<!tpu.dma_semaphore, #tpu.memory_space<semaphore_mem>>) attributes {dimension_semantics = [#tpu.dimension_semantics<core_parallel>, #tpu.dimension_semantics<subcore_parallel>], iteration_bounds = array<i64: 2, 16>, scalar_prefetch = 0 : i64, scratch_operands = 10 : i64, tpu.core_type = #tpu.core_type<sc_vector_subcore>, window_params = [{transform_indices = #map}, {transform_indices = #map}, {transform_indices = #map}, {transform_indices = #map}, {transform_indices = #map}]} {
    %mul3A = arith.constant 16 : i32
    %mul3A_0 = arith.muli %arg0, %mul3A : i32
    %add3A = arith.addi %mul3A_0, %arg1 : i32
    "tpu.region"() ({
      %run_scoped3A = tpu.sem_alloc : memref<!tpu.dma_semaphore, #tpu.memory_space<semaphore_mem>>
      tpu.enqueue_dma source(%arg5 : memref<80x128xf32, #tpu.memory_space<hbm>>) target(%arg10 : memref<80x128xf32, #tpu.memory_space<vmem>>) target_semaphore(%run_scoped3A : memref<!tpu.dma_semaphore, #tpu.memory_space<semaphore_mem>>)
      tpu.wait_dma2 semaphore(%run_scoped3A : memref<!tpu.dma_semaphore, #tpu.memory_space<semaphore_mem>>) src(%arg5 : memref<80x128xf32, #tpu.memory_space<hbm>>) dst(%arg10 : memref<80x128xf32, #tpu.memory_space<vmem>>)
      tpu.yield
    }) : () -> ()
    %mul3A_1 = arith.constant 8 : i32
    %mul3A_2 = arith.muli %arg1, %mul3A_1 : i32
    %add3A_3 = arith.constant 0 : i32
    %add3A_4 = arith.addi %mul3A_2, %add3A_3 : i32
    %mul3A_5 = arith.constant 80 : i32
    %mul3A_6 = arith.muli %add3A_4, %mul3A_5 : i32
    "tpu.region"() ({
      %run_scoped3A = tpu.sem_alloc : memref<!tpu.dma_semaphore, #tpu.memory_space<semaphore_mem>>
      %dma_start3A = arith.constant 0 : i32
      %dma_start3A_107 = tpu.memref_slice %arg11[%mul3A_6, %dma_start3A] : memref<10240x128xf32, #tpu.memory_space<vmem_shared>> -> memref<80x128xf32, #tpu.memory_space<vmem_shared>>
      %dma_start3A_108 = arith.constant 0 : i32
      %dma_start3A_109 = tpu.memref_slice %arg11[%mul3A_6, %dma_start3A_108] : memref<10240x128xf32, #tpu.memory_space<vmem_shared>> -> memref<80x128xf32, #tpu.memory_space<vmem_shared>>
      tpu.enqueue_dma source(%arg10 : memref<80x128xf32, #tpu.memory_space<vmem>>) target(%dma_start3A_109 : memref<80x128xf32, #tpu.memory_space<vmem_shared>>) target_semaphore(%run_scoped3A : memref<!tpu.dma_semaphore, #tpu.memory_space<semaphore_mem>>)
      %dma_wait3A = arith.constant 0 : i32
      %dma_wait3A_110 = tpu.memref_slice %arg11[%mul3A_6, %dma_wait3A] : memref<10240x128xf32, #tpu.memory_space<vmem_shared>> -> memref<80x128xf32, #tpu.memory_space<vmem_shared>>
      %dma_wait3A_111 = arith.constant 0 : i32
      %dma_wait3A_112 = tpu.memref_slice %arg11[%mul3A_6, %dma_wait3A_111] : memref<10240x128xf32, #tpu.memory_space<vmem_shared>> -> memref<80x128xf32, #tpu.memory_space<vmem_shared>>
      tpu.wait_dma2 semaphore(%run_scoped3A : memref<!tpu.dma_semaphore, #tpu.memory_space<semaphore_mem>>) src(%arg10 : memref<80x128xf32, #tpu.memory_space<vmem>>) dst(%dma_wait3A_112 : memref<80x128xf32, #tpu.memory_space<vmem_shared>>)
      tpu.yield
    }) : () -> ()
    %mul3A_7 = arith.constant 8 : i32
    %mul3A_8 = arith.muli %arg1, %mul3A_7 : i32
    %add3A_9 = arith.constant 1 : i32
    %add3A_10 = arith.addi %mul3A_8, %add3A_9 : i32
    %mul3A_11 = arith.constant 80 : i32
    %mul3A_12 = arith.muli %add3A_10, %mul3A_11 : i32
    "tpu.region"() ({
      %run_scoped3A = tpu.sem_alloc : memref<!tpu.dma_semaphore, #tpu.memory_space<semaphore_mem>>
      %dma_start3A = arith.constant 0 : i32
      %dma_start3A_107 = tpu.memref_slice %arg11[%mul3A_12, %dma_start3A] : memref<10240x128xf32, #tpu.memory_space<vmem_shared>> -> memref<80x128xf32, #tpu.memory_space<vmem_shared>>
      %dma_start3A_108 = arith.constant 0 : i32
      %dma_start3A_109 = tpu.memref_slice %arg11[%mul3A_12, %dma_start3A_108] : memref<10240x128xf32, #tpu.memory_space<vmem_shared>> -> memref<80x128xf32, #tpu.memory_space<vmem_shared>>
      tpu.enqueue_dma source(%arg10 : memref<80x128xf32, #tpu.memory_space<vmem>>) target(%dma_start3A_109 : memref<80x128xf32, #tpu.memory_space<vmem_shared>>) target_semaphore(%run_scoped3A : memref<!tpu.dma_semaphore, #tpu.memory_space<semaphore_mem>>)
      %dma_wait3A = arith.constant 0 : i32
      %dma_wait3A_110 = tpu.memref_slice %arg11[%mul3A_12, %dma_wait3A] : memref<10240x128xf32, #tpu.memory_space<vmem_shared>> -> memref<80x128xf32, #tpu.memory_space<vmem_shared>>
      %dma_wait3A_111 = arith.constant 0 : i32
      %dma_wait3A_112 = tpu.memref_slice %arg11[%mul3A_12, %dma_wait3A_111] : memref<10240x128xf32, #tpu.memory_space<vmem_shared>> -> memref<80x128xf32, #tpu.memory_space<vmem_shared>>
      tpu.wait_dma2 semaphore(%run_scoped3A : memref<!tpu.dma_semaphore, #tpu.memory_space<semaphore_mem>>) src(%arg10 : memref<80x128xf32, #tpu.memory_space<vmem>>) dst(%dma_wait3A_112 : memref<80x128xf32, #tpu.memory_space<vmem_shared>>)
      tpu.yield
    }) : () -> ()
    %mul3A_13 = arith.constant 8 : i32
    %mul3A_14 = arith.muli %arg1, %mul3A_13 : i32
    %add3A_15 = arith.constant 2 : i32
    %add3A_16 = arith.addi %mul3A_14, %add3A_15 : i32
    %mul3A_17 = arith.constant 80 : i32
    %mul3A_18 = arith.muli %add3A_16, %mul3A_17 : i32
    "tpu.region"() ({
      %run_scoped3A = tpu.sem_alloc : memref<!tpu.dma_semaphore, #tpu.memory_space<semaphore_mem>>
      %dma_start3A = arith.constant 0 : i32
      %dma_start3A_107 = tpu.memref_slice %arg11[%mul3A_18, %dma_start3A] : memref<10240x128xf32, #tpu.memory_space<vmem_shared>> -> memref<80x128xf32, #tpu.memory_space<vmem_shared>>
      %dma_start3A_108 = arith.constant 0 : i32
      %dma_start3A_109 = tpu.memref_slice %arg11[%mul3A_18, %dma_start3A_108] : memref<10240x128xf32, #tpu.memory_space<vmem_shared>> -> memref<80x128xf32, #tpu.memory_space<vmem_shared>>
      tpu.enqueue_dma source(%arg10 : memref<80x128xf32, #tpu.memory_space<vmem>>) target(%dma_start3A_109 : memref<80x128xf32, #tpu.memory_space<vmem_shared>>) target_semaphore(%run_scoped3A : memref<!tpu.dma_semaphore, #tpu.memory_space<semaphore_mem>>)
      %dma_wait3A = arith.constant 0 : i32
      %dma_wait3A_110 = tpu.memref_slice %arg11[%mul3A_18, %dma_wait3A] : memref<10240x128xf32, #tpu.memory_space<vmem_shared>> -> memref<80x128xf32, #tpu.memory_space<vmem_shared>>
      %dma_wait3A_111 = arith.constant 0 : i32
      %dma_wait3A_112 = tpu.memref_slice %arg11[%mul3A_18, %dma_wait3A_111] : memref<10240x128xf32, #tpu.memory_space<vmem_shared>> -> memref<80x128xf32, #tpu.memory_space<vmem_shared>>
      tpu.wait_dma2 semaphore(%run_scoped3A : memref<!tpu.dma_semaphore, #tpu.memory_space<semaphore_mem>>) src(%arg10 : memref<80x128xf32, #tpu.memory_space<vmem>>) dst(%dma_wait3A_112 : memref<80x128xf32, #tpu.memory_space<vmem_shared>>)
      tpu.yield
    }) : () -> ()
    %mul3A_19 = arith.constant 8 : i32
    %mul3A_20 = arith.muli %arg1, %mul3A_19 : i32
    %add3A_21 = arith.constant 3 : i32
    %add3A_22 = arith.addi %mul3A_20, %add3A_21 : i32
    %mul3A_23 = arith.constant 80 : i32
    %mul3A_24 = arith.muli %add3A_22, %mul3A_23 : i32
    "tpu.region"() ({
      %run_scoped3A = tpu.sem_alloc : memref<!tpu.dma_semaphore, #tpu.memory_space<semaphore_mem>>
      %dma_start3A = arith.constant 0 : i32
      %dma_start3A_107 = tpu.memref_slice %arg11[%mul3A_24, %dma_start3A] : memref<10240x128xf32, #tpu.memory_space<vmem_shared>> -> memref<80x128xf32, #tpu.memory_space<vmem_shared>>
      %dma_start3A_108 = arith.constant 0 : i32
      %dma_start3A_109 = tpu.memref_slice %arg11[%mul3A_24, %dma_start3A_108] : memref<10240x128xf32, #tpu.memory_space<vmem_shared>> -> memref<80x128xf32, #tpu.memory_space<vmem_shared>>
      tpu.enqueue_dma source(%arg10 : memref<80x128xf32, #tpu.memory_space<vmem>>) target(%dma_start3A_109 : memref<80x128xf32, #tpu.memory_space<vmem_shared>>) target_semaphore(%run_scoped3A : memref<!tpu.dma_semaphore, #tpu.memory_space<semaphore_mem>>)
      %dma_wait3A = arith.constant 0 : i32
      %dma_wait3A_110 = tpu.memref_slice %arg11[%mul3A_24, %dma_wait3A] : memref<10240x128xf32, #tpu.memory_space<vmem_shared>> -> memref<80x128xf32, #tpu.memory_space<vmem_shared>>
      %dma_wait3A_111 = arith.constant 0 : i32
      %dma_wait3A_112 = tpu.memref_slice %arg11[%mul3A_24, %dma_wait3A_111] : memref<10240x128xf32, #tpu.memory_space<vmem_shared>> -> memref<80x128xf32, #tpu.memory_space<vmem_shared>>
      tpu.wait_dma2 semaphore(%run_scoped3A : memref<!tpu.dma_semaphore, #tpu.memory_space<semaphore_mem>>) src(%arg10 : memref<80x128xf32, #tpu.memory_space<vmem>>) dst(%dma_wait3A_112 : memref<80x128xf32, #tpu.memory_space<vmem_shared>>)
      tpu.yield
    }) : () -> ()
    %mul3A_25 = arith.constant 8 : i32
    %mul3A_26 = arith.muli %arg1, %mul3A_25 : i32
    %add3A_27 = arith.constant 4 : i32
    %add3A_28 = arith.addi %mul3A_26, %add3A_27 : i32
    %mul3A_29 = arith.constant 80 : i32
    %mul3A_30 = arith.muli %add3A_28, %mul3A_29 : i32
    "tpu.region"() ({
      %run_scoped3A = tpu.sem_alloc : memref<!tpu.dma_semaphore, #tpu.memory_space<semaphore_mem>>
      %dma_start3A = arith.constant 0 : i32
      %dma_start3A_107 = tpu.memref_slice %arg11[%mul3A_30, %dma_start3A] : memref<10240x128xf32, #tpu.memory_space<vmem_shared>> -> memref<80x128xf32, #tpu.memory_space<vmem_shared>>
      %dma_start3A_108 = arith.constant 0 : i32
      %dma_start3A_109 = tpu.memref_slice %arg11[%mul3A_30, %dma_start3A_108] : memref<10240x128xf32, #tpu.memory_space<vmem_shared>> -> memref<80x128xf32, #tpu.memory_space<vmem_shared>>
      tpu.enqueue_dma source(%arg10 : memref<80x128xf32, #tpu.memory_space<vmem>>) target(%dma_start3A_109 : memref<80x128xf32, #tpu.memory_space<vmem_shared>>) target_semaphore(%run_scoped3A : memref<!tpu.dma_semaphore, #tpu.memory_space<semaphore_mem>>)
      %dma_wait3A = arith.constant 0 : i32
      %dma_wait3A_110 = tpu.memref_slice %arg11[%mul3A_30, %dma_wait3A] : memref<10240x128xf32, #tpu.memory_space<vmem_shared>> -> memref<80x128xf32, #tpu.memory_space<vmem_shared>>
      %dma_wait3A_111 = arith.constant 0 : i32
      %dma_wait3A_112 = tpu.memref_slice %arg11[%mul3A_30, %dma_wait3A_111] : memref<10240x128xf32, #tpu.memory_space<vmem_shared>> -> memref<80x128xf32, #tpu.memory_space<vmem_shared>>
      tpu.wait_dma2 semaphore(%run_scoped3A : memref<!tpu.dma_semaphore, #tpu.memory_space<semaphore_mem>>) src(%arg10 : memref<80x128xf32, #tpu.memory_space<vmem>>) dst(%dma_wait3A_112 : memref<80x128xf32, #tpu.memory_space<vmem_shared>>)
      tpu.yield
    }) : () -> ()
    %mul3A_31 = arith.constant 8 : i32
    %mul3A_32 = arith.muli %arg1, %mul3A_31 : i32
    %add3A_33 = arith.constant 5 : i32
    %add3A_34 = arith.addi %mul3A_32, %add3A_33 : i32
    %mul3A_35 = arith.constant 80 : i32
    %mul3A_36 = arith.muli %add3A_34, %mul3A_35 : i32
    "tpu.region"() ({
      %run_scoped3A = tpu.sem_alloc : memref<!tpu.dma_semaphore, #tpu.memory_space<semaphore_mem>>
      %dma_start3A = arith.constant 0 : i32
      %dma_start3A_107 = tpu.memref_slice %arg11[%mul3A_36, %dma_start3A] : memref<10240x128xf32, #tpu.memory_space<vmem_shared>> -> memref<80x128xf32, #tpu.memory_space<vmem_shared>>
      %dma_start3A_108 = arith.constant 0 : i32
      %dma_start3A_109 = tpu.memref_slice %arg11[%mul3A_36, %dma_start3A_108] : memref<10240x128xf32, #tpu.memory_space<vmem_shared>> -> memref<80x128xf32, #tpu.memory_space<vmem_shared>>
      tpu.enqueue_dma source(%arg10 : memref<80x128xf32, #tpu.memory_space<vmem>>) target(%dma_start3A_109 : memref<80x128xf32, #tpu.memory_space<vmem_shared>>) target_semaphore(%run_scoped3A : memref<!tpu.dma_semaphore, #tpu.memory_space<semaphore_mem>>)
      %dma_wait3A = arith.constant 0 : i32
      %dma_wait3A_110 = tpu.memref_slice %arg11[%mul3A_36, %dma_wait3A] : memref<10240x128xf32, #tpu.memory_space<vmem_shared>> -> memref<80x128xf32, #tpu.memory_space<vmem_shared>>
      %dma_wait3A_111 = arith.constant 0 : i32
      %dma_wait3A_112 = tpu.memref_slice %arg11[%mul3A_36, %dma_wait3A_111] : memref<10240x128xf32, #tpu.memory_space<vmem_shared>> -> memref<80x128xf32, #tpu.memory_space<vmem_shared>>
      tpu.wait_dma2 semaphore(%run_scoped3A : memref<!tpu.dma_semaphore, #tpu.memory_space<semaphore_mem>>) src(%arg10 : memref<80x128xf32, #tpu.memory_space<vmem>>) dst(%dma_wait3A_112 : memref<80x128xf32, #tpu.memory_space<vmem_shared>>)
      tpu.yield
    }) : () -> ()
    %mul3A_37 = arith.constant 8 : i32
    %mul3A_38 = arith.muli %arg1, %mul3A_37 : i32
    %add3A_39 = arith.constant 6 : i32
    %add3A_40 = arith.addi %mul3A_38, %add3A_39 : i32
    %mul3A_41 = arith.constant 80 : i32
    %mul3A_42 = arith.muli %add3A_40, %mul3A_41 : i32
    "tpu.region"() ({
      %run_scoped3A = tpu.sem_alloc : memref<!tpu.dma_semaphore, #tpu.memory_space<semaphore_mem>>
      %dma_start3A = arith.constant 0 : i32
      %dma_start3A_107 = tpu.memref_slice %arg11[%mul3A_42, %dma_start3A] : memref<10240x128xf32, #tpu.memory_space<vmem_shared>> -> memref<80x128xf32, #tpu.memory_space<vmem_shared>>
      %dma_start3A_108 = arith.constant 0 : i32
      %dma_start3A_109 = tpu.memref_slice %arg11[%mul3A_42, %dma_start3A_108] : memref<10240x128xf32, #tpu.memory_space<vmem_shared>> -> memref<80x128xf32, #tpu.memory_space<vmem_shared>>
      tpu.enqueue_dma source(%arg10 : memref<80x128xf32, #tpu.memory_space<vmem>>) target(%dma_start3A_109 : memref<80x128xf32, #tpu.memory_space<vmem_shared>>) target_semaphore(%run_scoped3A : memref<!tpu.dma_semaphore, #tpu.memory_space<semaphore_mem>>)
      %dma_wait3A = arith.constant 0 : i32
      %dma_wait3A_110 = tpu.memref_slice %arg11[%mul3A_42, %dma_wait3A] : memref<10240x128xf32, #tpu.memory_space<vmem_shared>> -> memref<80x128xf32, #tpu.memory_space<vmem_shared>>
      %dma_wait3A_111 = arith.constant 0 : i32
      %dma_wait3A_112 = tpu.memref_slice %arg11[%mul3A_42, %dma_wait3A_111] : memref<10240x128xf32, #tpu.memory_space<vmem_shared>> -> memref<80x128xf32, #tpu.memory_space<vmem_shared>>
      tpu.wait_dma2 semaphore(%run_scoped3A : memref<!tpu.dma_semaphore, #tpu.memory_space<semaphore_mem>>) src(%arg10 : memref<80x128xf32, #tpu.memory_space<vmem>>) dst(%dma_wait3A_112 : memref<80x128xf32, #tpu.memory_space<vmem_shared>>)
      tpu.yield
    }) : () -> ()
    %mul3A_43 = arith.constant 8 : i32
    %mul3A_44 = arith.muli %arg1, %mul3A_43 : i32
    %add3A_45 = arith.constant 7 : i32
    %add3A_46 = arith.addi %mul3A_44, %add3A_45 : i32
    %mul3A_47 = arith.constant 80 : i32
    %mul3A_48 = arith.muli %add3A_46, %mul3A_47 : i32
    "tpu.region"() ({
      %run_scoped3A = tpu.sem_alloc : memref<!tpu.dma_semaphore, #tpu.memory_space<semaphore_mem>>
      %dma_start3A = arith.constant 0 : i32
      %dma_start3A_107 = tpu.memref_slice %arg11[%mul3A_48, %dma_start3A] : memref<10240x128xf32, #tpu.memory_space<vmem_shared>> -> memref<80x128xf32, #tpu.memory_space<vmem_shared>>
      %dma_start3A_108 = arith.constant 0 : i32
      %dma_start3A_109 = tpu.memref_slice %arg11[%mul3A_48, %dma_start3A_108] : memref<10240x128xf32, #tpu.memory_space<vmem_shared>> -> memref<80x128xf32, #tpu.memory_space<vmem_shared>>
      tpu.enqueue_dma source(%arg10 : memref<80x128xf32, #tpu.memory_space<vmem>>) target(%dma_start3A_109 : memref<80x128xf32, #tpu.memory_space<vmem_shared>>) target_semaphore(%run_scoped3A : memref<!tpu.dma_semaphore, #tpu.memory_space<semaphore_mem>>)
      %dma_wait3A = arith.constant 0 : i32
      %dma_wait3A_110 = tpu.memref_slice %arg11[%mul3A_48, %dma_wait3A] : memref<10240x128xf32, #tpu.memory_space<vmem_shared>> -> memref<80x128xf32, #tpu.memory_space<vmem_shared>>
      %dma_wait3A_111 = arith.constant 0 : i32
      %dma_wait3A_112 = tpu.memref_slice %arg11[%mul3A_48, %dma_wait3A_111] : memref<10240x128xf32, #tpu.memory_space<vmem_shared>> -> memref<80x128xf32, #tpu.memory_space<vmem_shared>>
      tpu.wait_dma2 semaphore(%run_scoped3A : memref<!tpu.dma_semaphore, #tpu.memory_space<semaphore_mem>>) src(%arg10 : memref<80x128xf32, #tpu.memory_space<vmem>>) dst(%dma_wait3A_112 : memref<80x128xf32, #tpu.memory_space<vmem_shared>>)
      tpu.yield
    }) : () -> ()
    %barrier3A = arith.constant 0 : index
    tpu.barrier barrier_id(%barrier3A)
    %scan3A = arith.constant 0 : i32
    %scan3A_49 = arith.constant 10 : i32
    %scan3A_50 = arith.addi %scan3A, %scan3A_49 : i32
    %scan3A_51 = arith.constant 1 : i32
    scf.for %scan3A_107 = %scan3A to %scan3A_50 step %scan3A_51  : i32 {
      %mul3A_108 = arith.constant 1 : i32
      %mul3A_109 = arith.muli %scan3A_107, %mul3A_108 : i32
      %add3A_110 = arith.constant 0 : i32
      %add3A_111 = arith.addi %add3A_110, %mul3A_109 : i32
      %mul3A_112 = arith.constant 80 : i32
      %mul3A_113 = arith.muli %add3A, %mul3A_112 : i32
      %mul3A_114 = arith.constant 8 : i32
      %mul3A_115 = arith.muli %add3A_111, %mul3A_114 : i32
      %add3A_116 = arith.addi %mul3A_113, %mul3A_115 : i32
      "tpu.region"() ({
        %run_scoped3A = tpu.sem_alloc : memref<!tpu.dma_semaphore, #tpu.memory_space<semaphore_mem>>
        %dma_start3A_339 = arith.constant 0 : i32
        %dma_start3A_340 = tpu.memref_slice %arg3[%add3A_116, %dma_start3A_339] : memref<2560x125xi32, #tpu.memory_space<hbm>> -> memref<8x125xi32, #tpu.memory_space<hbm>>
        %dma_start3A_341 = arith.constant 0 : i32
        %dma_start3A_342 = tpu.memref_slice %arg3[%add3A_116, %dma_start3A_341] : memref<2560x125xi32, #tpu.memory_space<hbm>> -> memref<8x125xi32, #tpu.memory_space<hbm>>
        tpu.enqueue_dma source(%dma_start3A_342 : memref<8x125xi32, #tpu.memory_space<hbm>>) target(%arg7 : memref<8x125xi32, #tpu.memory_space<vmem>>) target_semaphore(%run_scoped3A : memref<!tpu.dma_semaphore, #tpu.memory_space<semaphore_mem>>)
        %dma_wait3A_343 = arith.constant 0 : i32
        %dma_wait3A_344 = tpu.memref_slice %arg3[%add3A_116, %dma_wait3A_343] : memref<2560x125xi32, #tpu.memory_space<hbm>> -> memref<8x125xi32, #tpu.memory_space<hbm>>
        %dma_wait3A_345 = arith.constant 0 : i32
        %dma_wait3A_346 = tpu.memref_slice %arg3[%add3A_116, %dma_wait3A_345] : memref<2560x125xi32, #tpu.memory_space<hbm>> -> memref<8x125xi32, #tpu.memory_space<hbm>>
        tpu.wait_dma2 semaphore(%run_scoped3A : memref<!tpu.dma_semaphore, #tpu.memory_space<semaphore_mem>>) src(%dma_wait3A_346 : memref<8x125xi32, #tpu.memory_space<hbm>>) dst(%arg7 : memref<8x125xi32, #tpu.memory_space<vmem>>)
        tpu.yield
      }) : () -> ()
      "tpu.region"() ({
        %run_scoped3A = tpu.sem_alloc : memref<!tpu.dma_semaphore, #tpu.memory_space<semaphore_mem>>
        %dma_start3A_339 = arith.constant 0 : i32
        %dma_start3A_340 = tpu.memref_slice %arg4[%add3A_116, %dma_start3A_339] : memref<2560x125xi32, #tpu.memory_space<hbm>> -> memref<8x125xi32, #tpu.memory_space<hbm>>
        %dma_start3A_341 = arith.constant 0 : i32
        %dma_start3A_342 = tpu.memref_slice %arg4[%add3A_116, %dma_start3A_341] : memref<2560x125xi32, #tpu.memory_space<hbm>> -> memref<8x125xi32, #tpu.memory_space<hbm>>
        tpu.enqueue_dma source(%dma_start3A_342 : memref<8x125xi32, #tpu.memory_space<hbm>>) target(%arg8 : memref<8x125xi32, #tpu.memory_space<vmem>>) target_semaphore(%run_scoped3A : memref<!tpu.dma_semaphore, #tpu.memory_space<semaphore_mem>>)
        %dma_wait3A_343 = arith.constant 0 : i32
        %dma_wait3A_344 = tpu.memref_slice %arg4[%add3A_116, %dma_wait3A_343] : memref<2560x125xi32, #tpu.memory_space<hbm>> -> memref<8x125xi32, #tpu.memory_space<hbm>>
        %dma_wait3A_345 = arith.constant 0 : i32
        %dma_wait3A_346 = tpu.memref_slice %arg4[%add3A_116, %dma_wait3A_345] : memref<2560x125xi32, #tpu.memory_space<hbm>> -> memref<8x125xi32, #tpu.memory_space<hbm>>
        tpu.wait_dma2 semaphore(%run_scoped3A : memref<!tpu.dma_semaphore, #tpu.memory_space<semaphore_mem>>) src(%dma_wait3A_346 : memref<8x125xi32, #tpu.memory_space<hbm>>) dst(%arg8 : memref<8x125xi32, #tpu.memory_space<vmem>>)
        tpu.yield
      }) : () -> ()
      %dma_start3A = arith.constant 0 : i32
      %dma_start3A_117 = arith.constant 0 : i32
      %dma_start3A_118 = tpu.memref_slice %arg7[%dma_start3A, %dma_start3A_117] : memref<8x125xi32, #tpu.memory_space<vmem>> -> memref<1x125xi32, #tpu.memory_space<vmem>>
      %dma_start3A_119 = tpu.memref_squeeze %dma_start3A_118 : memref<1x125xi32, #tpu.memory_space<vmem>> -> memref<125xi32, #tpu.memory_space<vmem>>
      %dma_start3A_120 = arith.constant 0 : i32
      %dma_start3A_121 = arith.constant 0 : i32
      %dma_start3A_122 = tpu.memref_slice %arg2[%dma_start3A_120, %dma_start3A_121] : memref<10000x128xf32, #tpu.memory_space<hbm>> -> memref<10000x128xf32, #tpu.memory_space<hbm>>
      tpu.enqueue_indirect_dma source(%dma_start3A_122 : memref<10000x128xf32, #tpu.memory_space<hbm>>) target(%arg9 : memref<125x128xf32, #tpu.memory_space<vmem>>) offsets(%dma_start3A_119 : memref<125xi32, #tpu.memory_space<vmem>>) semaphore(%arg13 : memref<!tpu.dma_semaphore, #tpu.memory_space<semaphore_mem>>)
      %dma_wait3A = arith.constant 0 : i32
      %dma_wait3A_123 = arith.constant 0 : i32
      %dma_wait3A_124 = tpu.memref_slice %arg7[%dma_wait3A, %dma_wait3A_123] : memref<8x125xi32, #tpu.memory_space<vmem>> -> memref<1x125xi32, #tpu.memory_space<vmem>>
      %dma_wait3A_125 = tpu.memref_squeeze %dma_wait3A_124 : memref<1x125xi32, #tpu.memory_space<vmem>> -> memref<125xi32, #tpu.memory_space<vmem>>
      %dma_wait3A_126 = arith.constant 0 : i32
      %dma_wait3A_127 = arith.constant 0 : i32
      %dma_wait3A_128 = tpu.memref_slice %arg2[%dma_wait3A_126, %dma_wait3A_127] : memref<10000x128xf32, #tpu.memory_space<hbm>> -> memref<10000x128xf32, #tpu.memory_space<hbm>>
      tpu.wait_indirect_dma semaphore(%arg13 : memref<!tpu.dma_semaphore, #tpu.memory_space<semaphore_mem>>) src(%dma_wait3A_128 : memref<10000x128xf32, #tpu.memory_space<hbm>>) dst(%arg9 : memref<125x128xf32, #tpu.memory_space<vmem>>)
      %dma_start3A_129 = arith.constant 0 : i32
      %dma_start3A_130 = arith.constant 0 : i32
      %dma_start3A_131 = tpu.memref_slice %arg8[%dma_start3A_129, %dma_start3A_130] : memref<8x125xi32, #tpu.memory_space<vmem>> -> memref<1x125xi32, #tpu.memory_space<vmem>>
      %dma_start3A_132 = tpu.memref_squeeze %dma_start3A_131 : memref<1x125xi32, #tpu.memory_space<vmem>> -> memref<125xi32, #tpu.memory_space<vmem>>
      %dma_start3A_133 = arith.constant 0 : i32
      %dma_start3A_134 = arith.constant 0 : i32
      %dma_start3A_135 = tpu.memref_slice %arg11[%dma_start3A_133, %dma_start3A_134] : memref<10240x128xf32, #tpu.memory_space<vmem_shared>> -> memref<10240x128xf32, #tpu.memory_space<vmem_shared>>
      tpu.enqueue_indirect_dma source(%arg9 : memref<125x128xf32, #tpu.memory_space<vmem>>) target(%dma_start3A_135 : memref<10240x128xf32, #tpu.memory_space<vmem_shared>>) offsets(%dma_start3A_132 : memref<125xi32, #tpu.memory_space<vmem>>) semaphore(%arg15 : memref<!tpu.dma_semaphore, #tpu.memory_space<semaphore_mem>>) {add = true}
      %dma_start3A_136 = arith.constant 1 : i32
      %dma_start3A_137 = arith.constant 0 : i32
      %dma_start3A_138 = tpu.memref_slice %arg7[%dma_start3A_136, %dma_start3A_137] : memref<8x125xi32, #tpu.memory_space<vmem>> -> memref<1x125xi32, #tpu.memory_space<vmem>>
      %dma_start3A_139 = tpu.memref_squeeze %dma_start3A_138 : memref<1x125xi32, #tpu.memory_space<vmem>> -> memref<125xi32, #tpu.memory_space<vmem>>
      %dma_start3A_140 = arith.constant 0 : i32
      %dma_start3A_141 = arith.constant 0 : i32
      %dma_start3A_142 = tpu.memref_slice %arg2[%dma_start3A_140, %dma_start3A_141] : memref<10000x128xf32, #tpu.memory_space<hbm>> -> memref<10000x128xf32, #tpu.memory_space<hbm>>
      tpu.enqueue_indirect_dma source(%dma_start3A_142 : memref<10000x128xf32, #tpu.memory_space<hbm>>) target(%arg12 : memref<125x128xf32, #tpu.memory_space<vmem>>) offsets(%dma_start3A_139 : memref<125xi32, #tpu.memory_space<vmem>>) semaphore(%arg14 : memref<!tpu.dma_semaphore, #tpu.memory_space<semaphore_mem>>)
      %dma_wait3A_143 = arith.constant 1 : i32
      %dma_wait3A_144 = arith.constant 0 : i32
      %dma_wait3A_145 = tpu.memref_slice %arg7[%dma_wait3A_143, %dma_wait3A_144] : memref<8x125xi32, #tpu.memory_space<vmem>> -> memref<1x125xi32, #tpu.memory_space<vmem>>
      %dma_wait3A_146 = tpu.memref_squeeze %dma_wait3A_145 : memref<1x125xi32, #tpu.memory_space<vmem>> -> memref<125xi32, #tpu.memory_space<vmem>>
      %dma_wait3A_147 = arith.constant 0 : i32
      %dma_wait3A_148 = arith.constant 0 : i32
      %dma_wait3A_149 = tpu.memref_slice %arg2[%dma_wait3A_147, %dma_wait3A_148] : memref<10000x128xf32, #tpu.memory_space<hbm>> -> memref<10000x128xf32, #tpu.memory_space<hbm>>
      tpu.wait_indirect_dma semaphore(%arg14 : memref<!tpu.dma_semaphore, #tpu.memory_space<semaphore_mem>>) src(%dma_wait3A_149 : memref<10000x128xf32, #tpu.memory_space<hbm>>) dst(%arg12 : memref<125x128xf32, #tpu.memory_space<vmem>>)
      %dma_start3A_150 = arith.constant 1 : i32
      %dma_start3A_151 = arith.constant 0 : i32
      %dma_start3A_152 = tpu.memref_slice %arg8[%dma_start3A_150, %dma_start3A_151] : memref<8x125xi32, #tpu.memory_space<vmem>> -> memref<1x125xi32, #tpu.memory_space<vmem>>
      %dma_start3A_153 = tpu.memref_squeeze %dma_start3A_152 : memref<1x125xi32, #tpu.memory_space<vmem>> -> memref<125xi32, #tpu.memory_space<vmem>>
      %dma_start3A_154 = arith.constant 0 : i32
      %dma_start3A_155 = arith.constant 0 : i32
      %dma_start3A_156 = tpu.memref_slice %arg11[%dma_start3A_154, %dma_start3A_155] : memref<10240x128xf32, #tpu.memory_space<vmem_shared>> -> memref<10240x128xf32, #tpu.memory_space<vmem_shared>>
      tpu.enqueue_indirect_dma source(%arg12 : memref<125x128xf32, #tpu.memory_space<vmem>>) target(%dma_start3A_156 : memref<10240x128xf32, #tpu.memory_space<vmem_shared>>) offsets(%dma_start3A_153 : memref<125xi32, #tpu.memory_space<vmem>>) semaphore(%arg16 : memref<!tpu.dma_semaphore, #tpu.memory_space<semaphore_mem>>) {add = true}
      %dma_wait3A_157 = arith.constant 1 : i32
      %dma_wait3A_158 = arith.constant 0 : i32
      %dma_wait3A_159 = tpu.memref_slice %arg8[%dma_wait3A_157, %dma_wait3A_158] : memref<8x125xi32, #tpu.memory_space<vmem>> -> memref<1x125xi32, #tpu.memory_space<vmem>>
      %dma_wait3A_160 = tpu.memref_squeeze %dma_wait3A_159 : memref<1x125xi32, #tpu.memory_space<vmem>> -> memref<125xi32, #tpu.memory_space<vmem>>
      %dma_wait3A_161 = arith.constant 0 : i32
      %dma_wait3A_162 = arith.constant 0 : i32
      %dma_wait3A_163 = tpu.memref_slice %arg11[%dma_wait3A_161, %dma_wait3A_162] : memref<10240x128xf32, #tpu.memory_space<vmem_shared>> -> memref<10240x128xf32, #tpu.memory_space<vmem_shared>>
      tpu.wait_indirect_dma semaphore(%arg15 : memref<!tpu.dma_semaphore, #tpu.memory_space<semaphore_mem>>) src(%arg9 : memref<125x128xf32, #tpu.memory_space<vmem>>) dst(%dma_wait3A_163 : memref<10240x128xf32, #tpu.memory_space<vmem_shared>>)
      %dma_start3A_164 = arith.constant 2 : i32
      %dma_start3A_165 = arith.constant 0 : i32
      %dma_start3A_166 = tpu.memref_slice %arg7[%dma_start3A_164, %dma_start3A_165] : memref<8x125xi32, #tpu.memory_space<vmem>> -> memref<1x125xi32, #tpu.memory_space<vmem>>
      %dma_start3A_167 = tpu.memref_squeeze %dma_start3A_166 : memref<1x125xi32, #tpu.memory_space<vmem>> -> memref<125xi32, #tpu.memory_space<vmem>>
      %dma_start3A_168 = arith.constant 0 : i32
      %dma_start3A_169 = arith.constant 0 : i32
      %dma_start3A_170 = tpu.memref_slice %arg2[%dma_start3A_168, %dma_start3A_169] : memref<10000x128xf32, #tpu.memory_space<hbm>> -> memref<10000x128xf32, #tpu.memory_space<hbm>>
      tpu.enqueue_indirect_dma source(%dma_start3A_170 : memref<10000x128xf32, #tpu.memory_space<hbm>>) target(%arg9 : memref<125x128xf32, #tpu.memory_space<vmem>>) offsets(%dma_start3A_167 : memref<125xi32, #tpu.memory_space<vmem>>) semaphore(%arg13 : memref<!tpu.dma_semaphore, #tpu.memory_space<semaphore_mem>>)
      %dma_wait3A_171 = arith.constant 2 : i32
      %dma_wait3A_172 = arith.constant 0 : i32
      %dma_wait3A_173 = tpu.memref_slice %arg7[%dma_wait3A_171, %dma_wait3A_172] : memref<8x125xi32, #tpu.memory_space<vmem>> -> memref<1x125xi32, #tpu.memory_space<vmem>>
      %dma_wait3A_174 = tpu.memref_squeeze %dma_wait3A_173 : memref<1x125xi32, #tpu.memory_space<vmem>> -> memref<125xi32, #tpu.memory_space<vmem>>
      %dma_wait3A_175 = arith.constant 0 : i32
      %dma_wait3A_176 = arith.constant 0 : i32
      %dma_wait3A_177 = tpu.memref_slice %arg2[%dma_wait3A_175, %dma_wait3A_176] : memref<10000x128xf32, #tpu.memory_space<hbm>> -> memref<10000x128xf32, #tpu.memory_space<hbm>>
      tpu.wait_indirect_dma semaphore(%arg13 : memref<!tpu.dma_semaphore, #tpu.memory_space<semaphore_mem>>) src(%dma_wait3A_177 : memref<10000x128xf32, #tpu.memory_space<hbm>>) dst(%arg9 : memref<125x128xf32, #tpu.memory_space<vmem>>)
      %dma_start3A_178 = arith.constant 2 : i32
      %dma_start3A_179 = arith.constant 0 : i32
      %dma_start3A_180 = tpu.memref_slice %arg8[%dma_start3A_178, %dma_start3A_179] : memref<8x125xi32, #tpu.memory_space<vmem>> -> memref<1x125xi32, #tpu.memory_space<vmem>>
      %dma_start3A_181 = tpu.memref_squeeze %dma_start3A_180 : memref<1x125xi32, #tpu.memory_space<vmem>> -> memref<125xi32, #tpu.memory_space<vmem>>
      %dma_start3A_182 = arith.constant 0 : i32
      %dma_start3A_183 = arith.constant 0 : i32
      %dma_start3A_184 = tpu.memref_slice %arg11[%dma_start3A_182, %dma_start3A_183] : memref<10240x128xf32, #tpu.memory_space<vmem_shared>> -> memref<10240x128xf32, #tpu.memory_space<vmem_shared>>
      tpu.enqueue_indirect_dma source(%arg9 : memref<125x128xf32, #tpu.memory_space<vmem>>) target(%dma_start3A_184 : memref<10240x128xf32, #tpu.memory_space<vmem_shared>>) offsets(%dma_start3A_181 : memref<125xi32, #tpu.memory_space<vmem>>) semaphore(%arg15 : memref<!tpu.dma_semaphore, #tpu.memory_space<semaphore_mem>>) {add = true}
      %dma_wait3A_185 = arith.constant 2 : i32
      %dma_wait3A_186 = arith.constant 0 : i32
      %dma_wait3A_187 = tpu.memref_slice %arg8[%dma_wait3A_185, %dma_wait3A_186] : memref<8x125xi32, #tpu.memory_space<vmem>> -> memref<1x125xi32, #tpu.memory_space<vmem>>
      %dma_wait3A_188 = tpu.memref_squeeze %dma_wait3A_187 : memref<1x125xi32, #tpu.memory_space<vmem>> -> memref<125xi32, #tpu.memory_space<vmem>>
      %dma_wait3A_189 = arith.constant 0 : i32
      %dma_wait3A_190 = arith.constant 0 : i32
      %dma_wait3A_191 = tpu.memref_slice %arg11[%dma_wait3A_189, %dma_wait3A_190] : memref<10240x128xf32, #tpu.memory_space<vmem_shared>> -> memref<10240x128xf32, #tpu.memory_space<vmem_shared>>
      tpu.wait_indirect_dma semaphore(%arg16 : memref<!tpu.dma_semaphore, #tpu.memory_space<semaphore_mem>>) src(%arg12 : memref<125x128xf32, #tpu.memory_space<vmem>>) dst(%dma_wait3A_191 : memref<10240x128xf32, #tpu.memory_space<vmem_shared>>)
      %dma_start3A_192 = arith.constant 3 : i32
      %dma_start3A_193 = arith.constant 0 : i32
      %dma_start3A_194 = tpu.memref_slice %arg7[%dma_start3A_192, %dma_start3A_193] : memref<8x125xi32, #tpu.memory_space<vmem>> -> memref<1x125xi32, #tpu.memory_space<vmem>>
      %dma_start3A_195 = tpu.memref_squeeze %dma_start3A_194 : memref<1x125xi32, #tpu.memory_space<vmem>> -> memref<125xi32, #tpu.memory_space<vmem>>
      %dma_start3A_196 = arith.constant 0 : i32
      %dma_start3A_197 = arith.constant 0 : i32
      %dma_start3A_198 = tpu.memref_slice %arg2[%dma_start3A_196, %dma_start3A_197] : memref<10000x128xf32, #tpu.memory_space<hbm>> -> memref<10000x128xf32, #tpu.memory_space<hbm>>
      tpu.enqueue_indirect_dma source(%dma_start3A_198 : memref<10000x128xf32, #tpu.memory_space<hbm>>) target(%arg12 : memref<125x128xf32, #tpu.memory_space<vmem>>) offsets(%dma_start3A_195 : memref<125xi32, #tpu.memory_space<vmem>>) semaphore(%arg14 : memref<!tpu.dma_semaphore, #tpu.memory_space<semaphore_mem>>)
      %dma_wait3A_199 = arith.constant 3 : i32
      %dma_wait3A_200 = arith.constant 0 : i32
      %dma_wait3A_201 = tpu.memref_slice %arg7[%dma_wait3A_199, %dma_wait3A_200] : memref<8x125xi32, #tpu.memory_space<vmem>> -> memref<1x125xi32, #tpu.memory_space<vmem>>
      %dma_wait3A_202 = tpu.memref_squeeze %dma_wait3A_201 : memref<1x125xi32, #tpu.memory_space<vmem>> -> memref<125xi32, #tpu.memory_space<vmem>>
      %dma_wait3A_203 = arith.constant 0 : i32
      %dma_wait3A_204 = arith.constant 0 : i32
      %dma_wait3A_205 = tpu.memref_slice %arg2[%dma_wait3A_203, %dma_wait3A_204] : memref<10000x128xf32, #tpu.memory_space<hbm>> -> memref<10000x128xf32, #tpu.memory_space<hbm>>
      tpu.wait_indirect_dma semaphore(%arg14 : memref<!tpu.dma_semaphore, #tpu.memory_space<semaphore_mem>>) src(%dma_wait3A_205 : memref<10000x128xf32, #tpu.memory_space<hbm>>) dst(%arg12 : memref<125x128xf32, #tpu.memory_space<vmem>>)
      %dma_start3A_206 = arith.constant 3 : i32
      %dma_start3A_207 = arith.constant 0 : i32
      %dma_start3A_208 = tpu.memref_slice %arg8[%dma_start3A_206, %dma_start3A_207] : memref<8x125xi32, #tpu.memory_space<vmem>> -> memref<1x125xi32, #tpu.memory_space<vmem>>
      %dma_start3A_209 = tpu.memref_squeeze %dma_start3A_208 : memref<1x125xi32, #tpu.memory_space<vmem>> -> memref<125xi32, #tpu.memory_space<vmem>>
      %dma_start3A_210 = arith.constant 0 : i32
      %dma_start3A_211 = arith.constant 0 : i32
      %dma_start3A_212 = tpu.memref_slice %arg11[%dma_start3A_210, %dma_start3A_211] : memref<10240x128xf32, #tpu.memory_space<vmem_shared>> -> memref<10240x128xf32, #tpu.memory_space<vmem_shared>>
      tpu.enqueue_indirect_dma source(%arg12 : memref<125x128xf32, #tpu.memory_space<vmem>>) target(%dma_start3A_212 : memref<10240x128xf32, #tpu.memory_space<vmem_shared>>) offsets(%dma_start3A_209 : memref<125xi32, #tpu.memory_space<vmem>>) semaphore(%arg16 : memref<!tpu.dma_semaphore, #tpu.memory_space<semaphore_mem>>) {add = true}
      %dma_wait3A_213 = arith.constant 3 : i32
      %dma_wait3A_214 = arith.constant 0 : i32
      %dma_wait3A_215 = tpu.memref_slice %arg8[%dma_wait3A_213, %dma_wait3A_214] : memref<8x125xi32, #tpu.memory_space<vmem>> -> memref<1x125xi32, #tpu.memory_space<vmem>>
      %dma_wait3A_216 = tpu.memref_squeeze %dma_wait3A_215 : memref<1x125xi32, #tpu.memory_space<vmem>> -> memref<125xi32, #tpu.memory_space<vmem>>
      %dma_wait3A_217 = arith.constant 0 : i32
      %dma_wait3A_218 = arith.constant 0 : i32
      %dma_wait3A_219 = tpu.memref_slice %arg11[%dma_wait3A_217, %dma_wait3A_218] : memref<10240x128xf32, #tpu.memory_space<vmem_shared>> -> memref<10240x128xf32, #tpu.memory_space<vmem_shared>>
      tpu.wait_indirect_dma semaphore(%arg15 : memref<!tpu.dma_semaphore, #tpu.memory_space<semaphore_mem>>) src(%arg9 : memref<125x128xf32, #tpu.memory_space<vmem>>) dst(%dma_wait3A_219 : memref<10240x128xf32, #tpu.memory_space<vmem_shared>>)
      %dma_start3A_220 = arith.constant 4 : i32
      %dma_start3A_221 = arith.constant 0 : i32
      %dma_start3A_222 = tpu.memref_slice %arg7[%dma_start3A_220, %dma_start3A_221] : memref<8x125xi32, #tpu.memory_space<vmem>> -> memref<1x125xi32, #tpu.memory_space<vmem>>
      %dma_start3A_223 = tpu.memref_squeeze %dma_start3A_222 : memref<1x125xi32, #tpu.memory_space<vmem>> -> memref<125xi32, #tpu.memory_space<vmem>>
      %dma_start3A_224 = arith.constant 0 : i32
      %dma_start3A_225 = arith.constant 0 : i32
      %dma_start3A_226 = tpu.memref_slice %arg2[%dma_start3A_224, %dma_start3A_225] : memref<10000x128xf32, #tpu.memory_space<hbm>> -> memref<10000x128xf32, #tpu.memory_space<hbm>>
      tpu.enqueue_indirect_dma source(%dma_start3A_226 : memref<10000x128xf32, #tpu.memory_space<hbm>>) target(%arg9 : memref<125x128xf32, #tpu.memory_space<vmem>>) offsets(%dma_start3A_223 : memref<125xi32, #tpu.memory_space<vmem>>) semaphore(%arg13 : memref<!tpu.dma_semaphore, #tpu.memory_space<semaphore_mem>>)
      %dma_wait3A_227 = arith.constant 4 : i32
      %dma_wait3A_228 = arith.constant 0 : i32
      %dma_wait3A_229 = tpu.memref_slice %arg7[%dma_wait3A_227, %dma_wait3A_228] : memref<8x125xi32, #tpu.memory_space<vmem>> -> memref<1x125xi32, #tpu.memory_space<vmem>>
      %dma_wait3A_230 = tpu.memref_squeeze %dma_wait3A_229 : memref<1x125xi32, #tpu.memory_space<vmem>> -> memref<125xi32, #tpu.memory_space<vmem>>
      %dma_wait3A_231 = arith.constant 0 : i32
      %dma_wait3A_232 = arith.constant 0 : i32
      %dma_wait3A_233 = tpu.memref_slice %arg2[%dma_wait3A_231, %dma_wait3A_232] : memref<10000x128xf32, #tpu.memory_space<hbm>> -> memref<10000x128xf32, #tpu.memory_space<hbm>>
      tpu.wait_indirect_dma semaphore(%arg13 : memref<!tpu.dma_semaphore, #tpu.memory_space<semaphore_mem>>) src(%dma_wait3A_233 : memref<10000x128xf32, #tpu.memory_space<hbm>>) dst(%arg9 : memref<125x128xf32, #tpu.memory_space<vmem>>)
      %dma_start3A_234 = arith.constant 4 : i32
      %dma_start3A_235 = arith.constant 0 : i32
      %dma_start3A_236 = tpu.memref_slice %arg8[%dma_start3A_234, %dma_start3A_235] : memref<8x125xi32, #tpu.memory_space<vmem>> -> memref<1x125xi32, #tpu.memory_space<vmem>>
      %dma_start3A_237 = tpu.memref_squeeze %dma_start3A_236 : memref<1x125xi32, #tpu.memory_space<vmem>> -> memref<125xi32, #tpu.memory_space<vmem>>
      %dma_start3A_238 = arith.constant 0 : i32
      %dma_start3A_239 = arith.constant 0 : i32
      %dma_start3A_240 = tpu.memref_slice %arg11[%dma_start3A_238, %dma_start3A_239] : memref<10240x128xf32, #tpu.memory_space<vmem_shared>> -> memref<10240x128xf32, #tpu.memory_space<vmem_shared>>
      tpu.enqueue_indirect_dma source(%arg9 : memref<125x128xf32, #tpu.memory_space<vmem>>) target(%dma_start3A_240 : memref<10240x128xf32, #tpu.memory_space<vmem_shared>>) offsets(%dma_start3A_237 : memref<125xi32, #tpu.memory_space<vmem>>) semaphore(%arg15 : memref<!tpu.dma_semaphore, #tpu.memory_space<semaphore_mem>>) {add = true}
      %dma_wait3A_241 = arith.constant 4 : i32
      %dma_wait3A_242 = arith.constant 0 : i32
      %dma_wait3A_243 = tpu.memref_slice %arg8[%dma_wait3A_241, %dma_wait3A_242] : memref<8x125xi32, #tpu.memory_space<vmem>> -> memref<1x125xi32, #tpu.memory_space<vmem>>
      %dma_wait3A_244 = tpu.memref_squeeze %dma_wait3A_243 : memref<1x125xi32, #tpu.memory_space<vmem>> -> memref<125xi32, #tpu.memory_space<vmem>>
      %dma_wait3A_245 = arith.constant 0 : i32
      %dma_wait3A_246 = arith.constant 0 : i32
      %dma_wait3A_247 = tpu.memref_slice %arg11[%dma_wait3A_245, %dma_wait3A_246] : memref<10240x128xf32, #tpu.memory_space<vmem_shared>> -> memref<10240x128xf32, #tpu.memory_space<vmem_shared>>
      tpu.wait_indirect_dma semaphore(%arg16 : memref<!tpu.dma_semaphore, #tpu.memory_space<semaphore_mem>>) src(%arg12 : memref<125x128xf32, #tpu.memory_space<vmem>>) dst(%dma_wait3A_247 : memref<10240x128xf32, #tpu.memory_space<vmem_shared>>)
      %dma_start3A_248 = arith.constant 5 : i32
      %dma_start3A_249 = arith.constant 0 : i32
      %dma_start3A_250 = tpu.memref_slice %arg7[%dma_start3A_248, %dma_start3A_249] : memref<8x125xi32, #tpu.memory_space<vmem>> -> memref<1x125xi32, #tpu.memory_space<vmem>>
      %dma_start3A_251 = tpu.memref_squeeze %dma_start3A_250 : memref<1x125xi32, #tpu.memory_space<vmem>> -> memref<125xi32, #tpu.memory_space<vmem>>
      %dma_start3A_252 = arith.constant 0 : i32
      %dma_start3A_253 = arith.constant 0 : i32
      %dma_start3A_254 = tpu.memref_slice %arg2[%dma_start3A_252, %dma_start3A_253] : memref<10000x128xf32, #tpu.memory_space<hbm>> -> memref<10000x128xf32, #tpu.memory_space<hbm>>
      tpu.enqueue_indirect_dma source(%dma_start3A_254 : memref<10000x128xf32, #tpu.memory_space<hbm>>) target(%arg12 : memref<125x128xf32, #tpu.memory_space<vmem>>) offsets(%dma_start3A_251 : memref<125xi32, #tpu.memory_space<vmem>>) semaphore(%arg14 : memref<!tpu.dma_semaphore, #tpu.memory_space<semaphore_mem>>)
      %dma_wait3A_255 = arith.constant 5 : i32
      %dma_wait3A_256 = arith.constant 0 : i32
      %dma_wait3A_257 = tpu.memref_slice %arg7[%dma_wait3A_255, %dma_wait3A_256] : memref<8x125xi32, #tpu.memory_space<vmem>> -> memref<1x125xi32, #tpu.memory_space<vmem>>
      %dma_wait3A_258 = tpu.memref_squeeze %dma_wait3A_257 : memref<1x125xi32, #tpu.memory_space<vmem>> -> memref<125xi32, #tpu.memory_space<vmem>>
      %dma_wait3A_259 = arith.constant 0 : i32
      %dma_wait3A_260 = arith.constant 0 : i32
      %dma_wait3A_261 = tpu.memref_slice %arg2[%dma_wait3A_259, %dma_wait3A_260] : memref<10000x128xf32, #tpu.memory_space<hbm>> -> memref<10000x128xf32, #tpu.memory_space<hbm>>
      tpu.wait_indirect_dma semaphore(%arg14 : memref<!tpu.dma_semaphore, #tpu.memory_space<semaphore_mem>>) src(%dma_wait3A_261 : memref<10000x128xf32, #tpu.memory_space<hbm>>) dst(%arg12 : memref<125x128xf32, #tpu.memory_space<vmem>>)
      %dma_start3A_262 = arith.constant 5 : i32
      %dma_start3A_263 = arith.constant 0 : i32
      %dma_start3A_264 = tpu.memref_slice %arg8[%dma_start3A_262, %dma_start3A_263] : memref<8x125xi32, #tpu.memory_space<vmem>> -> memref<1x125xi32, #tpu.memory_space<vmem>>
      %dma_start3A_265 = tpu.memref_squeeze %dma_start3A_264 : memref<1x125xi32, #tpu.memory_space<vmem>> -> memref<125xi32, #tpu.memory_space<vmem>>
      %dma_start3A_266 = arith.constant 0 : i32
      %dma_start3A_267 = arith.constant 0 : i32
      %dma_start3A_268 = tpu.memref_slice %arg11[%dma_start3A_266, %dma_start3A_267] : memref<10240x128xf32, #tpu.memory_space<vmem_shared>> -> memref<10240x128xf32, #tpu.memory_space<vmem_shared>>
      tpu.enqueue_indirect_dma source(%arg12 : memref<125x128xf32, #tpu.memory_space<vmem>>) target(%dma_start3A_268 : memref<10240x128xf32, #tpu.memory_space<vmem_shared>>) offsets(%dma_start3A_265 : memref<125xi32, #tpu.memory_space<vmem>>) semaphore(%arg16 : memref<!tpu.dma_semaphore, #tpu.memory_space<semaphore_mem>>) {add = true}
      %dma_wait3A_269 = arith.constant 5 : i32
      %dma_wait3A_270 = arith.constant 0 : i32
      %dma_wait3A_271 = tpu.memref_slice %arg8[%dma_wait3A_269, %dma_wait3A_270] : memref<8x125xi32, #tpu.memory_space<vmem>> -> memref<1x125xi32, #tpu.memory_space<vmem>>
      %dma_wait3A_272 = tpu.memref_squeeze %dma_wait3A_271 : memref<1x125xi32, #tpu.memory_space<vmem>> -> memref<125xi32, #tpu.memory_space<vmem>>
      %dma_wait3A_273 = arith.constant 0 : i32
      %dma_wait3A_274 = arith.constant 0 : i32
      %dma_wait3A_275 = tpu.memref_slice %arg11[%dma_wait3A_273, %dma_wait3A_274] : memref<10240x128xf32, #tpu.memory_space<vmem_shared>> -> memref<10240x128xf32, #tpu.memory_space<vmem_shared>>
      tpu.wait_indirect_dma semaphore(%arg15 : memref<!tpu.dma_semaphore, #tpu.memory_space<semaphore_mem>>) src(%arg9 : memref<125x128xf32, #tpu.memory_space<vmem>>) dst(%dma_wait3A_275 : memref<10240x128xf32, #tpu.memory_space<vmem_shared>>)
      %dma_start3A_276 = arith.constant 6 : i32
      %dma_start3A_277 = arith.constant 0 : i32
      %dma_start3A_278 = tpu.memref_slice %arg7[%dma_start3A_276, %dma_start3A_277] : memref<8x125xi32, #tpu.memory_space<vmem>> -> memref<1x125xi32, #tpu.memory_space<vmem>>
      %dma_start3A_279 = tpu.memref_squeeze %dma_start3A_278 : memref<1x125xi32, #tpu.memory_space<vmem>> -> memref<125xi32, #tpu.memory_space<vmem>>
      %dma_start3A_280 = arith.constant 0 : i32
      %dma_start3A_281 = arith.constant 0 : i32
      %dma_start3A_282 = tpu.memref_slice %arg2[%dma_start3A_280, %dma_start3A_281] : memref<10000x128xf32, #tpu.memory_space<hbm>> -> memref<10000x128xf32, #tpu.memory_space<hbm>>
      tpu.enqueue_indirect_dma source(%dma_start3A_282 : memref<10000x128xf32, #tpu.memory_space<hbm>>) target(%arg9 : memref<125x128xf32, #tpu.memory_space<vmem>>) offsets(%dma_start3A_279 : memref<125xi32, #tpu.memory_space<vmem>>) semaphore(%arg13 : memref<!tpu.dma_semaphore, #tpu.memory_space<semaphore_mem>>)
      %dma_wait3A_283 = arith.constant 6 : i32
      %dma_wait3A_284 = arith.constant 0 : i32
      %dma_wait3A_285 = tpu.memref_slice %arg7[%dma_wait3A_283, %dma_wait3A_284] : memref<8x125xi32, #tpu.memory_space<vmem>> -> memref<1x125xi32, #tpu.memory_space<vmem>>
      %dma_wait3A_286 = tpu.memref_squeeze %dma_wait3A_285 : memref<1x125xi32, #tpu.memory_space<vmem>> -> memref<125xi32, #tpu.memory_space<vmem>>
      %dma_wait3A_287 = arith.constant 0 : i32
      %dma_wait3A_288 = arith.constant 0 : i32
      %dma_wait3A_289 = tpu.memref_slice %arg2[%dma_wait3A_287, %dma_wait3A_288] : memref<10000x128xf32, #tpu.memory_space<hbm>> -> memref<10000x128xf32, #tpu.memory_space<hbm>>
      tpu.wait_indirect_dma semaphore(%arg13 : memref<!tpu.dma_semaphore, #tpu.memory_space<semaphore_mem>>) src(%dma_wait3A_289 : memref<10000x128xf32, #tpu.memory_space<hbm>>) dst(%arg9 : memref<125x128xf32, #tpu.memory_space<vmem>>)
      %dma_start3A_290 = arith.constant 6 : i32
      %dma_start3A_291 = arith.constant 0 : i32
      %dma_start3A_292 = tpu.memref_slice %arg8[%dma_start3A_290, %dma_start3A_291] : memref<8x125xi32, #tpu.memory_space<vmem>> -> memref<1x125xi32, #tpu.memory_space<vmem>>
      %dma_start3A_293 = tpu.memref_squeeze %dma_start3A_292 : memref<1x125xi32, #tpu.memory_space<vmem>> -> memref<125xi32, #tpu.memory_space<vmem>>
      %dma_start3A_294 = arith.constant 0 : i32
      %dma_start3A_295 = arith.constant 0 : i32
      %dma_start3A_296 = tpu.memref_slice %arg11[%dma_start3A_294, %dma_start3A_295] : memref<10240x128xf32, #tpu.memory_space<vmem_shared>> -> memref<10240x128xf32, #tpu.memory_space<vmem_shared>>
      tpu.enqueue_indirect_dma source(%arg9 : memref<125x128xf32, #tpu.memory_space<vmem>>) target(%dma_start3A_296 : memref<10240x128xf32, #tpu.memory_space<vmem_shared>>) offsets(%dma_start3A_293 : memref<125xi32, #tpu.memory_space<vmem>>) semaphore(%arg15 : memref<!tpu.dma_semaphore, #tpu.memory_space<semaphore_mem>>) {add = true}
      %dma_wait3A_297 = arith.constant 6 : i32
      %dma_wait3A_298 = arith.constant 0 : i32
      %dma_wait3A_299 = tpu.memref_slice %arg8[%dma_wait3A_297, %dma_wait3A_298] : memref<8x125xi32, #tpu.memory_space<vmem>> -> memref<1x125xi32, #tpu.memory_space<vmem>>
      %dma_wait3A_300 = tpu.memref_squeeze %dma_wait3A_299 : memref<1x125xi32, #tpu.memory_space<vmem>> -> memref<125xi32, #tpu.memory_space<vmem>>
      %dma_wait3A_301 = arith.constant 0 : i32
      %dma_wait3A_302 = arith.constant 0 : i32
      %dma_wait3A_303 = tpu.memref_slice %arg11[%dma_wait3A_301, %dma_wait3A_302] : memref<10240x128xf32, #tpu.memory_space<vmem_shared>> -> memref<10240x128xf32, #tpu.memory_space<vmem_shared>>
      tpu.wait_indirect_dma semaphore(%arg16 : memref<!tpu.dma_semaphore, #tpu.memory_space<semaphore_mem>>) src(%arg12 : memref<125x128xf32, #tpu.memory_space<vmem>>) dst(%dma_wait3A_303 : memref<10240x128xf32, #tpu.memory_space<vmem_shared>>)
      %dma_start3A_304 = arith.constant 7 : i32
      %dma_start3A_305 = arith.constant 0 : i32
      %dma_start3A_306 = tpu.memref_slice %arg7[%dma_start3A_304, %dma_start3A_305] : memref<8x125xi32, #tpu.memory_space<vmem>> -> memref<1x125xi32, #tpu.memory_space<vmem>>
      %dma_start3A_307 = tpu.memref_squeeze %dma_start3A_306 : memref<1x125xi32, #tpu.memory_space<vmem>> -> memref<125xi32, #tpu.memory_space<vmem>>
      %dma_start3A_308 = arith.constant 0 : i32
      %dma_start3A_309 = arith.constant 0 : i32
      %dma_start3A_310 = tpu.memref_slice %arg2[%dma_start3A_308, %dma_start3A_309] : memref<10000x128xf32, #tpu.memory_space<hbm>> -> memref<10000x128xf32, #tpu.memory_space<hbm>>
      tpu.enqueue_indirect_dma source(%dma_start3A_310 : memref<10000x128xf32, #tpu.memory_space<hbm>>) target(%arg12 : memref<125x128xf32, #tpu.memory_space<vmem>>) offsets(%dma_start3A_307 : memref<125xi32, #tpu.memory_space<vmem>>) semaphore(%arg14 : memref<!tpu.dma_semaphore, #tpu.memory_space<semaphore_mem>>)
      %dma_wait3A_311 = arith.constant 7 : i32
      %dma_wait3A_312 = arith.constant 0 : i32
      %dma_wait3A_313 = tpu.memref_slice %arg7[%dma_wait3A_311, %dma_wait3A_312] : memref<8x125xi32, #tpu.memory_space<vmem>> -> memref<1x125xi32, #tpu.memory_space<vmem>>
      %dma_wait3A_314 = tpu.memref_squeeze %dma_wait3A_313 : memref<1x125xi32, #tpu.memory_space<vmem>> -> memref<125xi32, #tpu.memory_space<vmem>>
      %dma_wait3A_315 = arith.constant 0 : i32
      %dma_wait3A_316 = arith.constant 0 : i32
      %dma_wait3A_317 = tpu.memref_slice %arg2[%dma_wait3A_315, %dma_wait3A_316] : memref<10000x128xf32, #tpu.memory_space<hbm>> -> memref<10000x128xf32, #tpu.memory_space<hbm>>
      tpu.wait_indirect_dma semaphore(%arg14 : memref<!tpu.dma_semaphore, #tpu.memory_space<semaphore_mem>>) src(%dma_wait3A_317 : memref<10000x128xf32, #tpu.memory_space<hbm>>) dst(%arg12 : memref<125x128xf32, #tpu.memory_space<vmem>>)
      %dma_start3A_318 = arith.constant 7 : i32
      %dma_start3A_319 = arith.constant 0 : i32
      %dma_start3A_320 = tpu.memref_slice %arg8[%dma_start3A_318, %dma_start3A_319] : memref<8x125xi32, #tpu.memory_space<vmem>> -> memref<1x125xi32, #tpu.memory_space<vmem>>
      %dma_start3A_321 = tpu.memref_squeeze %dma_start3A_320 : memref<1x125xi32, #tpu.memory_space<vmem>> -> memref<125xi32, #tpu.memory_space<vmem>>
      %dma_start3A_322 = arith.constant 0 : i32
      %dma_start3A_323 = arith.constant 0 : i32
      %dma_start3A_324 = tpu.memref_slice %arg11[%dma_start3A_322, %dma_start3A_323] : memref<10240x128xf32, #tpu.memory_space<vmem_shared>> -> memref<10240x128xf32, #tpu.memory_space<vmem_shared>>
      tpu.enqueue_indirect_dma source(%arg12 : memref<125x128xf32, #tpu.memory_space<vmem>>) target(%dma_start3A_324 : memref<10240x128xf32, #tpu.memory_space<vmem_shared>>) offsets(%dma_start3A_321 : memref<125xi32, #tpu.memory_space<vmem>>) semaphore(%arg16 : memref<!tpu.dma_semaphore, #tpu.memory_space<semaphore_mem>>) {add = true}
      %dma_wait3A_325 = arith.constant 6 : i32
      %dma_wait3A_326 = arith.constant 0 : i32
      %dma_wait3A_327 = tpu.memref_slice %arg8[%dma_wait3A_325, %dma_wait3A_326] : memref<8x125xi32, #tpu.memory_space<vmem>> -> memref<1x125xi32, #tpu.memory_space<vmem>>
      %dma_wait3A_328 = tpu.memref_squeeze %dma_wait3A_327 : memref<1x125xi32, #tpu.memory_space<vmem>> -> memref<125xi32, #tpu.memory_space<vmem>>
      %dma_wait3A_329 = arith.constant 0 : i32
      %dma_wait3A_330 = arith.constant 0 : i32
      %dma_wait3A_331 = tpu.memref_slice %arg11[%dma_wait3A_329, %dma_wait3A_330] : memref<10240x128xf32, #tpu.memory_space<vmem_shared>> -> memref<10240x128xf32, #tpu.memory_space<vmem_shared>>
      tpu.wait_indirect_dma semaphore(%arg15 : memref<!tpu.dma_semaphore, #tpu.memory_space<semaphore_mem>>) src(%arg9 : memref<125x128xf32, #tpu.memory_space<vmem>>) dst(%dma_wait3A_331 : memref<10240x128xf32, #tpu.memory_space<vmem_shared>>)
      %dma_wait3A_332 = arith.constant 7 : i32
      %dma_wait3A_333 = arith.constant 0 : i32
      %dma_wait3A_334 = tpu.memref_slice %arg8[%dma_wait3A_332, %dma_wait3A_333] : memref<8x125xi32, #tpu.memory_space<vmem>> -> memref<1x125xi32, #tpu.memory_space<vmem>>
      %dma_wait3A_335 = tpu.memref_squeeze %dma_wait3A_334 : memref<1x125xi32, #tpu.memory_space<vmem>> -> memref<125xi32, #tpu.memory_space<vmem>>
      %dma_wait3A_336 = arith.constant 0 : i32
      %dma_wait3A_337 = arith.constant 0 : i32
      %dma_wait3A_338 = tpu.memref_slice %arg11[%dma_wait3A_336, %dma_wait3A_337] : memref<10240x128xf32, #tpu.memory_space<vmem_shared>> -> memref<10240x128xf32, #tpu.memory_space<vmem_shared>>
      tpu.wait_indirect_dma semaphore(%arg16 : memref<!tpu.dma_semaphore, #tpu.memory_space<semaphore_mem>>) src(%arg12 : memref<125x128xf32, #tpu.memory_space<vmem>>) dst(%dma_wait3A_338 : memref<10240x128xf32, #tpu.memory_space<vmem_shared>>)
    }
    %scan3A_52 = arith.constant 10 : i32
    %barrier3A_53 = arith.constant 0 : index
    tpu.barrier barrier_id(%barrier3A_53)
    %add3A_54 = arith.constant 0 : i32
    %add3A_55 = arith.addi %arg1, %add3A_54 : i32
    %lt3A = arith.constant 125 : i32
    %lt3A_56 = arith.cmpi slt, %add3A_55, %lt3A : i32
    %convert_element_type3A = arith.extui %lt3A_56 : i1 to i32
    %cond3A = arith.constant 0 : i32
    %cond3A_57 = arith.cmpi ne, %convert_element_type3A, %cond3A : i32
    scf.if %cond3A_57 {
      %mul3A_107 = arith.constant 80 : i32
      %mul3A_108 = arith.muli %add3A_55, %mul3A_107 : i32
      "tpu.region"() ({
        %run_scoped3A = tpu.sem_alloc : memref<!tpu.dma_semaphore, #tpu.memory_space<semaphore_mem>>
        %dma_start3A = arith.constant 0 : i32
        %dma_start3A_112 = tpu.memref_slice %arg11[%mul3A_108, %dma_start3A] : memref<10240x128xf32, #tpu.memory_space<vmem_shared>> -> memref<80x128xf32, #tpu.memory_space<vmem_shared>>
        %dma_start3A_113 = arith.constant 0 : i32
        %dma_start3A_114 = tpu.memref_slice %arg11[%mul3A_108, %dma_start3A_113] : memref<10240x128xf32, #tpu.memory_space<vmem_shared>> -> memref<80x128xf32, #tpu.memory_space<vmem_shared>>
        tpu.enqueue_dma source(%dma_start3A_114 : memref<80x128xf32, #tpu.memory_space<vmem_shared>>) target(%arg10 : memref<80x128xf32, #tpu.memory_space<vmem>>) target_semaphore(%run_scoped3A : memref<!tpu.dma_semaphore, #tpu.memory_space<semaphore_mem>>)
        %dma_wait3A = arith.constant 0 : i32
        %dma_wait3A_115 = tpu.memref_slice %arg11[%mul3A_108, %dma_wait3A] : memref<10240x128xf32, #tpu.memory_space<vmem_shared>> -> memref<80x128xf32, #tpu.memory_space<vmem_shared>>
        %dma_wait3A_116 = arith.constant 0 : i32
        %dma_wait3A_117 = tpu.memref_slice %arg11[%mul3A_108, %dma_wait3A_116] : memref<10240x128xf32, #tpu.memory_space<vmem_shared>> -> memref<80x128xf32, #tpu.memory_space<vmem_shared>>
        tpu.wait_dma2 semaphore(%run_scoped3A : memref<!tpu.dma_semaphore, #tpu.memory_space<semaphore_mem>>) src(%dma_wait3A_117 : memref<80x128xf32, #tpu.memory_space<vmem_shared>>) dst(%arg10 : memref<80x128xf32, #tpu.memory_space<vmem>>)
        tpu.yield
      }) : () -> ()
      %mul3A_109 = arith.constant 10000 : i32
      %mul3A_110 = arith.muli %arg0, %mul3A_109 : i32
      %add3A_111 = arith.addi %mul3A_110, %mul3A_108 : i32
      "tpu.region"() ({
        %run_scoped3A = tpu.sem_alloc : memref<!tpu.dma_semaphore, #tpu.memory_space<semaphore_mem>>
        %dma_start3A = arith.constant 0 : i32
        %dma_start3A_112 = tpu.memref_slice %arg6[%add3A_111, %dma_start3A] : memref<20000x128xf32, #tpu.memory_space<hbm>> -> memref<80x128xf32, #tpu.memory_space<hbm>>
        %dma_start3A_113 = arith.constant 0 : i32
        %dma_start3A_114 = tpu.memref_slice %arg6[%add3A_111, %dma_start3A_113] : memref<20000x128xf32, #tpu.memory_space<hbm>> -> memref<80x128xf32, #tpu.memory_space<hbm>>
        tpu.enqueue_dma source(%arg10 : memref<80x128xf32, #tpu.memory_space<vmem>>) target(%dma_start3A_114 : memref<80x128xf32, #tpu.memory_space<hbm>>) target_semaphore(%run_scoped3A : memref<!tpu.dma_semaphore, #tpu.memory_space<semaphore_mem>>)
        %dma_wait3A = arith.constant 0 : i32
        %dma_wait3A_115 = tpu.memref_slice %arg6[%add3A_111, %dma_wait3A] : memref<20000x128xf32, #tpu.memory_space<hbm>> -> memref<80x128xf32, #tpu.memory_space<hbm>>
        %dma_wait3A_116 = arith.constant 0 : i32
        %dma_wait3A_117 = tpu.memref_slice %arg6[%add3A_111, %dma_wait3A_116] : memref<20000x128xf32, #tpu.memory_space<hbm>> -> memref<80x128xf32, #tpu.memory_space<hbm>>
        tpu.wait_dma2 semaphore(%run_scoped3A : memref<!tpu.dma_semaphore, #tpu.memory_space<semaphore_mem>>) src(%arg10 : memref<80x128xf32, #tpu.memory_space<vmem>>) dst(%dma_wait3A_117 : memref<80x128xf32, #tpu.memory_space<hbm>>)
        tpu.yield
      }) : () -> ()
    } else {
    }
    %add3A_58 = arith.constant 16 : i32
    %add3A_59 = arith.addi %arg1, %add3A_58 : i32
    %lt3A_60 = arith.constant 125 : i32
    %lt3A_61 = arith.cmpi slt, %add3A_59, %lt3A_60 : i32
    %convert_element_type3A_62 = arith.extui %lt3A_61 : i1 to i32
    %cond3A_63 = arith.constant 0 : i32
    %cond3A_64 = arith.cmpi ne, %convert_element_type3A_62, %cond3A_63 : i32
    scf.if %cond3A_64 {
      %mul3A_107 = arith.constant 80 : i32
      %mul3A_108 = arith.muli %add3A_59, %mul3A_107 : i32
      "tpu.region"() ({
        %run_scoped3A = tpu.sem_alloc : memref<!tpu.dma_semaphore, #tpu.memory_space<semaphore_mem>>
        %dma_start3A = arith.constant 0 : i32
        %dma_start3A_112 = tpu.memref_slice %arg11[%mul3A_108, %dma_start3A] : memref<10240x128xf32, #tpu.memory_space<vmem_shared>> -> memref<80x128xf32, #tpu.memory_space<vmem_shared>>
        %dma_start3A_113 = arith.constant 0 : i32
        %dma_start3A_114 = tpu.memref_slice %arg11[%mul3A_108, %dma_start3A_113] : memref<10240x128xf32, #tpu.memory_space<vmem_shared>> -> memref<80x128xf32, #tpu.memory_space<vmem_shared>>
        tpu.enqueue_dma source(%dma_start3A_114 : memref<80x128xf32, #tpu.memory_space<vmem_shared>>) target(%arg10 : memref<80x128xf32, #tpu.memory_space<vmem>>) target_semaphore(%run_scoped3A : memref<!tpu.dma_semaphore, #tpu.memory_space<semaphore_mem>>)
        %dma_wait3A = arith.constant 0 : i32
        %dma_wait3A_115 = tpu.memref_slice %arg11[%mul3A_108, %dma_wait3A] : memref<10240x128xf32, #tpu.memory_space<vmem_shared>> -> memref<80x128xf32, #tpu.memory_space<vmem_shared>>
        %dma_wait3A_116 = arith.constant 0 : i32
        %dma_wait3A_117 = tpu.memref_slice %arg11[%mul3A_108, %dma_wait3A_116] : memref<10240x128xf32, #tpu.memory_space<vmem_shared>> -> memref<80x128xf32, #tpu.memory_space<vmem_shared>>
        tpu.wait_dma2 semaphore(%run_scoped3A : memref<!tpu.dma_semaphore, #tpu.memory_space<semaphore_mem>>) src(%dma_wait3A_117 : memref<80x128xf32, #tpu.memory_space<vmem_shared>>) dst(%arg10 : memref<80x128xf32, #tpu.memory_space<vmem>>)
        tpu.yield
      }) : () -> ()
      %mul3A_109 = arith.constant 10000 : i32
      %mul3A_110 = arith.muli %arg0, %mul3A_109 : i32
      %add3A_111 = arith.addi %mul3A_110, %mul3A_108 : i32
      "tpu.region"() ({
        %run_scoped3A = tpu.sem_alloc : memref<!tpu.dma_semaphore, #tpu.memory_space<semaphore_mem>>
        %dma_start3A = arith.constant 0 : i32
        %dma_start3A_112 = tpu.memref_slice %arg6[%add3A_111, %dma_start3A] : memref<20000x128xf32, #tpu.memory_space<hbm>> -> memref<80x128xf32, #tpu.memory_space<hbm>>
        %dma_start3A_113 = arith.constant 0 : i32
        %dma_start3A_114 = tpu.memref_slice %arg6[%add3A_111, %dma_start3A_113] : memref<20000x128xf32, #tpu.memory_space<hbm>> -> memref<80x128xf32, #tpu.memory_space<hbm>>
        tpu.enqueue_dma source(%arg10 : memref<80x128xf32, #tpu.memory_space<vmem>>) target(%dma_start3A_114 : memref<80x128xf32, #tpu.memory_space<hbm>>) target_semaphore(%run_scoped3A : memref<!tpu.dma_semaphore, #tpu.memory_space<semaphore_mem>>)
        %dma_wait3A = arith.constant 0 : i32
        %dma_wait3A_115 = tpu.memref_slice %arg6[%add3A_111, %dma_wait3A] : memref<20000x128xf32, #tpu.memory_space<hbm>> -> memref<80x128xf32, #tpu.memory_space<hbm>>
        %dma_wait3A_116 = arith.constant 0 : i32
        %dma_wait3A_117 = tpu.memref_slice %arg6[%add3A_111, %dma_wait3A_116] : memref<20000x128xf32, #tpu.memory_space<hbm>> -> memref<80x128xf32, #tpu.memory_space<hbm>>
        tpu.wait_dma2 semaphore(%run_scoped3A : memref<!tpu.dma_semaphore, #tpu.memory_space<semaphore_mem>>) src(%arg10 : memref<80x128xf32, #tpu.memory_space<vmem>>) dst(%dma_wait3A_117 : memref<80x128xf32, #tpu.memory_space<hbm>>)
        tpu.yield
      }) : () -> ()
    } else {
    }
    %add3A_65 = arith.constant 32 : i32
    %add3A_66 = arith.addi %arg1, %add3A_65 : i32
    %lt3A_67 = arith.constant 125 : i32
    %lt3A_68 = arith.cmpi slt, %add3A_66, %lt3A_67 : i32
    %convert_element_type3A_69 = arith.extui %lt3A_68 : i1 to i32
    %cond3A_70 = arith.constant 0 : i32
    %cond3A_71 = arith.cmpi ne, %convert_element_type3A_69, %cond3A_70 : i32
    scf.if %cond3A_71 {
      %mul3A_107 = arith.constant 80 : i32
      %mul3A_108 = arith.muli %add3A_66, %mul3A_107 : i32
      "tpu.region"() ({
        %run_scoped3A = tpu.sem_alloc : memref<!tpu.dma_semaphore, #tpu.memory_space<semaphore_mem>>
        %dma_start3A = arith.constant 0 : i32
        %dma_start3A_112 = tpu.memref_slice %arg11[%mul3A_108, %dma_start3A] : memref<10240x128xf32, #tpu.memory_space<vmem_shared>> -> memref<80x128xf32, #tpu.memory_space<vmem_shared>>
        %dma_start3A_113 = arith.constant 0 : i32
        %dma_start3A_114 = tpu.memref_slice %arg11[%mul3A_108, %dma_start3A_113] : memref<10240x128xf32, #tpu.memory_space<vmem_shared>> -> memref<80x128xf32, #tpu.memory_space<vmem_shared>>
        tpu.enqueue_dma source(%dma_start3A_114 : memref<80x128xf32, #tpu.memory_space<vmem_shared>>) target(%arg10 : memref<80x128xf32, #tpu.memory_space<vmem>>) target_semaphore(%run_scoped3A : memref<!tpu.dma_semaphore, #tpu.memory_space<semaphore_mem>>)
        %dma_wait3A = arith.constant 0 : i32
        %dma_wait3A_115 = tpu.memref_slice %arg11[%mul3A_108, %dma_wait3A] : memref<10240x128xf32, #tpu.memory_space<vmem_shared>> -> memref<80x128xf32, #tpu.memory_space<vmem_shared>>
        %dma_wait3A_116 = arith.constant 0 : i32
        %dma_wait3A_117 = tpu.memref_slice %arg11[%mul3A_108, %dma_wait3A_116] : memref<10240x128xf32, #tpu.memory_space<vmem_shared>> -> memref<80x128xf32, #tpu.memory_space<vmem_shared>>
        tpu.wait_dma2 semaphore(%run_scoped3A : memref<!tpu.dma_semaphore, #tpu.memory_space<semaphore_mem>>) src(%dma_wait3A_117 : memref<80x128xf32, #tpu.memory_space<vmem_shared>>) dst(%arg10 : memref<80x128xf32, #tpu.memory_space<vmem>>)
        tpu.yield
      }) : () -> ()
      %mul3A_109 = arith.constant 10000 : i32
      %mul3A_110 = arith.muli %arg0, %mul3A_109 : i32
      %add3A_111 = arith.addi %mul3A_110, %mul3A_108 : i32
      "tpu.region"() ({
        %run_scoped3A = tpu.sem_alloc : memref<!tpu.dma_semaphore, #tpu.memory_space<semaphore_mem>>
        %dma_start3A = arith.constant 0 : i32
        %dma_start3A_112 = tpu.memref_slice %arg6[%add3A_111, %dma_start3A] : memref<20000x128xf32, #tpu.memory_space<hbm>> -> memref<80x128xf32, #tpu.memory_space<hbm>>
        %dma_start3A_113 = arith.constant 0 : i32
        %dma_start3A_114 = tpu.memref_slice %arg6[%add3A_111, %dma_start3A_113] : memref<20000x128xf32, #tpu.memory_space<hbm>> -> memref<80x128xf32, #tpu.memory_space<hbm>>
        tpu.enqueue_dma source(%arg10 : memref<80x128xf32, #tpu.memory_space<vmem>>) target(%dma_start3A_114 : memref<80x128xf32, #tpu.memory_space<hbm>>) target_semaphore(%run_scoped3A : memref<!tpu.dma_semaphore, #tpu.memory_space<semaphore_mem>>)
        %dma_wait3A = arith.constant 0 : i32
        %dma_wait3A_115 = tpu.memref_slice %arg6[%add3A_111, %dma_wait3A] : memref<20000x128xf32, #tpu.memory_space<hbm>> -> memref<80x128xf32, #tpu.memory_space<hbm>>
        %dma_wait3A_116 = arith.constant 0 : i32
        %dma_wait3A_117 = tpu.memref_slice %arg6[%add3A_111, %dma_wait3A_116] : memref<20000x128xf32, #tpu.memory_space<hbm>> -> memref<80x128xf32, #tpu.memory_space<hbm>>
        tpu.wait_dma2 semaphore(%run_scoped3A : memref<!tpu.dma_semaphore, #tpu.memory_space<semaphore_mem>>) src(%arg10 : memref<80x128xf32, #tpu.memory_space<vmem>>) dst(%dma_wait3A_117 : memref<80x128xf32, #tpu.memory_space<hbm>>)
        tpu.yield
      }) : () -> ()
    } else {
    }
    %add3A_72 = arith.constant 48 : i32
    %add3A_73 = arith.addi %arg1, %add3A_72 : i32
    %lt3A_74 = arith.constant 125 : i32
    %lt3A_75 = arith.cmpi slt, %add3A_73, %lt3A_74 : i32
    %convert_element_type3A_76 = arith.extui %lt3A_75 : i1 to i32
    %cond3A_77 = arith.constant 0 : i32
    %cond3A_78 = arith.cmpi ne, %convert_element_type3A_76, %cond3A_77 : i32
    scf.if %cond3A_78 {
      %mul3A_107 = arith.constant 80 : i32
      %mul3A_108 = arith.muli %add3A_73, %mul3A_107 : i32
      "tpu.region"() ({
        %run_scoped3A = tpu.sem_alloc : memref<!tpu.dma_semaphore, #tpu.memory_space<semaphore_mem>>
        %dma_start3A = arith.constant 0 : i32
        %dma_start3A_112 = tpu.memref_slice %arg11[%mul3A_108, %dma_start3A] : memref<10240x128xf32, #tpu.memory_space<vmem_shared>> -> memref<80x128xf32, #tpu.memory_space<vmem_shared>>
        %dma_start3A_113 = arith.constant 0 : i32
        %dma_start3A_114 = tpu.memref_slice %arg11[%mul3A_108, %dma_start3A_113] : memref<10240x128xf32, #tpu.memory_space<vmem_shared>> -> memref<80x128xf32, #tpu.memory_space<vmem_shared>>
        tpu.enqueue_dma source(%dma_start3A_114 : memref<80x128xf32, #tpu.memory_space<vmem_shared>>) target(%arg10 : memref<80x128xf32, #tpu.memory_space<vmem>>) target_semaphore(%run_scoped3A : memref<!tpu.dma_semaphore, #tpu.memory_space<semaphore_mem>>)
        %dma_wait3A = arith.constant 0 : i32
        %dma_wait3A_115 = tpu.memref_slice %arg11[%mul3A_108, %dma_wait3A] : memref<10240x128xf32, #tpu.memory_space<vmem_shared>> -> memref<80x128xf32, #tpu.memory_space<vmem_shared>>
        %dma_wait3A_116 = arith.constant 0 : i32
        %dma_wait3A_117 = tpu.memref_slice %arg11[%mul3A_108, %dma_wait3A_116] : memref<10240x128xf32, #tpu.memory_space<vmem_shared>> -> memref<80x128xf32, #tpu.memory_space<vmem_shared>>
        tpu.wait_dma2 semaphore(%run_scoped3A : memref<!tpu.dma_semaphore, #tpu.memory_space<semaphore_mem>>) src(%dma_wait3A_117 : memref<80x128xf32, #tpu.memory_space<vmem_shared>>) dst(%arg10 : memref<80x128xf32, #tpu.memory_space<vmem>>)
        tpu.yield
      }) : () -> ()
      %mul3A_109 = arith.constant 10000 : i32
      %mul3A_110 = arith.muli %arg0, %mul3A_109 : i32
      %add3A_111 = arith.addi %mul3A_110, %mul3A_108 : i32
      "tpu.region"() ({
        %run_scoped3A = tpu.sem_alloc : memref<!tpu.dma_semaphore, #tpu.memory_space<semaphore_mem>>
        %dma_start3A = arith.constant 0 : i32
        %dma_start3A_112 = tpu.memref_slice %arg6[%add3A_111, %dma_start3A] : memref<20000x128xf32, #tpu.memory_space<hbm>> -> memref<80x128xf32, #tpu.memory_space<hbm>>
        %dma_start3A_113 = arith.constant 0 : i32
        %dma_start3A_114 = tpu.memref_slice %arg6[%add3A_111, %dma_start3A_113] : memref<20000x128xf32, #tpu.memory_space<hbm>> -> memref<80x128xf32, #tpu.memory_space<hbm>>
        tpu.enqueue_dma source(%arg10 : memref<80x128xf32, #tpu.memory_space<vmem>>) target(%dma_start3A_114 : memref<80x128xf32, #tpu.memory_space<hbm>>) target_semaphore(%run_scoped3A : memref<!tpu.dma_semaphore, #tpu.memory_space<semaphore_mem>>)
        %dma_wait3A = arith.constant 0 : i32
        %dma_wait3A_115 = tpu.memref_slice %arg6[%add3A_111, %dma_wait3A] : memref<20000x128xf32, #tpu.memory_space<hbm>> -> memref<80x128xf32, #tpu.memory_space<hbm>>
        %dma_wait3A_116 = arith.constant 0 : i32
        %dma_wait3A_117 = tpu.memref_slice %arg6[%add3A_111, %dma_wait3A_116] : memref<20000x128xf32, #tpu.memory_space<hbm>> -> memref<80x128xf32, #tpu.memory_space<hbm>>
        tpu.wait_dma2 semaphore(%run_scoped3A : memref<!tpu.dma_semaphore, #tpu.memory_space<semaphore_mem>>) src(%arg10 : memref<80x128xf32, #tpu.memory_space<vmem>>) dst(%dma_wait3A_117 : memref<80x128xf32, #tpu.memory_space<hbm>>)
        tpu.yield
      }) : () -> ()
    } else {
    }
    %add3A_79 = arith.constant 64 : i32
    %add3A_80 = arith.addi %arg1, %add3A_79 : i32
    %lt3A_81 = arith.constant 125 : i32
    %lt3A_82 = arith.cmpi slt, %add3A_80, %lt3A_81 : i32
    %convert_element_type3A_83 = arith.extui %lt3A_82 : i1 to i32
    %cond3A_84 = arith.constant 0 : i32
    %cond3A_85 = arith.cmpi ne, %convert_element_type3A_83, %cond3A_84 : i32
    scf.if %cond3A_85 {
      %mul3A_107 = arith.constant 80 : i32
      %mul3A_108 = arith.muli %add3A_80, %mul3A_107 : i32
      "tpu.region"() ({
        %run_scoped3A = tpu.sem_alloc : memref<!tpu.dma_semaphore, #tpu.memory_space<semaphore_mem>>
        %dma_start3A = arith.constant 0 : i32
        %dma_start3A_112 = tpu.memref_slice %arg11[%mul3A_108, %dma_start3A] : memref<10240x128xf32, #tpu.memory_space<vmem_shared>> -> memref<80x128xf32, #tpu.memory_space<vmem_shared>>
        %dma_start3A_113 = arith.constant 0 : i32
        %dma_start3A_114 = tpu.memref_slice %arg11[%mul3A_108, %dma_start3A_113] : memref<10240x128xf32, #tpu.memory_space<vmem_shared>> -> memref<80x128xf32, #tpu.memory_space<vmem_shared>>
        tpu.enqueue_dma source(%dma_start3A_114 : memref<80x128xf32, #tpu.memory_space<vmem_shared>>) target(%arg10 : memref<80x128xf32, #tpu.memory_space<vmem>>) target_semaphore(%run_scoped3A : memref<!tpu.dma_semaphore, #tpu.memory_space<semaphore_mem>>)
        %dma_wait3A = arith.constant 0 : i32
        %dma_wait3A_115 = tpu.memref_slice %arg11[%mul3A_108, %dma_wait3A] : memref<10240x128xf32, #tpu.memory_space<vmem_shared>> -> memref<80x128xf32, #tpu.memory_space<vmem_shared>>
        %dma_wait3A_116 = arith.constant 0 : i32
        %dma_wait3A_117 = tpu.memref_slice %arg11[%mul3A_108, %dma_wait3A_116] : memref<10240x128xf32, #tpu.memory_space<vmem_shared>> -> memref<80x128xf32, #tpu.memory_space<vmem_shared>>
        tpu.wait_dma2 semaphore(%run_scoped3A : memref<!tpu.dma_semaphore, #tpu.memory_space<semaphore_mem>>) src(%dma_wait3A_117 : memref<80x128xf32, #tpu.memory_space<vmem_shared>>) dst(%arg10 : memref<80x128xf32, #tpu.memory_space<vmem>>)
        tpu.yield
      }) : () -> ()
      %mul3A_109 = arith.constant 10000 : i32
      %mul3A_110 = arith.muli %arg0, %mul3A_109 : i32
      %add3A_111 = arith.addi %mul3A_110, %mul3A_108 : i32
      "tpu.region"() ({
        %run_scoped3A = tpu.sem_alloc : memref<!tpu.dma_semaphore, #tpu.memory_space<semaphore_mem>>
        %dma_start3A = arith.constant 0 : i32
        %dma_start3A_112 = tpu.memref_slice %arg6[%add3A_111, %dma_start3A] : memref<20000x128xf32, #tpu.memory_space<hbm>> -> memref<80x128xf32, #tpu.memory_space<hbm>>
        %dma_start3A_113 = arith.constant 0 : i32
        %dma_start3A_114 = tpu.memref_slice %arg6[%add3A_111, %dma_start3A_113] : memref<20000x128xf32, #tpu.memory_space<hbm>> -> memref<80x128xf32, #tpu.memory_space<hbm>>
        tpu.enqueue_dma source(%arg10 : memref<80x128xf32, #tpu.memory_space<vmem>>) target(%dma_start3A_114 : memref<80x128xf32, #tpu.memory_space<hbm>>) target_semaphore(%run_scoped3A : memref<!tpu.dma_semaphore, #tpu.memory_space<semaphore_mem>>)
        %dma_wait3A = arith.constant 0 : i32
        %dma_wait3A_115 = tpu.memref_slice %arg6[%add3A_111, %dma_wait3A] : memref<20000x128xf32, #tpu.memory_space<hbm>> -> memref<80x128xf32, #tpu.memory_space<hbm>>
        %dma_wait3A_116 = arith.constant 0 : i32
        %dma_wait3A_117 = tpu.memref_slice %arg6[%add3A_111, %dma_wait3A_116] : memref<20000x128xf32, #tpu.memory_space<hbm>> -> memref<80x128xf32, #tpu.memory_space<hbm>>
        tpu.wait_dma2 semaphore(%run_scoped3A : memref<!tpu.dma_semaphore, #tpu.memory_space<semaphore_mem>>) src(%arg10 : memref<80x128xf32, #tpu.memory_space<vmem>>) dst(%dma_wait3A_117 : memref<80x128xf32, #tpu.memory_space<hbm>>)
        tpu.yield
      }) : () -> ()
    } else {
    }
    %add3A_86 = arith.constant 80 : i32
    %add3A_87 = arith.addi %arg1, %add3A_86 : i32
    %lt3A_88 = arith.constant 125 : i32
    %lt3A_89 = arith.cmpi slt, %add3A_87, %lt3A_88 : i32
    %convert_element_type3A_90 = arith.extui %lt3A_89 : i1 to i32
    %cond3A_91 = arith.constant 0 : i32
    %cond3A_92 = arith.cmpi ne, %convert_element_type3A_90, %cond3A_91 : i32
    scf.if %cond3A_92 {
      %mul3A_107 = arith.constant 80 : i32
      %mul3A_108 = arith.muli %add3A_87, %mul3A_107 : i32
      "tpu.region"() ({
        %run_scoped3A = tpu.sem_alloc : memref<!tpu.dma_semaphore, #tpu.memory_space<semaphore_mem>>
        %dma_start3A = arith.constant 0 : i32
        %dma_start3A_112 = tpu.memref_slice %arg11[%mul3A_108, %dma_start3A] : memref<10240x128xf32, #tpu.memory_space<vmem_shared>> -> memref<80x128xf32, #tpu.memory_space<vmem_shared>>
        %dma_start3A_113 = arith.constant 0 : i32
        %dma_start3A_114 = tpu.memref_slice %arg11[%mul3A_108, %dma_start3A_113] : memref<10240x128xf32, #tpu.memory_space<vmem_shared>> -> memref<80x128xf32, #tpu.memory_space<vmem_shared>>
        tpu.enqueue_dma source(%dma_start3A_114 : memref<80x128xf32, #tpu.memory_space<vmem_shared>>) target(%arg10 : memref<80x128xf32, #tpu.memory_space<vmem>>) target_semaphore(%run_scoped3A : memref<!tpu.dma_semaphore, #tpu.memory_space<semaphore_mem>>)
        %dma_wait3A = arith.constant 0 : i32
        %dma_wait3A_115 = tpu.memref_slice %arg11[%mul3A_108, %dma_wait3A] : memref<10240x128xf32, #tpu.memory_space<vmem_shared>> -> memref<80x128xf32, #tpu.memory_space<vmem_shared>>
        %dma_wait3A_116 = arith.constant 0 : i32
        %dma_wait3A_117 = tpu.memref_slice %arg11[%mul3A_108, %dma_wait3A_116] : memref<10240x128xf32, #tpu.memory_space<vmem_shared>> -> memref<80x128xf32, #tpu.memory_space<vmem_shared>>
        tpu.wait_dma2 semaphore(%run_scoped3A : memref<!tpu.dma_semaphore, #tpu.memory_space<semaphore_mem>>) src(%dma_wait3A_117 : memref<80x128xf32, #tpu.memory_space<vmem_shared>>) dst(%arg10 : memref<80x128xf32, #tpu.memory_space<vmem>>)
        tpu.yield
      }) : () -> ()
      %mul3A_109 = arith.constant 10000 : i32
      %mul3A_110 = arith.muli %arg0, %mul3A_109 : i32
      %add3A_111 = arith.addi %mul3A_110, %mul3A_108 : i32
      "tpu.region"() ({
        %run_scoped3A = tpu.sem_alloc : memref<!tpu.dma_semaphore, #tpu.memory_space<semaphore_mem>>
        %dma_start3A = arith.constant 0 : i32
        %dma_start3A_112 = tpu.memref_slice %arg6[%add3A_111, %dma_start3A] : memref<20000x128xf32, #tpu.memory_space<hbm>> -> memref<80x128xf32, #tpu.memory_space<hbm>>
        %dma_start3A_113 = arith.constant 0 : i32
        %dma_start3A_114 = tpu.memref_slice %arg6[%add3A_111, %dma_start3A_113] : memref<20000x128xf32, #tpu.memory_space<hbm>> -> memref<80x128xf32, #tpu.memory_space<hbm>>
        tpu.enqueue_dma source(%arg10 : memref<80x128xf32, #tpu.memory_space<vmem>>) target(%dma_start3A_114 : memref<80x128xf32, #tpu.memory_space<hbm>>) target_semaphore(%run_scoped3A : memref<!tpu.dma_semaphore, #tpu.memory_space<semaphore_mem>>)
        %dma_wait3A = arith.constant 0 : i32
        %dma_wait3A_115 = tpu.memref_slice %arg6[%add3A_111, %dma_wait3A] : memref<20000x128xf32, #tpu.memory_space<hbm>> -> memref<80x128xf32, #tpu.memory_space<hbm>>
        %dma_wait3A_116 = arith.constant 0 : i32
        %dma_wait3A_117 = tpu.memref_slice %arg6[%add3A_111, %dma_wait3A_116] : memref<20000x128xf32, #tpu.memory_space<hbm>> -> memref<80x128xf32, #tpu.memory_space<hbm>>
        tpu.wait_dma2 semaphore(%run_scoped3A : memref<!tpu.dma_semaphore, #tpu.memory_space<semaphore_mem>>) src(%arg10 : memref<80x128xf32, #tpu.memory_space<vmem>>) dst(%dma_wait3A_117 : memref<80x128xf32, #tpu.memory_space<hbm>>)
        tpu.yield
      }) : () -> ()
    } else {
    }
    %add3A_93 = arith.constant 96 : i32
    %add3A_94 = arith.addi %arg1, %add3A_93 : i32
    %lt3A_95 = arith.constant 125 : i32
    %lt3A_96 = arith.cmpi slt, %add3A_94, %lt3A_95 : i32
    %convert_element_type3A_97 = arith.extui %lt3A_96 : i1 to i32
    %cond3A_98 = arith.constant 0 : i32
    %cond3A_99 = arith.cmpi ne, %convert_element_type3A_97, %cond3A_98 : i32
    scf.if %cond3A_99 {
      %mul3A_107 = arith.constant 80 : i32
      %mul3A_108 = arith.muli %add3A_94, %mul3A_107 : i32
      "tpu.region"() ({
        %run_scoped3A = tpu.sem_alloc : memref<!tpu.dma_semaphore, #tpu.memory_space<semaphore_mem>>
        %dma_start3A = arith.constant 0 : i32
        %dma_start3A_112 = tpu.memref_slice %arg11[%mul3A_108, %dma_start3A] : memref<10240x128xf32, #tpu.memory_space<vmem_shared>> -> memref<80x128xf32, #tpu.memory_space<vmem_shared>>
        %dma_start3A_113 = arith.constant 0 : i32
        %dma_start3A_114 = tpu.memref_slice %arg11[%mul3A_108, %dma_start3A_113] : memref<10240x128xf32, #tpu.memory_space<vmem_shared>> -> memref<80x128xf32, #tpu.memory_space<vmem_shared>>
        tpu.enqueue_dma source(%dma_start3A_114 : memref<80x128xf32, #tpu.memory_space<vmem_shared>>) target(%arg10 : memref<80x128xf32, #tpu.memory_space<vmem>>) target_semaphore(%run_scoped3A : memref<!tpu.dma_semaphore, #tpu.memory_space<semaphore_mem>>)
        %dma_wait3A = arith.constant 0 : i32
        %dma_wait3A_115 = tpu.memref_slice %arg11[%mul3A_108, %dma_wait3A] : memref<10240x128xf32, #tpu.memory_space<vmem_shared>> -> memref<80x128xf32, #tpu.memory_space<vmem_shared>>
        %dma_wait3A_116 = arith.constant 0 : i32
        %dma_wait3A_117 = tpu.memref_slice %arg11[%mul3A_108, %dma_wait3A_116] : memref<10240x128xf32, #tpu.memory_space<vmem_shared>> -> memref<80x128xf32, #tpu.memory_space<vmem_shared>>
        tpu.wait_dma2 semaphore(%run_scoped3A : memref<!tpu.dma_semaphore, #tpu.memory_space<semaphore_mem>>) src(%dma_wait3A_117 : memref<80x128xf32, #tpu.memory_space<vmem_shared>>) dst(%arg10 : memref<80x128xf32, #tpu.memory_space<vmem>>)
        tpu.yield
      }) : () -> ()
      %mul3A_109 = arith.constant 10000 : i32
      %mul3A_110 = arith.muli %arg0, %mul3A_109 : i32
      %add3A_111 = arith.addi %mul3A_110, %mul3A_108 : i32
      "tpu.region"() ({
        %run_scoped3A = tpu.sem_alloc : memref<!tpu.dma_semaphore, #tpu.memory_space<semaphore_mem>>
        %dma_start3A = arith.constant 0 : i32
        %dma_start3A_112 = tpu.memref_slice %arg6[%add3A_111, %dma_start3A] : memref<20000x128xf32, #tpu.memory_space<hbm>> -> memref<80x128xf32, #tpu.memory_space<hbm>>
        %dma_start3A_113 = arith.constant 0 : i32
        %dma_start3A_114 = tpu.memref_slice %arg6[%add3A_111, %dma_start3A_113] : memref<20000x128xf32, #tpu.memory_space<hbm>> -> memref<80x128xf32, #tpu.memory_space<hbm>>
        tpu.enqueue_dma source(%arg10 : memref<80x128xf32, #tpu.memory_space<vmem>>) target(%dma_start3A_114 : memref<80x128xf32, #tpu.memory_space<hbm>>) target_semaphore(%run_scoped3A : memref<!tpu.dma_semaphore, #tpu.memory_space<semaphore_mem>>)
        %dma_wait3A = arith.constant 0 : i32
        %dma_wait3A_115 = tpu.memref_slice %arg6[%add3A_111, %dma_wait3A] : memref<20000x128xf32, #tpu.memory_space<hbm>> -> memref<80x128xf32, #tpu.memory_space<hbm>>
        %dma_wait3A_116 = arith.constant 0 : i32
        %dma_wait3A_117 = tpu.memref_slice %arg6[%add3A_111, %dma_wait3A_116] : memref<20000x128xf32, #tpu.memory_space<hbm>> -> memref<80x128xf32, #tpu.memory_space<hbm>>
        tpu.wait_dma2 semaphore(%run_scoped3A : memref<!tpu.dma_semaphore, #tpu.memory_space<semaphore_mem>>) src(%arg10 : memref<80x128xf32, #tpu.memory_space<vmem>>) dst(%dma_wait3A_117 : memref<80x128xf32, #tpu.memory_space<hbm>>)
        tpu.yield
      }) : () -> ()
    } else {
    }
    %add3A_100 = arith.constant 112 : i32
    %add3A_101 = arith.addi %arg1, %add3A_100 : i32
    %lt3A_102 = arith.constant 125 : i32
    %lt3A_103 = arith.cmpi slt, %add3A_101, %lt3A_102 : i32
    %convert_element_type3A_104 = arith.extui %lt3A_103 : i1 to i32
    %cond3A_105 = arith.constant 0 : i32
    %cond3A_106 = arith.cmpi ne, %convert_element_type3A_104, %cond3A_105 : i32
    scf.if %cond3A_106 {
      %mul3A_107 = arith.constant 80 : i32
      %mul3A_108 = arith.muli %add3A_101, %mul3A_107 : i32
      "tpu.region"() ({
        %run_scoped3A = tpu.sem_alloc : memref<!tpu.dma_semaphore, #tpu.memory_space<semaphore_mem>>
        %dma_start3A = arith.constant 0 : i32
        %dma_start3A_112 = tpu.memref_slice %arg11[%mul3A_108, %dma_start3A] : memref<10240x128xf32, #tpu.memory_space<vmem_shared>> -> memref<80x128xf32, #tpu.memory_space<vmem_shared>>
        %dma_start3A_113 = arith.constant 0 : i32
        %dma_start3A_114 = tpu.memref_slice %arg11[%mul3A_108, %dma_start3A_113] : memref<10240x128xf32, #tpu.memory_space<vmem_shared>> -> memref<80x128xf32, #tpu.memory_space<vmem_shared>>
        tpu.enqueue_dma source(%dma_start3A_114 : memref<80x128xf32, #tpu.memory_space<vmem_shared>>) target(%arg10 : memref<80x128xf32, #tpu.memory_space<vmem>>) target_semaphore(%run_scoped3A : memref<!tpu.dma_semaphore, #tpu.memory_space<semaphore_mem>>)
        %dma_wait3A = arith.constant 0 : i32
        %dma_wait3A_115 = tpu.memref_slice %arg11[%mul3A_108, %dma_wait3A] : memref<10240x128xf32, #tpu.memory_space<vmem_shared>> -> memref<80x128xf32, #tpu.memory_space<vmem_shared>>
        %dma_wait3A_116 = arith.constant 0 : i32
        %dma_wait3A_117 = tpu.memref_slice %arg11[%mul3A_108, %dma_wait3A_116] : memref<10240x128xf32, #tpu.memory_space<vmem_shared>> -> memref<80x128xf32, #tpu.memory_space<vmem_shared>>
        tpu.wait_dma2 semaphore(%run_scoped3A : memref<!tpu.dma_semaphore, #tpu.memory_space<semaphore_mem>>) src(%dma_wait3A_117 : memref<80x128xf32, #tpu.memory_space<vmem_shared>>) dst(%arg10 : memref<80x128xf32, #tpu.memory_space<vmem>>)
        tpu.yield
      }) : () -> ()
      %mul3A_109 = arith.constant 10000 : i32
      %mul3A_110 = arith.muli %arg0, %mul3A_109 : i32
      %add3A_111 = arith.addi %mul3A_110, %mul3A_108 : i32
      "tpu.region"() ({
        %run_scoped3A = tpu.sem_alloc : memref<!tpu.dma_semaphore, #tpu.memory_space<semaphore_mem>>
        %dma_start3A = arith.constant 0 : i32
        %dma_start3A_112 = tpu.memref_slice %arg6[%add3A_111, %dma_start3A] : memref<20000x128xf32, #tpu.memory_space<hbm>> -> memref<80x128xf32, #tpu.memory_space<hbm>>
        %dma_start3A_113 = arith.constant 0 : i32
        %dma_start3A_114 = tpu.memref_slice %arg6[%add3A_111, %dma_start3A_113] : memref<20000x128xf32, #tpu.memory_space<hbm>> -> memref<80x128xf32, #tpu.memory_space<hbm>>
        tpu.enqueue_dma source(%arg10 : memref<80x128xf32, #tpu.memory_space<vmem>>) target(%dma_start3A_114 : memref<80x128xf32, #tpu.memory_space<hbm>>) target_semaphore(%run_scoped3A : memref<!tpu.dma_semaphore, #tpu.memory_space<semaphore_mem>>)
        %dma_wait3A = arith.constant 0 : i32
        %dma_wait3A_115 = tpu.memref_slice %arg6[%add3A_111, %dma_wait3A] : memref<20000x128xf32, #tpu.memory_space<hbm>> -> memref<80x128xf32, #tpu.memory_space<hbm>>
        %dma_wait3A_116 = arith.constant 0 : i32
        %dma_wait3A_117 = tpu.memref_slice %arg6[%add3A_111, %dma_wait3A_116] : memref<20000x128xf32, #tpu.memory_space<hbm>> -> memref<80x128xf32, #tpu.memory_space<hbm>>
        tpu.wait_dma2 semaphore(%run_scoped3A : memref<!tpu.dma_semaphore, #tpu.memory_space<semaphore_mem>>) src(%arg10 : memref<80x128xf32, #tpu.memory_space<vmem>>) dst(%dma_wait3A_117 : memref<80x128xf32, #tpu.memory_space<hbm>>)
        tpu.yield
      }) : () -> ()
    } else {
    }
    return
  }
}

#map = affine_map<(d0, d1) -> (0, 0)>
module attributes {stable_mosaic.version = 14 : i64} {
  func.func @body(%arg0: i32, %arg1: i32, %arg2: memref<2560x125xi32, #tpu.memory_space<hbm>>, %arg3: memref<80x128xf32, #tpu.memory_space<hbm>>, %arg4: memref<125x128xf32, #tpu.memory_space<hbm>>, %arg5: memref<20000x128xf32, #tpu.memory_space<hbm>>, %arg6: memref<8x125xi32, #tpu.memory_space<vmem>>, %arg7: memref<125x128xf32, #tpu.memory_space<vmem>>, %arg8: memref<80x128xf32, #tpu.memory_space<vmem>>, %arg9: memref<10240x128xf32, #tpu.memory_space<vmem_shared>>, %arg10: memref<!tpu.dma_semaphore, #tpu.memory_space<semaphore_mem>>) attributes {dimension_semantics = [#tpu.dimension_semantics<core_parallel>, #tpu.dimension_semantics<subcore_parallel>], iteration_bounds = array<i64: 2, 16>, scalar_prefetch = 0 : i64, scratch_operands = 5 : i64, tpu.core_type = #tpu.core_type<sc_vector_subcore>, window_params = [{transform_indices = #map}, {transform_indices = #map}, {transform_indices = #map}, {transform_indices = #map}]} {
    %mul3A = arith.constant 16 : i32
    %mul3A_0 = arith.muli %arg0, %mul3A : i32
    %add3A = arith.addi %mul3A_0, %arg1 : i32
    "tpu.region"() ({
      %run_scoped3A = tpu.sem_alloc : memref<!tpu.dma_semaphore, #tpu.memory_space<semaphore_mem>>
      tpu.enqueue_dma source(%arg3 : memref<80x128xf32, #tpu.memory_space<hbm>>) target(%arg8 : memref<80x128xf32, #tpu.memory_space<vmem>>) target_semaphore(%run_scoped3A : memref<!tpu.dma_semaphore, #tpu.memory_space<semaphore_mem>>)
      tpu.wait_dma2 semaphore(%run_scoped3A : memref<!tpu.dma_semaphore, #tpu.memory_space<semaphore_mem>>) src(%arg3 : memref<80x128xf32, #tpu.memory_space<hbm>>) dst(%arg8 : memref<80x128xf32, #tpu.memory_space<vmem>>)
      tpu.yield
    }) : () -> ()
    %mul3A_1 = arith.constant 8 : i32
    %mul3A_2 = arith.muli %arg1, %mul3A_1 : i32
    %add3A_3 = arith.constant 0 : i32
    %add3A_4 = arith.addi %mul3A_2, %add3A_3 : i32
    %mul3A_5 = arith.constant 80 : i32
    %mul3A_6 = arith.muli %add3A_4, %mul3A_5 : i32
    "tpu.region"() ({
      %run_scoped3A = tpu.sem_alloc : memref<!tpu.dma_semaphore, #tpu.memory_space<semaphore_mem>>
      %dma_start3A = arith.constant 0 : i32
      %dma_start3A_107 = tpu.memref_slice %arg9[%mul3A_6, %dma_start3A] : memref<10240x128xf32, #tpu.memory_space<vmem_shared>> -> memref<80x128xf32, #tpu.memory_space<vmem_shared>>
      %dma_start3A_108 = arith.constant 0 : i32
      %dma_start3A_109 = tpu.memref_slice %arg9[%mul3A_6, %dma_start3A_108] : memref<10240x128xf32, #tpu.memory_space<vmem_shared>> -> memref<80x128xf32, #tpu.memory_space<vmem_shared>>
      tpu.enqueue_dma source(%arg8 : memref<80x128xf32, #tpu.memory_space<vmem>>) target(%dma_start3A_109 : memref<80x128xf32, #tpu.memory_space<vmem_shared>>) target_semaphore(%run_scoped3A : memref<!tpu.dma_semaphore, #tpu.memory_space<semaphore_mem>>)
      %dma_wait3A = arith.constant 0 : i32
      %dma_wait3A_110 = tpu.memref_slice %arg9[%mul3A_6, %dma_wait3A] : memref<10240x128xf32, #tpu.memory_space<vmem_shared>> -> memref<80x128xf32, #tpu.memory_space<vmem_shared>>
      %dma_wait3A_111 = arith.constant 0 : i32
      %dma_wait3A_112 = tpu.memref_slice %arg9[%mul3A_6, %dma_wait3A_111] : memref<10240x128xf32, #tpu.memory_space<vmem_shared>> -> memref<80x128xf32, #tpu.memory_space<vmem_shared>>
      tpu.wait_dma2 semaphore(%run_scoped3A : memref<!tpu.dma_semaphore, #tpu.memory_space<semaphore_mem>>) src(%arg8 : memref<80x128xf32, #tpu.memory_space<vmem>>) dst(%dma_wait3A_112 : memref<80x128xf32, #tpu.memory_space<vmem_shared>>)
      tpu.yield
    }) : () -> ()
    %mul3A_7 = arith.constant 8 : i32
    %mul3A_8 = arith.muli %arg1, %mul3A_7 : i32
    %add3A_9 = arith.constant 1 : i32
    %add3A_10 = arith.addi %mul3A_8, %add3A_9 : i32
    %mul3A_11 = arith.constant 80 : i32
    %mul3A_12 = arith.muli %add3A_10, %mul3A_11 : i32
    "tpu.region"() ({
      %run_scoped3A = tpu.sem_alloc : memref<!tpu.dma_semaphore, #tpu.memory_space<semaphore_mem>>
      %dma_start3A = arith.constant 0 : i32
      %dma_start3A_107 = tpu.memref_slice %arg9[%mul3A_12, %dma_start3A] : memref<10240x128xf32, #tpu.memory_space<vmem_shared>> -> memref<80x128xf32, #tpu.memory_space<vmem_shared>>
      %dma_start3A_108 = arith.constant 0 : i32
      %dma_start3A_109 = tpu.memref_slice %arg9[%mul3A_12, %dma_start3A_108] : memref<10240x128xf32, #tpu.memory_space<vmem_shared>> -> memref<80x128xf32, #tpu.memory_space<vmem_shared>>
      tpu.enqueue_dma source(%arg8 : memref<80x128xf32, #tpu.memory_space<vmem>>) target(%dma_start3A_109 : memref<80x128xf32, #tpu.memory_space<vmem_shared>>) target_semaphore(%run_scoped3A : memref<!tpu.dma_semaphore, #tpu.memory_space<semaphore_mem>>)
      %dma_wait3A = arith.constant 0 : i32
      %dma_wait3A_110 = tpu.memref_slice %arg9[%mul3A_12, %dma_wait3A] : memref<10240x128xf32, #tpu.memory_space<vmem_shared>> -> memref<80x128xf32, #tpu.memory_space<vmem_shared>>
      %dma_wait3A_111 = arith.constant 0 : i32
      %dma_wait3A_112 = tpu.memref_slice %arg9[%mul3A_12, %dma_wait3A_111] : memref<10240x128xf32, #tpu.memory_space<vmem_shared>> -> memref<80x128xf32, #tpu.memory_space<vmem_shared>>
      tpu.wait_dma2 semaphore(%run_scoped3A : memref<!tpu.dma_semaphore, #tpu.memory_space<semaphore_mem>>) src(%arg8 : memref<80x128xf32, #tpu.memory_space<vmem>>) dst(%dma_wait3A_112 : memref<80x128xf32, #tpu.memory_space<vmem_shared>>)
      tpu.yield
    }) : () -> ()
    %mul3A_13 = arith.constant 8 : i32
    %mul3A_14 = arith.muli %arg1, %mul3A_13 : i32
    %add3A_15 = arith.constant 2 : i32
    %add3A_16 = arith.addi %mul3A_14, %add3A_15 : i32
    %mul3A_17 = arith.constant 80 : i32
    %mul3A_18 = arith.muli %add3A_16, %mul3A_17 : i32
    "tpu.region"() ({
      %run_scoped3A = tpu.sem_alloc : memref<!tpu.dma_semaphore, #tpu.memory_space<semaphore_mem>>
      %dma_start3A = arith.constant 0 : i32
      %dma_start3A_107 = tpu.memref_slice %arg9[%mul3A_18, %dma_start3A] : memref<10240x128xf32, #tpu.memory_space<vmem_shared>> -> memref<80x128xf32, #tpu.memory_space<vmem_shared>>
      %dma_start3A_108 = arith.constant 0 : i32
      %dma_start3A_109 = tpu.memref_slice %arg9[%mul3A_18, %dma_start3A_108] : memref<10240x128xf32, #tpu.memory_space<vmem_shared>> -> memref<80x128xf32, #tpu.memory_space<vmem_shared>>
      tpu.enqueue_dma source(%arg8 : memref<80x128xf32, #tpu.memory_space<vmem>>) target(%dma_start3A_109 : memref<80x128xf32, #tpu.memory_space<vmem_shared>>) target_semaphore(%run_scoped3A : memref<!tpu.dma_semaphore, #tpu.memory_space<semaphore_mem>>)
      %dma_wait3A = arith.constant 0 : i32
      %dma_wait3A_110 = tpu.memref_slice %arg9[%mul3A_18, %dma_wait3A] : memref<10240x128xf32, #tpu.memory_space<vmem_shared>> -> memref<80x128xf32, #tpu.memory_space<vmem_shared>>
      %dma_wait3A_111 = arith.constant 0 : i32
      %dma_wait3A_112 = tpu.memref_slice %arg9[%mul3A_18, %dma_wait3A_111] : memref<10240x128xf32, #tpu.memory_space<vmem_shared>> -> memref<80x128xf32, #tpu.memory_space<vmem_shared>>
      tpu.wait_dma2 semaphore(%run_scoped3A : memref<!tpu.dma_semaphore, #tpu.memory_space<semaphore_mem>>) src(%arg8 : memref<80x128xf32, #tpu.memory_space<vmem>>) dst(%dma_wait3A_112 : memref<80x128xf32, #tpu.memory_space<vmem_shared>>)
      tpu.yield
    }) : () -> ()
    %mul3A_19 = arith.constant 8 : i32
    %mul3A_20 = arith.muli %arg1, %mul3A_19 : i32
    %add3A_21 = arith.constant 3 : i32
    %add3A_22 = arith.addi %mul3A_20, %add3A_21 : i32
    %mul3A_23 = arith.constant 80 : i32
    %mul3A_24 = arith.muli %add3A_22, %mul3A_23 : i32
    "tpu.region"() ({
      %run_scoped3A = tpu.sem_alloc : memref<!tpu.dma_semaphore, #tpu.memory_space<semaphore_mem>>
      %dma_start3A = arith.constant 0 : i32
      %dma_start3A_107 = tpu.memref_slice %arg9[%mul3A_24, %dma_start3A] : memref<10240x128xf32, #tpu.memory_space<vmem_shared>> -> memref<80x128xf32, #tpu.memory_space<vmem_shared>>
      %dma_start3A_108 = arith.constant 0 : i32
      %dma_start3A_109 = tpu.memref_slice %arg9[%mul3A_24, %dma_start3A_108] : memref<10240x128xf32, #tpu.memory_space<vmem_shared>> -> memref<80x128xf32, #tpu.memory_space<vmem_shared>>
      tpu.enqueue_dma source(%arg8 : memref<80x128xf32, #tpu.memory_space<vmem>>) target(%dma_start3A_109 : memref<80x128xf32, #tpu.memory_space<vmem_shared>>) target_semaphore(%run_scoped3A : memref<!tpu.dma_semaphore, #tpu.memory_space<semaphore_mem>>)
      %dma_wait3A = arith.constant 0 : i32
      %dma_wait3A_110 = tpu.memref_slice %arg9[%mul3A_24, %dma_wait3A] : memref<10240x128xf32, #tpu.memory_space<vmem_shared>> -> memref<80x128xf32, #tpu.memory_space<vmem_shared>>
      %dma_wait3A_111 = arith.constant 0 : i32
      %dma_wait3A_112 = tpu.memref_slice %arg9[%mul3A_24, %dma_wait3A_111] : memref<10240x128xf32, #tpu.memory_space<vmem_shared>> -> memref<80x128xf32, #tpu.memory_space<vmem_shared>>
      tpu.wait_dma2 semaphore(%run_scoped3A : memref<!tpu.dma_semaphore, #tpu.memory_space<semaphore_mem>>) src(%arg8 : memref<80x128xf32, #tpu.memory_space<vmem>>) dst(%dma_wait3A_112 : memref<80x128xf32, #tpu.memory_space<vmem_shared>>)
      tpu.yield
    }) : () -> ()
    %mul3A_25 = arith.constant 8 : i32
    %mul3A_26 = arith.muli %arg1, %mul3A_25 : i32
    %add3A_27 = arith.constant 4 : i32
    %add3A_28 = arith.addi %mul3A_26, %add3A_27 : i32
    %mul3A_29 = arith.constant 80 : i32
    %mul3A_30 = arith.muli %add3A_28, %mul3A_29 : i32
    "tpu.region"() ({
      %run_scoped3A = tpu.sem_alloc : memref<!tpu.dma_semaphore, #tpu.memory_space<semaphore_mem>>
      %dma_start3A = arith.constant 0 : i32
      %dma_start3A_107 = tpu.memref_slice %arg9[%mul3A_30, %dma_start3A] : memref<10240x128xf32, #tpu.memory_space<vmem_shared>> -> memref<80x128xf32, #tpu.memory_space<vmem_shared>>
      %dma_start3A_108 = arith.constant 0 : i32
      %dma_start3A_109 = tpu.memref_slice %arg9[%mul3A_30, %dma_start3A_108] : memref<10240x128xf32, #tpu.memory_space<vmem_shared>> -> memref<80x128xf32, #tpu.memory_space<vmem_shared>>
      tpu.enqueue_dma source(%arg8 : memref<80x128xf32, #tpu.memory_space<vmem>>) target(%dma_start3A_109 : memref<80x128xf32, #tpu.memory_space<vmem_shared>>) target_semaphore(%run_scoped3A : memref<!tpu.dma_semaphore, #tpu.memory_space<semaphore_mem>>)
      %dma_wait3A = arith.constant 0 : i32
      %dma_wait3A_110 = tpu.memref_slice %arg9[%mul3A_30, %dma_wait3A] : memref<10240x128xf32, #tpu.memory_space<vmem_shared>> -> memref<80x128xf32, #tpu.memory_space<vmem_shared>>
      %dma_wait3A_111 = arith.constant 0 : i32
      %dma_wait3A_112 = tpu.memref_slice %arg9[%mul3A_30, %dma_wait3A_111] : memref<10240x128xf32, #tpu.memory_space<vmem_shared>> -> memref<80x128xf32, #tpu.memory_space<vmem_shared>>
      tpu.wait_dma2 semaphore(%run_scoped3A : memref<!tpu.dma_semaphore, #tpu.memory_space<semaphore_mem>>) src(%arg8 : memref<80x128xf32, #tpu.memory_space<vmem>>) dst(%dma_wait3A_112 : memref<80x128xf32, #tpu.memory_space<vmem_shared>>)
      tpu.yield
    }) : () -> ()
    %mul3A_31 = arith.constant 8 : i32
    %mul3A_32 = arith.muli %arg1, %mul3A_31 : i32
    %add3A_33 = arith.constant 5 : i32
    %add3A_34 = arith.addi %mul3A_32, %add3A_33 : i32
    %mul3A_35 = arith.constant 80 : i32
    %mul3A_36 = arith.muli %add3A_34, %mul3A_35 : i32
    "tpu.region"() ({
      %run_scoped3A = tpu.sem_alloc : memref<!tpu.dma_semaphore, #tpu.memory_space<semaphore_mem>>
      %dma_start3A = arith.constant 0 : i32
      %dma_start3A_107 = tpu.memref_slice %arg9[%mul3A_36, %dma_start3A] : memref<10240x128xf32, #tpu.memory_space<vmem_shared>> -> memref<80x128xf32, #tpu.memory_space<vmem_shared>>
      %dma_start3A_108 = arith.constant 0 : i32
      %dma_start3A_109 = tpu.memref_slice %arg9[%mul3A_36, %dma_start3A_108] : memref<10240x128xf32, #tpu.memory_space<vmem_shared>> -> memref<80x128xf32, #tpu.memory_space<vmem_shared>>
      tpu.enqueue_dma source(%arg8 : memref<80x128xf32, #tpu.memory_space<vmem>>) target(%dma_start3A_109 : memref<80x128xf32, #tpu.memory_space<vmem_shared>>) target_semaphore(%run_scoped3A : memref<!tpu.dma_semaphore, #tpu.memory_space<semaphore_mem>>)
      %dma_wait3A = arith.constant 0 : i32
      %dma_wait3A_110 = tpu.memref_slice %arg9[%mul3A_36, %dma_wait3A] : memref<10240x128xf32, #tpu.memory_space<vmem_shared>> -> memref<80x128xf32, #tpu.memory_space<vmem_shared>>
      %dma_wait3A_111 = arith.constant 0 : i32
      %dma_wait3A_112 = tpu.memref_slice %arg9[%mul3A_36, %dma_wait3A_111] : memref<10240x128xf32, #tpu.memory_space<vmem_shared>> -> memref<80x128xf32, #tpu.memory_space<vmem_shared>>
      tpu.wait_dma2 semaphore(%run_scoped3A : memref<!tpu.dma_semaphore, #tpu.memory_space<semaphore_mem>>) src(%arg8 : memref<80x128xf32, #tpu.memory_space<vmem>>) dst(%dma_wait3A_112 : memref<80x128xf32, #tpu.memory_space<vmem_shared>>)
      tpu.yield
    }) : () -> ()
    %mul3A_37 = arith.constant 8 : i32
    %mul3A_38 = arith.muli %arg1, %mul3A_37 : i32
    %add3A_39 = arith.constant 6 : i32
    %add3A_40 = arith.addi %mul3A_38, %add3A_39 : i32
    %mul3A_41 = arith.constant 80 : i32
    %mul3A_42 = arith.muli %add3A_40, %mul3A_41 : i32
    "tpu.region"() ({
      %run_scoped3A = tpu.sem_alloc : memref<!tpu.dma_semaphore, #tpu.memory_space<semaphore_mem>>
      %dma_start3A = arith.constant 0 : i32
      %dma_start3A_107 = tpu.memref_slice %arg9[%mul3A_42, %dma_start3A] : memref<10240x128xf32, #tpu.memory_space<vmem_shared>> -> memref<80x128xf32, #tpu.memory_space<vmem_shared>>
      %dma_start3A_108 = arith.constant 0 : i32
      %dma_start3A_109 = tpu.memref_slice %arg9[%mul3A_42, %dma_start3A_108] : memref<10240x128xf32, #tpu.memory_space<vmem_shared>> -> memref<80x128xf32, #tpu.memory_space<vmem_shared>>
      tpu.enqueue_dma source(%arg8 : memref<80x128xf32, #tpu.memory_space<vmem>>) target(%dma_start3A_109 : memref<80x128xf32, #tpu.memory_space<vmem_shared>>) target_semaphore(%run_scoped3A : memref<!tpu.dma_semaphore, #tpu.memory_space<semaphore_mem>>)
      %dma_wait3A = arith.constant 0 : i32
      %dma_wait3A_110 = tpu.memref_slice %arg9[%mul3A_42, %dma_wait3A] : memref<10240x128xf32, #tpu.memory_space<vmem_shared>> -> memref<80x128xf32, #tpu.memory_space<vmem_shared>>
      %dma_wait3A_111 = arith.constant 0 : i32
      %dma_wait3A_112 = tpu.memref_slice %arg9[%mul3A_42, %dma_wait3A_111] : memref<10240x128xf32, #tpu.memory_space<vmem_shared>> -> memref<80x128xf32, #tpu.memory_space<vmem_shared>>
      tpu.wait_dma2 semaphore(%run_scoped3A : memref<!tpu.dma_semaphore, #tpu.memory_space<semaphore_mem>>) src(%arg8 : memref<80x128xf32, #tpu.memory_space<vmem>>) dst(%dma_wait3A_112 : memref<80x128xf32, #tpu.memory_space<vmem_shared>>)
      tpu.yield
    }) : () -> ()
    %mul3A_43 = arith.constant 8 : i32
    %mul3A_44 = arith.muli %arg1, %mul3A_43 : i32
    %add3A_45 = arith.constant 7 : i32
    %add3A_46 = arith.addi %mul3A_44, %add3A_45 : i32
    %mul3A_47 = arith.constant 80 : i32
    %mul3A_48 = arith.muli %add3A_46, %mul3A_47 : i32
    "tpu.region"() ({
      %run_scoped3A = tpu.sem_alloc : memref<!tpu.dma_semaphore, #tpu.memory_space<semaphore_mem>>
      %dma_start3A = arith.constant 0 : i32
      %dma_start3A_107 = tpu.memref_slice %arg9[%mul3A_48, %dma_start3A] : memref<10240x128xf32, #tpu.memory_space<vmem_shared>> -> memref<80x128xf32, #tpu.memory_space<vmem_shared>>
      %dma_start3A_108 = arith.constant 0 : i32
      %dma_start3A_109 = tpu.memref_slice %arg9[%mul3A_48, %dma_start3A_108] : memref<10240x128xf32, #tpu.memory_space<vmem_shared>> -> memref<80x128xf32, #tpu.memory_space<vmem_shared>>
      tpu.enqueue_dma source(%arg8 : memref<80x128xf32, #tpu.memory_space<vmem>>) target(%dma_start3A_109 : memref<80x128xf32, #tpu.memory_space<vmem_shared>>) target_semaphore(%run_scoped3A : memref<!tpu.dma_semaphore, #tpu.memory_space<semaphore_mem>>)
      %dma_wait3A = arith.constant 0 : i32
      %dma_wait3A_110 = tpu.memref_slice %arg9[%mul3A_48, %dma_wait3A] : memref<10240x128xf32, #tpu.memory_space<vmem_shared>> -> memref<80x128xf32, #tpu.memory_space<vmem_shared>>
      %dma_wait3A_111 = arith.constant 0 : i32
      %dma_wait3A_112 = tpu.memref_slice %arg9[%mul3A_48, %dma_wait3A_111] : memref<10240x128xf32, #tpu.memory_space<vmem_shared>> -> memref<80x128xf32, #tpu.memory_space<vmem_shared>>
      tpu.wait_dma2 semaphore(%run_scoped3A : memref<!tpu.dma_semaphore, #tpu.memory_space<semaphore_mem>>) src(%arg8 : memref<80x128xf32, #tpu.memory_space<vmem>>) dst(%dma_wait3A_112 : memref<80x128xf32, #tpu.memory_space<vmem_shared>>)
      tpu.yield
    }) : () -> ()
    "tpu.region"() ({
      %run_scoped3A = tpu.sem_alloc : memref<!tpu.dma_semaphore, #tpu.memory_space<semaphore_mem>>
      tpu.enqueue_dma source(%arg4 : memref<125x128xf32, #tpu.memory_space<hbm>>) target(%arg7 : memref<125x128xf32, #tpu.memory_space<vmem>>) target_semaphore(%run_scoped3A : memref<!tpu.dma_semaphore, #tpu.memory_space<semaphore_mem>>)
      tpu.wait_dma2 semaphore(%run_scoped3A : memref<!tpu.dma_semaphore, #tpu.memory_space<semaphore_mem>>) src(%arg4 : memref<125x128xf32, #tpu.memory_space<hbm>>) dst(%arg7 : memref<125x128xf32, #tpu.memory_space<vmem>>)
      tpu.yield
    }) : () -> ()
    %barrier3A = arith.constant 0 : index
    tpu.barrier barrier_id(%barrier3A)
    %scan3A = arith.constant 0 : i32
    %scan3A_49 = arith.constant 10 : i32
    %scan3A_50 = arith.addi %scan3A, %scan3A_49 : i32
    %scan3A_51 = arith.constant 1 : i32
    scf.for %scan3A_107 = %scan3A to %scan3A_50 step %scan3A_51  : i32 {
      %mul3A_108 = arith.constant 1 : i32
      %mul3A_109 = arith.muli %scan3A_107, %mul3A_108 : i32
      %add3A_110 = arith.constant 0 : i32
      %add3A_111 = arith.addi %add3A_110, %mul3A_109 : i32
      %mul3A_112 = arith.constant 80 : i32
      %mul3A_113 = arith.muli %add3A, %mul3A_112 : i32
      %mul3A_114 = arith.constant 8 : i32
      %mul3A_115 = arith.muli %add3A_111, %mul3A_114 : i32
      %add3A_116 = arith.addi %mul3A_113, %mul3A_115 : i32
      "tpu.region"() ({
        %run_scoped3A = tpu.sem_alloc : memref<!tpu.dma_semaphore, #tpu.memory_space<semaphore_mem>>
        %dma_start3A_227 = arith.constant 0 : i32
        %dma_start3A_228 = tpu.memref_slice %arg2[%add3A_116, %dma_start3A_227] : memref<2560x125xi32, #tpu.memory_space<hbm>> -> memref<8x125xi32, #tpu.memory_space<hbm>>
        %dma_start3A_229 = arith.constant 0 : i32
        %dma_start3A_230 = tpu.memref_slice %arg2[%add3A_116, %dma_start3A_229] : memref<2560x125xi32, #tpu.memory_space<hbm>> -> memref<8x125xi32, #tpu.memory_space<hbm>>
        tpu.enqueue_dma source(%dma_start3A_230 : memref<8x125xi32, #tpu.memory_space<hbm>>) target(%arg6 : memref<8x125xi32, #tpu.memory_space<vmem>>) target_semaphore(%run_scoped3A : memref<!tpu.dma_semaphore, #tpu.memory_space<semaphore_mem>>)
        %dma_wait3A_231 = arith.constant 0 : i32
        %dma_wait3A_232 = tpu.memref_slice %arg2[%add3A_116, %dma_wait3A_231] : memref<2560x125xi32, #tpu.memory_space<hbm>> -> memref<8x125xi32, #tpu.memory_space<hbm>>
        %dma_wait3A_233 = arith.constant 0 : i32
        %dma_wait3A_234 = tpu.memref_slice %arg2[%add3A_116, %dma_wait3A_233] : memref<2560x125xi32, #tpu.memory_space<hbm>> -> memref<8x125xi32, #tpu.memory_space<hbm>>
        tpu.wait_dma2 semaphore(%run_scoped3A : memref<!tpu.dma_semaphore, #tpu.memory_space<semaphore_mem>>) src(%dma_wait3A_234 : memref<8x125xi32, #tpu.memory_space<hbm>>) dst(%arg6 : memref<8x125xi32, #tpu.memory_space<vmem>>)
        tpu.yield
      }) : () -> ()
      %dma_start3A = arith.constant 0 : i32
      %dma_start3A_117 = arith.constant 0 : i32
      %dma_start3A_118 = tpu.memref_slice %arg6[%dma_start3A, %dma_start3A_117] : memref<8x125xi32, #tpu.memory_space<vmem>> -> memref<1x125xi32, #tpu.memory_space<vmem>>
      %dma_start3A_119 = tpu.memref_squeeze %dma_start3A_118 : memref<1x125xi32, #tpu.memory_space<vmem>> -> memref<125xi32, #tpu.memory_space<vmem>>
      %dma_start3A_120 = arith.constant 0 : i32
      %dma_start3A_121 = arith.constant 0 : i32
      %dma_start3A_122 = tpu.memref_slice %arg9[%dma_start3A_120, %dma_start3A_121] : memref<10240x128xf32, #tpu.memory_space<vmem_shared>> -> memref<10240x128xf32, #tpu.memory_space<vmem_shared>>
      tpu.enqueue_indirect_dma source(%arg7 : memref<125x128xf32, #tpu.memory_space<vmem>>) target(%dma_start3A_122 : memref<10240x128xf32, #tpu.memory_space<vmem_shared>>) offsets(%dma_start3A_119 : memref<125xi32, #tpu.memory_space<vmem>>) semaphore(%arg10 : memref<!tpu.dma_semaphore, #tpu.memory_space<semaphore_mem>>) {add = true}
      %dma_start3A_123 = arith.constant 1 : i32
      %dma_start3A_124 = arith.constant 0 : i32
      %dma_start3A_125 = tpu.memref_slice %arg6[%dma_start3A_123, %dma_start3A_124] : memref<8x125xi32, #tpu.memory_space<vmem>> -> memref<1x125xi32, #tpu.memory_space<vmem>>
      %dma_start3A_126 = tpu.memref_squeeze %dma_start3A_125 : memref<1x125xi32, #tpu.memory_space<vmem>> -> memref<125xi32, #tpu.memory_space<vmem>>
      %dma_start3A_127 = arith.constant 0 : i32
      %dma_start3A_128 = arith.constant 0 : i32
      %dma_start3A_129 = tpu.memref_slice %arg9[%dma_start3A_127, %dma_start3A_128] : memref<10240x128xf32, #tpu.memory_space<vmem_shared>> -> memref<10240x128xf32, #tpu.memory_space<vmem_shared>>
      tpu.enqueue_indirect_dma source(%arg7 : memref<125x128xf32, #tpu.memory_space<vmem>>) target(%dma_start3A_129 : memref<10240x128xf32, #tpu.memory_space<vmem_shared>>) offsets(%dma_start3A_126 : memref<125xi32, #tpu.memory_space<vmem>>) semaphore(%arg10 : memref<!tpu.dma_semaphore, #tpu.memory_space<semaphore_mem>>) {add = true}
      %dma_start3A_130 = arith.constant 2 : i32
      %dma_start3A_131 = arith.constant 0 : i32
      %dma_start3A_132 = tpu.memref_slice %arg6[%dma_start3A_130, %dma_start3A_131] : memref<8x125xi32, #tpu.memory_space<vmem>> -> memref<1x125xi32, #tpu.memory_space<vmem>>
      %dma_start3A_133 = tpu.memref_squeeze %dma_start3A_132 : memref<1x125xi32, #tpu.memory_space<vmem>> -> memref<125xi32, #tpu.memory_space<vmem>>
      %dma_start3A_134 = arith.constant 0 : i32
      %dma_start3A_135 = arith.constant 0 : i32
      %dma_start3A_136 = tpu.memref_slice %arg9[%dma_start3A_134, %dma_start3A_135] : memref<10240x128xf32, #tpu.memory_space<vmem_shared>> -> memref<10240x128xf32, #tpu.memory_space<vmem_shared>>
      tpu.enqueue_indirect_dma source(%arg7 : memref<125x128xf32, #tpu.memory_space<vmem>>) target(%dma_start3A_136 : memref<10240x128xf32, #tpu.memory_space<vmem_shared>>) offsets(%dma_start3A_133 : memref<125xi32, #tpu.memory_space<vmem>>) semaphore(%arg10 : memref<!tpu.dma_semaphore, #tpu.memory_space<semaphore_mem>>) {add = true}
      %dma_start3A_137 = arith.constant 3 : i32
      %dma_start3A_138 = arith.constant 0 : i32
      %dma_start3A_139 = tpu.memref_slice %arg6[%dma_start3A_137, %dma_start3A_138] : memref<8x125xi32, #tpu.memory_space<vmem>> -> memref<1x125xi32, #tpu.memory_space<vmem>>
      %dma_start3A_140 = tpu.memref_squeeze %dma_start3A_139 : memref<1x125xi32, #tpu.memory_space<vmem>> -> memref<125xi32, #tpu.memory_space<vmem>>
      %dma_start3A_141 = arith.constant 0 : i32
      %dma_start3A_142 = arith.constant 0 : i32
      %dma_start3A_143 = tpu.memref_slice %arg9[%dma_start3A_141, %dma_start3A_142] : memref<10240x128xf32, #tpu.memory_space<vmem_shared>> -> memref<10240x128xf32, #tpu.memory_space<vmem_shared>>
      tpu.enqueue_indirect_dma source(%arg7 : memref<125x128xf32, #tpu.memory_space<vmem>>) target(%dma_start3A_143 : memref<10240x128xf32, #tpu.memory_space<vmem_shared>>) offsets(%dma_start3A_140 : memref<125xi32, #tpu.memory_space<vmem>>) semaphore(%arg10 : memref<!tpu.dma_semaphore, #tpu.memory_space<semaphore_mem>>) {add = true}
      %dma_start3A_144 = arith.constant 4 : i32
      %dma_start3A_145 = arith.constant 0 : i32
      %dma_start3A_146 = tpu.memref_slice %arg6[%dma_start3A_144, %dma_start3A_145] : memref<8x125xi32, #tpu.memory_space<vmem>> -> memref<1x125xi32, #tpu.memory_space<vmem>>
      %dma_start3A_147 = tpu.memref_squeeze %dma_start3A_146 : memref<1x125xi32, #tpu.memory_space<vmem>> -> memref<125xi32, #tpu.memory_space<vmem>>
      %dma_start3A_148 = arith.constant 0 : i32
      %dma_start3A_149 = arith.constant 0 : i32
      %dma_start3A_150 = tpu.memref_slice %arg9[%dma_start3A_148, %dma_start3A_149] : memref<10240x128xf32, #tpu.memory_space<vmem_shared>> -> memref<10240x128xf32, #tpu.memory_space<vmem_shared>>
      tpu.enqueue_indirect_dma source(%arg7 : memref<125x128xf32, #tpu.memory_space<vmem>>) target(%dma_start3A_150 : memref<10240x128xf32, #tpu.memory_space<vmem_shared>>) offsets(%dma_start3A_147 : memref<125xi32, #tpu.memory_space<vmem>>) semaphore(%arg10 : memref<!tpu.dma_semaphore, #tpu.memory_space<semaphore_mem>>) {add = true}
      %dma_start3A_151 = arith.constant 5 : i32
      %dma_start3A_152 = arith.constant 0 : i32
      %dma_start3A_153 = tpu.memref_slice %arg6[%dma_start3A_151, %dma_start3A_152] : memref<8x125xi32, #tpu.memory_space<vmem>> -> memref<1x125xi32, #tpu.memory_space<vmem>>
      %dma_start3A_154 = tpu.memref_squeeze %dma_start3A_153 : memref<1x125xi32, #tpu.memory_space<vmem>> -> memref<125xi32, #tpu.memory_space<vmem>>
      %dma_start3A_155 = arith.constant 0 : i32
      %dma_start3A_156 = arith.constant 0 : i32
      %dma_start3A_157 = tpu.memref_slice %arg9[%dma_start3A_155, %dma_start3A_156] : memref<10240x128xf32, #tpu.memory_space<vmem_shared>> -> memref<10240x128xf32, #tpu.memory_space<vmem_shared>>
      tpu.enqueue_indirect_dma source(%arg7 : memref<125x128xf32, #tpu.memory_space<vmem>>) target(%dma_start3A_157 : memref<10240x128xf32, #tpu.memory_space<vmem_shared>>) offsets(%dma_start3A_154 : memref<125xi32, #tpu.memory_space<vmem>>) semaphore(%arg10 : memref<!tpu.dma_semaphore, #tpu.memory_space<semaphore_mem>>) {add = true}
      %dma_start3A_158 = arith.constant 6 : i32
      %dma_start3A_159 = arith.constant 0 : i32
      %dma_start3A_160 = tpu.memref_slice %arg6[%dma_start3A_158, %dma_start3A_159] : memref<8x125xi32, #tpu.memory_space<vmem>> -> memref<1x125xi32, #tpu.memory_space<vmem>>
      %dma_start3A_161 = tpu.memref_squeeze %dma_start3A_160 : memref<1x125xi32, #tpu.memory_space<vmem>> -> memref<125xi32, #tpu.memory_space<vmem>>
      %dma_start3A_162 = arith.constant 0 : i32
      %dma_start3A_163 = arith.constant 0 : i32
      %dma_start3A_164 = tpu.memref_slice %arg9[%dma_start3A_162, %dma_start3A_163] : memref<10240x128xf32, #tpu.memory_space<vmem_shared>> -> memref<10240x128xf32, #tpu.memory_space<vmem_shared>>
      tpu.enqueue_indirect_dma source(%arg7 : memref<125x128xf32, #tpu.memory_space<vmem>>) target(%dma_start3A_164 : memref<10240x128xf32, #tpu.memory_space<vmem_shared>>) offsets(%dma_start3A_161 : memref<125xi32, #tpu.memory_space<vmem>>) semaphore(%arg10 : memref<!tpu.dma_semaphore, #tpu.memory_space<semaphore_mem>>) {add = true}
      %dma_start3A_165 = arith.constant 7 : i32
      %dma_start3A_166 = arith.constant 0 : i32
      %dma_start3A_167 = tpu.memref_slice %arg6[%dma_start3A_165, %dma_start3A_166] : memref<8x125xi32, #tpu.memory_space<vmem>> -> memref<1x125xi32, #tpu.memory_space<vmem>>
      %dma_start3A_168 = tpu.memref_squeeze %dma_start3A_167 : memref<1x125xi32, #tpu.memory_space<vmem>> -> memref<125xi32, #tpu.memory_space<vmem>>
      %dma_start3A_169 = arith.constant 0 : i32
      %dma_start3A_170 = arith.constant 0 : i32
      %dma_start3A_171 = tpu.memref_slice %arg9[%dma_start3A_169, %dma_start3A_170] : memref<10240x128xf32, #tpu.memory_space<vmem_shared>> -> memref<10240x128xf32, #tpu.memory_space<vmem_shared>>
      tpu.enqueue_indirect_dma source(%arg7 : memref<125x128xf32, #tpu.memory_space<vmem>>) target(%dma_start3A_171 : memref<10240x128xf32, #tpu.memory_space<vmem_shared>>) offsets(%dma_start3A_168 : memref<125xi32, #tpu.memory_space<vmem>>) semaphore(%arg10 : memref<!tpu.dma_semaphore, #tpu.memory_space<semaphore_mem>>) {add = true}
      %dma_wait3A = arith.constant 0 : i32
      %dma_wait3A_172 = arith.constant 0 : i32
      %dma_wait3A_173 = tpu.memref_slice %arg6[%dma_wait3A, %dma_wait3A_172] : memref<8x125xi32, #tpu.memory_space<vmem>> -> memref<1x125xi32, #tpu.memory_space<vmem>>
      %dma_wait3A_174 = tpu.memref_squeeze %dma_wait3A_173 : memref<1x125xi32, #tpu.memory_space<vmem>> -> memref<125xi32, #tpu.memory_space<vmem>>
      %dma_wait3A_175 = arith.constant 0 : i32
      %dma_wait3A_176 = arith.constant 0 : i32
      %dma_wait3A_177 = tpu.memref_slice %arg9[%dma_wait3A_175, %dma_wait3A_176] : memref<10240x128xf32, #tpu.memory_space<vmem_shared>> -> memref<10240x128xf32, #tpu.memory_space<vmem_shared>>
      tpu.wait_indirect_dma semaphore(%arg10 : memref<!tpu.dma_semaphore, #tpu.memory_space<semaphore_mem>>) src(%arg7 : memref<125x128xf32, #tpu.memory_space<vmem>>) dst(%dma_wait3A_177 : memref<10240x128xf32, #tpu.memory_space<vmem_shared>>)
      %dma_wait3A_178 = arith.constant 1 : i32
      %dma_wait3A_179 = arith.constant 0 : i32
      %dma_wait3A_180 = tpu.memref_slice %arg6[%dma_wait3A_178, %dma_wait3A_179] : memref<8x125xi32, #tpu.memory_space<vmem>> -> memref<1x125xi32, #tpu.memory_space<vmem>>
      %dma_wait3A_181 = tpu.memref_squeeze %dma_wait3A_180 : memref<1x125xi32, #tpu.memory_space<vmem>> -> memref<125xi32, #tpu.memory_space<vmem>>
      %dma_wait3A_182 = arith.constant 0 : i32
      %dma_wait3A_183 = arith.constant 0 : i32
      %dma_wait3A_184 = tpu.memref_slice %arg9[%dma_wait3A_182, %dma_wait3A_183] : memref<10240x128xf32, #tpu.memory_space<vmem_shared>> -> memref<10240x128xf32, #tpu.memory_space<vmem_shared>>
      tpu.wait_indirect_dma semaphore(%arg10 : memref<!tpu.dma_semaphore, #tpu.memory_space<semaphore_mem>>) src(%arg7 : memref<125x128xf32, #tpu.memory_space<vmem>>) dst(%dma_wait3A_184 : memref<10240x128xf32, #tpu.memory_space<vmem_shared>>)
      %dma_wait3A_185 = arith.constant 2 : i32
      %dma_wait3A_186 = arith.constant 0 : i32
      %dma_wait3A_187 = tpu.memref_slice %arg6[%dma_wait3A_185, %dma_wait3A_186] : memref<8x125xi32, #tpu.memory_space<vmem>> -> memref<1x125xi32, #tpu.memory_space<vmem>>
      %dma_wait3A_188 = tpu.memref_squeeze %dma_wait3A_187 : memref<1x125xi32, #tpu.memory_space<vmem>> -> memref<125xi32, #tpu.memory_space<vmem>>
      %dma_wait3A_189 = arith.constant 0 : i32
      %dma_wait3A_190 = arith.constant 0 : i32
      %dma_wait3A_191 = tpu.memref_slice %arg9[%dma_wait3A_189, %dma_wait3A_190] : memref<10240x128xf32, #tpu.memory_space<vmem_shared>> -> memref<10240x128xf32, #tpu.memory_space<vmem_shared>>
      tpu.wait_indirect_dma semaphore(%arg10 : memref<!tpu.dma_semaphore, #tpu.memory_space<semaphore_mem>>) src(%arg7 : memref<125x128xf32, #tpu.memory_space<vmem>>) dst(%dma_wait3A_191 : memref<10240x128xf32, #tpu.memory_space<vmem_shared>>)
      %dma_wait3A_192 = arith.constant 3 : i32
      %dma_wait3A_193 = arith.constant 0 : i32
      %dma_wait3A_194 = tpu.memref_slice %arg6[%dma_wait3A_192, %dma_wait3A_193] : memref<8x125xi32, #tpu.memory_space<vmem>> -> memref<1x125xi32, #tpu.memory_space<vmem>>
      %dma_wait3A_195 = tpu.memref_squeeze %dma_wait3A_194 : memref<1x125xi32, #tpu.memory_space<vmem>> -> memref<125xi32, #tpu.memory_space<vmem>>
      %dma_wait3A_196 = arith.constant 0 : i32
      %dma_wait3A_197 = arith.constant 0 : i32
      %dma_wait3A_198 = tpu.memref_slice %arg9[%dma_wait3A_196, %dma_wait3A_197] : memref<10240x128xf32, #tpu.memory_space<vmem_shared>> -> memref<10240x128xf32, #tpu.memory_space<vmem_shared>>
      tpu.wait_indirect_dma semaphore(%arg10 : memref<!tpu.dma_semaphore, #tpu.memory_space<semaphore_mem>>) src(%arg7 : memref<125x128xf32, #tpu.memory_space<vmem>>) dst(%dma_wait3A_198 : memref<10240x128xf32, #tpu.memory_space<vmem_shared>>)
      %dma_wait3A_199 = arith.constant 4 : i32
      %dma_wait3A_200 = arith.constant 0 : i32
      %dma_wait3A_201 = tpu.memref_slice %arg6[%dma_wait3A_199, %dma_wait3A_200] : memref<8x125xi32, #tpu.memory_space<vmem>> -> memref<1x125xi32, #tpu.memory_space<vmem>>
      %dma_wait3A_202 = tpu.memref_squeeze %dma_wait3A_201 : memref<1x125xi32, #tpu.memory_space<vmem>> -> memref<125xi32, #tpu.memory_space<vmem>>
      %dma_wait3A_203 = arith.constant 0 : i32
      %dma_wait3A_204 = arith.constant 0 : i32
      %dma_wait3A_205 = tpu.memref_slice %arg9[%dma_wait3A_203, %dma_wait3A_204] : memref<10240x128xf32, #tpu.memory_space<vmem_shared>> -> memref<10240x128xf32, #tpu.memory_space<vmem_shared>>
      tpu.wait_indirect_dma semaphore(%arg10 : memref<!tpu.dma_semaphore, #tpu.memory_space<semaphore_mem>>) src(%arg7 : memref<125x128xf32, #tpu.memory_space<vmem>>) dst(%dma_wait3A_205 : memref<10240x128xf32, #tpu.memory_space<vmem_shared>>)
      %dma_wait3A_206 = arith.constant 5 : i32
      %dma_wait3A_207 = arith.constant 0 : i32
      %dma_wait3A_208 = tpu.memref_slice %arg6[%dma_wait3A_206, %dma_wait3A_207] : memref<8x125xi32, #tpu.memory_space<vmem>> -> memref<1x125xi32, #tpu.memory_space<vmem>>
      %dma_wait3A_209 = tpu.memref_squeeze %dma_wait3A_208 : memref<1x125xi32, #tpu.memory_space<vmem>> -> memref<125xi32, #tpu.memory_space<vmem>>
      %dma_wait3A_210 = arith.constant 0 : i32
      %dma_wait3A_211 = arith.constant 0 : i32
      %dma_wait3A_212 = tpu.memref_slice %arg9[%dma_wait3A_210, %dma_wait3A_211] : memref<10240x128xf32, #tpu.memory_space<vmem_shared>> -> memref<10240x128xf32, #tpu.memory_space<vmem_shared>>
      tpu.wait_indirect_dma semaphore(%arg10 : memref<!tpu.dma_semaphore, #tpu.memory_space<semaphore_mem>>) src(%arg7 : memref<125x128xf32, #tpu.memory_space<vmem>>) dst(%dma_wait3A_212 : memref<10240x128xf32, #tpu.memory_space<vmem_shared>>)
      %dma_wait3A_213 = arith.constant 6 : i32
      %dma_wait3A_214 = arith.constant 0 : i32
      %dma_wait3A_215 = tpu.memref_slice %arg6[%dma_wait3A_213, %dma_wait3A_214] : memref<8x125xi32, #tpu.memory_space<vmem>> -> memref<1x125xi32, #tpu.memory_space<vmem>>
      %dma_wait3A_216 = tpu.memref_squeeze %dma_wait3A_215 : memref<1x125xi32, #tpu.memory_space<vmem>> -> memref<125xi32, #tpu.memory_space<vmem>>
      %dma_wait3A_217 = arith.constant 0 : i32
      %dma_wait3A_218 = arith.constant 0 : i32
      %dma_wait3A_219 = tpu.memref_slice %arg9[%dma_wait3A_217, %dma_wait3A_218] : memref<10240x128xf32, #tpu.memory_space<vmem_shared>> -> memref<10240x128xf32, #tpu.memory_space<vmem_shared>>
      tpu.wait_indirect_dma semaphore(%arg10 : memref<!tpu.dma_semaphore, #tpu.memory_space<semaphore_mem>>) src(%arg7 : memref<125x128xf32, #tpu.memory_space<vmem>>) dst(%dma_wait3A_219 : memref<10240x128xf32, #tpu.memory_space<vmem_shared>>)
      %dma_wait3A_220 = arith.constant 7 : i32
      %dma_wait3A_221 = arith.constant 0 : i32
      %dma_wait3A_222 = tpu.memref_slice %arg6[%dma_wait3A_220, %dma_wait3A_221] : memref<8x125xi32, #tpu.memory_space<vmem>> -> memref<1x125xi32, #tpu.memory_space<vmem>>
      %dma_wait3A_223 = tpu.memref_squeeze %dma_wait3A_222 : memref<1x125xi32, #tpu.memory_space<vmem>> -> memref<125xi32, #tpu.memory_space<vmem>>
      %dma_wait3A_224 = arith.constant 0 : i32
      %dma_wait3A_225 = arith.constant 0 : i32
      %dma_wait3A_226 = tpu.memref_slice %arg9[%dma_wait3A_224, %dma_wait3A_225] : memref<10240x128xf32, #tpu.memory_space<vmem_shared>> -> memref<10240x128xf32, #tpu.memory_space<vmem_shared>>
      tpu.wait_indirect_dma semaphore(%arg10 : memref<!tpu.dma_semaphore, #tpu.memory_space<semaphore_mem>>) src(%arg7 : memref<125x128xf32, #tpu.memory_space<vmem>>) dst(%dma_wait3A_226 : memref<10240x128xf32, #tpu.memory_space<vmem_shared>>)
    }
    %scan3A_52 = arith.constant 10 : i32
    %barrier3A_53 = arith.constant 0 : index
    tpu.barrier barrier_id(%barrier3A_53)
    %add3A_54 = arith.constant 0 : i32
    %add3A_55 = arith.addi %arg1, %add3A_54 : i32
    %lt3A = arith.constant 125 : i32
    %lt3A_56 = arith.cmpi slt, %add3A_55, %lt3A : i32
    %convert_element_type3A = arith.extui %lt3A_56 : i1 to i32
    %cond3A = arith.constant 0 : i32
    %cond3A_57 = arith.cmpi ne, %convert_element_type3A, %cond3A : i32
    scf.if %cond3A_57 {
      %mul3A_107 = arith.constant 80 : i32
      %mul3A_108 = arith.muli %add3A_55, %mul3A_107 : i32
      "tpu.region"() ({
        %run_scoped3A = tpu.sem_alloc : memref<!tpu.dma_semaphore, #tpu.memory_space<semaphore_mem>>
        %dma_start3A = arith.constant 0 : i32
        %dma_start3A_112 = tpu.memref_slice %arg9[%mul3A_108, %dma_start3A] : memref<10240x128xf32, #tpu.memory_space<vmem_shared>> -> memref<80x128xf32, #tpu.memory_space<vmem_shared>>
        %dma_start3A_113 = arith.constant 0 : i32
        %dma_start3A_114 = tpu.memref_slice %arg9[%mul3A_108, %dma_start3A_113] : memref<10240x128xf32, #tpu.memory_space<vmem_shared>> -> memref<80x128xf32, #tpu.memory_space<vmem_shared>>
        tpu.enqueue_dma source(%dma_start3A_114 : memref<80x128xf32, #tpu.memory_space<vmem_shared>>) target(%arg8 : memref<80x128xf32, #tpu.memory_space<vmem>>) target_semaphore(%run_scoped3A : memref<!tpu.dma_semaphore, #tpu.memory_space<semaphore_mem>>)
        %dma_wait3A = arith.constant 0 : i32
        %dma_wait3A_115 = tpu.memref_slice %arg9[%mul3A_108, %dma_wait3A] : memref<10240x128xf32, #tpu.memory_space<vmem_shared>> -> memref<80x128xf32, #tpu.memory_space<vmem_shared>>
        %dma_wait3A_116 = arith.constant 0 : i32
        %dma_wait3A_117 = tpu.memref_slice %arg9[%mul3A_108, %dma_wait3A_116] : memref<10240x128xf32, #tpu.memory_space<vmem_shared>> -> memref<80x128xf32, #tpu.memory_space<vmem_shared>>
        tpu.wait_dma2 semaphore(%run_scoped3A : memref<!tpu.dma_semaphore, #tpu.memory_space<semaphore_mem>>) src(%dma_wait3A_117 : memref<80x128xf32, #tpu.memory_space<vmem_shared>>) dst(%arg8 : memref<80x128xf32, #tpu.memory_space<vmem>>)
        tpu.yield
      }) : () -> ()
      %mul3A_109 = arith.constant 10000 : i32
      %mul3A_110 = arith.muli %arg0, %mul3A_109 : i32
      %add3A_111 = arith.addi %mul3A_110, %mul3A_108 : i32
      "tpu.region"() ({
        %run_scoped3A = tpu.sem_alloc : memref<!tpu.dma_semaphore, #tpu.memory_space<semaphore_mem>>
        %dma_start3A = arith.constant 0 : i32
        %dma_start3A_112 = tpu.memref_slice %arg5[%add3A_111, %dma_start3A] : memref<20000x128xf32, #tpu.memory_space<hbm>> -> memref<80x128xf32, #tpu.memory_space<hbm>>
        %dma_start3A_113 = arith.constant 0 : i32
        %dma_start3A_114 = tpu.memref_slice %arg5[%add3A_111, %dma_start3A_113] : memref<20000x128xf32, #tpu.memory_space<hbm>> -> memref<80x128xf32, #tpu.memory_space<hbm>>
        tpu.enqueue_dma source(%arg8 : memref<80x128xf32, #tpu.memory_space<vmem>>) target(%dma_start3A_114 : memref<80x128xf32, #tpu.memory_space<hbm>>) target_semaphore(%run_scoped3A : memref<!tpu.dma_semaphore, #tpu.memory_space<semaphore_mem>>)
        %dma_wait3A = arith.constant 0 : i32
        %dma_wait3A_115 = tpu.memref_slice %arg5[%add3A_111, %dma_wait3A] : memref<20000x128xf32, #tpu.memory_space<hbm>> -> memref<80x128xf32, #tpu.memory_space<hbm>>
        %dma_wait3A_116 = arith.constant 0 : i32
        %dma_wait3A_117 = tpu.memref_slice %arg5[%add3A_111, %dma_wait3A_116] : memref<20000x128xf32, #tpu.memory_space<hbm>> -> memref<80x128xf32, #tpu.memory_space<hbm>>
        tpu.wait_dma2 semaphore(%run_scoped3A : memref<!tpu.dma_semaphore, #tpu.memory_space<semaphore_mem>>) src(%arg8 : memref<80x128xf32, #tpu.memory_space<vmem>>) dst(%dma_wait3A_117 : memref<80x128xf32, #tpu.memory_space<hbm>>)
        tpu.yield
      }) : () -> ()
    } else {
    }
    %add3A_58 = arith.constant 16 : i32
    %add3A_59 = arith.addi %arg1, %add3A_58 : i32
    %lt3A_60 = arith.constant 125 : i32
    %lt3A_61 = arith.cmpi slt, %add3A_59, %lt3A_60 : i32
    %convert_element_type3A_62 = arith.extui %lt3A_61 : i1 to i32
    %cond3A_63 = arith.constant 0 : i32
    %cond3A_64 = arith.cmpi ne, %convert_element_type3A_62, %cond3A_63 : i32
    scf.if %cond3A_64 {
      %mul3A_107 = arith.constant 80 : i32
      %mul3A_108 = arith.muli %add3A_59, %mul3A_107 : i32
      "tpu.region"() ({
        %run_scoped3A = tpu.sem_alloc : memref<!tpu.dma_semaphore, #tpu.memory_space<semaphore_mem>>
        %dma_start3A = arith.constant 0 : i32
        %dma_start3A_112 = tpu.memref_slice %arg9[%mul3A_108, %dma_start3A] : memref<10240x128xf32, #tpu.memory_space<vmem_shared>> -> memref<80x128xf32, #tpu.memory_space<vmem_shared>>
        %dma_start3A_113 = arith.constant 0 : i32
        %dma_start3A_114 = tpu.memref_slice %arg9[%mul3A_108, %dma_start3A_113] : memref<10240x128xf32, #tpu.memory_space<vmem_shared>> -> memref<80x128xf32, #tpu.memory_space<vmem_shared>>
        tpu.enqueue_dma source(%dma_start3A_114 : memref<80x128xf32, #tpu.memory_space<vmem_shared>>) target(%arg8 : memref<80x128xf32, #tpu.memory_space<vmem>>) target_semaphore(%run_scoped3A : memref<!tpu.dma_semaphore, #tpu.memory_space<semaphore_mem>>)
        %dma_wait3A = arith.constant 0 : i32
        %dma_wait3A_115 = tpu.memref_slice %arg9[%mul3A_108, %dma_wait3A] : memref<10240x128xf32, #tpu.memory_space<vmem_shared>> -> memref<80x128xf32, #tpu.memory_space<vmem_shared>>
        %dma_wait3A_116 = arith.constant 0 : i32
        %dma_wait3A_117 = tpu.memref_slice %arg9[%mul3A_108, %dma_wait3A_116] : memref<10240x128xf32, #tpu.memory_space<vmem_shared>> -> memref<80x128xf32, #tpu.memory_space<vmem_shared>>
        tpu.wait_dma2 semaphore(%run_scoped3A : memref<!tpu.dma_semaphore, #tpu.memory_space<semaphore_mem>>) src(%dma_wait3A_117 : memref<80x128xf32, #tpu.memory_space<vmem_shared>>) dst(%arg8 : memref<80x128xf32, #tpu.memory_space<vmem>>)
        tpu.yield
      }) : () -> ()
      %mul3A_109 = arith.constant 10000 : i32
      %mul3A_110 = arith.muli %arg0, %mul3A_109 : i32
      %add3A_111 = arith.addi %mul3A_110, %mul3A_108 : i32
      "tpu.region"() ({
        %run_scoped3A = tpu.sem_alloc : memref<!tpu.dma_semaphore, #tpu.memory_space<semaphore_mem>>
        %dma_start3A = arith.constant 0 : i32
        %dma_start3A_112 = tpu.memref_slice %arg5[%add3A_111, %dma_start3A] : memref<20000x128xf32, #tpu.memory_space<hbm>> -> memref<80x128xf32, #tpu.memory_space<hbm>>
        %dma_start3A_113 = arith.constant 0 : i32
        %dma_start3A_114 = tpu.memref_slice %arg5[%add3A_111, %dma_start3A_113] : memref<20000x128xf32, #tpu.memory_space<hbm>> -> memref<80x128xf32, #tpu.memory_space<hbm>>
        tpu.enqueue_dma source(%arg8 : memref<80x128xf32, #tpu.memory_space<vmem>>) target(%dma_start3A_114 : memref<80x128xf32, #tpu.memory_space<hbm>>) target_semaphore(%run_scoped3A : memref<!tpu.dma_semaphore, #tpu.memory_space<semaphore_mem>>)
        %dma_wait3A = arith.constant 0 : i32
        %dma_wait3A_115 = tpu.memref_slice %arg5[%add3A_111, %dma_wait3A] : memref<20000x128xf32, #tpu.memory_space<hbm>> -> memref<80x128xf32, #tpu.memory_space<hbm>>
        %dma_wait3A_116 = arith.constant 0 : i32
        %dma_wait3A_117 = tpu.memref_slice %arg5[%add3A_111, %dma_wait3A_116] : memref<20000x128xf32, #tpu.memory_space<hbm>> -> memref<80x128xf32, #tpu.memory_space<hbm>>
        tpu.wait_dma2 semaphore(%run_scoped3A : memref<!tpu.dma_semaphore, #tpu.memory_space<semaphore_mem>>) src(%arg8 : memref<80x128xf32, #tpu.memory_space<vmem>>) dst(%dma_wait3A_117 : memref<80x128xf32, #tpu.memory_space<hbm>>)
        tpu.yield
      }) : () -> ()
    } else {
    }
    %add3A_65 = arith.constant 32 : i32
    %add3A_66 = arith.addi %arg1, %add3A_65 : i32
    %lt3A_67 = arith.constant 125 : i32
    %lt3A_68 = arith.cmpi slt, %add3A_66, %lt3A_67 : i32
    %convert_element_type3A_69 = arith.extui %lt3A_68 : i1 to i32
    %cond3A_70 = arith.constant 0 : i32
    %cond3A_71 = arith.cmpi ne, %convert_element_type3A_69, %cond3A_70 : i32
    scf.if %cond3A_71 {
      %mul3A_107 = arith.constant 80 : i32
      %mul3A_108 = arith.muli %add3A_66, %mul3A_107 : i32
      "tpu.region"() ({
        %run_scoped3A = tpu.sem_alloc : memref<!tpu.dma_semaphore, #tpu.memory_space<semaphore_mem>>
        %dma_start3A = arith.constant 0 : i32
        %dma_start3A_112 = tpu.memref_slice %arg9[%mul3A_108, %dma_start3A] : memref<10240x128xf32, #tpu.memory_space<vmem_shared>> -> memref<80x128xf32, #tpu.memory_space<vmem_shared>>
        %dma_start3A_113 = arith.constant 0 : i32
        %dma_start3A_114 = tpu.memref_slice %arg9[%mul3A_108, %dma_start3A_113] : memref<10240x128xf32, #tpu.memory_space<vmem_shared>> -> memref<80x128xf32, #tpu.memory_space<vmem_shared>>
        tpu.enqueue_dma source(%dma_start3A_114 : memref<80x128xf32, #tpu.memory_space<vmem_shared>>) target(%arg8 : memref<80x128xf32, #tpu.memory_space<vmem>>) target_semaphore(%run_scoped3A : memref<!tpu.dma_semaphore, #tpu.memory_space<semaphore_mem>>)
        %dma_wait3A = arith.constant 0 : i32
        %dma_wait3A_115 = tpu.memref_slice %arg9[%mul3A_108, %dma_wait3A] : memref<10240x128xf32, #tpu.memory_space<vmem_shared>> -> memref<80x128xf32, #tpu.memory_space<vmem_shared>>
        %dma_wait3A_116 = arith.constant 0 : i32
        %dma_wait3A_117 = tpu.memref_slice %arg9[%mul3A_108, %dma_wait3A_116] : memref<10240x128xf32, #tpu.memory_space<vmem_shared>> -> memref<80x128xf32, #tpu.memory_space<vmem_shared>>
        tpu.wait_dma2 semaphore(%run_scoped3A : memref<!tpu.dma_semaphore, #tpu.memory_space<semaphore_mem>>) src(%dma_wait3A_117 : memref<80x128xf32, #tpu.memory_space<vmem_shared>>) dst(%arg8 : memref<80x128xf32, #tpu.memory_space<vmem>>)
        tpu.yield
      }) : () -> ()
      %mul3A_109 = arith.constant 10000 : i32
      %mul3A_110 = arith.muli %arg0, %mul3A_109 : i32
      %add3A_111 = arith.addi %mul3A_110, %mul3A_108 : i32
      "tpu.region"() ({
        %run_scoped3A = tpu.sem_alloc : memref<!tpu.dma_semaphore, #tpu.memory_space<semaphore_mem>>
        %dma_start3A = arith.constant 0 : i32
        %dma_start3A_112 = tpu.memref_slice %arg5[%add3A_111, %dma_start3A] : memref<20000x128xf32, #tpu.memory_space<hbm>> -> memref<80x128xf32, #tpu.memory_space<hbm>>
        %dma_start3A_113 = arith.constant 0 : i32
        %dma_start3A_114 = tpu.memref_slice %arg5[%add3A_111, %dma_start3A_113] : memref<20000x128xf32, #tpu.memory_space<hbm>> -> memref<80x128xf32, #tpu.memory_space<hbm>>
        tpu.enqueue_dma source(%arg8 : memref<80x128xf32, #tpu.memory_space<vmem>>) target(%dma_start3A_114 : memref<80x128xf32, #tpu.memory_space<hbm>>) target_semaphore(%run_scoped3A : memref<!tpu.dma_semaphore, #tpu.memory_space<semaphore_mem>>)
        %dma_wait3A = arith.constant 0 : i32
        %dma_wait3A_115 = tpu.memref_slice %arg5[%add3A_111, %dma_wait3A] : memref<20000x128xf32, #tpu.memory_space<hbm>> -> memref<80x128xf32, #tpu.memory_space<hbm>>
        %dma_wait3A_116 = arith.constant 0 : i32
        %dma_wait3A_117 = tpu.memref_slice %arg5[%add3A_111, %dma_wait3A_116] : memref<20000x128xf32, #tpu.memory_space<hbm>> -> memref<80x128xf32, #tpu.memory_space<hbm>>
        tpu.wait_dma2 semaphore(%run_scoped3A : memref<!tpu.dma_semaphore, #tpu.memory_space<semaphore_mem>>) src(%arg8 : memref<80x128xf32, #tpu.memory_space<vmem>>) dst(%dma_wait3A_117 : memref<80x128xf32, #tpu.memory_space<hbm>>)
        tpu.yield
      }) : () -> ()
    } else {
    }
    %add3A_72 = arith.constant 48 : i32
    %add3A_73 = arith.addi %arg1, %add3A_72 : i32
    %lt3A_74 = arith.constant 125 : i32
    %lt3A_75 = arith.cmpi slt, %add3A_73, %lt3A_74 : i32
    %convert_element_type3A_76 = arith.extui %lt3A_75 : i1 to i32
    %cond3A_77 = arith.constant 0 : i32
    %cond3A_78 = arith.cmpi ne, %convert_element_type3A_76, %cond3A_77 : i32
    scf.if %cond3A_78 {
      %mul3A_107 = arith.constant 80 : i32
      %mul3A_108 = arith.muli %add3A_73, %mul3A_107 : i32
      "tpu.region"() ({
        %run_scoped3A = tpu.sem_alloc : memref<!tpu.dma_semaphore, #tpu.memory_space<semaphore_mem>>
        %dma_start3A = arith.constant 0 : i32
        %dma_start3A_112 = tpu.memref_slice %arg9[%mul3A_108, %dma_start3A] : memref<10240x128xf32, #tpu.memory_space<vmem_shared>> -> memref<80x128xf32, #tpu.memory_space<vmem_shared>>
        %dma_start3A_113 = arith.constant 0 : i32
        %dma_start3A_114 = tpu.memref_slice %arg9[%mul3A_108, %dma_start3A_113] : memref<10240x128xf32, #tpu.memory_space<vmem_shared>> -> memref<80x128xf32, #tpu.memory_space<vmem_shared>>
        tpu.enqueue_dma source(%dma_start3A_114 : memref<80x128xf32, #tpu.memory_space<vmem_shared>>) target(%arg8 : memref<80x128xf32, #tpu.memory_space<vmem>>) target_semaphore(%run_scoped3A : memref<!tpu.dma_semaphore, #tpu.memory_space<semaphore_mem>>)
        %dma_wait3A = arith.constant 0 : i32
        %dma_wait3A_115 = tpu.memref_slice %arg9[%mul3A_108, %dma_wait3A] : memref<10240x128xf32, #tpu.memory_space<vmem_shared>> -> memref<80x128xf32, #tpu.memory_space<vmem_shared>>
        %dma_wait3A_116 = arith.constant 0 : i32
        %dma_wait3A_117 = tpu.memref_slice %arg9[%mul3A_108, %dma_wait3A_116] : memref<10240x128xf32, #tpu.memory_space<vmem_shared>> -> memref<80x128xf32, #tpu.memory_space<vmem_shared>>
        tpu.wait_dma2 semaphore(%run_scoped3A : memref<!tpu.dma_semaphore, #tpu.memory_space<semaphore_mem>>) src(%dma_wait3A_117 : memref<80x128xf32, #tpu.memory_space<vmem_shared>>) dst(%arg8 : memref<80x128xf32, #tpu.memory_space<vmem>>)
        tpu.yield
      }) : () -> ()
      %mul3A_109 = arith.constant 10000 : i32
      %mul3A_110 = arith.muli %arg0, %mul3A_109 : i32
      %add3A_111 = arith.addi %mul3A_110, %mul3A_108 : i32
      "tpu.region"() ({
        %run_scoped3A = tpu.sem_alloc : memref<!tpu.dma_semaphore, #tpu.memory_space<semaphore_mem>>
        %dma_start3A = arith.constant 0 : i32
        %dma_start3A_112 = tpu.memref_slice %arg5[%add3A_111, %dma_start3A] : memref<20000x128xf32, #tpu.memory_space<hbm>> -> memref<80x128xf32, #tpu.memory_space<hbm>>
        %dma_start3A_113 = arith.constant 0 : i32
        %dma_start3A_114 = tpu.memref_slice %arg5[%add3A_111, %dma_start3A_113] : memref<20000x128xf32, #tpu.memory_space<hbm>> -> memref<80x128xf32, #tpu.memory_space<hbm>>
        tpu.enqueue_dma source(%arg8 : memref<80x128xf32, #tpu.memory_space<vmem>>) target(%dma_start3A_114 : memref<80x128xf32, #tpu.memory_space<hbm>>) target_semaphore(%run_scoped3A : memref<!tpu.dma_semaphore, #tpu.memory_space<semaphore_mem>>)
        %dma_wait3A = arith.constant 0 : i32
        %dma_wait3A_115 = tpu.memref_slice %arg5[%add3A_111, %dma_wait3A] : memref<20000x128xf32, #tpu.memory_space<hbm>> -> memref<80x128xf32, #tpu.memory_space<hbm>>
        %dma_wait3A_116 = arith.constant 0 : i32
        %dma_wait3A_117 = tpu.memref_slice %arg5[%add3A_111, %dma_wait3A_116] : memref<20000x128xf32, #tpu.memory_space<hbm>> -> memref<80x128xf32, #tpu.memory_space<hbm>>
        tpu.wait_dma2 semaphore(%run_scoped3A : memref<!tpu.dma_semaphore, #tpu.memory_space<semaphore_mem>>) src(%arg8 : memref<80x128xf32, #tpu.memory_space<vmem>>) dst(%dma_wait3A_117 : memref<80x128xf32, #tpu.memory_space<hbm>>)
        tpu.yield
      }) : () -> ()
    } else {
    }
    %add3A_79 = arith.constant 64 : i32
    %add3A_80 = arith.addi %arg1, %add3A_79 : i32
    %lt3A_81 = arith.constant 125 : i32
    %lt3A_82 = arith.cmpi slt, %add3A_80, %lt3A_81 : i32
    %convert_element_type3A_83 = arith.extui %lt3A_82 : i1 to i32
    %cond3A_84 = arith.constant 0 : i32
    %cond3A_85 = arith.cmpi ne, %convert_element_type3A_83, %cond3A_84 : i32
    scf.if %cond3A_85 {
      %mul3A_107 = arith.constant 80 : i32
      %mul3A_108 = arith.muli %add3A_80, %mul3A_107 : i32
      "tpu.region"() ({
        %run_scoped3A = tpu.sem_alloc : memref<!tpu.dma_semaphore, #tpu.memory_space<semaphore_mem>>
        %dma_start3A = arith.constant 0 : i32
        %dma_start3A_112 = tpu.memref_slice %arg9[%mul3A_108, %dma_start3A] : memref<10240x128xf32, #tpu.memory_space<vmem_shared>> -> memref<80x128xf32, #tpu.memory_space<vmem_shared>>
        %dma_start3A_113 = arith.constant 0 : i32
        %dma_start3A_114 = tpu.memref_slice %arg9[%mul3A_108, %dma_start3A_113] : memref<10240x128xf32, #tpu.memory_space<vmem_shared>> -> memref<80x128xf32, #tpu.memory_space<vmem_shared>>
        tpu.enqueue_dma source(%dma_start3A_114 : memref<80x128xf32, #tpu.memory_space<vmem_shared>>) target(%arg8 : memref<80x128xf32, #tpu.memory_space<vmem>>) target_semaphore(%run_scoped3A : memref<!tpu.dma_semaphore, #tpu.memory_space<semaphore_mem>>)
        %dma_wait3A = arith.constant 0 : i32
        %dma_wait3A_115 = tpu.memref_slice %arg9[%mul3A_108, %dma_wait3A] : memref<10240x128xf32, #tpu.memory_space<vmem_shared>> -> memref<80x128xf32, #tpu.memory_space<vmem_shared>>
        %dma_wait3A_116 = arith.constant 0 : i32
        %dma_wait3A_117 = tpu.memref_slice %arg9[%mul3A_108, %dma_wait3A_116] : memref<10240x128xf32, #tpu.memory_space<vmem_shared>> -> memref<80x128xf32, #tpu.memory_space<vmem_shared>>
        tpu.wait_dma2 semaphore(%run_scoped3A : memref<!tpu.dma_semaphore, #tpu.memory_space<semaphore_mem>>) src(%dma_wait3A_117 : memref<80x128xf32, #tpu.memory_space<vmem_shared>>) dst(%arg8 : memref<80x128xf32, #tpu.memory_space<vmem>>)
        tpu.yield
      }) : () -> ()
      %mul3A_109 = arith.constant 10000 : i32
      %mul3A_110 = arith.muli %arg0, %mul3A_109 : i32
      %add3A_111 = arith.addi %mul3A_110, %mul3A_108 : i32
      "tpu.region"() ({
        %run_scoped3A = tpu.sem_alloc : memref<!tpu.dma_semaphore, #tpu.memory_space<semaphore_mem>>
        %dma_start3A = arith.constant 0 : i32
        %dma_start3A_112 = tpu.memref_slice %arg5[%add3A_111, %dma_start3A] : memref<20000x128xf32, #tpu.memory_space<hbm>> -> memref<80x128xf32, #tpu.memory_space<hbm>>
        %dma_start3A_113 = arith.constant 0 : i32
        %dma_start3A_114 = tpu.memref_slice %arg5[%add3A_111, %dma_start3A_113] : memref<20000x128xf32, #tpu.memory_space<hbm>> -> memref<80x128xf32, #tpu.memory_space<hbm>>
        tpu.enqueue_dma source(%arg8 : memref<80x128xf32, #tpu.memory_space<vmem>>) target(%dma_start3A_114 : memref<80x128xf32, #tpu.memory_space<hbm>>) target_semaphore(%run_scoped3A : memref<!tpu.dma_semaphore, #tpu.memory_space<semaphore_mem>>)
        %dma_wait3A = arith.constant 0 : i32
        %dma_wait3A_115 = tpu.memref_slice %arg5[%add3A_111, %dma_wait3A] : memref<20000x128xf32, #tpu.memory_space<hbm>> -> memref<80x128xf32, #tpu.memory_space<hbm>>
        %dma_wait3A_116 = arith.constant 0 : i32
        %dma_wait3A_117 = tpu.memref_slice %arg5[%add3A_111, %dma_wait3A_116] : memref<20000x128xf32, #tpu.memory_space<hbm>> -> memref<80x128xf32, #tpu.memory_space<hbm>>
        tpu.wait_dma2 semaphore(%run_scoped3A : memref<!tpu.dma_semaphore, #tpu.memory_space<semaphore_mem>>) src(%arg8 : memref<80x128xf32, #tpu.memory_space<vmem>>) dst(%dma_wait3A_117 : memref<80x128xf32, #tpu.memory_space<hbm>>)
        tpu.yield
      }) : () -> ()
    } else {
    }
    %add3A_86 = arith.constant 80 : i32
    %add3A_87 = arith.addi %arg1, %add3A_86 : i32
    %lt3A_88 = arith.constant 125 : i32
    %lt3A_89 = arith.cmpi slt, %add3A_87, %lt3A_88 : i32
    %convert_element_type3A_90 = arith.extui %lt3A_89 : i1 to i32
    %cond3A_91 = arith.constant 0 : i32
    %cond3A_92 = arith.cmpi ne, %convert_element_type3A_90, %cond3A_91 : i32
    scf.if %cond3A_92 {
      %mul3A_107 = arith.constant 80 : i32
      %mul3A_108 = arith.muli %add3A_87, %mul3A_107 : i32
      "tpu.region"() ({
        %run_scoped3A = tpu.sem_alloc : memref<!tpu.dma_semaphore, #tpu.memory_space<semaphore_mem>>
        %dma_start3A = arith.constant 0 : i32
        %dma_start3A_112 = tpu.memref_slice %arg9[%mul3A_108, %dma_start3A] : memref<10240x128xf32, #tpu.memory_space<vmem_shared>> -> memref<80x128xf32, #tpu.memory_space<vmem_shared>>
        %dma_start3A_113 = arith.constant 0 : i32
        %dma_start3A_114 = tpu.memref_slice %arg9[%mul3A_108, %dma_start3A_113] : memref<10240x128xf32, #tpu.memory_space<vmem_shared>> -> memref<80x128xf32, #tpu.memory_space<vmem_shared>>
        tpu.enqueue_dma source(%dma_start3A_114 : memref<80x128xf32, #tpu.memory_space<vmem_shared>>) target(%arg8 : memref<80x128xf32, #tpu.memory_space<vmem>>) target_semaphore(%run_scoped3A : memref<!tpu.dma_semaphore, #tpu.memory_space<semaphore_mem>>)
        %dma_wait3A = arith.constant 0 : i32
        %dma_wait3A_115 = tpu.memref_slice %arg9[%mul3A_108, %dma_wait3A] : memref<10240x128xf32, #tpu.memory_space<vmem_shared>> -> memref<80x128xf32, #tpu.memory_space<vmem_shared>>
        %dma_wait3A_116 = arith.constant 0 : i32
        %dma_wait3A_117 = tpu.memref_slice %arg9[%mul3A_108, %dma_wait3A_116] : memref<10240x128xf32, #tpu.memory_space<vmem_shared>> -> memref<80x128xf32, #tpu.memory_space<vmem_shared>>
        tpu.wait_dma2 semaphore(%run_scoped3A : memref<!tpu.dma_semaphore, #tpu.memory_space<semaphore_mem>>) src(%dma_wait3A_117 : memref<80x128xf32, #tpu.memory_space<vmem_shared>>) dst(%arg8 : memref<80x128xf32, #tpu.memory_space<vmem>>)
        tpu.yield
      }) : () -> ()
      %mul3A_109 = arith.constant 10000 : i32
      %mul3A_110 = arith.muli %arg0, %mul3A_109 : i32
      %add3A_111 = arith.addi %mul3A_110, %mul3A_108 : i32
      "tpu.region"() ({
        %run_scoped3A = tpu.sem_alloc : memref<!tpu.dma_semaphore, #tpu.memory_space<semaphore_mem>>
        %dma_start3A = arith.constant 0 : i32
        %dma_start3A_112 = tpu.memref_slice %arg5[%add3A_111, %dma_start3A] : memref<20000x128xf32, #tpu.memory_space<hbm>> -> memref<80x128xf32, #tpu.memory_space<hbm>>
        %dma_start3A_113 = arith.constant 0 : i32
        %dma_start3A_114 = tpu.memref_slice %arg5[%add3A_111, %dma_start3A_113] : memref<20000x128xf32, #tpu.memory_space<hbm>> -> memref<80x128xf32, #tpu.memory_space<hbm>>
        tpu.enqueue_dma source(%arg8 : memref<80x128xf32, #tpu.memory_space<vmem>>) target(%dma_start3A_114 : memref<80x128xf32, #tpu.memory_space<hbm>>) target_semaphore(%run_scoped3A : memref<!tpu.dma_semaphore, #tpu.memory_space<semaphore_mem>>)
        %dma_wait3A = arith.constant 0 : i32
        %dma_wait3A_115 = tpu.memref_slice %arg5[%add3A_111, %dma_wait3A] : memref<20000x128xf32, #tpu.memory_space<hbm>> -> memref<80x128xf32, #tpu.memory_space<hbm>>
        %dma_wait3A_116 = arith.constant 0 : i32
        %dma_wait3A_117 = tpu.memref_slice %arg5[%add3A_111, %dma_wait3A_116] : memref<20000x128xf32, #tpu.memory_space<hbm>> -> memref<80x128xf32, #tpu.memory_space<hbm>>
        tpu.wait_dma2 semaphore(%run_scoped3A : memref<!tpu.dma_semaphore, #tpu.memory_space<semaphore_mem>>) src(%arg8 : memref<80x128xf32, #tpu.memory_space<vmem>>) dst(%dma_wait3A_117 : memref<80x128xf32, #tpu.memory_space<hbm>>)
        tpu.yield
      }) : () -> ()
    } else {
    }
    %add3A_93 = arith.constant 96 : i32
    %add3A_94 = arith.addi %arg1, %add3A_93 : i32
    %lt3A_95 = arith.constant 125 : i32
    %lt3A_96 = arith.cmpi slt, %add3A_94, %lt3A_95 : i32
    %convert_element_type3A_97 = arith.extui %lt3A_96 : i1 to i32
    %cond3A_98 = arith.constant 0 : i32
    %cond3A_99 = arith.cmpi ne, %convert_element_type3A_97, %cond3A_98 : i32
    scf.if %cond3A_99 {
      %mul3A_107 = arith.constant 80 : i32
      %mul3A_108 = arith.muli %add3A_94, %mul3A_107 : i32
      "tpu.region"() ({
        %run_scoped3A = tpu.sem_alloc : memref<!tpu.dma_semaphore, #tpu.memory_space<semaphore_mem>>
        %dma_start3A = arith.constant 0 : i32
        %dma_start3A_112 = tpu.memref_slice %arg9[%mul3A_108, %dma_start3A] : memref<10240x128xf32, #tpu.memory_space<vmem_shared>> -> memref<80x128xf32, #tpu.memory_space<vmem_shared>>
        %dma_start3A_113 = arith.constant 0 : i32
        %dma_start3A_114 = tpu.memref_slice %arg9[%mul3A_108, %dma_start3A_113] : memref<10240x128xf32, #tpu.memory_space<vmem_shared>> -> memref<80x128xf32, #tpu.memory_space<vmem_shared>>
        tpu.enqueue_dma source(%dma_start3A_114 : memref<80x128xf32, #tpu.memory_space<vmem_shared>>) target(%arg8 : memref<80x128xf32, #tpu.memory_space<vmem>>) target_semaphore(%run_scoped3A : memref<!tpu.dma_semaphore, #tpu.memory_space<semaphore_mem>>)
        %dma_wait3A = arith.constant 0 : i32
        %dma_wait3A_115 = tpu.memref_slice %arg9[%mul3A_108, %dma_wait3A] : memref<10240x128xf32, #tpu.memory_space<vmem_shared>> -> memref<80x128xf32, #tpu.memory_space<vmem_shared>>
        %dma_wait3A_116 = arith.constant 0 : i32
        %dma_wait3A_117 = tpu.memref_slice %arg9[%mul3A_108, %dma_wait3A_116] : memref<10240x128xf32, #tpu.memory_space<vmem_shared>> -> memref<80x128xf32, #tpu.memory_space<vmem_shared>>
        tpu.wait_dma2 semaphore(%run_scoped3A : memref<!tpu.dma_semaphore, #tpu.memory_space<semaphore_mem>>) src(%dma_wait3A_117 : memref<80x128xf32, #tpu.memory_space<vmem_shared>>) dst(%arg8 : memref<80x128xf32, #tpu.memory_space<vmem>>)
        tpu.yield
      }) : () -> ()
      %mul3A_109 = arith.constant 10000 : i32
      %mul3A_110 = arith.muli %arg0, %mul3A_109 : i32
      %add3A_111 = arith.addi %mul3A_110, %mul3A_108 : i32
      "tpu.region"() ({
        %run_scoped3A = tpu.sem_alloc : memref<!tpu.dma_semaphore, #tpu.memory_space<semaphore_mem>>
        %dma_start3A = arith.constant 0 : i32
        %dma_start3A_112 = tpu.memref_slice %arg5[%add3A_111, %dma_start3A] : memref<20000x128xf32, #tpu.memory_space<hbm>> -> memref<80x128xf32, #tpu.memory_space<hbm>>
        %dma_start3A_113 = arith.constant 0 : i32
        %dma_start3A_114 = tpu.memref_slice %arg5[%add3A_111, %dma_start3A_113] : memref<20000x128xf32, #tpu.memory_space<hbm>> -> memref<80x128xf32, #tpu.memory_space<hbm>>
        tpu.enqueue_dma source(%arg8 : memref<80x128xf32, #tpu.memory_space<vmem>>) target(%dma_start3A_114 : memref<80x128xf32, #tpu.memory_space<hbm>>) target_semaphore(%run_scoped3A : memref<!tpu.dma_semaphore, #tpu.memory_space<semaphore_mem>>)
        %dma_wait3A = arith.constant 0 : i32
        %dma_wait3A_115 = tpu.memref_slice %arg5[%add3A_111, %dma_wait3A] : memref<20000x128xf32, #tpu.memory_space<hbm>> -> memref<80x128xf32, #tpu.memory_space<hbm>>
        %dma_wait3A_116 = arith.constant 0 : i32
        %dma_wait3A_117 = tpu.memref_slice %arg5[%add3A_111, %dma_wait3A_116] : memref<20000x128xf32, #tpu.memory_space<hbm>> -> memref<80x128xf32, #tpu.memory_space<hbm>>
        tpu.wait_dma2 semaphore(%run_scoped3A : memref<!tpu.dma_semaphore, #tpu.memory_space<semaphore_mem>>) src(%arg8 : memref<80x128xf32, #tpu.memory_space<vmem>>) dst(%dma_wait3A_117 : memref<80x128xf32, #tpu.memory_space<hbm>>)
        tpu.yield
      }) : () -> ()
    } else {
    }
    %add3A_100 = arith.constant 112 : i32
    %add3A_101 = arith.addi %arg1, %add3A_100 : i32
    %lt3A_102 = arith.constant 125 : i32
    %lt3A_103 = arith.cmpi slt, %add3A_101, %lt3A_102 : i32
    %convert_element_type3A_104 = arith.extui %lt3A_103 : i1 to i32
    %cond3A_105 = arith.constant 0 : i32
    %cond3A_106 = arith.cmpi ne, %convert_element_type3A_104, %cond3A_105 : i32
    scf.if %cond3A_106 {
      %mul3A_107 = arith.constant 80 : i32
      %mul3A_108 = arith.muli %add3A_101, %mul3A_107 : i32
      "tpu.region"() ({
        %run_scoped3A = tpu.sem_alloc : memref<!tpu.dma_semaphore, #tpu.memory_space<semaphore_mem>>
        %dma_start3A = arith.constant 0 : i32
        %dma_start3A_112 = tpu.memref_slice %arg9[%mul3A_108, %dma_start3A] : memref<10240x128xf32, #tpu.memory_space<vmem_shared>> -> memref<80x128xf32, #tpu.memory_space<vmem_shared>>
        %dma_start3A_113 = arith.constant 0 : i32
        %dma_start3A_114 = tpu.memref_slice %arg9[%mul3A_108, %dma_start3A_113] : memref<10240x128xf32, #tpu.memory_space<vmem_shared>> -> memref<80x128xf32, #tpu.memory_space<vmem_shared>>
        tpu.enqueue_dma source(%dma_start3A_114 : memref<80x128xf32, #tpu.memory_space<vmem_shared>>) target(%arg8 : memref<80x128xf32, #tpu.memory_space<vmem>>) target_semaphore(%run_scoped3A : memref<!tpu.dma_semaphore, #tpu.memory_space<semaphore_mem>>)
        %dma_wait3A = arith.constant 0 : i32
        %dma_wait3A_115 = tpu.memref_slice %arg9[%mul3A_108, %dma_wait3A] : memref<10240x128xf32, #tpu.memory_space<vmem_shared>> -> memref<80x128xf32, #tpu.memory_space<vmem_shared>>
        %dma_wait3A_116 = arith.constant 0 : i32
        %dma_wait3A_117 = tpu.memref_slice %arg9[%mul3A_108, %dma_wait3A_116] : memref<10240x128xf32, #tpu.memory_space<vmem_shared>> -> memref<80x128xf32, #tpu.memory_space<vmem_shared>>
        tpu.wait_dma2 semaphore(%run_scoped3A : memref<!tpu.dma_semaphore, #tpu.memory_space<semaphore_mem>>) src(%dma_wait3A_117 : memref<80x128xf32, #tpu.memory_space<vmem_shared>>) dst(%arg8 : memref<80x128xf32, #tpu.memory_space<vmem>>)
        tpu.yield
      }) : () -> ()
      %mul3A_109 = arith.constant 10000 : i32
      %mul3A_110 = arith.muli %arg0, %mul3A_109 : i32
      %add3A_111 = arith.addi %mul3A_110, %mul3A_108 : i32
      "tpu.region"() ({
        %run_scoped3A = tpu.sem_alloc : memref<!tpu.dma_semaphore, #tpu.memory_space<semaphore_mem>>
        %dma_start3A = arith.constant 0 : i32
        %dma_start3A_112 = tpu.memref_slice %arg5[%add3A_111, %dma_start3A] : memref<20000x128xf32, #tpu.memory_space<hbm>> -> memref<80x128xf32, #tpu.memory_space<hbm>>
        %dma_start3A_113 = arith.constant 0 : i32
        %dma_start3A_114 = tpu.memref_slice %arg5[%add3A_111, %dma_start3A_113] : memref<20000x128xf32, #tpu.memory_space<hbm>> -> memref<80x128xf32, #tpu.memory_space<hbm>>
        tpu.enqueue_dma source(%arg8 : memref<80x128xf32, #tpu.memory_space<vmem>>) target(%dma_start3A_114 : memref<80x128xf32, #tpu.memory_space<hbm>>) target_semaphore(%run_scoped3A : memref<!tpu.dma_semaphore, #tpu.memory_space<semaphore_mem>>)
        %dma_wait3A = arith.constant 0 : i32
        %dma_wait3A_115 = tpu.memref_slice %arg5[%add3A_111, %dma_wait3A] : memref<20000x128xf32, #tpu.memory_space<hbm>> -> memref<80x128xf32, #tpu.memory_space<hbm>>
        %dma_wait3A_116 = arith.constant 0 : i32
        %dma_wait3A_117 = tpu.memref_slice %arg5[%add3A_111, %dma_wait3A_116] : memref<20000x128xf32, #tpu.memory_space<hbm>> -> memref<80x128xf32, #tpu.memory_space<hbm>>
        tpu.wait_dma2 semaphore(%run_scoped3A : memref<!tpu.dma_semaphore, #tpu.memory_space<semaphore_mem>>) src(%arg8 : memref<80x128xf32, #tpu.memory_space<vmem>>) dst(%dma_wait3A_117 : memref<80x128xf32, #tpu.memory_space<hbm>>)
        tpu.yield
      }) : () -> ()
    } else {
    }
    return
  }
}

#map = affine_map<(d0, d1) -> (0, 0)>
module attributes {stable_mosaic.version = 14 : i64} {
  func.func @body(%arg0: i32, %arg1: i32, %arg2: memref<10000x128xf32, #tpu.memory_space<hbm>>, %arg3: memref<2560x125xi32, #tpu.memory_space<hbm>>, %arg4: memref<2560x125xi32, #tpu.memory_space<hbm>>, %arg5: memref<80x128xf32, #tpu.memory_space<hbm>>, %arg6: memref<20000x128xf32, #tpu.memory_space<hbm>>, %arg7: memref<8x125xi32, #tpu.memory_space<vmem>>, %arg8: memref<8x125xi32, #tpu.memory_space<vmem>>, %arg9: memref<125x128xf32, #tpu.memory_space<vmem>>, %arg10: memref<80x128xf32, #tpu.memory_space<vmem>>, %arg11: memref<10240x128xf32, #tpu.memory_space<vmem_shared>>, %arg12: memref<125x128xf32, #tpu.memory_space<vmem>>, %arg13: memref<!tpu.dma_semaphore, #tpu.memory_space<semaphore_mem>>, %arg14: memref<!tpu.dma_semaphore, #tpu.memory_space<semaphore_mem>>, %arg15: memref<!tpu.dma_semaphore, #tpu.memory_space<semaphore_mem>>, %arg16: memref<!tpu.dma_semaphore, #tpu.memory_space<semaphore_mem>>) attributes {dimension_semantics = [#tpu.dimension_semantics<core_parallel>, #tpu.dimension_semantics<subcore_parallel>], iteration_bounds = array<i64: 2, 16>, scalar_prefetch = 0 : i64, scratch_operands = 10 : i64, tpu.core_type = #tpu.core_type<sc_vector_subcore>, window_params = [{transform_indices = #map}, {transform_indices = #map}, {transform_indices = #map}, {transform_indices = #map}, {transform_indices = #map}]} {
    %mul3A = arith.constant 16 : i32
    %mul3A_0 = arith.muli %arg0, %mul3A : i32
    %add3A = arith.addi %mul3A_0, %arg1 : i32
    "tpu.region"() ({
      %run_scoped3A = tpu.sem_alloc : memref<!tpu.dma_semaphore, #tpu.memory_space<semaphore_mem>>
      tpu.enqueue_dma source(%arg5 : memref<80x128xf32, #tpu.memory_space<hbm>>) target(%arg10 : memref<80x128xf32, #tpu.memory_space<vmem>>) target_semaphore(%run_scoped3A : memref<!tpu.dma_semaphore, #tpu.memory_space<semaphore_mem>>)
      tpu.wait_dma2 semaphore(%run_scoped3A : memref<!tpu.dma_semaphore, #tpu.memory_space<semaphore_mem>>) src(%arg5 : memref<80x128xf32, #tpu.memory_space<hbm>>) dst(%arg10 : memref<80x128xf32, #tpu.memory_space<vmem>>)
      tpu.yield
    }) : () -> ()
    %mul3A_1 = arith.constant 8 : i32
    %mul3A_2 = arith.muli %arg1, %mul3A_1 : i32
    %add3A_3 = arith.constant 0 : i32
    %add3A_4 = arith.addi %mul3A_2, %add3A_3 : i32
    %mul3A_5 = arith.constant 80 : i32
    %mul3A_6 = arith.muli %add3A_4, %mul3A_5 : i32
    "tpu.region"() ({
      %run_scoped3A = tpu.sem_alloc : memref<!tpu.dma_semaphore, #tpu.memory_space<semaphore_mem>>
      %dma_start3A = arith.constant 0 : i32
      %dma_start3A_107 = tpu.memref_slice %arg11[%mul3A_6, %dma_start3A] : memref<10240x128xf32, #tpu.memory_space<vmem_shared>> -> memref<80x128xf32, #tpu.memory_space<vmem_shared>>
      %dma_start3A_108 = arith.constant 0 : i32
      %dma_start3A_109 = tpu.memref_slice %arg11[%mul3A_6, %dma_start3A_108] : memref<10240x128xf32, #tpu.memory_space<vmem_shared>> -> memref<80x128xf32, #tpu.memory_space<vmem_shared>>
      tpu.enqueue_dma source(%arg10 : memref<80x128xf32, #tpu.memory_space<vmem>>) target(%dma_start3A_109 : memref<80x128xf32, #tpu.memory_space<vmem_shared>>) target_semaphore(%run_scoped3A : memref<!tpu.dma_semaphore, #tpu.memory_space<semaphore_mem>>)
      %dma_wait3A = arith.constant 0 : i32
      %dma_wait3A_110 = tpu.memref_slice %arg11[%mul3A_6, %dma_wait3A] : memref<10240x128xf32, #tpu.memory_space<vmem_shared>> -> memref<80x128xf32, #tpu.memory_space<vmem_shared>>
      %dma_wait3A_111 = arith.constant 0 : i32
      %dma_wait3A_112 = tpu.memref_slice %arg11[%mul3A_6, %dma_wait3A_111] : memref<10240x128xf32, #tpu.memory_space<vmem_shared>> -> memref<80x128xf32, #tpu.memory_space<vmem_shared>>
      tpu.wait_dma2 semaphore(%run_scoped3A : memref<!tpu.dma_semaphore, #tpu.memory_space<semaphore_mem>>) src(%arg10 : memref<80x128xf32, #tpu.memory_space<vmem>>) dst(%dma_wait3A_112 : memref<80x128xf32, #tpu.memory_space<vmem_shared>>)
      tpu.yield
    }) : () -> ()
    %mul3A_7 = arith.constant 8 : i32
    %mul3A_8 = arith.muli %arg1, %mul3A_7 : i32
    %add3A_9 = arith.constant 1 : i32
    %add3A_10 = arith.addi %mul3A_8, %add3A_9 : i32
    %mul3A_11 = arith.constant 80 : i32
    %mul3A_12 = arith.muli %add3A_10, %mul3A_11 : i32
    "tpu.region"() ({
      %run_scoped3A = tpu.sem_alloc : memref<!tpu.dma_semaphore, #tpu.memory_space<semaphore_mem>>
      %dma_start3A = arith.constant 0 : i32
      %dma_start3A_107 = tpu.memref_slice %arg11[%mul3A_12, %dma_start3A] : memref<10240x128xf32, #tpu.memory_space<vmem_shared>> -> memref<80x128xf32, #tpu.memory_space<vmem_shared>>
      %dma_start3A_108 = arith.constant 0 : i32
      %dma_start3A_109 = tpu.memref_slice %arg11[%mul3A_12, %dma_start3A_108] : memref<10240x128xf32, #tpu.memory_space<vmem_shared>> -> memref<80x128xf32, #tpu.memory_space<vmem_shared>>
      tpu.enqueue_dma source(%arg10 : memref<80x128xf32, #tpu.memory_space<vmem>>) target(%dma_start3A_109 : memref<80x128xf32, #tpu.memory_space<vmem_shared>>) target_semaphore(%run_scoped3A : memref<!tpu.dma_semaphore, #tpu.memory_space<semaphore_mem>>)
      %dma_wait3A = arith.constant 0 : i32
      %dma_wait3A_110 = tpu.memref_slice %arg11[%mul3A_12, %dma_wait3A] : memref<10240x128xf32, #tpu.memory_space<vmem_shared>> -> memref<80x128xf32, #tpu.memory_space<vmem_shared>>
      %dma_wait3A_111 = arith.constant 0 : i32
      %dma_wait3A_112 = tpu.memref_slice %arg11[%mul3A_12, %dma_wait3A_111] : memref<10240x128xf32, #tpu.memory_space<vmem_shared>> -> memref<80x128xf32, #tpu.memory_space<vmem_shared>>
      tpu.wait_dma2 semaphore(%run_scoped3A : memref<!tpu.dma_semaphore, #tpu.memory_space<semaphore_mem>>) src(%arg10 : memref<80x128xf32, #tpu.memory_space<vmem>>) dst(%dma_wait3A_112 : memref<80x128xf32, #tpu.memory_space<vmem_shared>>)
      tpu.yield
    }) : () -> ()
    %mul3A_13 = arith.constant 8 : i32
    %mul3A_14 = arith.muli %arg1, %mul3A_13 : i32
    %add3A_15 = arith.constant 2 : i32
    %add3A_16 = arith.addi %mul3A_14, %add3A_15 : i32
    %mul3A_17 = arith.constant 80 : i32
    %mul3A_18 = arith.muli %add3A_16, %mul3A_17 : i32
    "tpu.region"() ({
      %run_scoped3A = tpu.sem_alloc : memref<!tpu.dma_semaphore, #tpu.memory_space<semaphore_mem>>
      %dma_start3A = arith.constant 0 : i32
      %dma_start3A_107 = tpu.memref_slice %arg11[%mul3A_18, %dma_start3A] : memref<10240x128xf32, #tpu.memory_space<vmem_shared>> -> memref<80x128xf32, #tpu.memory_space<vmem_shared>>
      %dma_start3A_108 = arith.constant 0 : i32
      %dma_start3A_109 = tpu.memref_slice %arg11[%mul3A_18, %dma_start3A_108] : memref<10240x128xf32, #tpu.memory_space<vmem_shared>> -> memref<80x128xf32, #tpu.memory_space<vmem_shared>>
      tpu.enqueue_dma source(%arg10 : memref<80x128xf32, #tpu.memory_space<vmem>>) target(%dma_start3A_109 : memref<80x128xf32, #tpu.memory_space<vmem_shared>>) target_semaphore(%run_scoped3A : memref<!tpu.dma_semaphore, #tpu.memory_space<semaphore_mem>>)
      %dma_wait3A = arith.constant 0 : i32
      %dma_wait3A_110 = tpu.memref_slice %arg11[%mul3A_18, %dma_wait3A] : memref<10240x128xf32, #tpu.memory_space<vmem_shared>> -> memref<80x128xf32, #tpu.memory_space<vmem_shared>>
      %dma_wait3A_111 = arith.constant 0 : i32
      %dma_wait3A_112 = tpu.memref_slice %arg11[%mul3A_18, %dma_wait3A_111] : memref<10240x128xf32, #tpu.memory_space<vmem_shared>> -> memref<80x128xf32, #tpu.memory_space<vmem_shared>>
      tpu.wait_dma2 semaphore(%run_scoped3A : memref<!tpu.dma_semaphore, #tpu.memory_space<semaphore_mem>>) src(%arg10 : memref<80x128xf32, #tpu.memory_space<vmem>>) dst(%dma_wait3A_112 : memref<80x128xf32, #tpu.memory_space<vmem_shared>>)
      tpu.yield
    }) : () -> ()
    %mul3A_19 = arith.constant 8 : i32
    %mul3A_20 = arith.muli %arg1, %mul3A_19 : i32
    %add3A_21 = arith.constant 3 : i32
    %add3A_22 = arith.addi %mul3A_20, %add3A_21 : i32
    %mul3A_23 = arith.constant 80 : i32
    %mul3A_24 = arith.muli %add3A_22, %mul3A_23 : i32
    "tpu.region"() ({
      %run_scoped3A = tpu.sem_alloc : memref<!tpu.dma_semaphore, #tpu.memory_space<semaphore_mem>>
      %dma_start3A = arith.constant 0 : i32
      %dma_start3A_107 = tpu.memref_slice %arg11[%mul3A_24, %dma_start3A] : memref<10240x128xf32, #tpu.memory_space<vmem_shared>> -> memref<80x128xf32, #tpu.memory_space<vmem_shared>>
      %dma_start3A_108 = arith.constant 0 : i32
      %dma_start3A_109 = tpu.memref_slice %arg11[%mul3A_24, %dma_start3A_108] : memref<10240x128xf32, #tpu.memory_space<vmem_shared>> -> memref<80x128xf32, #tpu.memory_space<vmem_shared>>
      tpu.enqueue_dma source(%arg10 : memref<80x128xf32, #tpu.memory_space<vmem>>) target(%dma_start3A_109 : memref<80x128xf32, #tpu.memory_space<vmem_shared>>) target_semaphore(%run_scoped3A : memref<!tpu.dma_semaphore, #tpu.memory_space<semaphore_mem>>)
      %dma_wait3A = arith.constant 0 : i32
      %dma_wait3A_110 = tpu.memref_slice %arg11[%mul3A_24, %dma_wait3A] : memref<10240x128xf32, #tpu.memory_space<vmem_shared>> -> memref<80x128xf32, #tpu.memory_space<vmem_shared>>
      %dma_wait3A_111 = arith.constant 0 : i32
      %dma_wait3A_112 = tpu.memref_slice %arg11[%mul3A_24, %dma_wait3A_111] : memref<10240x128xf32, #tpu.memory_space<vmem_shared>> -> memref<80x128xf32, #tpu.memory_space<vmem_shared>>
      tpu.wait_dma2 semaphore(%run_scoped3A : memref<!tpu.dma_semaphore, #tpu.memory_space<semaphore_mem>>) src(%arg10 : memref<80x128xf32, #tpu.memory_space<vmem>>) dst(%dma_wait3A_112 : memref<80x128xf32, #tpu.memory_space<vmem_shared>>)
      tpu.yield
    }) : () -> ()
    %mul3A_25 = arith.constant 8 : i32
    %mul3A_26 = arith.muli %arg1, %mul3A_25 : i32
    %add3A_27 = arith.constant 4 : i32
    %add3A_28 = arith.addi %mul3A_26, %add3A_27 : i32
    %mul3A_29 = arith.constant 80 : i32
    %mul3A_30 = arith.muli %add3A_28, %mul3A_29 : i32
    "tpu.region"() ({
      %run_scoped3A = tpu.sem_alloc : memref<!tpu.dma_semaphore, #tpu.memory_space<semaphore_mem>>
      %dma_start3A = arith.constant 0 : i32
      %dma_start3A_107 = tpu.memref_slice %arg11[%mul3A_30, %dma_start3A] : memref<10240x128xf32, #tpu.memory_space<vmem_shared>> -> memref<80x128xf32, #tpu.memory_space<vmem_shared>>
      %dma_start3A_108 = arith.constant 0 : i32
      %dma_start3A_109 = tpu.memref_slice %arg11[%mul3A_30, %dma_start3A_108] : memref<10240x128xf32, #tpu.memory_space<vmem_shared>> -> memref<80x128xf32, #tpu.memory_space<vmem_shared>>
      tpu.enqueue_dma source(%arg10 : memref<80x128xf32, #tpu.memory_space<vmem>>) target(%dma_start3A_109 : memref<80x128xf32, #tpu.memory_space<vmem_shared>>) target_semaphore(%run_scoped3A : memref<!tpu.dma_semaphore, #tpu.memory_space<semaphore_mem>>)
      %dma_wait3A = arith.constant 0 : i32
      %dma_wait3A_110 = tpu.memref_slice %arg11[%mul3A_30, %dma_wait3A] : memref<10240x128xf32, #tpu.memory_space<vmem_shared>> -> memref<80x128xf32, #tpu.memory_space<vmem_shared>>
      %dma_wait3A_111 = arith.constant 0 : i32
      %dma_wait3A_112 = tpu.memref_slice %arg11[%mul3A_30, %dma_wait3A_111] : memref<10240x128xf32, #tpu.memory_space<vmem_shared>> -> memref<80x128xf32, #tpu.memory_space<vmem_shared>>
      tpu.wait_dma2 semaphore(%run_scoped3A : memref<!tpu.dma_semaphore, #tpu.memory_space<semaphore_mem>>) src(%arg10 : memref<80x128xf32, #tpu.memory_space<vmem>>) dst(%dma_wait3A_112 : memref<80x128xf32, #tpu.memory_space<vmem_shared>>)
      tpu.yield
    }) : () -> ()
    %mul3A_31 = arith.constant 8 : i32
    %mul3A_32 = arith.muli %arg1, %mul3A_31 : i32
    %add3A_33 = arith.constant 5 : i32
    %add3A_34 = arith.addi %mul3A_32, %add3A_33 : i32
    %mul3A_35 = arith.constant 80 : i32
    %mul3A_36 = arith.muli %add3A_34, %mul3A_35 : i32
    "tpu.region"() ({
      %run_scoped3A = tpu.sem_alloc : memref<!tpu.dma_semaphore, #tpu.memory_space<semaphore_mem>>
      %dma_start3A = arith.constant 0 : i32
      %dma_start3A_107 = tpu.memref_slice %arg11[%mul3A_36, %dma_start3A] : memref<10240x128xf32, #tpu.memory_space<vmem_shared>> -> memref<80x128xf32, #tpu.memory_space<vmem_shared>>
      %dma_start3A_108 = arith.constant 0 : i32
      %dma_start3A_109 = tpu.memref_slice %arg11[%mul3A_36, %dma_start3A_108] : memref<10240x128xf32, #tpu.memory_space<vmem_shared>> -> memref<80x128xf32, #tpu.memory_space<vmem_shared>>
      tpu.enqueue_dma source(%arg10 : memref<80x128xf32, #tpu.memory_space<vmem>>) target(%dma_start3A_109 : memref<80x128xf32, #tpu.memory_space<vmem_shared>>) target_semaphore(%run_scoped3A : memref<!tpu.dma_semaphore, #tpu.memory_space<semaphore_mem>>)
      %dma_wait3A = arith.constant 0 : i32
      %dma_wait3A_110 = tpu.memref_slice %arg11[%mul3A_36, %dma_wait3A] : memref<10240x128xf32, #tpu.memory_space<vmem_shared>> -> memref<80x128xf32, #tpu.memory_space<vmem_shared>>
      %dma_wait3A_111 = arith.constant 0 : i32
      %dma_wait3A_112 = tpu.memref_slice %arg11[%mul3A_36, %dma_wait3A_111] : memref<10240x128xf32, #tpu.memory_space<vmem_shared>> -> memref<80x128xf32, #tpu.memory_space<vmem_shared>>
      tpu.wait_dma2 semaphore(%run_scoped3A : memref<!tpu.dma_semaphore, #tpu.memory_space<semaphore_mem>>) src(%arg10 : memref<80x128xf32, #tpu.memory_space<vmem>>) dst(%dma_wait3A_112 : memref<80x128xf32, #tpu.memory_space<vmem_shared>>)
      tpu.yield
    }) : () -> ()
    %mul3A_37 = arith.constant 8 : i32
    %mul3A_38 = arith.muli %arg1, %mul3A_37 : i32
    %add3A_39 = arith.constant 6 : i32
    %add3A_40 = arith.addi %mul3A_38, %add3A_39 : i32
    %mul3A_41 = arith.constant 80 : i32
    %mul3A_42 = arith.muli %add3A_40, %mul3A_41 : i32
    "tpu.region"() ({
      %run_scoped3A = tpu.sem_alloc : memref<!tpu.dma_semaphore, #tpu.memory_space<semaphore_mem>>
      %dma_start3A = arith.constant 0 : i32
      %dma_start3A_107 = tpu.memref_slice %arg11[%mul3A_42, %dma_start3A] : memref<10240x128xf32, #tpu.memory_space<vmem_shared>> -> memref<80x128xf32, #tpu.memory_space<vmem_shared>>
      %dma_start3A_108 = arith.constant 0 : i32
      %dma_start3A_109 = tpu.memref_slice %arg11[%mul3A_42, %dma_start3A_108] : memref<10240x128xf32, #tpu.memory_space<vmem_shared>> -> memref<80x128xf32, #tpu.memory_space<vmem_shared>>
      tpu.enqueue_dma source(%arg10 : memref<80x128xf32, #tpu.memory_space<vmem>>) target(%dma_start3A_109 : memref<80x128xf32, #tpu.memory_space<vmem_shared>>) target_semaphore(%run_scoped3A : memref<!tpu.dma_semaphore, #tpu.memory_space<semaphore_mem>>)
      %dma_wait3A = arith.constant 0 : i32
      %dma_wait3A_110 = tpu.memref_slice %arg11[%mul3A_42, %dma_wait3A] : memref<10240x128xf32, #tpu.memory_space<vmem_shared>> -> memref<80x128xf32, #tpu.memory_space<vmem_shared>>
      %dma_wait3A_111 = arith.constant 0 : i32
      %dma_wait3A_112 = tpu.memref_slice %arg11[%mul3A_42, %dma_wait3A_111] : memref<10240x128xf32, #tpu.memory_space<vmem_shared>> -> memref<80x128xf32, #tpu.memory_space<vmem_shared>>
      tpu.wait_dma2 semaphore(%run_scoped3A : memref<!tpu.dma_semaphore, #tpu.memory_space<semaphore_mem>>) src(%arg10 : memref<80x128xf32, #tpu.memory_space<vmem>>) dst(%dma_wait3A_112 : memref<80x128xf32, #tpu.memory_space<vmem_shared>>)
      tpu.yield
    }) : () -> ()
    %mul3A_43 = arith.constant 8 : i32
    %mul3A_44 = arith.muli %arg1, %mul3A_43 : i32
    %add3A_45 = arith.constant 7 : i32
    %add3A_46 = arith.addi %mul3A_44, %add3A_45 : i32
    %mul3A_47 = arith.constant 80 : i32
    %mul3A_48 = arith.muli %add3A_46, %mul3A_47 : i32
    "tpu.region"() ({
      %run_scoped3A = tpu.sem_alloc : memref<!tpu.dma_semaphore, #tpu.memory_space<semaphore_mem>>
      %dma_start3A = arith.constant 0 : i32
      %dma_start3A_107 = tpu.memref_slice %arg11[%mul3A_48, %dma_start3A] : memref<10240x128xf32, #tpu.memory_space<vmem_shared>> -> memref<80x128xf32, #tpu.memory_space<vmem_shared>>
      %dma_start3A_108 = arith.constant 0 : i32
      %dma_start3A_109 = tpu.memref_slice %arg11[%mul3A_48, %dma_start3A_108] : memref<10240x128xf32, #tpu.memory_space<vmem_shared>> -> memref<80x128xf32, #tpu.memory_space<vmem_shared>>
      tpu.enqueue_dma source(%arg10 : memref<80x128xf32, #tpu.memory_space<vmem>>) target(%dma_start3A_109 : memref<80x128xf32, #tpu.memory_space<vmem_shared>>) target_semaphore(%run_scoped3A : memref<!tpu.dma_semaphore, #tpu.memory_space<semaphore_mem>>)
      %dma_wait3A = arith.constant 0 : i32
      %dma_wait3A_110 = tpu.memref_slice %arg11[%mul3A_48, %dma_wait3A] : memref<10240x128xf32, #tpu.memory_space<vmem_shared>> -> memref<80x128xf32, #tpu.memory_space<vmem_shared>>
      %dma_wait3A_111 = arith.constant 0 : i32
      %dma_wait3A_112 = tpu.memref_slice %arg11[%mul3A_48, %dma_wait3A_111] : memref<10240x128xf32, #tpu.memory_space<vmem_shared>> -> memref<80x128xf32, #tpu.memory_space<vmem_shared>>
      tpu.wait_dma2 semaphore(%run_scoped3A : memref<!tpu.dma_semaphore, #tpu.memory_space<semaphore_mem>>) src(%arg10 : memref<80x128xf32, #tpu.memory_space<vmem>>) dst(%dma_wait3A_112 : memref<80x128xf32, #tpu.memory_space<vmem_shared>>)
      tpu.yield
    }) : () -> ()
    %barrier3A = arith.constant 0 : index
    tpu.barrier barrier_id(%barrier3A)
    %scan3A = arith.constant 0 : i32
    %scan3A_49 = arith.constant 10 : i32
    %scan3A_50 = arith.addi %scan3A, %scan3A_49 : i32
    %scan3A_51 = arith.constant 1 : i32
    scf.for %scan3A_107 = %scan3A to %scan3A_50 step %scan3A_51  : i32 {
      %mul3A_108 = arith.constant 1 : i32
      %mul3A_109 = arith.muli %scan3A_107, %mul3A_108 : i32
      %add3A_110 = arith.constant 0 : i32
      %add3A_111 = arith.addi %add3A_110, %mul3A_109 : i32
      %mul3A_112 = arith.constant 80 : i32
      %mul3A_113 = arith.muli %add3A, %mul3A_112 : i32
      %mul3A_114 = arith.constant 8 : i32
      %mul3A_115 = arith.muli %add3A_111, %mul3A_114 : i32
      %add3A_116 = arith.addi %mul3A_113, %mul3A_115 : i32
      "tpu.region"() ({
        %run_scoped3A = tpu.sem_alloc : memref<!tpu.dma_semaphore, #tpu.memory_space<semaphore_mem>>
        %dma_start3A_339 = arith.constant 0 : i32
        %dma_start3A_340 = tpu.memref_slice %arg3[%add3A_116, %dma_start3A_339] : memref<2560x125xi32, #tpu.memory_space<hbm>> -> memref<8x125xi32, #tpu.memory_space<hbm>>
        %dma_start3A_341 = arith.constant 0 : i32
        %dma_start3A_342 = tpu.memref_slice %arg3[%add3A_116, %dma_start3A_341] : memref<2560x125xi32, #tpu.memory_space<hbm>> -> memref<8x125xi32, #tpu.memory_space<hbm>>
        tpu.enqueue_dma source(%dma_start3A_342 : memref<8x125xi32, #tpu.memory_space<hbm>>) target(%arg7 : memref<8x125xi32, #tpu.memory_space<vmem>>) target_semaphore(%run_scoped3A : memref<!tpu.dma_semaphore, #tpu.memory_space<semaphore_mem>>)
        %dma_wait3A_343 = arith.constant 0 : i32
        %dma_wait3A_344 = tpu.memref_slice %arg3[%add3A_116, %dma_wait3A_343] : memref<2560x125xi32, #tpu.memory_space<hbm>> -> memref<8x125xi32, #tpu.memory_space<hbm>>
        %dma_wait3A_345 = arith.constant 0 : i32
        %dma_wait3A_346 = tpu.memref_slice %arg3[%add3A_116, %dma_wait3A_345] : memref<2560x125xi32, #tpu.memory_space<hbm>> -> memref<8x125xi32, #tpu.memory_space<hbm>>
        tpu.wait_dma2 semaphore(%run_scoped3A : memref<!tpu.dma_semaphore, #tpu.memory_space<semaphore_mem>>) src(%dma_wait3A_346 : memref<8x125xi32, #tpu.memory_space<hbm>>) dst(%arg7 : memref<8x125xi32, #tpu.memory_space<vmem>>)
        tpu.yield
      }) : () -> ()
      "tpu.region"() ({
        %run_scoped3A = tpu.sem_alloc : memref<!tpu.dma_semaphore, #tpu.memory_space<semaphore_mem>>
        %dma_start3A_339 = arith.constant 0 : i32
        %dma_start3A_340 = tpu.memref_slice %arg4[%add3A_116, %dma_start3A_339] : memref<2560x125xi32, #tpu.memory_space<hbm>> -> memref<8x125xi32, #tpu.memory_space<hbm>>
        %dma_start3A_341 = arith.constant 0 : i32
        %dma_start3A_342 = tpu.memref_slice %arg4[%add3A_116, %dma_start3A_341] : memref<2560x125xi32, #tpu.memory_space<hbm>> -> memref<8x125xi32, #tpu.memory_space<hbm>>
        tpu.enqueue_dma source(%dma_start3A_342 : memref<8x125xi32, #tpu.memory_space<hbm>>) target(%arg8 : memref<8x125xi32, #tpu.memory_space<vmem>>) target_semaphore(%run_scoped3A : memref<!tpu.dma_semaphore, #tpu.memory_space<semaphore_mem>>)
        %dma_wait3A_343 = arith.constant 0 : i32
        %dma_wait3A_344 = tpu.memref_slice %arg4[%add3A_116, %dma_wait3A_343] : memref<2560x125xi32, #tpu.memory_space<hbm>> -> memref<8x125xi32, #tpu.memory_space<hbm>>
        %dma_wait3A_345 = arith.constant 0 : i32
        %dma_wait3A_346 = tpu.memref_slice %arg4[%add3A_116, %dma_wait3A_345] : memref<2560x125xi32, #tpu.memory_space<hbm>> -> memref<8x125xi32, #tpu.memory_space<hbm>>
        tpu.wait_dma2 semaphore(%run_scoped3A : memref<!tpu.dma_semaphore, #tpu.memory_space<semaphore_mem>>) src(%dma_wait3A_346 : memref<8x125xi32, #tpu.memory_space<hbm>>) dst(%arg8 : memref<8x125xi32, #tpu.memory_space<vmem>>)
        tpu.yield
      }) : () -> ()
      %dma_start3A = arith.constant 0 : i32
      %dma_start3A_117 = arith.constant 0 : i32
      %dma_start3A_118 = tpu.memref_slice %arg7[%dma_start3A, %dma_start3A_117] : memref<8x125xi32, #tpu.memory_space<vmem>> -> memref<1x125xi32, #tpu.memory_space<vmem>>
      %dma_start3A_119 = tpu.memref_squeeze %dma_start3A_118 : memref<1x125xi32, #tpu.memory_space<vmem>> -> memref<125xi32, #tpu.memory_space<vmem>>
      %dma_start3A_120 = arith.constant 0 : i32
      %dma_start3A_121 = arith.constant 0 : i32
      %dma_start3A_122 = tpu.memref_slice %arg2[%dma_start3A_120, %dma_start3A_121] : memref<10000x128xf32, #tpu.memory_space<hbm>> -> memref<10000x128xf32, #tpu.memory_space<hbm>>
      tpu.enqueue_indirect_dma source(%dma_start3A_122 : memref<10000x128xf32, #tpu.memory_space<hbm>>) target(%arg9 : memref<125x128xf32, #tpu.memory_space<vmem>>) offsets(%dma_start3A_119 : memref<125xi32, #tpu.memory_space<vmem>>) semaphore(%arg13 : memref<!tpu.dma_semaphore, #tpu.memory_space<semaphore_mem>>)
      %dma_wait3A = arith.constant 0 : i32
      %dma_wait3A_123 = arith.constant 0 : i32
      %dma_wait3A_124 = tpu.memref_slice %arg7[%dma_wait3A, %dma_wait3A_123] : memref<8x125xi32, #tpu.memory_space<vmem>> -> memref<1x125xi32, #tpu.memory_space<vmem>>
      %dma_wait3A_125 = tpu.memref_squeeze %dma_wait3A_124 : memref<1x125xi32, #tpu.memory_space<vmem>> -> memref<125xi32, #tpu.memory_space<vmem>>
      %dma_wait3A_126 = arith.constant 0 : i32
      %dma_wait3A_127 = arith.constant 0 : i32
      %dma_wait3A_128 = tpu.memref_slice %arg2[%dma_wait3A_126, %dma_wait3A_127] : memref<10000x128xf32, #tpu.memory_space<hbm>> -> memref<10000x128xf32, #tpu.memory_space<hbm>>
      tpu.wait_indirect_dma semaphore(%arg13 : memref<!tpu.dma_semaphore, #tpu.memory_space<semaphore_mem>>) src(%dma_wait3A_128 : memref<10000x128xf32, #tpu.memory_space<hbm>>) dst(%arg9 : memref<125x128xf32, #tpu.memory_space<vmem>>)
      %dma_start3A_129 = arith.constant 0 : i32
      %dma_start3A_130 = arith.constant 0 : i32
      %dma_start3A_131 = tpu.memref_slice %arg8[%dma_start3A_129, %dma_start3A_130] : memref<8x125xi32, #tpu.memory_space<vmem>> -> memref<1x125xi32, #tpu.memory_space<vmem>>
      %dma_start3A_132 = tpu.memref_squeeze %dma_start3A_131 : memref<1x125xi32, #tpu.memory_space<vmem>> -> memref<125xi32, #tpu.memory_space<vmem>>
      %dma_start3A_133 = arith.constant 0 : i32
      %dma_start3A_134 = arith.constant 0 : i32
      %dma_start3A_135 = tpu.memref_slice %arg11[%dma_start3A_133, %dma_start3A_134] : memref<10240x128xf32, #tpu.memory_space<vmem_shared>> -> memref<10240x128xf32, #tpu.memory_space<vmem_shared>>
      tpu.enqueue_indirect_dma source(%arg9 : memref<125x128xf32, #tpu.memory_space<vmem>>) target(%dma_start3A_135 : memref<10240x128xf32, #tpu.memory_space<vmem_shared>>) offsets(%dma_start3A_132 : memref<125xi32, #tpu.memory_space<vmem>>) semaphore(%arg15 : memref<!tpu.dma_semaphore, #tpu.memory_space<semaphore_mem>>) {add = true}
      %dma_start3A_136 = arith.constant 1 : i32
      %dma_start3A_137 = arith.constant 0 : i32
      %dma_start3A_138 = tpu.memref_slice %arg7[%dma_start3A_136, %dma_start3A_137] : memref<8x125xi32, #tpu.memory_space<vmem>> -> memref<1x125xi32, #tpu.memory_space<vmem>>
      %dma_start3A_139 = tpu.memref_squeeze %dma_start3A_138 : memref<1x125xi32, #tpu.memory_space<vmem>> -> memref<125xi32, #tpu.memory_space<vmem>>
      %dma_start3A_140 = arith.constant 0 : i32
      %dma_start3A_141 = arith.constant 0 : i32
      %dma_start3A_142 = tpu.memref_slice %arg2[%dma_start3A_140, %dma_start3A_141] : memref<10000x128xf32, #tpu.memory_space<hbm>> -> memref<10000x128xf32, #tpu.memory_space<hbm>>
      tpu.enqueue_indirect_dma source(%dma_start3A_142 : memref<10000x128xf32, #tpu.memory_space<hbm>>) target(%arg12 : memref<125x128xf32, #tpu.memory_space<vmem>>) offsets(%dma_start3A_139 : memref<125xi32, #tpu.memory_space<vmem>>) semaphore(%arg14 : memref<!tpu.dma_semaphore, #tpu.memory_space<semaphore_mem>>)
      %dma_wait3A_143 = arith.constant 1 : i32
      %dma_wait3A_144 = arith.constant 0 : i32
      %dma_wait3A_145 = tpu.memref_slice %arg7[%dma_wait3A_143, %dma_wait3A_144] : memref<8x125xi32, #tpu.memory_space<vmem>> -> memref<1x125xi32, #tpu.memory_space<vmem>>
      %dma_wait3A_146 = tpu.memref_squeeze %dma_wait3A_145 : memref<1x125xi32, #tpu.memory_space<vmem>> -> memref<125xi32, #tpu.memory_space<vmem>>
      %dma_wait3A_147 = arith.constant 0 : i32
      %dma_wait3A_148 = arith.constant 0 : i32
      %dma_wait3A_149 = tpu.memref_slice %arg2[%dma_wait3A_147, %dma_wait3A_148] : memref<10000x128xf32, #tpu.memory_space<hbm>> -> memref<10000x128xf32, #tpu.memory_space<hbm>>
      tpu.wait_indirect_dma semaphore(%arg14 : memref<!tpu.dma_semaphore, #tpu.memory_space<semaphore_mem>>) src(%dma_wait3A_149 : memref<10000x128xf32, #tpu.memory_space<hbm>>) dst(%arg12 : memref<125x128xf32, #tpu.memory_space<vmem>>)
      %dma_start3A_150 = arith.constant 1 : i32
      %dma_start3A_151 = arith.constant 0 : i32
      %dma_start3A_152 = tpu.memref_slice %arg8[%dma_start3A_150, %dma_start3A_151] : memref<8x125xi32, #tpu.memory_space<vmem>> -> memref<1x125xi32, #tpu.memory_space<vmem>>
      %dma_start3A_153 = tpu.memref_squeeze %dma_start3A_152 : memref<1x125xi32, #tpu.memory_space<vmem>> -> memref<125xi32, #tpu.memory_space<vmem>>
      %dma_start3A_154 = arith.constant 0 : i32
      %dma_start3A_155 = arith.constant 0 : i32
      %dma_start3A_156 = tpu.memref_slice %arg11[%dma_start3A_154, %dma_start3A_155] : memref<10240x128xf32, #tpu.memory_space<vmem_shared>> -> memref<10240x128xf32, #tpu.memory_space<vmem_shared>>
      tpu.enqueue_indirect_dma source(%arg12 : memref<125x128xf32, #tpu.memory_space<vmem>>) target(%dma_start3A_156 : memref<10240x128xf32, #tpu.memory_space<vmem_shared>>) offsets(%dma_start3A_153 : memref<125xi32, #tpu.memory_space<vmem>>) semaphore(%arg16 : memref<!tpu.dma_semaphore, #tpu.memory_space<semaphore_mem>>) {add = true}
      %dma_wait3A_157 = arith.constant 1 : i32
      %dma_wait3A_158 = arith.constant 0 : i32
      %dma_wait3A_159 = tpu.memref_slice %arg8[%dma_wait3A_157, %dma_wait3A_158] : memref<8x125xi32, #tpu.memory_space<vmem>> -> memref<1x125xi32, #tpu.memory_space<vmem>>
      %dma_wait3A_160 = tpu.memref_squeeze %dma_wait3A_159 : memref<1x125xi32, #tpu.memory_space<vmem>> -> memref<125xi32, #tpu.memory_space<vmem>>
      %dma_wait3A_161 = arith.constant 0 : i32
      %dma_wait3A_162 = arith.constant 0 : i32
      %dma_wait3A_163 = tpu.memref_slice %arg11[%dma_wait3A_161, %dma_wait3A_162] : memref<10240x128xf32, #tpu.memory_space<vmem_shared>> -> memref<10240x128xf32, #tpu.memory_space<vmem_shared>>
      tpu.wait_indirect_dma semaphore(%arg15 : memref<!tpu.dma_semaphore, #tpu.memory_space<semaphore_mem>>) src(%arg9 : memref<125x128xf32, #tpu.memory_space<vmem>>) dst(%dma_wait3A_163 : memref<10240x128xf32, #tpu.memory_space<vmem_shared>>)
      %dma_start3A_164 = arith.constant 2 : i32
      %dma_start3A_165 = arith.constant 0 : i32
      %dma_start3A_166 = tpu.memref_slice %arg7[%dma_start3A_164, %dma_start3A_165] : memref<8x125xi32, #tpu.memory_space<vmem>> -> memref<1x125xi32, #tpu.memory_space<vmem>>
      %dma_start3A_167 = tpu.memref_squeeze %dma_start3A_166 : memref<1x125xi32, #tpu.memory_space<vmem>> -> memref<125xi32, #tpu.memory_space<vmem>>
      %dma_start3A_168 = arith.constant 0 : i32
      %dma_start3A_169 = arith.constant 0 : i32
      %dma_start3A_170 = tpu.memref_slice %arg2[%dma_start3A_168, %dma_start3A_169] : memref<10000x128xf32, #tpu.memory_space<hbm>> -> memref<10000x128xf32, #tpu.memory_space<hbm>>
      tpu.enqueue_indirect_dma source(%dma_start3A_170 : memref<10000x128xf32, #tpu.memory_space<hbm>>) target(%arg9 : memref<125x128xf32, #tpu.memory_space<vmem>>) offsets(%dma_start3A_167 : memref<125xi32, #tpu.memory_space<vmem>>) semaphore(%arg13 : memref<!tpu.dma_semaphore, #tpu.memory_space<semaphore_mem>>)
      %dma_wait3A_171 = arith.constant 2 : i32
      %dma_wait3A_172 = arith.constant 0 : i32
      %dma_wait3A_173 = tpu.memref_slice %arg7[%dma_wait3A_171, %dma_wait3A_172] : memref<8x125xi32, #tpu.memory_space<vmem>> -> memref<1x125xi32, #tpu.memory_space<vmem>>
      %dma_wait3A_174 = tpu.memref_squeeze %dma_wait3A_173 : memref<1x125xi32, #tpu.memory_space<vmem>> -> memref<125xi32, #tpu.memory_space<vmem>>
      %dma_wait3A_175 = arith.constant 0 : i32
      %dma_wait3A_176 = arith.constant 0 : i32
      %dma_wait3A_177 = tpu.memref_slice %arg2[%dma_wait3A_175, %dma_wait3A_176] : memref<10000x128xf32, #tpu.memory_space<hbm>> -> memref<10000x128xf32, #tpu.memory_space<hbm>>
      tpu.wait_indirect_dma semaphore(%arg13 : memref<!tpu.dma_semaphore, #tpu.memory_space<semaphore_mem>>) src(%dma_wait3A_177 : memref<10000x128xf32, #tpu.memory_space<hbm>>) dst(%arg9 : memref<125x128xf32, #tpu.memory_space<vmem>>)
      %dma_start3A_178 = arith.constant 2 : i32
      %dma_start3A_179 = arith.constant 0 : i32
      %dma_start3A_180 = tpu.memref_slice %arg8[%dma_start3A_178, %dma_start3A_179] : memref<8x125xi32, #tpu.memory_space<vmem>> -> memref<1x125xi32, #tpu.memory_space<vmem>>
      %dma_start3A_181 = tpu.memref_squeeze %dma_start3A_180 : memref<1x125xi32, #tpu.memory_space<vmem>> -> memref<125xi32, #tpu.memory_space<vmem>>
      %dma_start3A_182 = arith.constant 0 : i32
      %dma_start3A_183 = arith.constant 0 : i32
      %dma_start3A_184 = tpu.memref_slice %arg11[%dma_start3A_182, %dma_start3A_183] : memref<10240x128xf32, #tpu.memory_space<vmem_shared>> -> memref<10240x128xf32, #tpu.memory_space<vmem_shared>>
      tpu.enqueue_indirect_dma source(%arg9 : memref<125x128xf32, #tpu.memory_space<vmem>>) target(%dma_start3A_184 : memref<10240x128xf32, #tpu.memory_space<vmem_shared>>) offsets(%dma_start3A_181 : memref<125xi32, #tpu.memory_space<vmem>>) semaphore(%arg15 : memref<!tpu.dma_semaphore, #tpu.memory_space<semaphore_mem>>) {add = true}
      %dma_wait3A_185 = arith.constant 2 : i32
      %dma_wait3A_186 = arith.constant 0 : i32
      %dma_wait3A_187 = tpu.memref_slice %arg8[%dma_wait3A_185, %dma_wait3A_186] : memref<8x125xi32, #tpu.memory_space<vmem>> -> memref<1x125xi32, #tpu.memory_space<vmem>>
      %dma_wait3A_188 = tpu.memref_squeeze %dma_wait3A_187 : memref<1x125xi32, #tpu.memory_space<vmem>> -> memref<125xi32, #tpu.memory_space<vmem>>
      %dma_wait3A_189 = arith.constant 0 : i32
      %dma_wait3A_190 = arith.constant 0 : i32
      %dma_wait3A_191 = tpu.memref_slice %arg11[%dma_wait3A_189, %dma_wait3A_190] : memref<10240x128xf32, #tpu.memory_space<vmem_shared>> -> memref<10240x128xf32, #tpu.memory_space<vmem_shared>>
      tpu.wait_indirect_dma semaphore(%arg16 : memref<!tpu.dma_semaphore, #tpu.memory_space<semaphore_mem>>) src(%arg12 : memref<125x128xf32, #tpu.memory_space<vmem>>) dst(%dma_wait3A_191 : memref<10240x128xf32, #tpu.memory_space<vmem_shared>>)
      %dma_start3A_192 = arith.constant 3 : i32
      %dma_start3A_193 = arith.constant 0 : i32
      %dma_start3A_194 = tpu.memref_slice %arg7[%dma_start3A_192, %dma_start3A_193] : memref<8x125xi32, #tpu.memory_space<vmem>> -> memref<1x125xi32, #tpu.memory_space<vmem>>
      %dma_start3A_195 = tpu.memref_squeeze %dma_start3A_194 : memref<1x125xi32, #tpu.memory_space<vmem>> -> memref<125xi32, #tpu.memory_space<vmem>>
      %dma_start3A_196 = arith.constant 0 : i32
      %dma_start3A_197 = arith.constant 0 : i32
      %dma_start3A_198 = tpu.memref_slice %arg2[%dma_start3A_196, %dma_start3A_197] : memref<10000x128xf32, #tpu.memory_space<hbm>> -> memref<10000x128xf32, #tpu.memory_space<hbm>>
      tpu.enqueue_indirect_dma source(%dma_start3A_198 : memref<10000x128xf32, #tpu.memory_space<hbm>>) target(%arg12 : memref<125x128xf32, #tpu.memory_space<vmem>>) offsets(%dma_start3A_195 : memref<125xi32, #tpu.memory_space<vmem>>) semaphore(%arg14 : memref<!tpu.dma_semaphore, #tpu.memory_space<semaphore_mem>>)
      %dma_wait3A_199 = arith.constant 3 : i32
      %dma_wait3A_200 = arith.constant 0 : i32
      %dma_wait3A_201 = tpu.memref_slice %arg7[%dma_wait3A_199, %dma_wait3A_200] : memref<8x125xi32, #tpu.memory_space<vmem>> -> memref<1x125xi32, #tpu.memory_space<vmem>>
      %dma_wait3A_202 = tpu.memref_squeeze %dma_wait3A_201 : memref<1x125xi32, #tpu.memory_space<vmem>> -> memref<125xi32, #tpu.memory_space<vmem>>
      %dma_wait3A_203 = arith.constant 0 : i32
      %dma_wait3A_204 = arith.constant 0 : i32
      %dma_wait3A_205 = tpu.memref_slice %arg2[%dma_wait3A_203, %dma_wait3A_204] : memref<10000x128xf32, #tpu.memory_space<hbm>> -> memref<10000x128xf32, #tpu.memory_space<hbm>>
      tpu.wait_indirect_dma semaphore(%arg14 : memref<!tpu.dma_semaphore, #tpu.memory_space<semaphore_mem>>) src(%dma_wait3A_205 : memref<10000x128xf32, #tpu.memory_space<hbm>>) dst(%arg12 : memref<125x128xf32, #tpu.memory_space<vmem>>)
      %dma_start3A_206 = arith.constant 3 : i32
      %dma_start3A_207 = arith.constant 0 : i32
      %dma_start3A_208 = tpu.memref_slice %arg8[%dma_start3A_206, %dma_start3A_207] : memref<8x125xi32, #tpu.memory_space<vmem>> -> memref<1x125xi32, #tpu.memory_space<vmem>>
      %dma_start3A_209 = tpu.memref_squeeze %dma_start3A_208 : memref<1x125xi32, #tpu.memory_space<vmem>> -> memref<125xi32, #tpu.memory_space<vmem>>
      %dma_start3A_210 = arith.constant 0 : i32
      %dma_start3A_211 = arith.constant 0 : i32
      %dma_start3A_212 = tpu.memref_slice %arg11[%dma_start3A_210, %dma_start3A_211] : memref<10240x128xf32, #tpu.memory_space<vmem_shared>> -> memref<10240x128xf32, #tpu.memory_space<vmem_shared>>
      tpu.enqueue_indirect_dma source(%arg12 : memref<125x128xf32, #tpu.memory_space<vmem>>) target(%dma_start3A_212 : memref<10240x128xf32, #tpu.memory_space<vmem_shared>>) offsets(%dma_start3A_209 : memref<125xi32, #tpu.memory_space<vmem>>) semaphore(%arg16 : memref<!tpu.dma_semaphore, #tpu.memory_space<semaphore_mem>>) {add = true}
      %dma_wait3A_213 = arith.constant 3 : i32
      %dma_wait3A_214 = arith.constant 0 : i32
      %dma_wait3A_215 = tpu.memref_slice %arg8[%dma_wait3A_213, %dma_wait3A_214] : memref<8x125xi32, #tpu.memory_space<vmem>> -> memref<1x125xi32, #tpu.memory_space<vmem>>
      %dma_wait3A_216 = tpu.memref_squeeze %dma_wait3A_215 : memref<1x125xi32, #tpu.memory_space<vmem>> -> memref<125xi32, #tpu.memory_space<vmem>>
      %dma_wait3A_217 = arith.constant 0 : i32
      %dma_wait3A_218 = arith.constant 0 : i32
      %dma_wait3A_219 = tpu.memref_slice %arg11[%dma_wait3A_217, %dma_wait3A_218] : memref<10240x128xf32, #tpu.memory_space<vmem_shared>> -> memref<10240x128xf32, #tpu.memory_space<vmem_shared>>
      tpu.wait_indirect_dma semaphore(%arg15 : memref<!tpu.dma_semaphore, #tpu.memory_space<semaphore_mem>>) src(%arg9 : memref<125x128xf32, #tpu.memory_space<vmem>>) dst(%dma_wait3A_219 : memref<10240x128xf32, #tpu.memory_space<vmem_shared>>)
      %dma_start3A_220 = arith.constant 4 : i32
      %dma_start3A_221 = arith.constant 0 : i32
      %dma_start3A_222 = tpu.memref_slice %arg7[%dma_start3A_220, %dma_start3A_221] : memref<8x125xi32, #tpu.memory_space<vmem>> -> memref<1x125xi32, #tpu.memory_space<vmem>>
      %dma_start3A_223 = tpu.memref_squeeze %dma_start3A_222 : memref<1x125xi32, #tpu.memory_space<vmem>> -> memref<125xi32, #tpu.memory_space<vmem>>
      %dma_start3A_224 = arith.constant 0 : i32
      %dma_start3A_225 = arith.constant 0 : i32
      %dma_start3A_226 = tpu.memref_slice %arg2[%dma_start3A_224, %dma_start3A_225] : memref<10000x128xf32, #tpu.memory_space<hbm>> -> memref<10000x128xf32, #tpu.memory_space<hbm>>
      tpu.enqueue_indirect_dma source(%dma_start3A_226 : memref<10000x128xf32, #tpu.memory_space<hbm>>) target(%arg9 : memref<125x128xf32, #tpu.memory_space<vmem>>) offsets(%dma_start3A_223 : memref<125xi32, #tpu.memory_space<vmem>>) semaphore(%arg13 : memref<!tpu.dma_semaphore, #tpu.memory_space<semaphore_mem>>)
      %dma_wait3A_227 = arith.constant 4 : i32
      %dma_wait3A_228 = arith.constant 0 : i32
      %dma_wait3A_229 = tpu.memref_slice %arg7[%dma_wait3A_227, %dma_wait3A_228] : memref<8x125xi32, #tpu.memory_space<vmem>> -> memref<1x125xi32, #tpu.memory_space<vmem>>
      %dma_wait3A_230 = tpu.memref_squeeze %dma_wait3A_229 : memref<1x125xi32, #tpu.memory_space<vmem>> -> memref<125xi32, #tpu.memory_space<vmem>>
      %dma_wait3A_231 = arith.constant 0 : i32
      %dma_wait3A_232 = arith.constant 0 : i32
      %dma_wait3A_233 = tpu.memref_slice %arg2[%dma_wait3A_231, %dma_wait3A_232] : memref<10000x128xf32, #tpu.memory_space<hbm>> -> memref<10000x128xf32, #tpu.memory_space<hbm>>
      tpu.wait_indirect_dma semaphore(%arg13 : memref<!tpu.dma_semaphore, #tpu.memory_space<semaphore_mem>>) src(%dma_wait3A_233 : memref<10000x128xf32, #tpu.memory_space<hbm>>) dst(%arg9 : memref<125x128xf32, #tpu.memory_space<vmem>>)
      %dma_start3A_234 = arith.constant 4 : i32
      %dma_start3A_235 = arith.constant 0 : i32
      %dma_start3A_236 = tpu.memref_slice %arg8[%dma_start3A_234, %dma_start3A_235] : memref<8x125xi32, #tpu.memory_space<vmem>> -> memref<1x125xi32, #tpu.memory_space<vmem>>
      %dma_start3A_237 = tpu.memref_squeeze %dma_start3A_236 : memref<1x125xi32, #tpu.memory_space<vmem>> -> memref<125xi32, #tpu.memory_space<vmem>>
      %dma_start3A_238 = arith.constant 0 : i32
      %dma_start3A_239 = arith.constant 0 : i32
      %dma_start3A_240 = tpu.memref_slice %arg11[%dma_start3A_238, %dma_start3A_239] : memref<10240x128xf32, #tpu.memory_space<vmem_shared>> -> memref<10240x128xf32, #tpu.memory_space<vmem_shared>>
      tpu.enqueue_indirect_dma source(%arg9 : memref<125x128xf32, #tpu.memory_space<vmem>>) target(%dma_start3A_240 : memref<10240x128xf32, #tpu.memory_space<vmem_shared>>) offsets(%dma_start3A_237 : memref<125xi32, #tpu.memory_space<vmem>>) semaphore(%arg15 : memref<!tpu.dma_semaphore, #tpu.memory_space<semaphore_mem>>) {add = true}
      %dma_wait3A_241 = arith.constant 4 : i32
      %dma_wait3A_242 = arith.constant 0 : i32
      %dma_wait3A_243 = tpu.memref_slice %arg8[%dma_wait3A_241, %dma_wait3A_242] : memref<8x125xi32, #tpu.memory_space<vmem>> -> memref<1x125xi32, #tpu.memory_space<vmem>>
      %dma_wait3A_244 = tpu.memref_squeeze %dma_wait3A_243 : memref<1x125xi32, #tpu.memory_space<vmem>> -> memref<125xi32, #tpu.memory_space<vmem>>
      %dma_wait3A_245 = arith.constant 0 : i32
      %dma_wait3A_246 = arith.constant 0 : i32
      %dma_wait3A_247 = tpu.memref_slice %arg11[%dma_wait3A_245, %dma_wait3A_246] : memref<10240x128xf32, #tpu.memory_space<vmem_shared>> -> memref<10240x128xf32, #tpu.memory_space<vmem_shared>>
      tpu.wait_indirect_dma semaphore(%arg16 : memref<!tpu.dma_semaphore, #tpu.memory_space<semaphore_mem>>) src(%arg12 : memref<125x128xf32, #tpu.memory_space<vmem>>) dst(%dma_wait3A_247 : memref<10240x128xf32, #tpu.memory_space<vmem_shared>>)
      %dma_start3A_248 = arith.constant 5 : i32
      %dma_start3A_249 = arith.constant 0 : i32
      %dma_start3A_250 = tpu.memref_slice %arg7[%dma_start3A_248, %dma_start3A_249] : memref<8x125xi32, #tpu.memory_space<vmem>> -> memref<1x125xi32, #tpu.memory_space<vmem>>
      %dma_start3A_251 = tpu.memref_squeeze %dma_start3A_250 : memref<1x125xi32, #tpu.memory_space<vmem>> -> memref<125xi32, #tpu.memory_space<vmem>>
      %dma_start3A_252 = arith.constant 0 : i32
      %dma_start3A_253 = arith.constant 0 : i32
      %dma_start3A_254 = tpu.memref_slice %arg2[%dma_start3A_252, %dma_start3A_253] : memref<10000x128xf32, #tpu.memory_space<hbm>> -> memref<10000x128xf32, #tpu.memory_space<hbm>>
      tpu.enqueue_indirect_dma source(%dma_start3A_254 : memref<10000x128xf32, #tpu.memory_space<hbm>>) target(%arg12 : memref<125x128xf32, #tpu.memory_space<vmem>>) offsets(%dma_start3A_251 : memref<125xi32, #tpu.memory_space<vmem>>) semaphore(%arg14 : memref<!tpu.dma_semaphore, #tpu.memory_space<semaphore_mem>>)
      %dma_wait3A_255 = arith.constant 5 : i32
      %dma_wait3A_256 = arith.constant 0 : i32
      %dma_wait3A_257 = tpu.memref_slice %arg7[%dma_wait3A_255, %dma_wait3A_256] : memref<8x125xi32, #tpu.memory_space<vmem>> -> memref<1x125xi32, #tpu.memory_space<vmem>>
      %dma_wait3A_258 = tpu.memref_squeeze %dma_wait3A_257 : memref<1x125xi32, #tpu.memory_space<vmem>> -> memref<125xi32, #tpu.memory_space<vmem>>
      %dma_wait3A_259 = arith.constant 0 : i32
      %dma_wait3A_260 = arith.constant 0 : i32
      %dma_wait3A_261 = tpu.memref_slice %arg2[%dma_wait3A_259, %dma_wait3A_260] : memref<10000x128xf32, #tpu.memory_space<hbm>> -> memref<10000x128xf32, #tpu.memory_space<hbm>>
      tpu.wait_indirect_dma semaphore(%arg14 : memref<!tpu.dma_semaphore, #tpu.memory_space<semaphore_mem>>) src(%dma_wait3A_261 : memref<10000x128xf32, #tpu.memory_space<hbm>>) dst(%arg12 : memref<125x128xf32, #tpu.memory_space<vmem>>)
      %dma_start3A_262 = arith.constant 5 : i32
      %dma_start3A_263 = arith.constant 0 : i32
      %dma_start3A_264 = tpu.memref_slice %arg8[%dma_start3A_262, %dma_start3A_263] : memref<8x125xi32, #tpu.memory_space<vmem>> -> memref<1x125xi32, #tpu.memory_space<vmem>>
      %dma_start3A_265 = tpu.memref_squeeze %dma_start3A_264 : memref<1x125xi32, #tpu.memory_space<vmem>> -> memref<125xi32, #tpu.memory_space<vmem>>
      %dma_start3A_266 = arith.constant 0 : i32
      %dma_start3A_267 = arith.constant 0 : i32
      %dma_start3A_268 = tpu.memref_slice %arg11[%dma_start3A_266, %dma_start3A_267] : memref<10240x128xf32, #tpu.memory_space<vmem_shared>> -> memref<10240x128xf32, #tpu.memory_space<vmem_shared>>
      tpu.enqueue_indirect_dma source(%arg12 : memref<125x128xf32, #tpu.memory_space<vmem>>) target(%dma_start3A_268 : memref<10240x128xf32, #tpu.memory_space<vmem_shared>>) offsets(%dma_start3A_265 : memref<125xi32, #tpu.memory_space<vmem>>) semaphore(%arg16 : memref<!tpu.dma_semaphore, #tpu.memory_space<semaphore_mem>>) {add = true}
      %dma_wait3A_269 = arith.constant 5 : i32
      %dma_wait3A_270 = arith.constant 0 : i32
      %dma_wait3A_271 = tpu.memref_slice %arg8[%dma_wait3A_269, %dma_wait3A_270] : memref<8x125xi32, #tpu.memory_space<vmem>> -> memref<1x125xi32, #tpu.memory_space<vmem>>
      %dma_wait3A_272 = tpu.memref_squeeze %dma_wait3A_271 : memref<1x125xi32, #tpu.memory_space<vmem>> -> memref<125xi32, #tpu.memory_space<vmem>>
      %dma_wait3A_273 = arith.constant 0 : i32
      %dma_wait3A_274 = arith.constant 0 : i32
      %dma_wait3A_275 = tpu.memref_slice %arg11[%dma_wait3A_273, %dma_wait3A_274] : memref<10240x128xf32, #tpu.memory_space<vmem_shared>> -> memref<10240x128xf32, #tpu.memory_space<vmem_shared>>
      tpu.wait_indirect_dma semaphore(%arg15 : memref<!tpu.dma_semaphore, #tpu.memory_space<semaphore_mem>>) src(%arg9 : memref<125x128xf32, #tpu.memory_space<vmem>>) dst(%dma_wait3A_275 : memref<10240x128xf32, #tpu.memory_space<vmem_shared>>)
      %dma_start3A_276 = arith.constant 6 : i32
      %dma_start3A_277 = arith.constant 0 : i32
      %dma_start3A_278 = tpu.memref_slice %arg7[%dma_start3A_276, %dma_start3A_277] : memref<8x125xi32, #tpu.memory_space<vmem>> -> memref<1x125xi32, #tpu.memory_space<vmem>>
      %dma_start3A_279 = tpu.memref_squeeze %dma_start3A_278 : memref<1x125xi32, #tpu.memory_space<vmem>> -> memref<125xi32, #tpu.memory_space<vmem>>
      %dma_start3A_280 = arith.constant 0 : i32
      %dma_start3A_281 = arith.constant 0 : i32
      %dma_start3A_282 = tpu.memref_slice %arg2[%dma_start3A_280, %dma_start3A_281] : memref<10000x128xf32, #tpu.memory_space<hbm>> -> memref<10000x128xf32, #tpu.memory_space<hbm>>
      tpu.enqueue_indirect_dma source(%dma_start3A_282 : memref<10000x128xf32, #tpu.memory_space<hbm>>) target(%arg9 : memref<125x128xf32, #tpu.memory_space<vmem>>) offsets(%dma_start3A_279 : memref<125xi32, #tpu.memory_space<vmem>>) semaphore(%arg13 : memref<!tpu.dma_semaphore, #tpu.memory_space<semaphore_mem>>)
      %dma_wait3A_283 = arith.constant 6 : i32
      %dma_wait3A_284 = arith.constant 0 : i32
      %dma_wait3A_285 = tpu.memref_slice %arg7[%dma_wait3A_283, %dma_wait3A_284] : memref<8x125xi32, #tpu.memory_space<vmem>> -> memref<1x125xi32, #tpu.memory_space<vmem>>
      %dma_wait3A_286 = tpu.memref_squeeze %dma_wait3A_285 : memref<1x125xi32, #tpu.memory_space<vmem>> -> memref<125xi32, #tpu.memory_space<vmem>>
      %dma_wait3A_287 = arith.constant 0 : i32
      %dma_wait3A_288 = arith.constant 0 : i32
      %dma_wait3A_289 = tpu.memref_slice %arg2[%dma_wait3A_287, %dma_wait3A_288] : memref<10000x128xf32, #tpu.memory_space<hbm>> -> memref<10000x128xf32, #tpu.memory_space<hbm>>
      tpu.wait_indirect_dma semaphore(%arg13 : memref<!tpu.dma_semaphore, #tpu.memory_space<semaphore_mem>>) src(%dma_wait3A_289 : memref<10000x128xf32, #tpu.memory_space<hbm>>) dst(%arg9 : memref<125x128xf32, #tpu.memory_space<vmem>>)
      %dma_start3A_290 = arith.constant 6 : i32
      %dma_start3A_291 = arith.constant 0 : i32
      %dma_start3A_292 = tpu.memref_slice %arg8[%dma_start3A_290, %dma_start3A_291] : memref<8x125xi32, #tpu.memory_space<vmem>> -> memref<1x125xi32, #tpu.memory_space<vmem>>
      %dma_start3A_293 = tpu.memref_squeeze %dma_start3A_292 : memref<1x125xi32, #tpu.memory_space<vmem>> -> memref<125xi32, #tpu.memory_space<vmem>>
      %dma_start3A_294 = arith.constant 0 : i32
      %dma_start3A_295 = arith.constant 0 : i32
      %dma_start3A_296 = tpu.memref_slice %arg11[%dma_start3A_294, %dma_start3A_295] : memref<10240x128xf32, #tpu.memory_space<vmem_shared>> -> memref<10240x128xf32, #tpu.memory_space<vmem_shared>>
      tpu.enqueue_indirect_dma source(%arg9 : memref<125x128xf32, #tpu.memory_space<vmem>>) target(%dma_start3A_296 : memref<10240x128xf32, #tpu.memory_space<vmem_shared>>) offsets(%dma_start3A_293 : memref<125xi32, #tpu.memory_space<vmem>>) semaphore(%arg15 : memref<!tpu.dma_semaphore, #tpu.memory_space<semaphore_mem>>) {add = true}
      %dma_wait3A_297 = arith.constant 6 : i32
      %dma_wait3A_298 = arith.constant 0 : i32
      %dma_wait3A_299 = tpu.memref_slice %arg8[%dma_wait3A_297, %dma_wait3A_298] : memref<8x125xi32, #tpu.memory_space<vmem>> -> memref<1x125xi32, #tpu.memory_space<vmem>>
      %dma_wait3A_300 = tpu.memref_squeeze %dma_wait3A_299 : memref<1x125xi32, #tpu.memory_space<vmem>> -> memref<125xi32, #tpu.memory_space<vmem>>
      %dma_wait3A_301 = arith.constant 0 : i32
      %dma_wait3A_302 = arith.constant 0 : i32
      %dma_wait3A_303 = tpu.memref_slice %arg11[%dma_wait3A_301, %dma_wait3A_302] : memref<10240x128xf32, #tpu.memory_space<vmem_shared>> -> memref<10240x128xf32, #tpu.memory_space<vmem_shared>>
      tpu.wait_indirect_dma semaphore(%arg16 : memref<!tpu.dma_semaphore, #tpu.memory_space<semaphore_mem>>) src(%arg12 : memref<125x128xf32, #tpu.memory_space<vmem>>) dst(%dma_wait3A_303 : memref<10240x128xf32, #tpu.memory_space<vmem_shared>>)
      %dma_start3A_304 = arith.constant 7 : i32
      %dma_start3A_305 = arith.constant 0 : i32
      %dma_start3A_306 = tpu.memref_slice %arg7[%dma_start3A_304, %dma_start3A_305] : memref<8x125xi32, #tpu.memory_space<vmem>> -> memref<1x125xi32, #tpu.memory_space<vmem>>
      %dma_start3A_307 = tpu.memref_squeeze %dma_start3A_306 : memref<1x125xi32, #tpu.memory_space<vmem>> -> memref<125xi32, #tpu.memory_space<vmem>>
      %dma_start3A_308 = arith.constant 0 : i32
      %dma_start3A_309 = arith.constant 0 : i32
      %dma_start3A_310 = tpu.memref_slice %arg2[%dma_start3A_308, %dma_start3A_309] : memref<10000x128xf32, #tpu.memory_space<hbm>> -> memref<10000x128xf32, #tpu.memory_space<hbm>>
      tpu.enqueue_indirect_dma source(%dma_start3A_310 : memref<10000x128xf32, #tpu.memory_space<hbm>>) target(%arg12 : memref<125x128xf32, #tpu.memory_space<vmem>>) offsets(%dma_start3A_307 : memref<125xi32, #tpu.memory_space<vmem>>) semaphore(%arg14 : memref<!tpu.dma_semaphore, #tpu.memory_space<semaphore_mem>>)
      %dma_wait3A_311 = arith.constant 7 : i32
      %dma_wait3A_312 = arith.constant 0 : i32
      %dma_wait3A_313 = tpu.memref_slice %arg7[%dma_wait3A_311, %dma_wait3A_312] : memref<8x125xi32, #tpu.memory_space<vmem>> -> memref<1x125xi32, #tpu.memory_space<vmem>>
      %dma_wait3A_314 = tpu.memref_squeeze %dma_wait3A_313 : memref<1x125xi32, #tpu.memory_space<vmem>> -> memref<125xi32, #tpu.memory_space<vmem>>
      %dma_wait3A_315 = arith.constant 0 : i32
      %dma_wait3A_316 = arith.constant 0 : i32
      %dma_wait3A_317 = tpu.memref_slice %arg2[%dma_wait3A_315, %dma_wait3A_316] : memref<10000x128xf32, #tpu.memory_space<hbm>> -> memref<10000x128xf32, #tpu.memory_space<hbm>>
      tpu.wait_indirect_dma semaphore(%arg14 : memref<!tpu.dma_semaphore, #tpu.memory_space<semaphore_mem>>) src(%dma_wait3A_317 : memref<10000x128xf32, #tpu.memory_space<hbm>>) dst(%arg12 : memref<125x128xf32, #tpu.memory_space<vmem>>)
      %dma_start3A_318 = arith.constant 7 : i32
      %dma_start3A_319 = arith.constant 0 : i32
      %dma_start3A_320 = tpu.memref_slice %arg8[%dma_start3A_318, %dma_start3A_319] : memref<8x125xi32, #tpu.memory_space<vmem>> -> memref<1x125xi32, #tpu.memory_space<vmem>>
      %dma_start3A_321 = tpu.memref_squeeze %dma_start3A_320 : memref<1x125xi32, #tpu.memory_space<vmem>> -> memref<125xi32, #tpu.memory_space<vmem>>
      %dma_start3A_322 = arith.constant 0 : i32
      %dma_start3A_323 = arith.constant 0 : i32
      %dma_start3A_324 = tpu.memref_slice %arg11[%dma_start3A_322, %dma_start3A_323] : memref<10240x128xf32, #tpu.memory_space<vmem_shared>> -> memref<10240x128xf32, #tpu.memory_space<vmem_shared>>
      tpu.enqueue_indirect_dma source(%arg12 : memref<125x128xf32, #tpu.memory_space<vmem>>) target(%dma_start3A_324 : memref<10240x128xf32, #tpu.memory_space<vmem_shared>>) offsets(%dma_start3A_321 : memref<125xi32, #tpu.memory_space<vmem>>) semaphore(%arg16 : memref<!tpu.dma_semaphore, #tpu.memory_space<semaphore_mem>>) {add = true}
      %dma_wait3A_325 = arith.constant 6 : i32
      %dma_wait3A_326 = arith.constant 0 : i32
      %dma_wait3A_327 = tpu.memref_slice %arg8[%dma_wait3A_325, %dma_wait3A_326] : memref<8x125xi32, #tpu.memory_space<vmem>> -> memref<1x125xi32, #tpu.memory_space<vmem>>
      %dma_wait3A_328 = tpu.memref_squeeze %dma_wait3A_327 : memref<1x125xi32, #tpu.memory_space<vmem>> -> memref<125xi32, #tpu.memory_space<vmem>>
      %dma_wait3A_329 = arith.constant 0 : i32
      %dma_wait3A_330 = arith.constant 0 : i32
      %dma_wait3A_331 = tpu.memref_slice %arg11[%dma_wait3A_329, %dma_wait3A_330] : memref<10240x128xf32, #tpu.memory_space<vmem_shared>> -> memref<10240x128xf32, #tpu.memory_space<vmem_shared>>
      tpu.wait_indirect_dma semaphore(%arg15 : memref<!tpu.dma_semaphore, #tpu.memory_space<semaphore_mem>>) src(%arg9 : memref<125x128xf32, #tpu.memory_space<vmem>>) dst(%dma_wait3A_331 : memref<10240x128xf32, #tpu.memory_space<vmem_shared>>)
      %dma_wait3A_332 = arith.constant 7 : i32
      %dma_wait3A_333 = arith.constant 0 : i32
      %dma_wait3A_334 = tpu.memref_slice %arg8[%dma_wait3A_332, %dma_wait3A_333] : memref<8x125xi32, #tpu.memory_space<vmem>> -> memref<1x125xi32, #tpu.memory_space<vmem>>
      %dma_wait3A_335 = tpu.memref_squeeze %dma_wait3A_334 : memref<1x125xi32, #tpu.memory_space<vmem>> -> memref<125xi32, #tpu.memory_space<vmem>>
      %dma_wait3A_336 = arith.constant 0 : i32
      %dma_wait3A_337 = arith.constant 0 : i32
      %dma_wait3A_338 = tpu.memref_slice %arg11[%dma_wait3A_336, %dma_wait3A_337] : memref<10240x128xf32, #tpu.memory_space<vmem_shared>> -> memref<10240x128xf32, #tpu.memory_space<vmem_shared>>
      tpu.wait_indirect_dma semaphore(%arg16 : memref<!tpu.dma_semaphore, #tpu.memory_space<semaphore_mem>>) src(%arg12 : memref<125x128xf32, #tpu.memory_space<vmem>>) dst(%dma_wait3A_338 : memref<10240x128xf32, #tpu.memory_space<vmem_shared>>)
    }
    %scan3A_52 = arith.constant 10 : i32
    %barrier3A_53 = arith.constant 0 : index
    tpu.barrier barrier_id(%barrier3A_53)
    %add3A_54 = arith.constant 0 : i32
    %add3A_55 = arith.addi %arg1, %add3A_54 : i32
    %lt3A = arith.constant 125 : i32
    %lt3A_56 = arith.cmpi slt, %add3A_55, %lt3A : i32
    %convert_element_type3A = arith.extui %lt3A_56 : i1 to i32
    %cond3A = arith.constant 0 : i32
    %cond3A_57 = arith.cmpi ne, %convert_element_type3A, %cond3A : i32
    scf.if %cond3A_57 {
      %mul3A_107 = arith.constant 80 : i32
      %mul3A_108 = arith.muli %add3A_55, %mul3A_107 : i32
      "tpu.region"() ({
        %run_scoped3A = tpu.sem_alloc : memref<!tpu.dma_semaphore, #tpu.memory_space<semaphore_mem>>
        %dma_start3A = arith.constant 0 : i32
        %dma_start3A_112 = tpu.memref_slice %arg11[%mul3A_108, %dma_start3A] : memref<10240x128xf32, #tpu.memory_space<vmem_shared>> -> memref<80x128xf32, #tpu.memory_space<vmem_shared>>
        %dma_start3A_113 = arith.constant 0 : i32
        %dma_start3A_114 = tpu.memref_slice %arg11[%mul3A_108, %dma_start3A_113] : memref<10240x128xf32, #tpu.memory_space<vmem_shared>> -> memref<80x128xf32, #tpu.memory_space<vmem_shared>>
        tpu.enqueue_dma source(%dma_start3A_114 : memref<80x128xf32, #tpu.memory_space<vmem_shared>>) target(%arg10 : memref<80x128xf32, #tpu.memory_space<vmem>>) target_semaphore(%run_scoped3A : memref<!tpu.dma_semaphore, #tpu.memory_space<semaphore_mem>>)
        %dma_wait3A = arith.constant 0 : i32
        %dma_wait3A_115 = tpu.memref_slice %arg11[%mul3A_108, %dma_wait3A] : memref<10240x128xf32, #tpu.memory_space<vmem_shared>> -> memref<80x128xf32, #tpu.memory_space<vmem_shared>>
        %dma_wait3A_116 = arith.constant 0 : i32
        %dma_wait3A_117 = tpu.memref_slice %arg11[%mul3A_108, %dma_wait3A_116] : memref<10240x128xf32, #tpu.memory_space<vmem_shared>> -> memref<80x128xf32, #tpu.memory_space<vmem_shared>>
        tpu.wait_dma2 semaphore(%run_scoped3A : memref<!tpu.dma_semaphore, #tpu.memory_space<semaphore_mem>>) src(%dma_wait3A_117 : memref<80x128xf32, #tpu.memory_space<vmem_shared>>) dst(%arg10 : memref<80x128xf32, #tpu.memory_space<vmem>>)
        tpu.yield
      }) : () -> ()
      %mul3A_109 = arith.constant 10000 : i32
      %mul3A_110 = arith.muli %arg0, %mul3A_109 : i32
      %add3A_111 = arith.addi %mul3A_110, %mul3A_108 : i32
      "tpu.region"() ({
        %run_scoped3A = tpu.sem_alloc : memref<!tpu.dma_semaphore, #tpu.memory_space<semaphore_mem>>
        %dma_start3A = arith.constant 0 : i32
        %dma_start3A_112 = tpu.memref_slice %arg6[%add3A_111, %dma_start3A] : memref<20000x128xf32, #tpu.memory_space<hbm>> -> memref<80x128xf32, #tpu.memory_space<hbm>>
        %dma_start3A_113 = arith.constant 0 : i32
        %dma_start3A_114 = tpu.memref_slice %arg6[%add3A_111, %dma_start3A_113] : memref<20000x128xf32, #tpu.memory_space<hbm>> -> memref<80x128xf32, #tpu.memory_space<hbm>>
        tpu.enqueue_dma source(%arg10 : memref<80x128xf32, #tpu.memory_space<vmem>>) target(%dma_start3A_114 : memref<80x128xf32, #tpu.memory_space<hbm>>) target_semaphore(%run_scoped3A : memref<!tpu.dma_semaphore, #tpu.memory_space<semaphore_mem>>)
        %dma_wait3A = arith.constant 0 : i32
        %dma_wait3A_115 = tpu.memref_slice %arg6[%add3A_111, %dma_wait3A] : memref<20000x128xf32, #tpu.memory_space<hbm>> -> memref<80x128xf32, #tpu.memory_space<hbm>>
        %dma_wait3A_116 = arith.constant 0 : i32
        %dma_wait3A_117 = tpu.memref_slice %arg6[%add3A_111, %dma_wait3A_116] : memref<20000x128xf32, #tpu.memory_space<hbm>> -> memref<80x128xf32, #tpu.memory_space<hbm>>
        tpu.wait_dma2 semaphore(%run_scoped3A : memref<!tpu.dma_semaphore, #tpu.memory_space<semaphore_mem>>) src(%arg10 : memref<80x128xf32, #tpu.memory_space<vmem>>) dst(%dma_wait3A_117 : memref<80x128xf32, #tpu.memory_space<hbm>>)
        tpu.yield
      }) : () -> ()
    } else {
    }
    %add3A_58 = arith.constant 16 : i32
    %add3A_59 = arith.addi %arg1, %add3A_58 : i32
    %lt3A_60 = arith.constant 125 : i32
    %lt3A_61 = arith.cmpi slt, %add3A_59, %lt3A_60 : i32
    %convert_element_type3A_62 = arith.extui %lt3A_61 : i1 to i32
    %cond3A_63 = arith.constant 0 : i32
    %cond3A_64 = arith.cmpi ne, %convert_element_type3A_62, %cond3A_63 : i32
    scf.if %cond3A_64 {
      %mul3A_107 = arith.constant 80 : i32
      %mul3A_108 = arith.muli %add3A_59, %mul3A_107 : i32
      "tpu.region"() ({
        %run_scoped3A = tpu.sem_alloc : memref<!tpu.dma_semaphore, #tpu.memory_space<semaphore_mem>>
        %dma_start3A = arith.constant 0 : i32
        %dma_start3A_112 = tpu.memref_slice %arg11[%mul3A_108, %dma_start3A] : memref<10240x128xf32, #tpu.memory_space<vmem_shared>> -> memref<80x128xf32, #tpu.memory_space<vmem_shared>>
        %dma_start3A_113 = arith.constant 0 : i32
        %dma_start3A_114 = tpu.memref_slice %arg11[%mul3A_108, %dma_start3A_113] : memref<10240x128xf32, #tpu.memory_space<vmem_shared>> -> memref<80x128xf32, #tpu.memory_space<vmem_shared>>
        tpu.enqueue_dma source(%dma_start3A_114 : memref<80x128xf32, #tpu.memory_space<vmem_shared>>) target(%arg10 : memref<80x128xf32, #tpu.memory_space<vmem>>) target_semaphore(%run_scoped3A : memref<!tpu.dma_semaphore, #tpu.memory_space<semaphore_mem>>)
        %dma_wait3A = arith.constant 0 : i32
        %dma_wait3A_115 = tpu.memref_slice %arg11[%mul3A_108, %dma_wait3A] : memref<10240x128xf32, #tpu.memory_space<vmem_shared>> -> memref<80x128xf32, #tpu.memory_space<vmem_shared>>
        %dma_wait3A_116 = arith.constant 0 : i32
        %dma_wait3A_117 = tpu.memref_slice %arg11[%mul3A_108, %dma_wait3A_116] : memref<10240x128xf32, #tpu.memory_space<vmem_shared>> -> memref<80x128xf32, #tpu.memory_space<vmem_shared>>
        tpu.wait_dma2 semaphore(%run_scoped3A : memref<!tpu.dma_semaphore, #tpu.memory_space<semaphore_mem>>) src(%dma_wait3A_117 : memref<80x128xf32, #tpu.memory_space<vmem_shared>>) dst(%arg10 : memref<80x128xf32, #tpu.memory_space<vmem>>)
        tpu.yield
      }) : () -> ()
      %mul3A_109 = arith.constant 10000 : i32
      %mul3A_110 = arith.muli %arg0, %mul3A_109 : i32
      %add3A_111 = arith.addi %mul3A_110, %mul3A_108 : i32
      "tpu.region"() ({
        %run_scoped3A = tpu.sem_alloc : memref<!tpu.dma_semaphore, #tpu.memory_space<semaphore_mem>>
        %dma_start3A = arith.constant 0 : i32
        %dma_start3A_112 = tpu.memref_slice %arg6[%add3A_111, %dma_start3A] : memref<20000x128xf32, #tpu.memory_space<hbm>> -> memref<80x128xf32, #tpu.memory_space<hbm>>
        %dma_start3A_113 = arith.constant 0 : i32
        %dma_start3A_114 = tpu.memref_slice %arg6[%add3A_111, %dma_start3A_113] : memref<20000x128xf32, #tpu.memory_space<hbm>> -> memref<80x128xf32, #tpu.memory_space<hbm>>
        tpu.enqueue_dma source(%arg10 : memref<80x128xf32, #tpu.memory_space<vmem>>) target(%dma_start3A_114 : memref<80x128xf32, #tpu.memory_space<hbm>>) target_semaphore(%run_scoped3A : memref<!tpu.dma_semaphore, #tpu.memory_space<semaphore_mem>>)
        %dma_wait3A = arith.constant 0 : i32
        %dma_wait3A_115 = tpu.memref_slice %arg6[%add3A_111, %dma_wait3A] : memref<20000x128xf32, #tpu.memory_space<hbm>> -> memref<80x128xf32, #tpu.memory_space<hbm>>
        %dma_wait3A_116 = arith.constant 0 : i32
        %dma_wait3A_117 = tpu.memref_slice %arg6[%add3A_111, %dma_wait3A_116] : memref<20000x128xf32, #tpu.memory_space<hbm>> -> memref<80x128xf32, #tpu.memory_space<hbm>>
        tpu.wait_dma2 semaphore(%run_scoped3A : memref<!tpu.dma_semaphore, #tpu.memory_space<semaphore_mem>>) src(%arg10 : memref<80x128xf32, #tpu.memory_space<vmem>>) dst(%dma_wait3A_117 : memref<80x128xf32, #tpu.memory_space<hbm>>)
        tpu.yield
      }) : () -> ()
    } else {
    }
    %add3A_65 = arith.constant 32 : i32
    %add3A_66 = arith.addi %arg1, %add3A_65 : i32
    %lt3A_67 = arith.constant 125 : i32
    %lt3A_68 = arith.cmpi slt, %add3A_66, %lt3A_67 : i32
    %convert_element_type3A_69 = arith.extui %lt3A_68 : i1 to i32
    %cond3A_70 = arith.constant 0 : i32
    %cond3A_71 = arith.cmpi ne, %convert_element_type3A_69, %cond3A_70 : i32
    scf.if %cond3A_71 {
      %mul3A_107 = arith.constant 80 : i32
      %mul3A_108 = arith.muli %add3A_66, %mul3A_107 : i32
      "tpu.region"() ({
        %run_scoped3A = tpu.sem_alloc : memref<!tpu.dma_semaphore, #tpu.memory_space<semaphore_mem>>
        %dma_start3A = arith.constant 0 : i32
        %dma_start3A_112 = tpu.memref_slice %arg11[%mul3A_108, %dma_start3A] : memref<10240x128xf32, #tpu.memory_space<vmem_shared>> -> memref<80x128xf32, #tpu.memory_space<vmem_shared>>
        %dma_start3A_113 = arith.constant 0 : i32
        %dma_start3A_114 = tpu.memref_slice %arg11[%mul3A_108, %dma_start3A_113] : memref<10240x128xf32, #tpu.memory_space<vmem_shared>> -> memref<80x128xf32, #tpu.memory_space<vmem_shared>>
        tpu.enqueue_dma source(%dma_start3A_114 : memref<80x128xf32, #tpu.memory_space<vmem_shared>>) target(%arg10 : memref<80x128xf32, #tpu.memory_space<vmem>>) target_semaphore(%run_scoped3A : memref<!tpu.dma_semaphore, #tpu.memory_space<semaphore_mem>>)
        %dma_wait3A = arith.constant 0 : i32
        %dma_wait3A_115 = tpu.memref_slice %arg11[%mul3A_108, %dma_wait3A] : memref<10240x128xf32, #tpu.memory_space<vmem_shared>> -> memref<80x128xf32, #tpu.memory_space<vmem_shared>>
        %dma_wait3A_116 = arith.constant 0 : i32
        %dma_wait3A_117 = tpu.memref_slice %arg11[%mul3A_108, %dma_wait3A_116] : memref<10240x128xf32, #tpu.memory_space<vmem_shared>> -> memref<80x128xf32, #tpu.memory_space<vmem_shared>>
        tpu.wait_dma2 semaphore(%run_scoped3A : memref<!tpu.dma_semaphore, #tpu.memory_space<semaphore_mem>>) src(%dma_wait3A_117 : memref<80x128xf32, #tpu.memory_space<vmem_shared>>) dst(%arg10 : memref<80x128xf32, #tpu.memory_space<vmem>>)
        tpu.yield
      }) : () -> ()
      %mul3A_109 = arith.constant 10000 : i32
      %mul3A_110 = arith.muli %arg0, %mul3A_109 : i32
      %add3A_111 = arith.addi %mul3A_110, %mul3A_108 : i32
      "tpu.region"() ({
        %run_scoped3A = tpu.sem_alloc : memref<!tpu.dma_semaphore, #tpu.memory_space<semaphore_mem>>
        %dma_start3A = arith.constant 0 : i32
        %dma_start3A_112 = tpu.memref_slice %arg6[%add3A_111, %dma_start3A] : memref<20000x128xf32, #tpu.memory_space<hbm>> -> memref<80x128xf32, #tpu.memory_space<hbm>>
        %dma_start3A_113 = arith.constant 0 : i32
        %dma_start3A_114 = tpu.memref_slice %arg6[%add3A_111, %dma_start3A_113] : memref<20000x128xf32, #tpu.memory_space<hbm>> -> memref<80x128xf32, #tpu.memory_space<hbm>>
        tpu.enqueue_dma source(%arg10 : memref<80x128xf32, #tpu.memory_space<vmem>>) target(%dma_start3A_114 : memref<80x128xf32, #tpu.memory_space<hbm>>) target_semaphore(%run_scoped3A : memref<!tpu.dma_semaphore, #tpu.memory_space<semaphore_mem>>)
        %dma_wait3A = arith.constant 0 : i32
        %dma_wait3A_115 = tpu.memref_slice %arg6[%add3A_111, %dma_wait3A] : memref<20000x128xf32, #tpu.memory_space<hbm>> -> memref<80x128xf32, #tpu.memory_space<hbm>>
        %dma_wait3A_116 = arith.constant 0 : i32
        %dma_wait3A_117 = tpu.memref_slice %arg6[%add3A_111, %dma_wait3A_116] : memref<20000x128xf32, #tpu.memory_space<hbm>> -> memref<80x128xf32, #tpu.memory_space<hbm>>
        tpu.wait_dma2 semaphore(%run_scoped3A : memref<!tpu.dma_semaphore, #tpu.memory_space<semaphore_mem>>) src(%arg10 : memref<80x128xf32, #tpu.memory_space<vmem>>) dst(%dma_wait3A_117 : memref<80x128xf32, #tpu.memory_space<hbm>>)
        tpu.yield
      }) : () -> ()
    } else {
    }
    %add3A_72 = arith.constant 48 : i32
    %add3A_73 = arith.addi %arg1, %add3A_72 : i32
    %lt3A_74 = arith.constant 125 : i32
    %lt3A_75 = arith.cmpi slt, %add3A_73, %lt3A_74 : i32
    %convert_element_type3A_76 = arith.extui %lt3A_75 : i1 to i32
    %cond3A_77 = arith.constant 0 : i32
    %cond3A_78 = arith.cmpi ne, %convert_element_type3A_76, %cond3A_77 : i32
    scf.if %cond3A_78 {
      %mul3A_107 = arith.constant 80 : i32
      %mul3A_108 = arith.muli %add3A_73, %mul3A_107 : i32
      "tpu.region"() ({
        %run_scoped3A = tpu.sem_alloc : memref<!tpu.dma_semaphore, #tpu.memory_space<semaphore_mem>>
        %dma_start3A = arith.constant 0 : i32
        %dma_start3A_112 = tpu.memref_slice %arg11[%mul3A_108, %dma_start3A] : memref<10240x128xf32, #tpu.memory_space<vmem_shared>> -> memref<80x128xf32, #tpu.memory_space<vmem_shared>>
        %dma_start3A_113 = arith.constant 0 : i32
        %dma_start3A_114 = tpu.memref_slice %arg11[%mul3A_108, %dma_start3A_113] : memref<10240x128xf32, #tpu.memory_space<vmem_shared>> -> memref<80x128xf32, #tpu.memory_space<vmem_shared>>
        tpu.enqueue_dma source(%dma_start3A_114 : memref<80x128xf32, #tpu.memory_space<vmem_shared>>) target(%arg10 : memref<80x128xf32, #tpu.memory_space<vmem>>) target_semaphore(%run_scoped3A : memref<!tpu.dma_semaphore, #tpu.memory_space<semaphore_mem>>)
        %dma_wait3A = arith.constant 0 : i32
        %dma_wait3A_115 = tpu.memref_slice %arg11[%mul3A_108, %dma_wait3A] : memref<10240x128xf32, #tpu.memory_space<vmem_shared>> -> memref<80x128xf32, #tpu.memory_space<vmem_shared>>
        %dma_wait3A_116 = arith.constant 0 : i32
        %dma_wait3A_117 = tpu.memref_slice %arg11[%mul3A_108, %dma_wait3A_116] : memref<10240x128xf32, #tpu.memory_space<vmem_shared>> -> memref<80x128xf32, #tpu.memory_space<vmem_shared>>
        tpu.wait_dma2 semaphore(%run_scoped3A : memref<!tpu.dma_semaphore, #tpu.memory_space<semaphore_mem>>) src(%dma_wait3A_117 : memref<80x128xf32, #tpu.memory_space<vmem_shared>>) dst(%arg10 : memref<80x128xf32, #tpu.memory_space<vmem>>)
        tpu.yield
      }) : () -> ()
      %mul3A_109 = arith.constant 10000 : i32
      %mul3A_110 = arith.muli %arg0, %mul3A_109 : i32
      %add3A_111 = arith.addi %mul3A_110, %mul3A_108 : i32
      "tpu.region"() ({
        %run_scoped3A = tpu.sem_alloc : memref<!tpu.dma_semaphore, #tpu.memory_space<semaphore_mem>>
        %dma_start3A = arith.constant 0 : i32
        %dma_start3A_112 = tpu.memref_slice %arg6[%add3A_111, %dma_start3A] : memref<20000x128xf32, #tpu.memory_space<hbm>> -> memref<80x128xf32, #tpu.memory_space<hbm>>
        %dma_start3A_113 = arith.constant 0 : i32
        %dma_start3A_114 = tpu.memref_slice %arg6[%add3A_111, %dma_start3A_113] : memref<20000x128xf32, #tpu.memory_space<hbm>> -> memref<80x128xf32, #tpu.memory_space<hbm>>
        tpu.enqueue_dma source(%arg10 : memref<80x128xf32, #tpu.memory_space<vmem>>) target(%dma_start3A_114 : memref<80x128xf32, #tpu.memory_space<hbm>>) target_semaphore(%run_scoped3A : memref<!tpu.dma_semaphore, #tpu.memory_space<semaphore_mem>>)
        %dma_wait3A = arith.constant 0 : i32
        %dma_wait3A_115 = tpu.memref_slice %arg6[%add3A_111, %dma_wait3A] : memref<20000x128xf32, #tpu.memory_space<hbm>> -> memref<80x128xf32, #tpu.memory_space<hbm>>
        %dma_wait3A_116 = arith.constant 0 : i32
        %dma_wait3A_117 = tpu.memref_slice %arg6[%add3A_111, %dma_wait3A_116] : memref<20000x128xf32, #tpu.memory_space<hbm>> -> memref<80x128xf32, #tpu.memory_space<hbm>>
        tpu.wait_dma2 semaphore(%run_scoped3A : memref<!tpu.dma_semaphore, #tpu.memory_space<semaphore_mem>>) src(%arg10 : memref<80x128xf32, #tpu.memory_space<vmem>>) dst(%dma_wait3A_117 : memref<80x128xf32, #tpu.memory_space<hbm>>)
        tpu.yield
      }) : () -> ()
    } else {
    }
    %add3A_79 = arith.constant 64 : i32
    %add3A_80 = arith.addi %arg1, %add3A_79 : i32
    %lt3A_81 = arith.constant 125 : i32
    %lt3A_82 = arith.cmpi slt, %add3A_80, %lt3A_81 : i32
    %convert_element_type3A_83 = arith.extui %lt3A_82 : i1 to i32
    %cond3A_84 = arith.constant 0 : i32
    %cond3A_85 = arith.cmpi ne, %convert_element_type3A_83, %cond3A_84 : i32
    scf.if %cond3A_85 {
      %mul3A_107 = arith.constant 80 : i32
      %mul3A_108 = arith.muli %add3A_80, %mul3A_107 : i32
      "tpu.region"() ({
        %run_scoped3A = tpu.sem_alloc : memref<!tpu.dma_semaphore, #tpu.memory_space<semaphore_mem>>
        %dma_start3A = arith.constant 0 : i32
        %dma_start3A_112 = tpu.memref_slice %arg11[%mul3A_108, %dma_start3A] : memref<10240x128xf32, #tpu.memory_space<vmem_shared>> -> memref<80x128xf32, #tpu.memory_space<vmem_shared>>
        %dma_start3A_113 = arith.constant 0 : i32
        %dma_start3A_114 = tpu.memref_slice %arg11[%mul3A_108, %dma_start3A_113] : memref<10240x128xf32, #tpu.memory_space<vmem_shared>> -> memref<80x128xf32, #tpu.memory_space<vmem_shared>>
        tpu.enqueue_dma source(%dma_start3A_114 : memref<80x128xf32, #tpu.memory_space<vmem_shared>>) target(%arg10 : memref<80x128xf32, #tpu.memory_space<vmem>>) target_semaphore(%run_scoped3A : memref<!tpu.dma_semaphore, #tpu.memory_space<semaphore_mem>>)
        %dma_wait3A = arith.constant 0 : i32
        %dma_wait3A_115 = tpu.memref_slice %arg11[%mul3A_108, %dma_wait3A] : memref<10240x128xf32, #tpu.memory_space<vmem_shared>> -> memref<80x128xf32, #tpu.memory_space<vmem_shared>>
        %dma_wait3A_116 = arith.constant 0 : i32
        %dma_wait3A_117 = tpu.memref_slice %arg11[%mul3A_108, %dma_wait3A_116] : memref<10240x128xf32, #tpu.memory_space<vmem_shared>> -> memref<80x128xf32, #tpu.memory_space<vmem_shared>>
        tpu.wait_dma2 semaphore(%run_scoped3A : memref<!tpu.dma_semaphore, #tpu.memory_space<semaphore_mem>>) src(%dma_wait3A_117 : memref<80x128xf32, #tpu.memory_space<vmem_shared>>) dst(%arg10 : memref<80x128xf32, #tpu.memory_space<vmem>>)
        tpu.yield
      }) : () -> ()
      %mul3A_109 = arith.constant 10000 : i32
      %mul3A_110 = arith.muli %arg0, %mul3A_109 : i32
      %add3A_111 = arith.addi %mul3A_110, %mul3A_108 : i32
      "tpu.region"() ({
        %run_scoped3A = tpu.sem_alloc : memref<!tpu.dma_semaphore, #tpu.memory_space<semaphore_mem>>
        %dma_start3A = arith.constant 0 : i32
        %dma_start3A_112 = tpu.memref_slice %arg6[%add3A_111, %dma_start3A] : memref<20000x128xf32, #tpu.memory_space<hbm>> -> memref<80x128xf32, #tpu.memory_space<hbm>>
        %dma_start3A_113 = arith.constant 0 : i32
        %dma_start3A_114 = tpu.memref_slice %arg6[%add3A_111, %dma_start3A_113] : memref<20000x128xf32, #tpu.memory_space<hbm>> -> memref<80x128xf32, #tpu.memory_space<hbm>>
        tpu.enqueue_dma source(%arg10 : memref<80x128xf32, #tpu.memory_space<vmem>>) target(%dma_start3A_114 : memref<80x128xf32, #tpu.memory_space<hbm>>) target_semaphore(%run_scoped3A : memref<!tpu.dma_semaphore, #tpu.memory_space<semaphore_mem>>)
        %dma_wait3A = arith.constant 0 : i32
        %dma_wait3A_115 = tpu.memref_slice %arg6[%add3A_111, %dma_wait3A] : memref<20000x128xf32, #tpu.memory_space<hbm>> -> memref<80x128xf32, #tpu.memory_space<hbm>>
        %dma_wait3A_116 = arith.constant 0 : i32
        %dma_wait3A_117 = tpu.memref_slice %arg6[%add3A_111, %dma_wait3A_116] : memref<20000x128xf32, #tpu.memory_space<hbm>> -> memref<80x128xf32, #tpu.memory_space<hbm>>
        tpu.wait_dma2 semaphore(%run_scoped3A : memref<!tpu.dma_semaphore, #tpu.memory_space<semaphore_mem>>) src(%arg10 : memref<80x128xf32, #tpu.memory_space<vmem>>) dst(%dma_wait3A_117 : memref<80x128xf32, #tpu.memory_space<hbm>>)
        tpu.yield
      }) : () -> ()
    } else {
    }
    %add3A_86 = arith.constant 80 : i32
    %add3A_87 = arith.addi %arg1, %add3A_86 : i32
    %lt3A_88 = arith.constant 125 : i32
    %lt3A_89 = arith.cmpi slt, %add3A_87, %lt3A_88 : i32
    %convert_element_type3A_90 = arith.extui %lt3A_89 : i1 to i32
    %cond3A_91 = arith.constant 0 : i32
    %cond3A_92 = arith.cmpi ne, %convert_element_type3A_90, %cond3A_91 : i32
    scf.if %cond3A_92 {
      %mul3A_107 = arith.constant 80 : i32
      %mul3A_108 = arith.muli %add3A_87, %mul3A_107 : i32
      "tpu.region"() ({
        %run_scoped3A = tpu.sem_alloc : memref<!tpu.dma_semaphore, #tpu.memory_space<semaphore_mem>>
        %dma_start3A = arith.constant 0 : i32
        %dma_start3A_112 = tpu.memref_slice %arg11[%mul3A_108, %dma_start3A] : memref<10240x128xf32, #tpu.memory_space<vmem_shared>> -> memref<80x128xf32, #tpu.memory_space<vmem_shared>>
        %dma_start3A_113 = arith.constant 0 : i32
        %dma_start3A_114 = tpu.memref_slice %arg11[%mul3A_108, %dma_start3A_113] : memref<10240x128xf32, #tpu.memory_space<vmem_shared>> -> memref<80x128xf32, #tpu.memory_space<vmem_shared>>
        tpu.enqueue_dma source(%dma_start3A_114 : memref<80x128xf32, #tpu.memory_space<vmem_shared>>) target(%arg10 : memref<80x128xf32, #tpu.memory_space<vmem>>) target_semaphore(%run_scoped3A : memref<!tpu.dma_semaphore, #tpu.memory_space<semaphore_mem>>)
        %dma_wait3A = arith.constant 0 : i32
        %dma_wait3A_115 = tpu.memref_slice %arg11[%mul3A_108, %dma_wait3A] : memref<10240x128xf32, #tpu.memory_space<vmem_shared>> -> memref<80x128xf32, #tpu.memory_space<vmem_shared>>
        %dma_wait3A_116 = arith.constant 0 : i32
        %dma_wait3A_117 = tpu.memref_slice %arg11[%mul3A_108, %dma_wait3A_116] : memref<10240x128xf32, #tpu.memory_space<vmem_shared>> -> memref<80x128xf32, #tpu.memory_space<vmem_shared>>
        tpu.wait_dma2 semaphore(%run_scoped3A : memref<!tpu.dma_semaphore, #tpu.memory_space<semaphore_mem>>) src(%dma_wait3A_117 : memref<80x128xf32, #tpu.memory_space<vmem_shared>>) dst(%arg10 : memref<80x128xf32, #tpu.memory_space<vmem>>)
        tpu.yield
      }) : () -> ()
      %mul3A_109 = arith.constant 10000 : i32
      %mul3A_110 = arith.muli %arg0, %mul3A_109 : i32
      %add3A_111 = arith.addi %mul3A_110, %mul3A_108 : i32
      "tpu.region"() ({
        %run_scoped3A = tpu.sem_alloc : memref<!tpu.dma_semaphore, #tpu.memory_space<semaphore_mem>>
        %dma_start3A = arith.constant 0 : i32
        %dma_start3A_112 = tpu.memref_slice %arg6[%add3A_111, %dma_start3A] : memref<20000x128xf32, #tpu.memory_space<hbm>> -> memref<80x128xf32, #tpu.memory_space<hbm>>
        %dma_start3A_113 = arith.constant 0 : i32
        %dma_start3A_114 = tpu.memref_slice %arg6[%add3A_111, %dma_start3A_113] : memref<20000x128xf32, #tpu.memory_space<hbm>> -> memref<80x128xf32, #tpu.memory_space<hbm>>
        tpu.enqueue_dma source(%arg10 : memref<80x128xf32, #tpu.memory_space<vmem>>) target(%dma_start3A_114 : memref<80x128xf32, #tpu.memory_space<hbm>>) target_semaphore(%run_scoped3A : memref<!tpu.dma_semaphore, #tpu.memory_space<semaphore_mem>>)
        %dma_wait3A = arith.constant 0 : i32
        %dma_wait3A_115 = tpu.memref_slice %arg6[%add3A_111, %dma_wait3A] : memref<20000x128xf32, #tpu.memory_space<hbm>> -> memref<80x128xf32, #tpu.memory_space<hbm>>
        %dma_wait3A_116 = arith.constant 0 : i32
        %dma_wait3A_117 = tpu.memref_slice %arg6[%add3A_111, %dma_wait3A_116] : memref<20000x128xf32, #tpu.memory_space<hbm>> -> memref<80x128xf32, #tpu.memory_space<hbm>>
        tpu.wait_dma2 semaphore(%run_scoped3A : memref<!tpu.dma_semaphore, #tpu.memory_space<semaphore_mem>>) src(%arg10 : memref<80x128xf32, #tpu.memory_space<vmem>>) dst(%dma_wait3A_117 : memref<80x128xf32, #tpu.memory_space<hbm>>)
        tpu.yield
      }) : () -> ()
    } else {
    }
    %add3A_93 = arith.constant 96 : i32
    %add3A_94 = arith.addi %arg1, %add3A_93 : i32
    %lt3A_95 = arith.constant 125 : i32
    %lt3A_96 = arith.cmpi slt, %add3A_94, %lt3A_95 : i32
    %convert_element_type3A_97 = arith.extui %lt3A_96 : i1 to i32
    %cond3A_98 = arith.constant 0 : i32
    %cond3A_99 = arith.cmpi ne, %convert_element_type3A_97, %cond3A_98 : i32
    scf.if %cond3A_99 {
      %mul3A_107 = arith.constant 80 : i32
      %mul3A_108 = arith.muli %add3A_94, %mul3A_107 : i32
      "tpu.region"() ({
        %run_scoped3A = tpu.sem_alloc : memref<!tpu.dma_semaphore, #tpu.memory_space<semaphore_mem>>
        %dma_start3A = arith.constant 0 : i32
        %dma_start3A_112 = tpu.memref_slice %arg11[%mul3A_108, %dma_start3A] : memref<10240x128xf32, #tpu.memory_space<vmem_shared>> -> memref<80x128xf32, #tpu.memory_space<vmem_shared>>
        %dma_start3A_113 = arith.constant 0 : i32
        %dma_start3A_114 = tpu.memref_slice %arg11[%mul3A_108, %dma_start3A_113] : memref<10240x128xf32, #tpu.memory_space<vmem_shared>> -> memref<80x128xf32, #tpu.memory_space<vmem_shared>>
        tpu.enqueue_dma source(%dma_start3A_114 : memref<80x128xf32, #tpu.memory_space<vmem_shared>>) target(%arg10 : memref<80x128xf32, #tpu.memory_space<vmem>>) target_semaphore(%run_scoped3A : memref<!tpu.dma_semaphore, #tpu.memory_space<semaphore_mem>>)
        %dma_wait3A = arith.constant 0 : i32
        %dma_wait3A_115 = tpu.memref_slice %arg11[%mul3A_108, %dma_wait3A] : memref<10240x128xf32, #tpu.memory_space<vmem_shared>> -> memref<80x128xf32, #tpu.memory_space<vmem_shared>>
        %dma_wait3A_116 = arith.constant 0 : i32
        %dma_wait3A_117 = tpu.memref_slice %arg11[%mul3A_108, %dma_wait3A_116] : memref<10240x128xf32, #tpu.memory_space<vmem_shared>> -> memref<80x128xf32, #tpu.memory_space<vmem_shared>>
        tpu.wait_dma2 semaphore(%run_scoped3A : memref<!tpu.dma_semaphore, #tpu.memory_space<semaphore_mem>>) src(%dma_wait3A_117 : memref<80x128xf32, #tpu.memory_space<vmem_shared>>) dst(%arg10 : memref<80x128xf32, #tpu.memory_space<vmem>>)
        tpu.yield
      }) : () -> ()
      %mul3A_109 = arith.constant 10000 : i32
      %mul3A_110 = arith.muli %arg0, %mul3A_109 : i32
      %add3A_111 = arith.addi %mul3A_110, %mul3A_108 : i32
      "tpu.region"() ({
        %run_scoped3A = tpu.sem_alloc : memref<!tpu.dma_semaphore, #tpu.memory_space<semaphore_mem>>
        %dma_start3A = arith.constant 0 : i32
        %dma_start3A_112 = tpu.memref_slice %arg6[%add3A_111, %dma_start3A] : memref<20000x128xf32, #tpu.memory_space<hbm>> -> memref<80x128xf32, #tpu.memory_space<hbm>>
        %dma_start3A_113 = arith.constant 0 : i32
        %dma_start3A_114 = tpu.memref_slice %arg6[%add3A_111, %dma_start3A_113] : memref<20000x128xf32, #tpu.memory_space<hbm>> -> memref<80x128xf32, #tpu.memory_space<hbm>>
        tpu.enqueue_dma source(%arg10 : memref<80x128xf32, #tpu.memory_space<vmem>>) target(%dma_start3A_114 : memref<80x128xf32, #tpu.memory_space<hbm>>) target_semaphore(%run_scoped3A : memref<!tpu.dma_semaphore, #tpu.memory_space<semaphore_mem>>)
        %dma_wait3A = arith.constant 0 : i32
        %dma_wait3A_115 = tpu.memref_slice %arg6[%add3A_111, %dma_wait3A] : memref<20000x128xf32, #tpu.memory_space<hbm>> -> memref<80x128xf32, #tpu.memory_space<hbm>>
        %dma_wait3A_116 = arith.constant 0 : i32
        %dma_wait3A_117 = tpu.memref_slice %arg6[%add3A_111, %dma_wait3A_116] : memref<20000x128xf32, #tpu.memory_space<hbm>> -> memref<80x128xf32, #tpu.memory_space<hbm>>
        tpu.wait_dma2 semaphore(%run_scoped3A : memref<!tpu.dma_semaphore, #tpu.memory_space<semaphore_mem>>) src(%arg10 : memref<80x128xf32, #tpu.memory_space<vmem>>) dst(%dma_wait3A_117 : memref<80x128xf32, #tpu.memory_space<hbm>>)
        tpu.yield
      }) : () -> ()
    } else {
    }
    %add3A_100 = arith.constant 112 : i32
    %add3A_101 = arith.addi %arg1, %add3A_100 : i32
    %lt3A_102 = arith.constant 125 : i32
    %lt3A_103 = arith.cmpi slt, %add3A_101, %lt3A_102 : i32
    %convert_element_type3A_104 = arith.extui %lt3A_103 : i1 to i32
    %cond3A_105 = arith.constant 0 : i32
    %cond3A_106 = arith.cmpi ne, %convert_element_type3A_104, %cond3A_105 : i32
    scf.if %cond3A_106 {
      %mul3A_107 = arith.constant 80 : i32
      %mul3A_108 = arith.muli %add3A_101, %mul3A_107 : i32
      "tpu.region"() ({
        %run_scoped3A = tpu.sem_alloc : memref<!tpu.dma_semaphore, #tpu.memory_space<semaphore_mem>>
        %dma_start3A = arith.constant 0 : i32
        %dma_start3A_112 = tpu.memref_slice %arg11[%mul3A_108, %dma_start3A] : memref<10240x128xf32, #tpu.memory_space<vmem_shared>> -> memref<80x128xf32, #tpu.memory_space<vmem_shared>>
        %dma_start3A_113 = arith.constant 0 : i32
        %dma_start3A_114 = tpu.memref_slice %arg11[%mul3A_108, %dma_start3A_113] : memref<10240x128xf32, #tpu.memory_space<vmem_shared>> -> memref<80x128xf32, #tpu.memory_space<vmem_shared>>
        tpu.enqueue_dma source(%dma_start3A_114 : memref<80x128xf32, #tpu.memory_space<vmem_shared>>) target(%arg10 : memref<80x128xf32, #tpu.memory_space<vmem>>) target_semaphore(%run_scoped3A : memref<!tpu.dma_semaphore, #tpu.memory_space<semaphore_mem>>)
        %dma_wait3A = arith.constant 0 : i32
        %dma_wait3A_115 = tpu.memref_slice %arg11[%mul3A_108, %dma_wait3A] : memref<10240x128xf32, #tpu.memory_space<vmem_shared>> -> memref<80x128xf32, #tpu.memory_space<vmem_shared>>
        %dma_wait3A_116 = arith.constant 0 : i32
        %dma_wait3A_117 = tpu.memref_slice %arg11[%mul3A_108, %dma_wait3A_116] : memref<10240x128xf32, #tpu.memory_space<vmem_shared>> -> memref<80x128xf32, #tpu.memory_space<vmem_shared>>
        tpu.wait_dma2 semaphore(%run_scoped3A : memref<!tpu.dma_semaphore, #tpu.memory_space<semaphore_mem>>) src(%dma_wait3A_117 : memref<80x128xf32, #tpu.memory_space<vmem_shared>>) dst(%arg10 : memref<80x128xf32, #tpu.memory_space<vmem>>)
        tpu.yield
      }) : () -> ()
      %mul3A_109 = arith.constant 10000 : i32
      %mul3A_110 = arith.muli %arg0, %mul3A_109 : i32
      %add3A_111 = arith.addi %mul3A_110, %mul3A_108 : i32
      "tpu.region"() ({
        %run_scoped3A = tpu.sem_alloc : memref<!tpu.dma_semaphore, #tpu.memory_space<semaphore_mem>>
        %dma_start3A = arith.constant 0 : i32
        %dma_start3A_112 = tpu.memref_slice %arg6[%add3A_111, %dma_start3A] : memref<20000x128xf32, #tpu.memory_space<hbm>> -> memref<80x128xf32, #tpu.memory_space<hbm>>
        %dma_start3A_113 = arith.constant 0 : i32
        %dma_start3A_114 = tpu.memref_slice %arg6[%add3A_111, %dma_start3A_113] : memref<20000x128xf32, #tpu.memory_space<hbm>> -> memref<80x128xf32, #tpu.memory_space<hbm>>
        tpu.enqueue_dma source(%arg10 : memref<80x128xf32, #tpu.memory_space<vmem>>) target(%dma_start3A_114 : memref<80x128xf32, #tpu.memory_space<hbm>>) target_semaphore(%run_scoped3A : memref<!tpu.dma_semaphore, #tpu.memory_space<semaphore_mem>>)
        %dma_wait3A = arith.constant 0 : i32
        %dma_wait3A_115 = tpu.memref_slice %arg6[%add3A_111, %dma_wait3A] : memref<20000x128xf32, #tpu.memory_space<hbm>> -> memref<80x128xf32, #tpu.memory_space<hbm>>
        %dma_wait3A_116 = arith.constant 0 : i32
        %dma_wait3A_117 = tpu.memref_slice %arg6[%add3A_111, %dma_wait3A_116] : memref<20000x128xf32, #tpu.memory_space<hbm>> -> memref<80x128xf32, #tpu.memory_space<hbm>>
        tpu.wait_dma2 semaphore(%run_scoped3A : memref<!tpu.dma_semaphore, #tpu.memory_space<semaphore_mem>>) src(%arg10 : memref<80x128xf32, #tpu.memory_space<vmem>>) dst(%dma_wait3A_117 : memref<80x128xf32, #tpu.memory_space<hbm>>)
        tpu.yield
      }) : () -> ()
    } else {
    }
    return
  }
}

#map = affine_map<(d0, d1) -> (0, 0)>
module attributes {stable_mosaic.version = 14 : i64} {
  func.func @body(%arg0: i32, %arg1: i32, %arg2: memref<10000x128xf32, #tpu.memory_space<hbm>>, %arg3: memref<2560x125xi32, #tpu.memory_space<hbm>>, %arg4: memref<2560x125xi32, #tpu.memory_space<hbm>>, %arg5: memref<80x128xf32, #tpu.memory_space<hbm>>, %arg6: memref<20000x128xf32, #tpu.memory_space<hbm>>, %arg7: memref<8x125xi32, #tpu.memory_space<vmem>>, %arg8: memref<8x125xi32, #tpu.memory_space<vmem>>, %arg9: memref<125x128xf32, #tpu.memory_space<vmem>>, %arg10: memref<80x128xf32, #tpu.memory_space<vmem>>, %arg11: memref<10240x128xf32, #tpu.memory_space<vmem_shared>>, %arg12: memref<125x128xf32, #tpu.memory_space<vmem>>, %arg13: memref<!tpu.dma_semaphore, #tpu.memory_space<semaphore_mem>>, %arg14: memref<!tpu.dma_semaphore, #tpu.memory_space<semaphore_mem>>, %arg15: memref<!tpu.dma_semaphore, #tpu.memory_space<semaphore_mem>>, %arg16: memref<!tpu.dma_semaphore, #tpu.memory_space<semaphore_mem>>) attributes {dimension_semantics = [#tpu.dimension_semantics<core_parallel>, #tpu.dimension_semantics<subcore_parallel>], iteration_bounds = array<i64: 2, 16>, scalar_prefetch = 0 : i64, scratch_operands = 10 : i64, tpu.core_type = #tpu.core_type<sc_vector_subcore>, window_params = [{transform_indices = #map}, {transform_indices = #map}, {transform_indices = #map}, {transform_indices = #map}, {transform_indices = #map}]} {
    %mul3A = arith.constant 16 : i32
    %mul3A_0 = arith.muli %arg0, %mul3A : i32
    %add3A = arith.addi %mul3A_0, %arg1 : i32
    "tpu.region"() ({
      %run_scoped3A = tpu.sem_alloc : memref<!tpu.dma_semaphore, #tpu.memory_space<semaphore_mem>>
      tpu.enqueue_dma source(%arg5 : memref<80x128xf32, #tpu.memory_space<hbm>>) target(%arg10 : memref<80x128xf32, #tpu.memory_space<vmem>>) target_semaphore(%run_scoped3A : memref<!tpu.dma_semaphore, #tpu.memory_space<semaphore_mem>>)
      tpu.wait_dma2 semaphore(%run_scoped3A : memref<!tpu.dma_semaphore, #tpu.memory_space<semaphore_mem>>) src(%arg5 : memref<80x128xf32, #tpu.memory_space<hbm>>) dst(%arg10 : memref<80x128xf32, #tpu.memory_space<vmem>>)
      tpu.yield
    }) : () -> ()
    %mul3A_1 = arith.constant 8 : i32
    %mul3A_2 = arith.muli %arg1, %mul3A_1 : i32
    %add3A_3 = arith.constant 0 : i32
    %add3A_4 = arith.addi %mul3A_2, %add3A_3 : i32
    %mul3A_5 = arith.constant 80 : i32
    %mul3A_6 = arith.muli %add3A_4, %mul3A_5 : i32
    "tpu.region"() ({
      %run_scoped3A = tpu.sem_alloc : memref<!tpu.dma_semaphore, #tpu.memory_space<semaphore_mem>>
      %dma_start3A = arith.constant 0 : i32
      %dma_start3A_107 = tpu.memref_slice %arg11[%mul3A_6, %dma_start3A] : memref<10240x128xf32, #tpu.memory_space<vmem_shared>> -> memref<80x128xf32, #tpu.memory_space<vmem_shared>>
      %dma_start3A_108 = arith.constant 0 : i32
      %dma_start3A_109 = tpu.memref_slice %arg11[%mul3A_6, %dma_start3A_108] : memref<10240x128xf32, #tpu.memory_space<vmem_shared>> -> memref<80x128xf32, #tpu.memory_space<vmem_shared>>
      tpu.enqueue_dma source(%arg10 : memref<80x128xf32, #tpu.memory_space<vmem>>) target(%dma_start3A_109 : memref<80x128xf32, #tpu.memory_space<vmem_shared>>) target_semaphore(%run_scoped3A : memref<!tpu.dma_semaphore, #tpu.memory_space<semaphore_mem>>)
      %dma_wait3A = arith.constant 0 : i32
      %dma_wait3A_110 = tpu.memref_slice %arg11[%mul3A_6, %dma_wait3A] : memref<10240x128xf32, #tpu.memory_space<vmem_shared>> -> memref<80x128xf32, #tpu.memory_space<vmem_shared>>
      %dma_wait3A_111 = arith.constant 0 : i32
      %dma_wait3A_112 = tpu.memref_slice %arg11[%mul3A_6, %dma_wait3A_111] : memref<10240x128xf32, #tpu.memory_space<vmem_shared>> -> memref<80x128xf32, #tpu.memory_space<vmem_shared>>
      tpu.wait_dma2 semaphore(%run_scoped3A : memref<!tpu.dma_semaphore, #tpu.memory_space<semaphore_mem>>) src(%arg10 : memref<80x128xf32, #tpu.memory_space<vmem>>) dst(%dma_wait3A_112 : memref<80x128xf32, #tpu.memory_space<vmem_shared>>)
      tpu.yield
    }) : () -> ()
    %mul3A_7 = arith.constant 8 : i32
    %mul3A_8 = arith.muli %arg1, %mul3A_7 : i32
    %add3A_9 = arith.constant 1 : i32
    %add3A_10 = arith.addi %mul3A_8, %add3A_9 : i32
    %mul3A_11 = arith.constant 80 : i32
    %mul3A_12 = arith.muli %add3A_10, %mul3A_11 : i32
    "tpu.region"() ({
      %run_scoped3A = tpu.sem_alloc : memref<!tpu.dma_semaphore, #tpu.memory_space<semaphore_mem>>
      %dma_start3A = arith.constant 0 : i32
      %dma_start3A_107 = tpu.memref_slice %arg11[%mul3A_12, %dma_start3A] : memref<10240x128xf32, #tpu.memory_space<vmem_shared>> -> memref<80x128xf32, #tpu.memory_space<vmem_shared>>
      %dma_start3A_108 = arith.constant 0 : i32
      %dma_start3A_109 = tpu.memref_slice %arg11[%mul3A_12, %dma_start3A_108] : memref<10240x128xf32, #tpu.memory_space<vmem_shared>> -> memref<80x128xf32, #tpu.memory_space<vmem_shared>>
      tpu.enqueue_dma source(%arg10 : memref<80x128xf32, #tpu.memory_space<vmem>>) target(%dma_start3A_109 : memref<80x128xf32, #tpu.memory_space<vmem_shared>>) target_semaphore(%run_scoped3A : memref<!tpu.dma_semaphore, #tpu.memory_space<semaphore_mem>>)
      %dma_wait3A = arith.constant 0 : i32
      %dma_wait3A_110 = tpu.memref_slice %arg11[%mul3A_12, %dma_wait3A] : memref<10240x128xf32, #tpu.memory_space<vmem_shared>> -> memref<80x128xf32, #tpu.memory_space<vmem_shared>>
      %dma_wait3A_111 = arith.constant 0 : i32
      %dma_wait3A_112 = tpu.memref_slice %arg11[%mul3A_12, %dma_wait3A_111] : memref<10240x128xf32, #tpu.memory_space<vmem_shared>> -> memref<80x128xf32, #tpu.memory_space<vmem_shared>>
      tpu.wait_dma2 semaphore(%run_scoped3A : memref<!tpu.dma_semaphore, #tpu.memory_space<semaphore_mem>>) src(%arg10 : memref<80x128xf32, #tpu.memory_space<vmem>>) dst(%dma_wait3A_112 : memref<80x128xf32, #tpu.memory_space<vmem_shared>>)
      tpu.yield
    }) : () -> ()
    %mul3A_13 = arith.constant 8 : i32
    %mul3A_14 = arith.muli %arg1, %mul3A_13 : i32
    %add3A_15 = arith.constant 2 : i32
    %add3A_16 = arith.addi %mul3A_14, %add3A_15 : i32
    %mul3A_17 = arith.constant 80 : i32
    %mul3A_18 = arith.muli %add3A_16, %mul3A_17 : i32
    "tpu.region"() ({
      %run_scoped3A = tpu.sem_alloc : memref<!tpu.dma_semaphore, #tpu.memory_space<semaphore_mem>>
      %dma_start3A = arith.constant 0 : i32
      %dma_start3A_107 = tpu.memref_slice %arg11[%mul3A_18, %dma_start3A] : memref<10240x128xf32, #tpu.memory_space<vmem_shared>> -> memref<80x128xf32, #tpu.memory_space<vmem_shared>>
      %dma_start3A_108 = arith.constant 0 : i32
      %dma_start3A_109 = tpu.memref_slice %arg11[%mul3A_18, %dma_start3A_108] : memref<10240x128xf32, #tpu.memory_space<vmem_shared>> -> memref<80x128xf32, #tpu.memory_space<vmem_shared>>
      tpu.enqueue_dma source(%arg10 : memref<80x128xf32, #tpu.memory_space<vmem>>) target(%dma_start3A_109 : memref<80x128xf32, #tpu.memory_space<vmem_shared>>) target_semaphore(%run_scoped3A : memref<!tpu.dma_semaphore, #tpu.memory_space<semaphore_mem>>)
      %dma_wait3A = arith.constant 0 : i32
      %dma_wait3A_110 = tpu.memref_slice %arg11[%mul3A_18, %dma_wait3A] : memref<10240x128xf32, #tpu.memory_space<vmem_shared>> -> memref<80x128xf32, #tpu.memory_space<vmem_shared>>
      %dma_wait3A_111 = arith.constant 0 : i32
      %dma_wait3A_112 = tpu.memref_slice %arg11[%mul3A_18, %dma_wait3A_111] : memref<10240x128xf32, #tpu.memory_space<vmem_shared>> -> memref<80x128xf32, #tpu.memory_space<vmem_shared>>
      tpu.wait_dma2 semaphore(%run_scoped3A : memref<!tpu.dma_semaphore, #tpu.memory_space<semaphore_mem>>) src(%arg10 : memref<80x128xf32, #tpu.memory_space<vmem>>) dst(%dma_wait3A_112 : memref<80x128xf32, #tpu.memory_space<vmem_shared>>)
      tpu.yield
    }) : () -> ()
    %mul3A_19 = arith.constant 8 : i32
    %mul3A_20 = arith.muli %arg1, %mul3A_19 : i32
    %add3A_21 = arith.constant 3 : i32
    %add3A_22 = arith.addi %mul3A_20, %add3A_21 : i32
    %mul3A_23 = arith.constant 80 : i32
    %mul3A_24 = arith.muli %add3A_22, %mul3A_23 : i32
    "tpu.region"() ({
      %run_scoped3A = tpu.sem_alloc : memref<!tpu.dma_semaphore, #tpu.memory_space<semaphore_mem>>
      %dma_start3A = arith.constant 0 : i32
      %dma_start3A_107 = tpu.memref_slice %arg11[%mul3A_24, %dma_start3A] : memref<10240x128xf32, #tpu.memory_space<vmem_shared>> -> memref<80x128xf32, #tpu.memory_space<vmem_shared>>
      %dma_start3A_108 = arith.constant 0 : i32
      %dma_start3A_109 = tpu.memref_slice %arg11[%mul3A_24, %dma_start3A_108] : memref<10240x128xf32, #tpu.memory_space<vmem_shared>> -> memref<80x128xf32, #tpu.memory_space<vmem_shared>>
      tpu.enqueue_dma source(%arg10 : memref<80x128xf32, #tpu.memory_space<vmem>>) target(%dma_start3A_109 : memref<80x128xf32, #tpu.memory_space<vmem_shared>>) target_semaphore(%run_scoped3A : memref<!tpu.dma_semaphore, #tpu.memory_space<semaphore_mem>>)
      %dma_wait3A = arith.constant 0 : i32
      %dma_wait3A_110 = tpu.memref_slice %arg11[%mul3A_24, %dma_wait3A] : memref<10240x128xf32, #tpu.memory_space<vmem_shared>> -> memref<80x128xf32, #tpu.memory_space<vmem_shared>>
      %dma_wait3A_111 = arith.constant 0 : i32
      %dma_wait3A_112 = tpu.memref_slice %arg11[%mul3A_24, %dma_wait3A_111] : memref<10240x128xf32, #tpu.memory_space<vmem_shared>> -> memref<80x128xf32, #tpu.memory_space<vmem_shared>>
      tpu.wait_dma2 semaphore(%run_scoped3A : memref<!tpu.dma_semaphore, #tpu.memory_space<semaphore_mem>>) src(%arg10 : memref<80x128xf32, #tpu.memory_space<vmem>>) dst(%dma_wait3A_112 : memref<80x128xf32, #tpu.memory_space<vmem_shared>>)
      tpu.yield
    }) : () -> ()
    %mul3A_25 = arith.constant 8 : i32
    %mul3A_26 = arith.muli %arg1, %mul3A_25 : i32
    %add3A_27 = arith.constant 4 : i32
    %add3A_28 = arith.addi %mul3A_26, %add3A_27 : i32
    %mul3A_29 = arith.constant 80 : i32
    %mul3A_30 = arith.muli %add3A_28, %mul3A_29 : i32
    "tpu.region"() ({
      %run_scoped3A = tpu.sem_alloc : memref<!tpu.dma_semaphore, #tpu.memory_space<semaphore_mem>>
      %dma_start3A = arith.constant 0 : i32
      %dma_start3A_107 = tpu.memref_slice %arg11[%mul3A_30, %dma_start3A] : memref<10240x128xf32, #tpu.memory_space<vmem_shared>> -> memref<80x128xf32, #tpu.memory_space<vmem_shared>>
      %dma_start3A_108 = arith.constant 0 : i32
      %dma_start3A_109 = tpu.memref_slice %arg11[%mul3A_30, %dma_start3A_108] : memref<10240x128xf32, #tpu.memory_space<vmem_shared>> -> memref<80x128xf32, #tpu.memory_space<vmem_shared>>
      tpu.enqueue_dma source(%arg10 : memref<80x128xf32, #tpu.memory_space<vmem>>) target(%dma_start3A_109 : memref<80x128xf32, #tpu.memory_space<vmem_shared>>) target_semaphore(%run_scoped3A : memref<!tpu.dma_semaphore, #tpu.memory_space<semaphore_mem>>)
      %dma_wait3A = arith.constant 0 : i32
      %dma_wait3A_110 = tpu.memref_slice %arg11[%mul3A_30, %dma_wait3A] : memref<10240x128xf32, #tpu.memory_space<vmem_shared>> -> memref<80x128xf32, #tpu.memory_space<vmem_shared>>
      %dma_wait3A_111 = arith.constant 0 : i32
      %dma_wait3A_112 = tpu.memref_slice %arg11[%mul3A_30, %dma_wait3A_111] : memref<10240x128xf32, #tpu.memory_space<vmem_shared>> -> memref<80x128xf32, #tpu.memory_space<vmem_shared>>
      tpu.wait_dma2 semaphore(%run_scoped3A : memref<!tpu.dma_semaphore, #tpu.memory_space<semaphore_mem>>) src(%arg10 : memref<80x128xf32, #tpu.memory_space<vmem>>) dst(%dma_wait3A_112 : memref<80x128xf32, #tpu.memory_space<vmem_shared>>)
      tpu.yield
    }) : () -> ()
    %mul3A_31 = arith.constant 8 : i32
    %mul3A_32 = arith.muli %arg1, %mul3A_31 : i32
    %add3A_33 = arith.constant 5 : i32
    %add3A_34 = arith.addi %mul3A_32, %add3A_33 : i32
    %mul3A_35 = arith.constant 80 : i32
    %mul3A_36 = arith.muli %add3A_34, %mul3A_35 : i32
    "tpu.region"() ({
      %run_scoped3A = tpu.sem_alloc : memref<!tpu.dma_semaphore, #tpu.memory_space<semaphore_mem>>
      %dma_start3A = arith.constant 0 : i32
      %dma_start3A_107 = tpu.memref_slice %arg11[%mul3A_36, %dma_start3A] : memref<10240x128xf32, #tpu.memory_space<vmem_shared>> -> memref<80x128xf32, #tpu.memory_space<vmem_shared>>
      %dma_start3A_108 = arith.constant 0 : i32
      %dma_start3A_109 = tpu.memref_slice %arg11[%mul3A_36, %dma_start3A_108] : memref<10240x128xf32, #tpu.memory_space<vmem_shared>> -> memref<80x128xf32, #tpu.memory_space<vmem_shared>>
      tpu.enqueue_dma source(%arg10 : memref<80x128xf32, #tpu.memory_space<vmem>>) target(%dma_start3A_109 : memref<80x128xf32, #tpu.memory_space<vmem_shared>>) target_semaphore(%run_scoped3A : memref<!tpu.dma_semaphore, #tpu.memory_space<semaphore_mem>>)
      %dma_wait3A = arith.constant 0 : i32
      %dma_wait3A_110 = tpu.memref_slice %arg11[%mul3A_36, %dma_wait3A] : memref<10240x128xf32, #tpu.memory_space<vmem_shared>> -> memref<80x128xf32, #tpu.memory_space<vmem_shared>>
      %dma_wait3A_111 = arith.constant 0 : i32
      %dma_wait3A_112 = tpu.memref_slice %arg11[%mul3A_36, %dma_wait3A_111] : memref<10240x128xf32, #tpu.memory_space<vmem_shared>> -> memref<80x128xf32, #tpu.memory_space<vmem_shared>>
      tpu.wait_dma2 semaphore(%run_scoped3A : memref<!tpu.dma_semaphore, #tpu.memory_space<semaphore_mem>>) src(%arg10 : memref<80x128xf32, #tpu.memory_space<vmem>>) dst(%dma_wait3A_112 : memref<80x128xf32, #tpu.memory_space<vmem_shared>>)
      tpu.yield
    }) : () -> ()
    %mul3A_37 = arith.constant 8 : i32
    %mul3A_38 = arith.muli %arg1, %mul3A_37 : i32
    %add3A_39 = arith.constant 6 : i32
    %add3A_40 = arith.addi %mul3A_38, %add3A_39 : i32
    %mul3A_41 = arith.constant 80 : i32
    %mul3A_42 = arith.muli %add3A_40, %mul3A_41 : i32
    "tpu.region"() ({
      %run_scoped3A = tpu.sem_alloc : memref<!tpu.dma_semaphore, #tpu.memory_space<semaphore_mem>>
      %dma_start3A = arith.constant 0 : i32
      %dma_start3A_107 = tpu.memref_slice %arg11[%mul3A_42, %dma_start3A] : memref<10240x128xf32, #tpu.memory_space<vmem_shared>> -> memref<80x128xf32, #tpu.memory_space<vmem_shared>>
      %dma_start3A_108 = arith.constant 0 : i32
      %dma_start3A_109 = tpu.memref_slice %arg11[%mul3A_42, %dma_start3A_108] : memref<10240x128xf32, #tpu.memory_space<vmem_shared>> -> memref<80x128xf32, #tpu.memory_space<vmem_shared>>
      tpu.enqueue_dma source(%arg10 : memref<80x128xf32, #tpu.memory_space<vmem>>) target(%dma_start3A_109 : memref<80x128xf32, #tpu.memory_space<vmem_shared>>) target_semaphore(%run_scoped3A : memref<!tpu.dma_semaphore, #tpu.memory_space<semaphore_mem>>)
      %dma_wait3A = arith.constant 0 : i32
      %dma_wait3A_110 = tpu.memref_slice %arg11[%mul3A_42, %dma_wait3A] : memref<10240x128xf32, #tpu.memory_space<vmem_shared>> -> memref<80x128xf32, #tpu.memory_space<vmem_shared>>
      %dma_wait3A_111 = arith.constant 0 : i32
      %dma_wait3A_112 = tpu.memref_slice %arg11[%mul3A_42, %dma_wait3A_111] : memref<10240x128xf32, #tpu.memory_space<vmem_shared>> -> memref<80x128xf32, #tpu.memory_space<vmem_shared>>
      tpu.wait_dma2 semaphore(%run_scoped3A : memref<!tpu.dma_semaphore, #tpu.memory_space<semaphore_mem>>) src(%arg10 : memref<80x128xf32, #tpu.memory_space<vmem>>) dst(%dma_wait3A_112 : memref<80x128xf32, #tpu.memory_space<vmem_shared>>)
      tpu.yield
    }) : () -> ()
    %mul3A_43 = arith.constant 8 : i32
    %mul3A_44 = arith.muli %arg1, %mul3A_43 : i32
    %add3A_45 = arith.constant 7 : i32
    %add3A_46 = arith.addi %mul3A_44, %add3A_45 : i32
    %mul3A_47 = arith.constant 80 : i32
    %mul3A_48 = arith.muli %add3A_46, %mul3A_47 : i32
    "tpu.region"() ({
      %run_scoped3A = tpu.sem_alloc : memref<!tpu.dma_semaphore, #tpu.memory_space<semaphore_mem>>
      %dma_start3A = arith.constant 0 : i32
      %dma_start3A_107 = tpu.memref_slice %arg11[%mul3A_48, %dma_start3A] : memref<10240x128xf32, #tpu.memory_space<vmem_shared>> -> memref<80x128xf32, #tpu.memory_space<vmem_shared>>
      %dma_start3A_108 = arith.constant 0 : i32
      %dma_start3A_109 = tpu.memref_slice %arg11[%mul3A_48, %dma_start3A_108] : memref<10240x128xf32, #tpu.memory_space<vmem_shared>> -> memref<80x128xf32, #tpu.memory_space<vmem_shared>>
      tpu.enqueue_dma source(%arg10 : memref<80x128xf32, #tpu.memory_space<vmem>>) target(%dma_start3A_109 : memref<80x128xf32, #tpu.memory_space<vmem_shared>>) target_semaphore(%run_scoped3A : memref<!tpu.dma_semaphore, #tpu.memory_space<semaphore_mem>>)
      %dma_wait3A = arith.constant 0 : i32
      %dma_wait3A_110 = tpu.memref_slice %arg11[%mul3A_48, %dma_wait3A] : memref<10240x128xf32, #tpu.memory_space<vmem_shared>> -> memref<80x128xf32, #tpu.memory_space<vmem_shared>>
      %dma_wait3A_111 = arith.constant 0 : i32
      %dma_wait3A_112 = tpu.memref_slice %arg11[%mul3A_48, %dma_wait3A_111] : memref<10240x128xf32, #tpu.memory_space<vmem_shared>> -> memref<80x128xf32, #tpu.memory_space<vmem_shared>>
      tpu.wait_dma2 semaphore(%run_scoped3A : memref<!tpu.dma_semaphore, #tpu.memory_space<semaphore_mem>>) src(%arg10 : memref<80x128xf32, #tpu.memory_space<vmem>>) dst(%dma_wait3A_112 : memref<80x128xf32, #tpu.memory_space<vmem_shared>>)
      tpu.yield
    }) : () -> ()
    %barrier3A = arith.constant 0 : index
    tpu.barrier barrier_id(%barrier3A)
    %scan3A = arith.constant 0 : i32
    %scan3A_49 = arith.constant 10 : i32
    %scan3A_50 = arith.addi %scan3A, %scan3A_49 : i32
    %scan3A_51 = arith.constant 1 : i32
    scf.for %scan3A_107 = %scan3A to %scan3A_50 step %scan3A_51  : i32 {
      %mul3A_108 = arith.constant 1 : i32
      %mul3A_109 = arith.muli %scan3A_107, %mul3A_108 : i32
      %add3A_110 = arith.constant 0 : i32
      %add3A_111 = arith.addi %add3A_110, %mul3A_109 : i32
      %mul3A_112 = arith.constant 80 : i32
      %mul3A_113 = arith.muli %add3A, %mul3A_112 : i32
      %mul3A_114 = arith.constant 8 : i32
      %mul3A_115 = arith.muli %add3A_111, %mul3A_114 : i32
      %add3A_116 = arith.addi %mul3A_113, %mul3A_115 : i32
      "tpu.region"() ({
        %run_scoped3A = tpu.sem_alloc : memref<!tpu.dma_semaphore, #tpu.memory_space<semaphore_mem>>
        %dma_start3A_339 = arith.constant 0 : i32
        %dma_start3A_340 = tpu.memref_slice %arg3[%add3A_116, %dma_start3A_339] : memref<2560x125xi32, #tpu.memory_space<hbm>> -> memref<8x125xi32, #tpu.memory_space<hbm>>
        %dma_start3A_341 = arith.constant 0 : i32
        %dma_start3A_342 = tpu.memref_slice %arg3[%add3A_116, %dma_start3A_341] : memref<2560x125xi32, #tpu.memory_space<hbm>> -> memref<8x125xi32, #tpu.memory_space<hbm>>
        tpu.enqueue_dma source(%dma_start3A_342 : memref<8x125xi32, #tpu.memory_space<hbm>>) target(%arg7 : memref<8x125xi32, #tpu.memory_space<vmem>>) target_semaphore(%run_scoped3A : memref<!tpu.dma_semaphore, #tpu.memory_space<semaphore_mem>>)
        %dma_wait3A_343 = arith.constant 0 : i32
        %dma_wait3A_344 = tpu.memref_slice %arg3[%add3A_116, %dma_wait3A_343] : memref<2560x125xi32, #tpu.memory_space<hbm>> -> memref<8x125xi32, #tpu.memory_space<hbm>>
        %dma_wait3A_345 = arith.constant 0 : i32
        %dma_wait3A_346 = tpu.memref_slice %arg3[%add3A_116, %dma_wait3A_345] : memref<2560x125xi32, #tpu.memory_space<hbm>> -> memref<8x125xi32, #tpu.memory_space<hbm>>
        tpu.wait_dma2 semaphore(%run_scoped3A : memref<!tpu.dma_semaphore, #tpu.memory_space<semaphore_mem>>) src(%dma_wait3A_346 : memref<8x125xi32, #tpu.memory_space<hbm>>) dst(%arg7 : memref<8x125xi32, #tpu.memory_space<vmem>>)
        tpu.yield
      }) : () -> ()
      "tpu.region"() ({
        %run_scoped3A = tpu.sem_alloc : memref<!tpu.dma_semaphore, #tpu.memory_space<semaphore_mem>>
        %dma_start3A_339 = arith.constant 0 : i32
        %dma_start3A_340 = tpu.memref_slice %arg4[%add3A_116, %dma_start3A_339] : memref<2560x125xi32, #tpu.memory_space<hbm>> -> memref<8x125xi32, #tpu.memory_space<hbm>>
        %dma_start3A_341 = arith.constant 0 : i32
        %dma_start3A_342 = tpu.memref_slice %arg4[%add3A_116, %dma_start3A_341] : memref<2560x125xi32, #tpu.memory_space<hbm>> -> memref<8x125xi32, #tpu.memory_space<hbm>>
        tpu.enqueue_dma source(%dma_start3A_342 : memref<8x125xi32, #tpu.memory_space<hbm>>) target(%arg8 : memref<8x125xi32, #tpu.memory_space<vmem>>) target_semaphore(%run_scoped3A : memref<!tpu.dma_semaphore, #tpu.memory_space<semaphore_mem>>)
        %dma_wait3A_343 = arith.constant 0 : i32
        %dma_wait3A_344 = tpu.memref_slice %arg4[%add3A_116, %dma_wait3A_343] : memref<2560x125xi32, #tpu.memory_space<hbm>> -> memref<8x125xi32, #tpu.memory_space<hbm>>
        %dma_wait3A_345 = arith.constant 0 : i32
        %dma_wait3A_346 = tpu.memref_slice %arg4[%add3A_116, %dma_wait3A_345] : memref<2560x125xi32, #tpu.memory_space<hbm>> -> memref<8x125xi32, #tpu.memory_space<hbm>>
        tpu.wait_dma2 semaphore(%run_scoped3A : memref<!tpu.dma_semaphore, #tpu.memory_space<semaphore_mem>>) src(%dma_wait3A_346 : memref<8x125xi32, #tpu.memory_space<hbm>>) dst(%arg8 : memref<8x125xi32, #tpu.memory_space<vmem>>)
        tpu.yield
      }) : () -> ()
      %dma_start3A = arith.constant 0 : i32
      %dma_start3A_117 = arith.constant 0 : i32
      %dma_start3A_118 = tpu.memref_slice %arg7[%dma_start3A, %dma_start3A_117] : memref<8x125xi32, #tpu.memory_space<vmem>> -> memref<1x125xi32, #tpu.memory_space<vmem>>
      %dma_start3A_119 = tpu.memref_squeeze %dma_start3A_118 : memref<1x125xi32, #tpu.memory_space<vmem>> -> memref<125xi32, #tpu.memory_space<vmem>>
      %dma_start3A_120 = arith.constant 0 : i32
      %dma_start3A_121 = arith.constant 0 : i32
      %dma_start3A_122 = tpu.memref_slice %arg2[%dma_start3A_120, %dma_start3A_121] : memref<10000x128xf32, #tpu.memory_space<hbm>> -> memref<10000x128xf32, #tpu.memory_space<hbm>>
      tpu.enqueue_indirect_dma source(%dma_start3A_122 : memref<10000x128xf32, #tpu.memory_space<hbm>>) target(%arg9 : memref<125x128xf32, #tpu.memory_space<vmem>>) offsets(%dma_start3A_119 : memref<125xi32, #tpu.memory_space<vmem>>) semaphore(%arg13 : memref<!tpu.dma_semaphore, #tpu.memory_space<semaphore_mem>>)
      %dma_wait3A = arith.constant 0 : i32
      %dma_wait3A_123 = arith.constant 0 : i32
      %dma_wait3A_124 = tpu.memref_slice %arg7[%dma_wait3A, %dma_wait3A_123] : memref<8x125xi32, #tpu.memory_space<vmem>> -> memref<1x125xi32, #tpu.memory_space<vmem>>
      %dma_wait3A_125 = tpu.memref_squeeze %dma_wait3A_124 : memref<1x125xi32, #tpu.memory_space<vmem>> -> memref<125xi32, #tpu.memory_space<vmem>>
      %dma_wait3A_126 = arith.constant 0 : i32
      %dma_wait3A_127 = arith.constant 0 : i32
      %dma_wait3A_128 = tpu.memref_slice %arg2[%dma_wait3A_126, %dma_wait3A_127] : memref<10000x128xf32, #tpu.memory_space<hbm>> -> memref<10000x128xf32, #tpu.memory_space<hbm>>
      tpu.wait_indirect_dma semaphore(%arg13 : memref<!tpu.dma_semaphore, #tpu.memory_space<semaphore_mem>>) src(%dma_wait3A_128 : memref<10000x128xf32, #tpu.memory_space<hbm>>) dst(%arg9 : memref<125x128xf32, #tpu.memory_space<vmem>>)
      %dma_start3A_129 = arith.constant 0 : i32
      %dma_start3A_130 = arith.constant 0 : i32
      %dma_start3A_131 = tpu.memref_slice %arg8[%dma_start3A_129, %dma_start3A_130] : memref<8x125xi32, #tpu.memory_space<vmem>> -> memref<1x125xi32, #tpu.memory_space<vmem>>
      %dma_start3A_132 = tpu.memref_squeeze %dma_start3A_131 : memref<1x125xi32, #tpu.memory_space<vmem>> -> memref<125xi32, #tpu.memory_space<vmem>>
      %dma_start3A_133 = arith.constant 0 : i32
      %dma_start3A_134 = arith.constant 0 : i32
      %dma_start3A_135 = tpu.memref_slice %arg11[%dma_start3A_133, %dma_start3A_134] : memref<10240x128xf32, #tpu.memory_space<vmem_shared>> -> memref<10240x128xf32, #tpu.memory_space<vmem_shared>>
      tpu.enqueue_indirect_dma source(%arg9 : memref<125x128xf32, #tpu.memory_space<vmem>>) target(%dma_start3A_135 : memref<10240x128xf32, #tpu.memory_space<vmem_shared>>) offsets(%dma_start3A_132 : memref<125xi32, #tpu.memory_space<vmem>>) semaphore(%arg15 : memref<!tpu.dma_semaphore, #tpu.memory_space<semaphore_mem>>) {add = true}
      %dma_start3A_136 = arith.constant 1 : i32
      %dma_start3A_137 = arith.constant 0 : i32
      %dma_start3A_138 = tpu.memref_slice %arg7[%dma_start3A_136, %dma_start3A_137] : memref<8x125xi32, #tpu.memory_space<vmem>> -> memref<1x125xi32, #tpu.memory_space<vmem>>
      %dma_start3A_139 = tpu.memref_squeeze %dma_start3A_138 : memref<1x125xi32, #tpu.memory_space<vmem>> -> memref<125xi32, #tpu.memory_space<vmem>>
      %dma_start3A_140 = arith.constant 0 : i32
      %dma_start3A_141 = arith.constant 0 : i32
      %dma_start3A_142 = tpu.memref_slice %arg2[%dma_start3A_140, %dma_start3A_141] : memref<10000x128xf32, #tpu.memory_space<hbm>> -> memref<10000x128xf32, #tpu.memory_space<hbm>>
      tpu.enqueue_indirect_dma source(%dma_start3A_142 : memref<10000x128xf32, #tpu.memory_space<hbm>>) target(%arg12 : memref<125x128xf32, #tpu.memory_space<vmem>>) offsets(%dma_start3A_139 : memref<125xi32, #tpu.memory_space<vmem>>) semaphore(%arg14 : memref<!tpu.dma_semaphore, #tpu.memory_space<semaphore_mem>>)
      %dma_wait3A_143 = arith.constant 1 : i32
      %dma_wait3A_144 = arith.constant 0 : i32
      %dma_wait3A_145 = tpu.memref_slice %arg7[%dma_wait3A_143, %dma_wait3A_144] : memref<8x125xi32, #tpu.memory_space<vmem>> -> memref<1x125xi32, #tpu.memory_space<vmem>>
      %dma_wait3A_146 = tpu.memref_squeeze %dma_wait3A_145 : memref<1x125xi32, #tpu.memory_space<vmem>> -> memref<125xi32, #tpu.memory_space<vmem>>
      %dma_wait3A_147 = arith.constant 0 : i32
      %dma_wait3A_148 = arith.constant 0 : i32
      %dma_wait3A_149 = tpu.memref_slice %arg2[%dma_wait3A_147, %dma_wait3A_148] : memref<10000x128xf32, #tpu.memory_space<hbm>> -> memref<10000x128xf32, #tpu.memory_space<hbm>>
      tpu.wait_indirect_dma semaphore(%arg14 : memref<!tpu.dma_semaphore, #tpu.memory_space<semaphore_mem>>) src(%dma_wait3A_149 : memref<10000x128xf32, #tpu.memory_space<hbm>>) dst(%arg12 : memref<125x128xf32, #tpu.memory_space<vmem>>)
      %dma_start3A_150 = arith.constant 1 : i32
      %dma_start3A_151 = arith.constant 0 : i32
      %dma_start3A_152 = tpu.memref_slice %arg8[%dma_start3A_150, %dma_start3A_151] : memref<8x125xi32, #tpu.memory_space<vmem>> -> memref<1x125xi32, #tpu.memory_space<vmem>>
      %dma_start3A_153 = tpu.memref_squeeze %dma_start3A_152 : memref<1x125xi32, #tpu.memory_space<vmem>> -> memref<125xi32, #tpu.memory_space<vmem>>
      %dma_start3A_154 = arith.constant 0 : i32
      %dma_start3A_155 = arith.constant 0 : i32
      %dma_start3A_156 = tpu.memref_slice %arg11[%dma_start3A_154, %dma_start3A_155] : memref<10240x128xf32, #tpu.memory_space<vmem_shared>> -> memref<10240x128xf32, #tpu.memory_space<vmem_shared>>
      tpu.enqueue_indirect_dma source(%arg12 : memref<125x128xf32, #tpu.memory_space<vmem>>) target(%dma_start3A_156 : memref<10240x128xf32, #tpu.memory_space<vmem_shared>>) offsets(%dma_start3A_153 : memref<125xi32, #tpu.memory_space<vmem>>) semaphore(%arg16 : memref<!tpu.dma_semaphore, #tpu.memory_space<semaphore_mem>>) {add = true}
      %dma_wait3A_157 = arith.constant 1 : i32
      %dma_wait3A_158 = arith.constant 0 : i32
      %dma_wait3A_159 = tpu.memref_slice %arg8[%dma_wait3A_157, %dma_wait3A_158] : memref<8x125xi32, #tpu.memory_space<vmem>> -> memref<1x125xi32, #tpu.memory_space<vmem>>
      %dma_wait3A_160 = tpu.memref_squeeze %dma_wait3A_159 : memref<1x125xi32, #tpu.memory_space<vmem>> -> memref<125xi32, #tpu.memory_space<vmem>>
      %dma_wait3A_161 = arith.constant 0 : i32
      %dma_wait3A_162 = arith.constant 0 : i32
      %dma_wait3A_163 = tpu.memref_slice %arg11[%dma_wait3A_161, %dma_wait3A_162] : memref<10240x128xf32, #tpu.memory_space<vmem_shared>> -> memref<10240x128xf32, #tpu.memory_space<vmem_shared>>
      tpu.wait_indirect_dma semaphore(%arg15 : memref<!tpu.dma_semaphore, #tpu.memory_space<semaphore_mem>>) src(%arg9 : memref<125x128xf32, #tpu.memory_space<vmem>>) dst(%dma_wait3A_163 : memref<10240x128xf32, #tpu.memory_space<vmem_shared>>)
      %dma_start3A_164 = arith.constant 2 : i32
      %dma_start3A_165 = arith.constant 0 : i32
      %dma_start3A_166 = tpu.memref_slice %arg7[%dma_start3A_164, %dma_start3A_165] : memref<8x125xi32, #tpu.memory_space<vmem>> -> memref<1x125xi32, #tpu.memory_space<vmem>>
      %dma_start3A_167 = tpu.memref_squeeze %dma_start3A_166 : memref<1x125xi32, #tpu.memory_space<vmem>> -> memref<125xi32, #tpu.memory_space<vmem>>
      %dma_start3A_168 = arith.constant 0 : i32
      %dma_start3A_169 = arith.constant 0 : i32
      %dma_start3A_170 = tpu.memref_slice %arg2[%dma_start3A_168, %dma_start3A_169] : memref<10000x128xf32, #tpu.memory_space<hbm>> -> memref<10000x128xf32, #tpu.memory_space<hbm>>
      tpu.enqueue_indirect_dma source(%dma_start3A_170 : memref<10000x128xf32, #tpu.memory_space<hbm>>) target(%arg9 : memref<125x128xf32, #tpu.memory_space<vmem>>) offsets(%dma_start3A_167 : memref<125xi32, #tpu.memory_space<vmem>>) semaphore(%arg13 : memref<!tpu.dma_semaphore, #tpu.memory_space<semaphore_mem>>)
      %dma_wait3A_171 = arith.constant 2 : i32
      %dma_wait3A_172 = arith.constant 0 : i32
      %dma_wait3A_173 = tpu.memref_slice %arg7[%dma_wait3A_171, %dma_wait3A_172] : memref<8x125xi32, #tpu.memory_space<vmem>> -> memref<1x125xi32, #tpu.memory_space<vmem>>
      %dma_wait3A_174 = tpu.memref_squeeze %dma_wait3A_173 : memref<1x125xi32, #tpu.memory_space<vmem>> -> memref<125xi32, #tpu.memory_space<vmem>>
      %dma_wait3A_175 = arith.constant 0 : i32
      %dma_wait3A_176 = arith.constant 0 : i32
      %dma_wait3A_177 = tpu.memref_slice %arg2[%dma_wait3A_175, %dma_wait3A_176] : memref<10000x128xf32, #tpu.memory_space<hbm>> -> memref<10000x128xf32, #tpu.memory_space<hbm>>
      tpu.wait_indirect_dma semaphore(%arg13 : memref<!tpu.dma_semaphore, #tpu.memory_space<semaphore_mem>>) src(%dma_wait3A_177 : memref<10000x128xf32, #tpu.memory_space<hbm>>) dst(%arg9 : memref<125x128xf32, #tpu.memory_space<vmem>>)
      %dma_start3A_178 = arith.constant 2 : i32
      %dma_start3A_179 = arith.constant 0 : i32
      %dma_start3A_180 = tpu.memref_slice %arg8[%dma_start3A_178, %dma_start3A_179] : memref<8x125xi32, #tpu.memory_space<vmem>> -> memref<1x125xi32, #tpu.memory_space<vmem>>
      %dma_start3A_181 = tpu.memref_squeeze %dma_start3A_180 : memref<1x125xi32, #tpu.memory_space<vmem>> -> memref<125xi32, #tpu.memory_space<vmem>>
      %dma_start3A_182 = arith.constant 0 : i32
      %dma_start3A_183 = arith.constant 0 : i32
      %dma_start3A_184 = tpu.memref_slice %arg11[%dma_start3A_182, %dma_start3A_183] : memref<10240x128xf32, #tpu.memory_space<vmem_shared>> -> memref<10240x128xf32, #tpu.memory_space<vmem_shared>>
      tpu.enqueue_indirect_dma source(%arg9 : memref<125x128xf32, #tpu.memory_space<vmem>>) target(%dma_start3A_184 : memref<10240x128xf32, #tpu.memory_space<vmem_shared>>) offsets(%dma_start3A_181 : memref<125xi32, #tpu.memory_space<vmem>>) semaphore(%arg15 : memref<!tpu.dma_semaphore, #tpu.memory_space<semaphore_mem>>) {add = true}
      %dma_wait3A_185 = arith.constant 2 : i32
      %dma_wait3A_186 = arith.constant 0 : i32
      %dma_wait3A_187 = tpu.memref_slice %arg8[%dma_wait3A_185, %dma_wait3A_186] : memref<8x125xi32, #tpu.memory_space<vmem>> -> memref<1x125xi32, #tpu.memory_space<vmem>>
      %dma_wait3A_188 = tpu.memref_squeeze %dma_wait3A_187 : memref<1x125xi32, #tpu.memory_space<vmem>> -> memref<125xi32, #tpu.memory_space<vmem>>
      %dma_wait3A_189 = arith.constant 0 : i32
      %dma_wait3A_190 = arith.constant 0 : i32
      %dma_wait3A_191 = tpu.memref_slice %arg11[%dma_wait3A_189, %dma_wait3A_190] : memref<10240x128xf32, #tpu.memory_space<vmem_shared>> -> memref<10240x128xf32, #tpu.memory_space<vmem_shared>>
      tpu.wait_indirect_dma semaphore(%arg16 : memref<!tpu.dma_semaphore, #tpu.memory_space<semaphore_mem>>) src(%arg12 : memref<125x128xf32, #tpu.memory_space<vmem>>) dst(%dma_wait3A_191 : memref<10240x128xf32, #tpu.memory_space<vmem_shared>>)
      %dma_start3A_192 = arith.constant 3 : i32
      %dma_start3A_193 = arith.constant 0 : i32
      %dma_start3A_194 = tpu.memref_slice %arg7[%dma_start3A_192, %dma_start3A_193] : memref<8x125xi32, #tpu.memory_space<vmem>> -> memref<1x125xi32, #tpu.memory_space<vmem>>
      %dma_start3A_195 = tpu.memref_squeeze %dma_start3A_194 : memref<1x125xi32, #tpu.memory_space<vmem>> -> memref<125xi32, #tpu.memory_space<vmem>>
      %dma_start3A_196 = arith.constant 0 : i32
      %dma_start3A_197 = arith.constant 0 : i32
      %dma_start3A_198 = tpu.memref_slice %arg2[%dma_start3A_196, %dma_start3A_197] : memref<10000x128xf32, #tpu.memory_space<hbm>> -> memref<10000x128xf32, #tpu.memory_space<hbm>>
      tpu.enqueue_indirect_dma source(%dma_start3A_198 : memref<10000x128xf32, #tpu.memory_space<hbm>>) target(%arg12 : memref<125x128xf32, #tpu.memory_space<vmem>>) offsets(%dma_start3A_195 : memref<125xi32, #tpu.memory_space<vmem>>) semaphore(%arg14 : memref<!tpu.dma_semaphore, #tpu.memory_space<semaphore_mem>>)
      %dma_wait3A_199 = arith.constant 3 : i32
      %dma_wait3A_200 = arith.constant 0 : i32
      %dma_wait3A_201 = tpu.memref_slice %arg7[%dma_wait3A_199, %dma_wait3A_200] : memref<8x125xi32, #tpu.memory_space<vmem>> -> memref<1x125xi32, #tpu.memory_space<vmem>>
      %dma_wait3A_202 = tpu.memref_squeeze %dma_wait3A_201 : memref<1x125xi32, #tpu.memory_space<vmem>> -> memref<125xi32, #tpu.memory_space<vmem>>
      %dma_wait3A_203 = arith.constant 0 : i32
      %dma_wait3A_204 = arith.constant 0 : i32
      %dma_wait3A_205 = tpu.memref_slice %arg2[%dma_wait3A_203, %dma_wait3A_204] : memref<10000x128xf32, #tpu.memory_space<hbm>> -> memref<10000x128xf32, #tpu.memory_space<hbm>>
      tpu.wait_indirect_dma semaphore(%arg14 : memref<!tpu.dma_semaphore, #tpu.memory_space<semaphore_mem>>) src(%dma_wait3A_205 : memref<10000x128xf32, #tpu.memory_space<hbm>>) dst(%arg12 : memref<125x128xf32, #tpu.memory_space<vmem>>)
      %dma_start3A_206 = arith.constant 3 : i32
      %dma_start3A_207 = arith.constant 0 : i32
      %dma_start3A_208 = tpu.memref_slice %arg8[%dma_start3A_206, %dma_start3A_207] : memref<8x125xi32, #tpu.memory_space<vmem>> -> memref<1x125xi32, #tpu.memory_space<vmem>>
      %dma_start3A_209 = tpu.memref_squeeze %dma_start3A_208 : memref<1x125xi32, #tpu.memory_space<vmem>> -> memref<125xi32, #tpu.memory_space<vmem>>
      %dma_start3A_210 = arith.constant 0 : i32
      %dma_start3A_211 = arith.constant 0 : i32
      %dma_start3A_212 = tpu.memref_slice %arg11[%dma_start3A_210, %dma_start3A_211] : memref<10240x128xf32, #tpu.memory_space<vmem_shared>> -> memref<10240x128xf32, #tpu.memory_space<vmem_shared>>
      tpu.enqueue_indirect_dma source(%arg12 : memref<125x128xf32, #tpu.memory_space<vmem>>) target(%dma_start3A_212 : memref<10240x128xf32, #tpu.memory_space<vmem_shared>>) offsets(%dma_start3A_209 : memref<125xi32, #tpu.memory_space<vmem>>) semaphore(%arg16 : memref<!tpu.dma_semaphore, #tpu.memory_space<semaphore_mem>>) {add = true}
      %dma_wait3A_213 = arith.constant 3 : i32
      %dma_wait3A_214 = arith.constant 0 : i32
      %dma_wait3A_215 = tpu.memref_slice %arg8[%dma_wait3A_213, %dma_wait3A_214] : memref<8x125xi32, #tpu.memory_space<vmem>> -> memref<1x125xi32, #tpu.memory_space<vmem>>
      %dma_wait3A_216 = tpu.memref_squeeze %dma_wait3A_215 : memref<1x125xi32, #tpu.memory_space<vmem>> -> memref<125xi32, #tpu.memory_space<vmem>>
      %dma_wait3A_217 = arith.constant 0 : i32
      %dma_wait3A_218 = arith.constant 0 : i32
      %dma_wait3A_219 = tpu.memref_slice %arg11[%dma_wait3A_217, %dma_wait3A_218] : memref<10240x128xf32, #tpu.memory_space<vmem_shared>> -> memref<10240x128xf32, #tpu.memory_space<vmem_shared>>
      tpu.wait_indirect_dma semaphore(%arg15 : memref<!tpu.dma_semaphore, #tpu.memory_space<semaphore_mem>>) src(%arg9 : memref<125x128xf32, #tpu.memory_space<vmem>>) dst(%dma_wait3A_219 : memref<10240x128xf32, #tpu.memory_space<vmem_shared>>)
      %dma_start3A_220 = arith.constant 4 : i32
      %dma_start3A_221 = arith.constant 0 : i32
      %dma_start3A_222 = tpu.memref_slice %arg7[%dma_start3A_220, %dma_start3A_221] : memref<8x125xi32, #tpu.memory_space<vmem>> -> memref<1x125xi32, #tpu.memory_space<vmem>>
      %dma_start3A_223 = tpu.memref_squeeze %dma_start3A_222 : memref<1x125xi32, #tpu.memory_space<vmem>> -> memref<125xi32, #tpu.memory_space<vmem>>
      %dma_start3A_224 = arith.constant 0 : i32
      %dma_start3A_225 = arith.constant 0 : i32
      %dma_start3A_226 = tpu.memref_slice %arg2[%dma_start3A_224, %dma_start3A_225] : memref<10000x128xf32, #tpu.memory_space<hbm>> -> memref<10000x128xf32, #tpu.memory_space<hbm>>
      tpu.enqueue_indirect_dma source(%dma_start3A_226 : memref<10000x128xf32, #tpu.memory_space<hbm>>) target(%arg9 : memref<125x128xf32, #tpu.memory_space<vmem>>) offsets(%dma_start3A_223 : memref<125xi32, #tpu.memory_space<vmem>>) semaphore(%arg13 : memref<!tpu.dma_semaphore, #tpu.memory_space<semaphore_mem>>)
      %dma_wait3A_227 = arith.constant 4 : i32
      %dma_wait3A_228 = arith.constant 0 : i32
      %dma_wait3A_229 = tpu.memref_slice %arg7[%dma_wait3A_227, %dma_wait3A_228] : memref<8x125xi32, #tpu.memory_space<vmem>> -> memref<1x125xi32, #tpu.memory_space<vmem>>
      %dma_wait3A_230 = tpu.memref_squeeze %dma_wait3A_229 : memref<1x125xi32, #tpu.memory_space<vmem>> -> memref<125xi32, #tpu.memory_space<vmem>>
      %dma_wait3A_231 = arith.constant 0 : i32
      %dma_wait3A_232 = arith.constant 0 : i32
      %dma_wait3A_233 = tpu.memref_slice %arg2[%dma_wait3A_231, %dma_wait3A_232] : memref<10000x128xf32, #tpu.memory_space<hbm>> -> memref<10000x128xf32, #tpu.memory_space<hbm>>
      tpu.wait_indirect_dma semaphore(%arg13 : memref<!tpu.dma_semaphore, #tpu.memory_space<semaphore_mem>>) src(%dma_wait3A_233 : memref<10000x128xf32, #tpu.memory_space<hbm>>) dst(%arg9 : memref<125x128xf32, #tpu.memory_space<vmem>>)
      %dma_start3A_234 = arith.constant 4 : i32
      %dma_start3A_235 = arith.constant 0 : i32
      %dma_start3A_236 = tpu.memref_slice %arg8[%dma_start3A_234, %dma_start3A_235] : memref<8x125xi32, #tpu.memory_space<vmem>> -> memref<1x125xi32, #tpu.memory_space<vmem>>
      %dma_start3A_237 = tpu.memref_squeeze %dma_start3A_236 : memref<1x125xi32, #tpu.memory_space<vmem>> -> memref<125xi32, #tpu.memory_space<vmem>>
      %dma_start3A_238 = arith.constant 0 : i32
      %dma_start3A_239 = arith.constant 0 : i32
      %dma_start3A_240 = tpu.memref_slice %arg11[%dma_start3A_238, %dma_start3A_239] : memref<10240x128xf32, #tpu.memory_space<vmem_shared>> -> memref<10240x128xf32, #tpu.memory_space<vmem_shared>>
      tpu.enqueue_indirect_dma source(%arg9 : memref<125x128xf32, #tpu.memory_space<vmem>>) target(%dma_start3A_240 : memref<10240x128xf32, #tpu.memory_space<vmem_shared>>) offsets(%dma_start3A_237 : memref<125xi32, #tpu.memory_space<vmem>>) semaphore(%arg15 : memref<!tpu.dma_semaphore, #tpu.memory_space<semaphore_mem>>) {add = true}
      %dma_wait3A_241 = arith.constant 4 : i32
      %dma_wait3A_242 = arith.constant 0 : i32
      %dma_wait3A_243 = tpu.memref_slice %arg8[%dma_wait3A_241, %dma_wait3A_242] : memref<8x125xi32, #tpu.memory_space<vmem>> -> memref<1x125xi32, #tpu.memory_space<vmem>>
      %dma_wait3A_244 = tpu.memref_squeeze %dma_wait3A_243 : memref<1x125xi32, #tpu.memory_space<vmem>> -> memref<125xi32, #tpu.memory_space<vmem>>
      %dma_wait3A_245 = arith.constant 0 : i32
      %dma_wait3A_246 = arith.constant 0 : i32
      %dma_wait3A_247 = tpu.memref_slice %arg11[%dma_wait3A_245, %dma_wait3A_246] : memref<10240x128xf32, #tpu.memory_space<vmem_shared>> -> memref<10240x128xf32, #tpu.memory_space<vmem_shared>>
      tpu.wait_indirect_dma semaphore(%arg16 : memref<!tpu.dma_semaphore, #tpu.memory_space<semaphore_mem>>) src(%arg12 : memref<125x128xf32, #tpu.memory_space<vmem>>) dst(%dma_wait3A_247 : memref<10240x128xf32, #tpu.memory_space<vmem_shared>>)
      %dma_start3A_248 = arith.constant 5 : i32
      %dma_start3A_249 = arith.constant 0 : i32
      %dma_start3A_250 = tpu.memref_slice %arg7[%dma_start3A_248, %dma_start3A_249] : memref<8x125xi32, #tpu.memory_space<vmem>> -> memref<1x125xi32, #tpu.memory_space<vmem>>
      %dma_start3A_251 = tpu.memref_squeeze %dma_start3A_250 : memref<1x125xi32, #tpu.memory_space<vmem>> -> memref<125xi32, #tpu.memory_space<vmem>>
      %dma_start3A_252 = arith.constant 0 : i32
      %dma_start3A_253 = arith.constant 0 : i32
      %dma_start3A_254 = tpu.memref_slice %arg2[%dma_start3A_252, %dma_start3A_253] : memref<10000x128xf32, #tpu.memory_space<hbm>> -> memref<10000x128xf32, #tpu.memory_space<hbm>>
      tpu.enqueue_indirect_dma source(%dma_start3A_254 : memref<10000x128xf32, #tpu.memory_space<hbm>>) target(%arg12 : memref<125x128xf32, #tpu.memory_space<vmem>>) offsets(%dma_start3A_251 : memref<125xi32, #tpu.memory_space<vmem>>) semaphore(%arg14 : memref<!tpu.dma_semaphore, #tpu.memory_space<semaphore_mem>>)
      %dma_wait3A_255 = arith.constant 5 : i32
      %dma_wait3A_256 = arith.constant 0 : i32
      %dma_wait3A_257 = tpu.memref_slice %arg7[%dma_wait3A_255, %dma_wait3A_256] : memref<8x125xi32, #tpu.memory_space<vmem>> -> memref<1x125xi32, #tpu.memory_space<vmem>>
      %dma_wait3A_258 = tpu.memref_squeeze %dma_wait3A_257 : memref<1x125xi32, #tpu.memory_space<vmem>> -> memref<125xi32, #tpu.memory_space<vmem>>
      %dma_wait3A_259 = arith.constant 0 : i32
      %dma_wait3A_260 = arith.constant 0 : i32
      %dma_wait3A_261 = tpu.memref_slice %arg2[%dma_wait3A_259, %dma_wait3A_260] : memref<10000x128xf32, #tpu.memory_space<hbm>> -> memref<10000x128xf32, #tpu.memory_space<hbm>>
      tpu.wait_indirect_dma semaphore(%arg14 : memref<!tpu.dma_semaphore, #tpu.memory_space<semaphore_mem>>) src(%dma_wait3A_261 : memref<10000x128xf32, #tpu.memory_space<hbm>>) dst(%arg12 : memref<125x128xf32, #tpu.memory_space<vmem>>)
      %dma_start3A_262 = arith.constant 5 : i32
      %dma_start3A_263 = arith.constant 0 : i32
      %dma_start3A_264 = tpu.memref_slice %arg8[%dma_start3A_262, %dma_start3A_263] : memref<8x125xi32, #tpu.memory_space<vmem>> -> memref<1x125xi32, #tpu.memory_space<vmem>>
      %dma_start3A_265 = tpu.memref_squeeze %dma_start3A_264 : memref<1x125xi32, #tpu.memory_space<vmem>> -> memref<125xi32, #tpu.memory_space<vmem>>
      %dma_start3A_266 = arith.constant 0 : i32
      %dma_start3A_267 = arith.constant 0 : i32
      %dma_start3A_268 = tpu.memref_slice %arg11[%dma_start3A_266, %dma_start3A_267] : memref<10240x128xf32, #tpu.memory_space<vmem_shared>> -> memref<10240x128xf32, #tpu.memory_space<vmem_shared>>
      tpu.enqueue_indirect_dma source(%arg12 : memref<125x128xf32, #tpu.memory_space<vmem>>) target(%dma_start3A_268 : memref<10240x128xf32, #tpu.memory_space<vmem_shared>>) offsets(%dma_start3A_265 : memref<125xi32, #tpu.memory_space<vmem>>) semaphore(%arg16 : memref<!tpu.dma_semaphore, #tpu.memory_space<semaphore_mem>>) {add = true}
      %dma_wait3A_269 = arith.constant 5 : i32
      %dma_wait3A_270 = arith.constant 0 : i32
      %dma_wait3A_271 = tpu.memref_slice %arg8[%dma_wait3A_269, %dma_wait3A_270] : memref<8x125xi32, #tpu.memory_space<vmem>> -> memref<1x125xi32, #tpu.memory_space<vmem>>
      %dma_wait3A_272 = tpu.memref_squeeze %dma_wait3A_271 : memref<1x125xi32, #tpu.memory_space<vmem>> -> memref<125xi32, #tpu.memory_space<vmem>>
      %dma_wait3A_273 = arith.constant 0 : i32
      %dma_wait3A_274 = arith.constant 0 : i32
      %dma_wait3A_275 = tpu.memref_slice %arg11[%dma_wait3A_273, %dma_wait3A_274] : memref<10240x128xf32, #tpu.memory_space<vmem_shared>> -> memref<10240x128xf32, #tpu.memory_space<vmem_shared>>
      tpu.wait_indirect_dma semaphore(%arg15 : memref<!tpu.dma_semaphore, #tpu.memory_space<semaphore_mem>>) src(%arg9 : memref<125x128xf32, #tpu.memory_space<vmem>>) dst(%dma_wait3A_275 : memref<10240x128xf32, #tpu.memory_space<vmem_shared>>)
      %dma_start3A_276 = arith.constant 6 : i32
      %dma_start3A_277 = arith.constant 0 : i32
      %dma_start3A_278 = tpu.memref_slice %arg7[%dma_start3A_276, %dma_start3A_277] : memref<8x125xi32, #tpu.memory_space<vmem>> -> memref<1x125xi32, #tpu.memory_space<vmem>>
      %dma_start3A_279 = tpu.memref_squeeze %dma_start3A_278 : memref<1x125xi32, #tpu.memory_space<vmem>> -> memref<125xi32, #tpu.memory_space<vmem>>
      %dma_start3A_280 = arith.constant 0 : i32
      %dma_start3A_281 = arith.constant 0 : i32
      %dma_start3A_282 = tpu.memref_slice %arg2[%dma_start3A_280, %dma_start3A_281] : memref<10000x128xf32, #tpu.memory_space<hbm>> -> memref<10000x128xf32, #tpu.memory_space<hbm>>
      tpu.enqueue_indirect_dma source(%dma_start3A_282 : memref<10000x128xf32, #tpu.memory_space<hbm>>) target(%arg9 : memref<125x128xf32, #tpu.memory_space<vmem>>) offsets(%dma_start3A_279 : memref<125xi32, #tpu.memory_space<vmem>>) semaphore(%arg13 : memref<!tpu.dma_semaphore, #tpu.memory_space<semaphore_mem>>)
      %dma_wait3A_283 = arith.constant 6 : i32
      %dma_wait3A_284 = arith.constant 0 : i32
      %dma_wait3A_285 = tpu.memref_slice %arg7[%dma_wait3A_283, %dma_wait3A_284] : memref<8x125xi32, #tpu.memory_space<vmem>> -> memref<1x125xi32, #tpu.memory_space<vmem>>
      %dma_wait3A_286 = tpu.memref_squeeze %dma_wait3A_285 : memref<1x125xi32, #tpu.memory_space<vmem>> -> memref<125xi32, #tpu.memory_space<vmem>>
      %dma_wait3A_287 = arith.constant 0 : i32
      %dma_wait3A_288 = arith.constant 0 : i32
      %dma_wait3A_289 = tpu.memref_slice %arg2[%dma_wait3A_287, %dma_wait3A_288] : memref<10000x128xf32, #tpu.memory_space<hbm>> -> memref<10000x128xf32, #tpu.memory_space<hbm>>
      tpu.wait_indirect_dma semaphore(%arg13 : memref<!tpu.dma_semaphore, #tpu.memory_space<semaphore_mem>>) src(%dma_wait3A_289 : memref<10000x128xf32, #tpu.memory_space<hbm>>) dst(%arg9 : memref<125x128xf32, #tpu.memory_space<vmem>>)
      %dma_start3A_290 = arith.constant 6 : i32
      %dma_start3A_291 = arith.constant 0 : i32
      %dma_start3A_292 = tpu.memref_slice %arg8[%dma_start3A_290, %dma_start3A_291] : memref<8x125xi32, #tpu.memory_space<vmem>> -> memref<1x125xi32, #tpu.memory_space<vmem>>
      %dma_start3A_293 = tpu.memref_squeeze %dma_start3A_292 : memref<1x125xi32, #tpu.memory_space<vmem>> -> memref<125xi32, #tpu.memory_space<vmem>>
      %dma_start3A_294 = arith.constant 0 : i32
      %dma_start3A_295 = arith.constant 0 : i32
      %dma_start3A_296 = tpu.memref_slice %arg11[%dma_start3A_294, %dma_start3A_295] : memref<10240x128xf32, #tpu.memory_space<vmem_shared>> -> memref<10240x128xf32, #tpu.memory_space<vmem_shared>>
      tpu.enqueue_indirect_dma source(%arg9 : memref<125x128xf32, #tpu.memory_space<vmem>>) target(%dma_start3A_296 : memref<10240x128xf32, #tpu.memory_space<vmem_shared>>) offsets(%dma_start3A_293 : memref<125xi32, #tpu.memory_space<vmem>>) semaphore(%arg15 : memref<!tpu.dma_semaphore, #tpu.memory_space<semaphore_mem>>) {add = true}
      %dma_wait3A_297 = arith.constant 6 : i32
      %dma_wait3A_298 = arith.constant 0 : i32
      %dma_wait3A_299 = tpu.memref_slice %arg8[%dma_wait3A_297, %dma_wait3A_298] : memref<8x125xi32, #tpu.memory_space<vmem>> -> memref<1x125xi32, #tpu.memory_space<vmem>>
      %dma_wait3A_300 = tpu.memref_squeeze %dma_wait3A_299 : memref<1x125xi32, #tpu.memory_space<vmem>> -> memref<125xi32, #tpu.memory_space<vmem>>
      %dma_wait3A_301 = arith.constant 0 : i32
      %dma_wait3A_302 = arith.constant 0 : i32
      %dma_wait3A_303 = tpu.memref_slice %arg11[%dma_wait3A_301, %dma_wait3A_302] : memref<10240x128xf32, #tpu.memory_space<vmem_shared>> -> memref<10240x128xf32, #tpu.memory_space<vmem_shared>>
      tpu.wait_indirect_dma semaphore(%arg16 : memref<!tpu.dma_semaphore, #tpu.memory_space<semaphore_mem>>) src(%arg12 : memref<125x128xf32, #tpu.memory_space<vmem>>) dst(%dma_wait3A_303 : memref<10240x128xf32, #tpu.memory_space<vmem_shared>>)
      %dma_start3A_304 = arith.constant 7 : i32
      %dma_start3A_305 = arith.constant 0 : i32
      %dma_start3A_306 = tpu.memref_slice %arg7[%dma_start3A_304, %dma_start3A_305] : memref<8x125xi32, #tpu.memory_space<vmem>> -> memref<1x125xi32, #tpu.memory_space<vmem>>
      %dma_start3A_307 = tpu.memref_squeeze %dma_start3A_306 : memref<1x125xi32, #tpu.memory_space<vmem>> -> memref<125xi32, #tpu.memory_space<vmem>>
      %dma_start3A_308 = arith.constant 0 : i32
      %dma_start3A_309 = arith.constant 0 : i32
      %dma_start3A_310 = tpu.memref_slice %arg2[%dma_start3A_308, %dma_start3A_309] : memref<10000x128xf32, #tpu.memory_space<hbm>> -> memref<10000x128xf32, #tpu.memory_space<hbm>>
      tpu.enqueue_indirect_dma source(%dma_start3A_310 : memref<10000x128xf32, #tpu.memory_space<hbm>>) target(%arg12 : memref<125x128xf32, #tpu.memory_space<vmem>>) offsets(%dma_start3A_307 : memref<125xi32, #tpu.memory_space<vmem>>) semaphore(%arg14 : memref<!tpu.dma_semaphore, #tpu.memory_space<semaphore_mem>>)
      %dma_wait3A_311 = arith.constant 7 : i32
      %dma_wait3A_312 = arith.constant 0 : i32
      %dma_wait3A_313 = tpu.memref_slice %arg7[%dma_wait3A_311, %dma_wait3A_312] : memref<8x125xi32, #tpu.memory_space<vmem>> -> memref<1x125xi32, #tpu.memory_space<vmem>>
      %dma_wait3A_314 = tpu.memref_squeeze %dma_wait3A_313 : memref<1x125xi32, #tpu.memory_space<vmem>> -> memref<125xi32, #tpu.memory_space<vmem>>
      %dma_wait3A_315 = arith.constant 0 : i32
      %dma_wait3A_316 = arith.constant 0 : i32
      %dma_wait3A_317 = tpu.memref_slice %arg2[%dma_wait3A_315, %dma_wait3A_316] : memref<10000x128xf32, #tpu.memory_space<hbm>> -> memref<10000x128xf32, #tpu.memory_space<hbm>>
      tpu.wait_indirect_dma semaphore(%arg14 : memref<!tpu.dma_semaphore, #tpu.memory_space<semaphore_mem>>) src(%dma_wait3A_317 : memref<10000x128xf32, #tpu.memory_space<hbm>>) dst(%arg12 : memref<125x128xf32, #tpu.memory_space<vmem>>)
      %dma_start3A_318 = arith.constant 7 : i32
      %dma_start3A_319 = arith.constant 0 : i32
      %dma_start3A_320 = tpu.memref_slice %arg8[%dma_start3A_318, %dma_start3A_319] : memref<8x125xi32, #tpu.memory_space<vmem>> -> memref<1x125xi32, #tpu.memory_space<vmem>>
      %dma_start3A_321 = tpu.memref_squeeze %dma_start3A_320 : memref<1x125xi32, #tpu.memory_space<vmem>> -> memref<125xi32, #tpu.memory_space<vmem>>
      %dma_start3A_322 = arith.constant 0 : i32
      %dma_start3A_323 = arith.constant 0 : i32
      %dma_start3A_324 = tpu.memref_slice %arg11[%dma_start3A_322, %dma_start3A_323] : memref<10240x128xf32, #tpu.memory_space<vmem_shared>> -> memref<10240x128xf32, #tpu.memory_space<vmem_shared>>
      tpu.enqueue_indirect_dma source(%arg12 : memref<125x128xf32, #tpu.memory_space<vmem>>) target(%dma_start3A_324 : memref<10240x128xf32, #tpu.memory_space<vmem_shared>>) offsets(%dma_start3A_321 : memref<125xi32, #tpu.memory_space<vmem>>) semaphore(%arg16 : memref<!tpu.dma_semaphore, #tpu.memory_space<semaphore_mem>>) {add = true}
      %dma_wait3A_325 = arith.constant 6 : i32
      %dma_wait3A_326 = arith.constant 0 : i32
      %dma_wait3A_327 = tpu.memref_slice %arg8[%dma_wait3A_325, %dma_wait3A_326] : memref<8x125xi32, #tpu.memory_space<vmem>> -> memref<1x125xi32, #tpu.memory_space<vmem>>
      %dma_wait3A_328 = tpu.memref_squeeze %dma_wait3A_327 : memref<1x125xi32, #tpu.memory_space<vmem>> -> memref<125xi32, #tpu.memory_space<vmem>>
      %dma_wait3A_329 = arith.constant 0 : i32
      %dma_wait3A_330 = arith.constant 0 : i32
      %dma_wait3A_331 = tpu.memref_slice %arg11[%dma_wait3A_329, %dma_wait3A_330] : memref<10240x128xf32, #tpu.memory_space<vmem_shared>> -> memref<10240x128xf32, #tpu.memory_space<vmem_shared>>
      tpu.wait_indirect_dma semaphore(%arg15 : memref<!tpu.dma_semaphore, #tpu.memory_space<semaphore_mem>>) src(%arg9 : memref<125x128xf32, #tpu.memory_space<vmem>>) dst(%dma_wait3A_331 : memref<10240x128xf32, #tpu.memory_space<vmem_shared>>)
      %dma_wait3A_332 = arith.constant 7 : i32
      %dma_wait3A_333 = arith.constant 0 : i32
      %dma_wait3A_334 = tpu.memref_slice %arg8[%dma_wait3A_332, %dma_wait3A_333] : memref<8x125xi32, #tpu.memory_space<vmem>> -> memref<1x125xi32, #tpu.memory_space<vmem>>
      %dma_wait3A_335 = tpu.memref_squeeze %dma_wait3A_334 : memref<1x125xi32, #tpu.memory_space<vmem>> -> memref<125xi32, #tpu.memory_space<vmem>>
      %dma_wait3A_336 = arith.constant 0 : i32
      %dma_wait3A_337 = arith.constant 0 : i32
      %dma_wait3A_338 = tpu.memref_slice %arg11[%dma_wait3A_336, %dma_wait3A_337] : memref<10240x128xf32, #tpu.memory_space<vmem_shared>> -> memref<10240x128xf32, #tpu.memory_space<vmem_shared>>
      tpu.wait_indirect_dma semaphore(%arg16 : memref<!tpu.dma_semaphore, #tpu.memory_space<semaphore_mem>>) src(%arg12 : memref<125x128xf32, #tpu.memory_space<vmem>>) dst(%dma_wait3A_338 : memref<10240x128xf32, #tpu.memory_space<vmem_shared>>)
    }
    %scan3A_52 = arith.constant 10 : i32
    %barrier3A_53 = arith.constant 0 : index
    tpu.barrier barrier_id(%barrier3A_53)
    %add3A_54 = arith.constant 0 : i32
    %add3A_55 = arith.addi %arg1, %add3A_54 : i32
    %lt3A = arith.constant 125 : i32
    %lt3A_56 = arith.cmpi slt, %add3A_55, %lt3A : i32
    %convert_element_type3A = arith.extui %lt3A_56 : i1 to i32
    %cond3A = arith.constant 0 : i32
    %cond3A_57 = arith.cmpi ne, %convert_element_type3A, %cond3A : i32
    scf.if %cond3A_57 {
      %mul3A_107 = arith.constant 80 : i32
      %mul3A_108 = arith.muli %add3A_55, %mul3A_107 : i32
      "tpu.region"() ({
        %run_scoped3A = tpu.sem_alloc : memref<!tpu.dma_semaphore, #tpu.memory_space<semaphore_mem>>
        %dma_start3A = arith.constant 0 : i32
        %dma_start3A_112 = tpu.memref_slice %arg11[%mul3A_108, %dma_start3A] : memref<10240x128xf32, #tpu.memory_space<vmem_shared>> -> memref<80x128xf32, #tpu.memory_space<vmem_shared>>
        %dma_start3A_113 = arith.constant 0 : i32
        %dma_start3A_114 = tpu.memref_slice %arg11[%mul3A_108, %dma_start3A_113] : memref<10240x128xf32, #tpu.memory_space<vmem_shared>> -> memref<80x128xf32, #tpu.memory_space<vmem_shared>>
        tpu.enqueue_dma source(%dma_start3A_114 : memref<80x128xf32, #tpu.memory_space<vmem_shared>>) target(%arg10 : memref<80x128xf32, #tpu.memory_space<vmem>>) target_semaphore(%run_scoped3A : memref<!tpu.dma_semaphore, #tpu.memory_space<semaphore_mem>>)
        %dma_wait3A = arith.constant 0 : i32
        %dma_wait3A_115 = tpu.memref_slice %arg11[%mul3A_108, %dma_wait3A] : memref<10240x128xf32, #tpu.memory_space<vmem_shared>> -> memref<80x128xf32, #tpu.memory_space<vmem_shared>>
        %dma_wait3A_116 = arith.constant 0 : i32
        %dma_wait3A_117 = tpu.memref_slice %arg11[%mul3A_108, %dma_wait3A_116] : memref<10240x128xf32, #tpu.memory_space<vmem_shared>> -> memref<80x128xf32, #tpu.memory_space<vmem_shared>>
        tpu.wait_dma2 semaphore(%run_scoped3A : memref<!tpu.dma_semaphore, #tpu.memory_space<semaphore_mem>>) src(%dma_wait3A_117 : memref<80x128xf32, #tpu.memory_space<vmem_shared>>) dst(%arg10 : memref<80x128xf32, #tpu.memory_space<vmem>>)
        tpu.yield
      }) : () -> ()
      %mul3A_109 = arith.constant 10000 : i32
      %mul3A_110 = arith.muli %arg0, %mul3A_109 : i32
      %add3A_111 = arith.addi %mul3A_110, %mul3A_108 : i32
      "tpu.region"() ({
        %run_scoped3A = tpu.sem_alloc : memref<!tpu.dma_semaphore, #tpu.memory_space<semaphore_mem>>
        %dma_start3A = arith.constant 0 : i32
        %dma_start3A_112 = tpu.memref_slice %arg6[%add3A_111, %dma_start3A] : memref<20000x128xf32, #tpu.memory_space<hbm>> -> memref<80x128xf32, #tpu.memory_space<hbm>>
        %dma_start3A_113 = arith.constant 0 : i32
        %dma_start3A_114 = tpu.memref_slice %arg6[%add3A_111, %dma_start3A_113] : memref<20000x128xf32, #tpu.memory_space<hbm>> -> memref<80x128xf32, #tpu.memory_space<hbm>>
        tpu.enqueue_dma source(%arg10 : memref<80x128xf32, #tpu.memory_space<vmem>>) target(%dma_start3A_114 : memref<80x128xf32, #tpu.memory_space<hbm>>) target_semaphore(%run_scoped3A : memref<!tpu.dma_semaphore, #tpu.memory_space<semaphore_mem>>)
        %dma_wait3A = arith.constant 0 : i32
        %dma_wait3A_115 = tpu.memref_slice %arg6[%add3A_111, %dma_wait3A] : memref<20000x128xf32, #tpu.memory_space<hbm>> -> memref<80x128xf32, #tpu.memory_space<hbm>>
        %dma_wait3A_116 = arith.constant 0 : i32
        %dma_wait3A_117 = tpu.memref_slice %arg6[%add3A_111, %dma_wait3A_116] : memref<20000x128xf32, #tpu.memory_space<hbm>> -> memref<80x128xf32, #tpu.memory_space<hbm>>
        tpu.wait_dma2 semaphore(%run_scoped3A : memref<!tpu.dma_semaphore, #tpu.memory_space<semaphore_mem>>) src(%arg10 : memref<80x128xf32, #tpu.memory_space<vmem>>) dst(%dma_wait3A_117 : memref<80x128xf32, #tpu.memory_space<hbm>>)
        tpu.yield
      }) : () -> ()
    } else {
    }
    %add3A_58 = arith.constant 16 : i32
    %add3A_59 = arith.addi %arg1, %add3A_58 : i32
    %lt3A_60 = arith.constant 125 : i32
    %lt3A_61 = arith.cmpi slt, %add3A_59, %lt3A_60 : i32
    %convert_element_type3A_62 = arith.extui %lt3A_61 : i1 to i32
    %cond3A_63 = arith.constant 0 : i32
    %cond3A_64 = arith.cmpi ne, %convert_element_type3A_62, %cond3A_63 : i32
    scf.if %cond3A_64 {
      %mul3A_107 = arith.constant 80 : i32
      %mul3A_108 = arith.muli %add3A_59, %mul3A_107 : i32
      "tpu.region"() ({
        %run_scoped3A = tpu.sem_alloc : memref<!tpu.dma_semaphore, #tpu.memory_space<semaphore_mem>>
        %dma_start3A = arith.constant 0 : i32
        %dma_start3A_112 = tpu.memref_slice %arg11[%mul3A_108, %dma_start3A] : memref<10240x128xf32, #tpu.memory_space<vmem_shared>> -> memref<80x128xf32, #tpu.memory_space<vmem_shared>>
        %dma_start3A_113 = arith.constant 0 : i32
        %dma_start3A_114 = tpu.memref_slice %arg11[%mul3A_108, %dma_start3A_113] : memref<10240x128xf32, #tpu.memory_space<vmem_shared>> -> memref<80x128xf32, #tpu.memory_space<vmem_shared>>
        tpu.enqueue_dma source(%dma_start3A_114 : memref<80x128xf32, #tpu.memory_space<vmem_shared>>) target(%arg10 : memref<80x128xf32, #tpu.memory_space<vmem>>) target_semaphore(%run_scoped3A : memref<!tpu.dma_semaphore, #tpu.memory_space<semaphore_mem>>)
        %dma_wait3A = arith.constant 0 : i32
        %dma_wait3A_115 = tpu.memref_slice %arg11[%mul3A_108, %dma_wait3A] : memref<10240x128xf32, #tpu.memory_space<vmem_shared>> -> memref<80x128xf32, #tpu.memory_space<vmem_shared>>
        %dma_wait3A_116 = arith.constant 0 : i32
        %dma_wait3A_117 = tpu.memref_slice %arg11[%mul3A_108, %dma_wait3A_116] : memref<10240x128xf32, #tpu.memory_space<vmem_shared>> -> memref<80x128xf32, #tpu.memory_space<vmem_shared>>
        tpu.wait_dma2 semaphore(%run_scoped3A : memref<!tpu.dma_semaphore, #tpu.memory_space<semaphore_mem>>) src(%dma_wait3A_117 : memref<80x128xf32, #tpu.memory_space<vmem_shared>>) dst(%arg10 : memref<80x128xf32, #tpu.memory_space<vmem>>)
        tpu.yield
      }) : () -> ()
      %mul3A_109 = arith.constant 10000 : i32
      %mul3A_110 = arith.muli %arg0, %mul3A_109 : i32
      %add3A_111 = arith.addi %mul3A_110, %mul3A_108 : i32
      "tpu.region"() ({
        %run_scoped3A = tpu.sem_alloc : memref<!tpu.dma_semaphore, #tpu.memory_space<semaphore_mem>>
        %dma_start3A = arith.constant 0 : i32
        %dma_start3A_112 = tpu.memref_slice %arg6[%add3A_111, %dma_start3A] : memref<20000x128xf32, #tpu.memory_space<hbm>> -> memref<80x128xf32, #tpu.memory_space<hbm>>
        %dma_start3A_113 = arith.constant 0 : i32
        %dma_start3A_114 = tpu.memref_slice %arg6[%add3A_111, %dma_start3A_113] : memref<20000x128xf32, #tpu.memory_space<hbm>> -> memref<80x128xf32, #tpu.memory_space<hbm>>
        tpu.enqueue_dma source(%arg10 : memref<80x128xf32, #tpu.memory_space<vmem>>) target(%dma_start3A_114 : memref<80x128xf32, #tpu.memory_space<hbm>>) target_semaphore(%run_scoped3A : memref<!tpu.dma_semaphore, #tpu.memory_space<semaphore_mem>>)
        %dma_wait3A = arith.constant 0 : i32
        %dma_wait3A_115 = tpu.memref_slice %arg6[%add3A_111, %dma_wait3A] : memref<20000x128xf32, #tpu.memory_space<hbm>> -> memref<80x128xf32, #tpu.memory_space<hbm>>
        %dma_wait3A_116 = arith.constant 0 : i32
        %dma_wait3A_117 = tpu.memref_slice %arg6[%add3A_111, %dma_wait3A_116] : memref<20000x128xf32, #tpu.memory_space<hbm>> -> memref<80x128xf32, #tpu.memory_space<hbm>>
        tpu.wait_dma2 semaphore(%run_scoped3A : memref<!tpu.dma_semaphore, #tpu.memory_space<semaphore_mem>>) src(%arg10 : memref<80x128xf32, #tpu.memory_space<vmem>>) dst(%dma_wait3A_117 : memref<80x128xf32, #tpu.memory_space<hbm>>)
        tpu.yield
      }) : () -> ()
    } else {
    }
    %add3A_65 = arith.constant 32 : i32
    %add3A_66 = arith.addi %arg1, %add3A_65 : i32
    %lt3A_67 = arith.constant 125 : i32
    %lt3A_68 = arith.cmpi slt, %add3A_66, %lt3A_67 : i32
    %convert_element_type3A_69 = arith.extui %lt3A_68 : i1 to i32
    %cond3A_70 = arith.constant 0 : i32
    %cond3A_71 = arith.cmpi ne, %convert_element_type3A_69, %cond3A_70 : i32
    scf.if %cond3A_71 {
      %mul3A_107 = arith.constant 80 : i32
      %mul3A_108 = arith.muli %add3A_66, %mul3A_107 : i32
      "tpu.region"() ({
        %run_scoped3A = tpu.sem_alloc : memref<!tpu.dma_semaphore, #tpu.memory_space<semaphore_mem>>
        %dma_start3A = arith.constant 0 : i32
        %dma_start3A_112 = tpu.memref_slice %arg11[%mul3A_108, %dma_start3A] : memref<10240x128xf32, #tpu.memory_space<vmem_shared>> -> memref<80x128xf32, #tpu.memory_space<vmem_shared>>
        %dma_start3A_113 = arith.constant 0 : i32
        %dma_start3A_114 = tpu.memref_slice %arg11[%mul3A_108, %dma_start3A_113] : memref<10240x128xf32, #tpu.memory_space<vmem_shared>> -> memref<80x128xf32, #tpu.memory_space<vmem_shared>>
        tpu.enqueue_dma source(%dma_start3A_114 : memref<80x128xf32, #tpu.memory_space<vmem_shared>>) target(%arg10 : memref<80x128xf32, #tpu.memory_space<vmem>>) target_semaphore(%run_scoped3A : memref<!tpu.dma_semaphore, #tpu.memory_space<semaphore_mem>>)
        %dma_wait3A = arith.constant 0 : i32
        %dma_wait3A_115 = tpu.memref_slice %arg11[%mul3A_108, %dma_wait3A] : memref<10240x128xf32, #tpu.memory_space<vmem_shared>> -> memref<80x128xf32, #tpu.memory_space<vmem_shared>>
        %dma_wait3A_116 = arith.constant 0 : i32
        %dma_wait3A_117 = tpu.memref_slice %arg11[%mul3A_108, %dma_wait3A_116] : memref<10240x128xf32, #tpu.memory_space<vmem_shared>> -> memref<80x128xf32, #tpu.memory_space<vmem_shared>>
        tpu.wait_dma2 semaphore(%run_scoped3A : memref<!tpu.dma_semaphore, #tpu.memory_space<semaphore_mem>>) src(%dma_wait3A_117 : memref<80x128xf32, #tpu.memory_space<vmem_shared>>) dst(%arg10 : memref<80x128xf32, #tpu.memory_space<vmem>>)
        tpu.yield
      }) : () -> ()
      %mul3A_109 = arith.constant 10000 : i32
      %mul3A_110 = arith.muli %arg0, %mul3A_109 : i32
      %add3A_111 = arith.addi %mul3A_110, %mul3A_108 : i32
      "tpu.region"() ({
        %run_scoped3A = tpu.sem_alloc : memref<!tpu.dma_semaphore, #tpu.memory_space<semaphore_mem>>
        %dma_start3A = arith.constant 0 : i32
        %dma_start3A_112 = tpu.memref_slice %arg6[%add3A_111, %dma_start3A] : memref<20000x128xf32, #tpu.memory_space<hbm>> -> memref<80x128xf32, #tpu.memory_space<hbm>>
        %dma_start3A_113 = arith.constant 0 : i32
        %dma_start3A_114 = tpu.memref_slice %arg6[%add3A_111, %dma_start3A_113] : memref<20000x128xf32, #tpu.memory_space<hbm>> -> memref<80x128xf32, #tpu.memory_space<hbm>>
        tpu.enqueue_dma source(%arg10 : memref<80x128xf32, #tpu.memory_space<vmem>>) target(%dma_start3A_114 : memref<80x128xf32, #tpu.memory_space<hbm>>) target_semaphore(%run_scoped3A : memref<!tpu.dma_semaphore, #tpu.memory_space<semaphore_mem>>)
        %dma_wait3A = arith.constant 0 : i32
        %dma_wait3A_115 = tpu.memref_slice %arg6[%add3A_111, %dma_wait3A] : memref<20000x128xf32, #tpu.memory_space<hbm>> -> memref<80x128xf32, #tpu.memory_space<hbm>>
        %dma_wait3A_116 = arith.constant 0 : i32
        %dma_wait3A_117 = tpu.memref_slice %arg6[%add3A_111, %dma_wait3A_116] : memref<20000x128xf32, #tpu.memory_space<hbm>> -> memref<80x128xf32, #tpu.memory_space<hbm>>
        tpu.wait_dma2 semaphore(%run_scoped3A : memref<!tpu.dma_semaphore, #tpu.memory_space<semaphore_mem>>) src(%arg10 : memref<80x128xf32, #tpu.memory_space<vmem>>) dst(%dma_wait3A_117 : memref<80x128xf32, #tpu.memory_space<hbm>>)
        tpu.yield
      }) : () -> ()
    } else {
    }
    %add3A_72 = arith.constant 48 : i32
    %add3A_73 = arith.addi %arg1, %add3A_72 : i32
    %lt3A_74 = arith.constant 125 : i32
    %lt3A_75 = arith.cmpi slt, %add3A_73, %lt3A_74 : i32
    %convert_element_type3A_76 = arith.extui %lt3A_75 : i1 to i32
    %cond3A_77 = arith.constant 0 : i32
    %cond3A_78 = arith.cmpi ne, %convert_element_type3A_76, %cond3A_77 : i32
    scf.if %cond3A_78 {
      %mul3A_107 = arith.constant 80 : i32
      %mul3A_108 = arith.muli %add3A_73, %mul3A_107 : i32
      "tpu.region"() ({
        %run_scoped3A = tpu.sem_alloc : memref<!tpu.dma_semaphore, #tpu.memory_space<semaphore_mem>>
        %dma_start3A = arith.constant 0 : i32
        %dma_start3A_112 = tpu.memref_slice %arg11[%mul3A_108, %dma_start3A] : memref<10240x128xf32, #tpu.memory_space<vmem_shared>> -> memref<80x128xf32, #tpu.memory_space<vmem_shared>>
        %dma_start3A_113 = arith.constant 0 : i32
        %dma_start3A_114 = tpu.memref_slice %arg11[%mul3A_108, %dma_start3A_113] : memref<10240x128xf32, #tpu.memory_space<vmem_shared>> -> memref<80x128xf32, #tpu.memory_space<vmem_shared>>
        tpu.enqueue_dma source(%dma_start3A_114 : memref<80x128xf32, #tpu.memory_space<vmem_shared>>) target(%arg10 : memref<80x128xf32, #tpu.memory_space<vmem>>) target_semaphore(%run_scoped3A : memref<!tpu.dma_semaphore, #tpu.memory_space<semaphore_mem>>)
        %dma_wait3A = arith.constant 0 : i32
        %dma_wait3A_115 = tpu.memref_slice %arg11[%mul3A_108, %dma_wait3A] : memref<10240x128xf32, #tpu.memory_space<vmem_shared>> -> memref<80x128xf32, #tpu.memory_space<vmem_shared>>
        %dma_wait3A_116 = arith.constant 0 : i32
        %dma_wait3A_117 = tpu.memref_slice %arg11[%mul3A_108, %dma_wait3A_116] : memref<10240x128xf32, #tpu.memory_space<vmem_shared>> -> memref<80x128xf32, #tpu.memory_space<vmem_shared>>
        tpu.wait_dma2 semaphore(%run_scoped3A : memref<!tpu.dma_semaphore, #tpu.memory_space<semaphore_mem>>) src(%dma_wait3A_117 : memref<80x128xf32, #tpu.memory_space<vmem_shared>>) dst(%arg10 : memref<80x128xf32, #tpu.memory_space<vmem>>)
        tpu.yield
      }) : () -> ()
      %mul3A_109 = arith.constant 10000 : i32
      %mul3A_110 = arith.muli %arg0, %mul3A_109 : i32
      %add3A_111 = arith.addi %mul3A_110, %mul3A_108 : i32
      "tpu.region"() ({
        %run_scoped3A = tpu.sem_alloc : memref<!tpu.dma_semaphore, #tpu.memory_space<semaphore_mem>>
        %dma_start3A = arith.constant 0 : i32
        %dma_start3A_112 = tpu.memref_slice %arg6[%add3A_111, %dma_start3A] : memref<20000x128xf32, #tpu.memory_space<hbm>> -> memref<80x128xf32, #tpu.memory_space<hbm>>
        %dma_start3A_113 = arith.constant 0 : i32
        %dma_start3A_114 = tpu.memref_slice %arg6[%add3A_111, %dma_start3A_113] : memref<20000x128xf32, #tpu.memory_space<hbm>> -> memref<80x128xf32, #tpu.memory_space<hbm>>
        tpu.enqueue_dma source(%arg10 : memref<80x128xf32, #tpu.memory_space<vmem>>) target(%dma_start3A_114 : memref<80x128xf32, #tpu.memory_space<hbm>>) target_semaphore(%run_scoped3A : memref<!tpu.dma_semaphore, #tpu.memory_space<semaphore_mem>>)
        %dma_wait3A = arith.constant 0 : i32
        %dma_wait3A_115 = tpu.memref_slice %arg6[%add3A_111, %dma_wait3A] : memref<20000x128xf32, #tpu.memory_space<hbm>> -> memref<80x128xf32, #tpu.memory_space<hbm>>
        %dma_wait3A_116 = arith.constant 0 : i32
        %dma_wait3A_117 = tpu.memref_slice %arg6[%add3A_111, %dma_wait3A_116] : memref<20000x128xf32, #tpu.memory_space<hbm>> -> memref<80x128xf32, #tpu.memory_space<hbm>>
        tpu.wait_dma2 semaphore(%run_scoped3A : memref<!tpu.dma_semaphore, #tpu.memory_space<semaphore_mem>>) src(%arg10 : memref<80x128xf32, #tpu.memory_space<vmem>>) dst(%dma_wait3A_117 : memref<80x128xf32, #tpu.memory_space<hbm>>)
        tpu.yield
      }) : () -> ()
    } else {
    }
    %add3A_79 = arith.constant 64 : i32
    %add3A_80 = arith.addi %arg1, %add3A_79 : i32
    %lt3A_81 = arith.constant 125 : i32
    %lt3A_82 = arith.cmpi slt, %add3A_80, %lt3A_81 : i32
    %convert_element_type3A_83 = arith.extui %lt3A_82 : i1 to i32
    %cond3A_84 = arith.constant 0 : i32
    %cond3A_85 = arith.cmpi ne, %convert_element_type3A_83, %cond3A_84 : i32
    scf.if %cond3A_85 {
      %mul3A_107 = arith.constant 80 : i32
      %mul3A_108 = arith.muli %add3A_80, %mul3A_107 : i32
      "tpu.region"() ({
        %run_scoped3A = tpu.sem_alloc : memref<!tpu.dma_semaphore, #tpu.memory_space<semaphore_mem>>
        %dma_start3A = arith.constant 0 : i32
        %dma_start3A_112 = tpu.memref_slice %arg11[%mul3A_108, %dma_start3A] : memref<10240x128xf32, #tpu.memory_space<vmem_shared>> -> memref<80x128xf32, #tpu.memory_space<vmem_shared>>
        %dma_start3A_113 = arith.constant 0 : i32
        %dma_start3A_114 = tpu.memref_slice %arg11[%mul3A_108, %dma_start3A_113] : memref<10240x128xf32, #tpu.memory_space<vmem_shared>> -> memref<80x128xf32, #tpu.memory_space<vmem_shared>>
        tpu.enqueue_dma source(%dma_start3A_114 : memref<80x128xf32, #tpu.memory_space<vmem_shared>>) target(%arg10 : memref<80x128xf32, #tpu.memory_space<vmem>>) target_semaphore(%run_scoped3A : memref<!tpu.dma_semaphore, #tpu.memory_space<semaphore_mem>>)
        %dma_wait3A = arith.constant 0 : i32
        %dma_wait3A_115 = tpu.memref_slice %arg11[%mul3A_108, %dma_wait3A] : memref<10240x128xf32, #tpu.memory_space<vmem_shared>> -> memref<80x128xf32, #tpu.memory_space<vmem_shared>>
        %dma_wait3A_116 = arith.constant 0 : i32
        %dma_wait3A_117 = tpu.memref_slice %arg11[%mul3A_108, %dma_wait3A_116] : memref<10240x128xf32, #tpu.memory_space<vmem_shared>> -> memref<80x128xf32, #tpu.memory_space<vmem_shared>>
        tpu.wait_dma2 semaphore(%run_scoped3A : memref<!tpu.dma_semaphore, #tpu.memory_space<semaphore_mem>>) src(%dma_wait3A_117 : memref<80x128xf32, #tpu.memory_space<vmem_shared>>) dst(%arg10 : memref<80x128xf32, #tpu.memory_space<vmem>>)
        tpu.yield
      }) : () -> ()
      %mul3A_109 = arith.constant 10000 : i32
      %mul3A_110 = arith.muli %arg0, %mul3A_109 : i32
      %add3A_111 = arith.addi %mul3A_110, %mul3A_108 : i32
      "tpu.region"() ({
        %run_scoped3A = tpu.sem_alloc : memref<!tpu.dma_semaphore, #tpu.memory_space<semaphore_mem>>
        %dma_start3A = arith.constant 0 : i32
        %dma_start3A_112 = tpu.memref_slice %arg6[%add3A_111, %dma_start3A] : memref<20000x128xf32, #tpu.memory_space<hbm>> -> memref<80x128xf32, #tpu.memory_space<hbm>>
        %dma_start3A_113 = arith.constant 0 : i32
        %dma_start3A_114 = tpu.memref_slice %arg6[%add3A_111, %dma_start3A_113] : memref<20000x128xf32, #tpu.memory_space<hbm>> -> memref<80x128xf32, #tpu.memory_space<hbm>>
        tpu.enqueue_dma source(%arg10 : memref<80x128xf32, #tpu.memory_space<vmem>>) target(%dma_start3A_114 : memref<80x128xf32, #tpu.memory_space<hbm>>) target_semaphore(%run_scoped3A : memref<!tpu.dma_semaphore, #tpu.memory_space<semaphore_mem>>)
        %dma_wait3A = arith.constant 0 : i32
        %dma_wait3A_115 = tpu.memref_slice %arg6[%add3A_111, %dma_wait3A] : memref<20000x128xf32, #tpu.memory_space<hbm>> -> memref<80x128xf32, #tpu.memory_space<hbm>>
        %dma_wait3A_116 = arith.constant 0 : i32
        %dma_wait3A_117 = tpu.memref_slice %arg6[%add3A_111, %dma_wait3A_116] : memref<20000x128xf32, #tpu.memory_space<hbm>> -> memref<80x128xf32, #tpu.memory_space<hbm>>
        tpu.wait_dma2 semaphore(%run_scoped3A : memref<!tpu.dma_semaphore, #tpu.memory_space<semaphore_mem>>) src(%arg10 : memref<80x128xf32, #tpu.memory_space<vmem>>) dst(%dma_wait3A_117 : memref<80x128xf32, #tpu.memory_space<hbm>>)
        tpu.yield
      }) : () -> ()
    } else {
    }
    %add3A_86 = arith.constant 80 : i32
    %add3A_87 = arith.addi %arg1, %add3A_86 : i32
    %lt3A_88 = arith.constant 125 : i32
    %lt3A_89 = arith.cmpi slt, %add3A_87, %lt3A_88 : i32
    %convert_element_type3A_90 = arith.extui %lt3A_89 : i1 to i32
    %cond3A_91 = arith.constant 0 : i32
    %cond3A_92 = arith.cmpi ne, %convert_element_type3A_90, %cond3A_91 : i32
    scf.if %cond3A_92 {
      %mul3A_107 = arith.constant 80 : i32
      %mul3A_108 = arith.muli %add3A_87, %mul3A_107 : i32
      "tpu.region"() ({
        %run_scoped3A = tpu.sem_alloc : memref<!tpu.dma_semaphore, #tpu.memory_space<semaphore_mem>>
        %dma_start3A = arith.constant 0 : i32
        %dma_start3A_112 = tpu.memref_slice %arg11[%mul3A_108, %dma_start3A] : memref<10240x128xf32, #tpu.memory_space<vmem_shared>> -> memref<80x128xf32, #tpu.memory_space<vmem_shared>>
        %dma_start3A_113 = arith.constant 0 : i32
        %dma_start3A_114 = tpu.memref_slice %arg11[%mul3A_108, %dma_start3A_113] : memref<10240x128xf32, #tpu.memory_space<vmem_shared>> -> memref<80x128xf32, #tpu.memory_space<vmem_shared>>
        tpu.enqueue_dma source(%dma_start3A_114 : memref<80x128xf32, #tpu.memory_space<vmem_shared>>) target(%arg10 : memref<80x128xf32, #tpu.memory_space<vmem>>) target_semaphore(%run_scoped3A : memref<!tpu.dma_semaphore, #tpu.memory_space<semaphore_mem>>)
        %dma_wait3A = arith.constant 0 : i32
        %dma_wait3A_115 = tpu.memref_slice %arg11[%mul3A_108, %dma_wait3A] : memref<10240x128xf32, #tpu.memory_space<vmem_shared>> -> memref<80x128xf32, #tpu.memory_space<vmem_shared>>
        %dma_wait3A_116 = arith.constant 0 : i32
        %dma_wait3A_117 = tpu.memref_slice %arg11[%mul3A_108, %dma_wait3A_116] : memref<10240x128xf32, #tpu.memory_space<vmem_shared>> -> memref<80x128xf32, #tpu.memory_space<vmem_shared>>
        tpu.wait_dma2 semaphore(%run_scoped3A : memref<!tpu.dma_semaphore, #tpu.memory_space<semaphore_mem>>) src(%dma_wait3A_117 : memref<80x128xf32, #tpu.memory_space<vmem_shared>>) dst(%arg10 : memref<80x128xf32, #tpu.memory_space<vmem>>)
        tpu.yield
      }) : () -> ()
      %mul3A_109 = arith.constant 10000 : i32
      %mul3A_110 = arith.muli %arg0, %mul3A_109 : i32
      %add3A_111 = arith.addi %mul3A_110, %mul3A_108 : i32
      "tpu.region"() ({
        %run_scoped3A = tpu.sem_alloc : memref<!tpu.dma_semaphore, #tpu.memory_space<semaphore_mem>>
        %dma_start3A = arith.constant 0 : i32
        %dma_start3A_112 = tpu.memref_slice %arg6[%add3A_111, %dma_start3A] : memref<20000x128xf32, #tpu.memory_space<hbm>> -> memref<80x128xf32, #tpu.memory_space<hbm>>
        %dma_start3A_113 = arith.constant 0 : i32
        %dma_start3A_114 = tpu.memref_slice %arg6[%add3A_111, %dma_start3A_113] : memref<20000x128xf32, #tpu.memory_space<hbm>> -> memref<80x128xf32, #tpu.memory_space<hbm>>
        tpu.enqueue_dma source(%arg10 : memref<80x128xf32, #tpu.memory_space<vmem>>) target(%dma_start3A_114 : memref<80x128xf32, #tpu.memory_space<hbm>>) target_semaphore(%run_scoped3A : memref<!tpu.dma_semaphore, #tpu.memory_space<semaphore_mem>>)
        %dma_wait3A = arith.constant 0 : i32
        %dma_wait3A_115 = tpu.memref_slice %arg6[%add3A_111, %dma_wait3A] : memref<20000x128xf32, #tpu.memory_space<hbm>> -> memref<80x128xf32, #tpu.memory_space<hbm>>
        %dma_wait3A_116 = arith.constant 0 : i32
        %dma_wait3A_117 = tpu.memref_slice %arg6[%add3A_111, %dma_wait3A_116] : memref<20000x128xf32, #tpu.memory_space<hbm>> -> memref<80x128xf32, #tpu.memory_space<hbm>>
        tpu.wait_dma2 semaphore(%run_scoped3A : memref<!tpu.dma_semaphore, #tpu.memory_space<semaphore_mem>>) src(%arg10 : memref<80x128xf32, #tpu.memory_space<vmem>>) dst(%dma_wait3A_117 : memref<80x128xf32, #tpu.memory_space<hbm>>)
        tpu.yield
      }) : () -> ()
    } else {
    }
    %add3A_93 = arith.constant 96 : i32
    %add3A_94 = arith.addi %arg1, %add3A_93 : i32
    %lt3A_95 = arith.constant 125 : i32
    %lt3A_96 = arith.cmpi slt, %add3A_94, %lt3A_95 : i32
    %convert_element_type3A_97 = arith.extui %lt3A_96 : i1 to i32
    %cond3A_98 = arith.constant 0 : i32
    %cond3A_99 = arith.cmpi ne, %convert_element_type3A_97, %cond3A_98 : i32
    scf.if %cond3A_99 {
      %mul3A_107 = arith.constant 80 : i32
      %mul3A_108 = arith.muli %add3A_94, %mul3A_107 : i32
      "tpu.region"() ({
        %run_scoped3A = tpu.sem_alloc : memref<!tpu.dma_semaphore, #tpu.memory_space<semaphore_mem>>
        %dma_start3A = arith.constant 0 : i32
        %dma_start3A_112 = tpu.memref_slice %arg11[%mul3A_108, %dma_start3A] : memref<10240x128xf32, #tpu.memory_space<vmem_shared>> -> memref<80x128xf32, #tpu.memory_space<vmem_shared>>
        %dma_start3A_113 = arith.constant 0 : i32
        %dma_start3A_114 = tpu.memref_slice %arg11[%mul3A_108, %dma_start3A_113] : memref<10240x128xf32, #tpu.memory_space<vmem_shared>> -> memref<80x128xf32, #tpu.memory_space<vmem_shared>>
        tpu.enqueue_dma source(%dma_start3A_114 : memref<80x128xf32, #tpu.memory_space<vmem_shared>>) target(%arg10 : memref<80x128xf32, #tpu.memory_space<vmem>>) target_semaphore(%run_scoped3A : memref<!tpu.dma_semaphore, #tpu.memory_space<semaphore_mem>>)
        %dma_wait3A = arith.constant 0 : i32
        %dma_wait3A_115 = tpu.memref_slice %arg11[%mul3A_108, %dma_wait3A] : memref<10240x128xf32, #tpu.memory_space<vmem_shared>> -> memref<80x128xf32, #tpu.memory_space<vmem_shared>>
        %dma_wait3A_116 = arith.constant 0 : i32
        %dma_wait3A_117 = tpu.memref_slice %arg11[%mul3A_108, %dma_wait3A_116] : memref<10240x128xf32, #tpu.memory_space<vmem_shared>> -> memref<80x128xf32, #tpu.memory_space<vmem_shared>>
        tpu.wait_dma2 semaphore(%run_scoped3A : memref<!tpu.dma_semaphore, #tpu.memory_space<semaphore_mem>>) src(%dma_wait3A_117 : memref<80x128xf32, #tpu.memory_space<vmem_shared>>) dst(%arg10 : memref<80x128xf32, #tpu.memory_space<vmem>>)
        tpu.yield
      }) : () -> ()
      %mul3A_109 = arith.constant 10000 : i32
      %mul3A_110 = arith.muli %arg0, %mul3A_109 : i32
      %add3A_111 = arith.addi %mul3A_110, %mul3A_108 : i32
      "tpu.region"() ({
        %run_scoped3A = tpu.sem_alloc : memref<!tpu.dma_semaphore, #tpu.memory_space<semaphore_mem>>
        %dma_start3A = arith.constant 0 : i32
        %dma_start3A_112 = tpu.memref_slice %arg6[%add3A_111, %dma_start3A] : memref<20000x128xf32, #tpu.memory_space<hbm>> -> memref<80x128xf32, #tpu.memory_space<hbm>>
        %dma_start3A_113 = arith.constant 0 : i32
        %dma_start3A_114 = tpu.memref_slice %arg6[%add3A_111, %dma_start3A_113] : memref<20000x128xf32, #tpu.memory_space<hbm>> -> memref<80x128xf32, #tpu.memory_space<hbm>>
        tpu.enqueue_dma source(%arg10 : memref<80x128xf32, #tpu.memory_space<vmem>>) target(%dma_start3A_114 : memref<80x128xf32, #tpu.memory_space<hbm>>) target_semaphore(%run_scoped3A : memref<!tpu.dma_semaphore, #tpu.memory_space<semaphore_mem>>)
        %dma_wait3A = arith.constant 0 : i32
        %dma_wait3A_115 = tpu.memref_slice %arg6[%add3A_111, %dma_wait3A] : memref<20000x128xf32, #tpu.memory_space<hbm>> -> memref<80x128xf32, #tpu.memory_space<hbm>>
        %dma_wait3A_116 = arith.constant 0 : i32
        %dma_wait3A_117 = tpu.memref_slice %arg6[%add3A_111, %dma_wait3A_116] : memref<20000x128xf32, #tpu.memory_space<hbm>> -> memref<80x128xf32, #tpu.memory_space<hbm>>
        tpu.wait_dma2 semaphore(%run_scoped3A : memref<!tpu.dma_semaphore, #tpu.memory_space<semaphore_mem>>) src(%arg10 : memref<80x128xf32, #tpu.memory_space<vmem>>) dst(%dma_wait3A_117 : memref<80x128xf32, #tpu.memory_space<hbm>>)
        tpu.yield
      }) : () -> ()
    } else {
    }
    %add3A_100 = arith.constant 112 : i32
    %add3A_101 = arith.addi %arg1, %add3A_100 : i32
    %lt3A_102 = arith.constant 125 : i32
    %lt3A_103 = arith.cmpi slt, %add3A_101, %lt3A_102 : i32
    %convert_element_type3A_104 = arith.extui %lt3A_103 : i1 to i32
    %cond3A_105 = arith.constant 0 : i32
    %cond3A_106 = arith.cmpi ne, %convert_element_type3A_104, %cond3A_105 : i32
    scf.if %cond3A_106 {
      %mul3A_107 = arith.constant 80 : i32
      %mul3A_108 = arith.muli %add3A_101, %mul3A_107 : i32
      "tpu.region"() ({
        %run_scoped3A = tpu.sem_alloc : memref<!tpu.dma_semaphore, #tpu.memory_space<semaphore_mem>>
        %dma_start3A = arith.constant 0 : i32
        %dma_start3A_112 = tpu.memref_slice %arg11[%mul3A_108, %dma_start3A] : memref<10240x128xf32, #tpu.memory_space<vmem_shared>> -> memref<80x128xf32, #tpu.memory_space<vmem_shared>>
        %dma_start3A_113 = arith.constant 0 : i32
        %dma_start3A_114 = tpu.memref_slice %arg11[%mul3A_108, %dma_start3A_113] : memref<10240x128xf32, #tpu.memory_space<vmem_shared>> -> memref<80x128xf32, #tpu.memory_space<vmem_shared>>
        tpu.enqueue_dma source(%dma_start3A_114 : memref<80x128xf32, #tpu.memory_space<vmem_shared>>) target(%arg10 : memref<80x128xf32, #tpu.memory_space<vmem>>) target_semaphore(%run_scoped3A : memref<!tpu.dma_semaphore, #tpu.memory_space<semaphore_mem>>)
        %dma_wait3A = arith.constant 0 : i32
        %dma_wait3A_115 = tpu.memref_slice %arg11[%mul3A_108, %dma_wait3A] : memref<10240x128xf32, #tpu.memory_space<vmem_shared>> -> memref<80x128xf32, #tpu.memory_space<vmem_shared>>
        %dma_wait3A_116 = arith.constant 0 : i32
        %dma_wait3A_117 = tpu.memref_slice %arg11[%mul3A_108, %dma_wait3A_116] : memref<10240x128xf32, #tpu.memory_space<vmem_shared>> -> memref<80x128xf32, #tpu.memory_space<vmem_shared>>
        tpu.wait_dma2 semaphore(%run_scoped3A : memref<!tpu.dma_semaphore, #tpu.memory_space<semaphore_mem>>) src(%dma_wait3A_117 : memref<80x128xf32, #tpu.memory_space<vmem_shared>>) dst(%arg10 : memref<80x128xf32, #tpu.memory_space<vmem>>)
        tpu.yield
      }) : () -> ()
      %mul3A_109 = arith.constant 10000 : i32
      %mul3A_110 = arith.muli %arg0, %mul3A_109 : i32
      %add3A_111 = arith.addi %mul3A_110, %mul3A_108 : i32
      "tpu.region"() ({
        %run_scoped3A = tpu.sem_alloc : memref<!tpu.dma_semaphore, #tpu.memory_space<semaphore_mem>>
        %dma_start3A = arith.constant 0 : i32
        %dma_start3A_112 = tpu.memref_slice %arg6[%add3A_111, %dma_start3A] : memref<20000x128xf32, #tpu.memory_space<hbm>> -> memref<80x128xf32, #tpu.memory_space<hbm>>
        %dma_start3A_113 = arith.constant 0 : i32
        %dma_start3A_114 = tpu.memref_slice %arg6[%add3A_111, %dma_start3A_113] : memref<20000x128xf32, #tpu.memory_space<hbm>> -> memref<80x128xf32, #tpu.memory_space<hbm>>
        tpu.enqueue_dma source(%arg10 : memref<80x128xf32, #tpu.memory_space<vmem>>) target(%dma_start3A_114 : memref<80x128xf32, #tpu.memory_space<hbm>>) target_semaphore(%run_scoped3A : memref<!tpu.dma_semaphore, #tpu.memory_space<semaphore_mem>>)
        %dma_wait3A = arith.constant 0 : i32
        %dma_wait3A_115 = tpu.memref_slice %arg6[%add3A_111, %dma_wait3A] : memref<20000x128xf32, #tpu.memory_space<hbm>> -> memref<80x128xf32, #tpu.memory_space<hbm>>
        %dma_wait3A_116 = arith.constant 0 : i32
        %dma_wait3A_117 = tpu.memref_slice %arg6[%add3A_111, %dma_wait3A_116] : memref<20000x128xf32, #tpu.memory_space<hbm>> -> memref<80x128xf32, #tpu.memory_space<hbm>>
        tpu.wait_dma2 semaphore(%run_scoped3A : memref<!tpu.dma_semaphore, #tpu.memory_space<semaphore_mem>>) src(%arg10 : memref<80x128xf32, #tpu.memory_space<vmem>>) dst(%dma_wait3A_117 : memref<80x128xf32, #tpu.memory_space<hbm>>)
        tpu.yield
      }) : () -> ()
    } else {
    }
    return
  }
}

module attributes {stable_mosaic.version = 14 : i64} {
  func.func @body(%arg0: i32, %arg1: memref<1000x128xf32, #tpu.memory_space<vmem>>, %arg2: memref<1000x128xf32, #tpu.memory_space<vmem>>, %arg3: memref<1000x128xf32, #tpu.memory_space<vmem>>, %arg4: memref<1000x8xf32, #tpu.memory_space<vmem>>, %arg5: memref<1000x8xf32, #tpu.memory_space<vmem>>, %arg6: memref<128x128xf32, #tpu.memory_space<vmem>>, %arg7: memref<128x128xf32, #tpu.memory_space<vmem>>, %arg8: memref<1x128xf32, #tpu.memory_space<vmem>>, %arg9: memref<1000x128xf32, #tpu.memory_space<vmem>>) attributes {dimension_semantics = [#tpu.dimension_semantics<arbitrary>], iteration_bounds = array<i64: 10>, scalar_prefetch = 0 : i64, scratch_operands = 0 : i64, tpu.core_type = #tpu.core_type<tc>, window_params = [{transform_indices = @transform_0, window_bounds = array<i64: 1000, 128>}, {transform_indices = @transform_1, window_bounds = array<i64: 1000, 128>}, {transform_indices = @transform_2, window_bounds = array<i64: 1000, 128>}, {transform_indices = @transform_3, window_bounds = array<i64: 1000, 8>}, {transform_indices = @transform_4, window_bounds = array<i64: 1000, 8>}, {pipeline_mode = #tpu.pipeline_mode<synchronous>, transform_indices = @transform_5, window_bounds = array<i64: 128, 128>}, {pipeline_mode = #tpu.pipeline_mode<synchronous>, transform_indices = @transform_6, window_bounds = array<i64: 128, 128>}, {pipeline_mode = #tpu.pipeline_mode<synchronous>, transform_indices = @transform_7, window_bounds = array<i64: 1, 128>}, {transform_indices = @transform_8, window_bounds = array<i64: 1000, 128>}]} {
    %get3A = arith.constant 0 : index
    %get3A_0 = arith.constant 0 : index
    %get3A_1 = vector.load %arg4[%get3A, %get3A_0] : memref<1000x8xf32, #tpu.memory_space<vmem>>, vector<1000x1xf32>
    %get3A_2 = arith.constant 0 : index
    %get3A_3 = arith.constant 0 : index
    %get3A_4 = vector.load %arg5[%get3A_2, %get3A_3] : memref<1000x8xf32, #tpu.memory_space<vmem>>, vector<1000x1xf32>
    %add3A = arith.addf %get3A_1, %get3A_4 : vector<1000x1xf32>
    %max3A = arith.constant 1.000000e+00 : f32
    %max3A_5 = vector.broadcast %max3A : f32 to vector<1000x1xf32>
    %max3A_6 = arith.maximumf %add3A, %max3A_5 : vector<1000x1xf32>
    %get3A_7 = arith.constant 0 : index
    %get3A_8 = arith.constant 0 : index
    %get3A_9 = vector.load %arg2[%get3A_7, %get3A_8] : memref<1000x128xf32, #tpu.memory_space<vmem>>, vector<1000x128xf32>
    %get3A_10 = arith.constant 0 : index
    %get3A_11 = arith.constant 0 : index
    %get3A_12 = vector.load %arg3[%get3A_10, %get3A_11] : memref<1000x128xf32, #tpu.memory_space<vmem>>, vector<1000x128xf32>
    %add3A_13 = arith.addf %get3A_9, %get3A_12 : vector<1000x128xf32>
    %div3A = vector.broadcast %max3A_6 : vector<1000x1xf32> to vector<1000x128xf32>
    %div3A_14 = arith.divf %add3A_13, %div3A : vector<1000x128xf32>
    %get3A_15 = arith.constant 0 : index
    %get3A_16 = arith.constant 0 : index
    %get3A_17 = vector.load %arg1[%get3A_15, %get3A_16] : memref<1000x128xf32, #tpu.memory_space<vmem>>, vector<1000x128xf32>
    %get3A_18 = arith.constant 0 : index
    %get3A_19 = arith.constant 0 : index
    %get3A_20 = vector.load %arg6[%get3A_18, %get3A_19] : memref<128x128xf32, #tpu.memory_space<vmem>>, vector<128x128xf32>
    %dot_general3A = arith.constant dense<0.000000e+00> : vector<1000x128xf32>
    %dot_general3A_21 = tpu.matmul %get3A_17, %get3A_20, %dot_general3A {dimension_numbers = #tpu.dot_dimension_numbers<[1], [0], [0], [1], [0, 0, 1, 1], [], []>, transpose_lhs_hint = false} : vector<1000x128xf32>, vector<128x128xf32>, vector<1000x128xf32> -> vector<1000x128xf32>
    %get3A_22 = arith.constant 0 : index
    %get3A_23 = arith.constant 0 : index
    %get3A_24 = vector.load %arg7[%get3A_22, %get3A_23] : memref<128x128xf32, #tpu.memory_space<vmem>>, vector<128x128xf32>
    %dot_general3A_25 = arith.constant dense<0.000000e+00> : vector<1000x128xf32>
    %dot_general3A_26 = tpu.matmul %div3A_14, %get3A_24, %dot_general3A_25 {dimension_numbers = #tpu.dot_dimension_numbers<[1], [0], [0], [1], [0, 0, 1, 1], [], []>, transpose_lhs_hint = false} : vector<1000x128xf32>, vector<128x128xf32>, vector<1000x128xf32> -> vector<1000x128xf32>
    %add3A_27 = arith.addf %dot_general3A_21, %dot_general3A_26 : vector<1000x128xf32>
    %get3A_28 = arith.constant 0 : index
    %get3A_29 = arith.constant 0 : index
    %get3A_30 = vector.load %arg8[%get3A_28, %get3A_29] : memref<1x128xf32, #tpu.memory_space<vmem>>, vector<1x128xf32>
    %add3A_31 = vector.broadcast %get3A_30 : vector<1x128xf32> to vector<1000x128xf32>
    %add3A_32 = arith.addf %add3A_27, %add3A_31 : vector<1000x128xf32>
    %swap3A = arith.constant 0 : index
    %swap3A_33 = arith.constant 0 : index
    %swap3A_34 = vector.load %arg9[%swap3A, %swap3A_33] : memref<1000x128xf32, #tpu.memory_space<vmem>>, vector<1000x128xf32>
    tpu.vector_store %arg9[%swap3A, %swap3A_33], %add3A_32 {strides = array<i32>} : memref<1000x128xf32, #tpu.memory_space<vmem>>, vector<1000x128xf32>,
    return
  }
  func.func @transform_0(%arg0: i32) -> (i32, i32) {
    %c0_i32 = arith.constant 0 : i32
    %c0_i32_0 = arith.constant 0 : i32
    return %arg0, %c0_i32 : i32, i32
  }
  func.func @transform_1(%arg0: i32) -> (i32, i32) {
    %c0_i32 = arith.constant 0 : i32
    %c0_i32_0 = arith.constant 0 : i32
    return %arg0, %c0_i32 : i32, i32
  }
  func.func @transform_2(%arg0: i32) -> (i32, i32) {
    %add3A = arith.constant 10 : i32
    %add3A_0 = arith.addi %arg0, %add3A : i32
    %c0_i32 = arith.constant 0 : i32
    %c0_i32_1 = arith.constant 0 : i32
    return %add3A_0, %c0_i32 : i32, i32
  }
  func.func @transform_3(%arg0: i32) -> (i32, i32) {
    %c0_i32 = arith.constant 0 : i32
    %c0_i32_0 = arith.constant 0 : i32
    return %arg0, %c0_i32 : i32, i32
  }
  func.func @transform_4(%arg0: i32) -> (i32, i32) {
    %add3A = arith.constant 10 : i32
    %add3A_0 = arith.addi %arg0, %add3A : i32
    %c0_i32 = arith.constant 0 : i32
    %c0_i32_1 = arith.constant 0 : i32
    return %add3A_0, %c0_i32 : i32, i32
  }
  func.func @transform_5(%arg0: i32) -> (i32, i32) {
    %c0_i32 = arith.constant 0 : i32
    %c0_i32_0 = arith.constant 0 : i32
    %c0_i32_1 = arith.constant 0 : i32
    return %c0_i32, %c0_i32_0 : i32, i32
  }
  func.func @transform_6(%arg0: i32) -> (i32, i32) {
    %c0_i32 = arith.constant 0 : i32
    %c0_i32_0 = arith.constant 0 : i32
    %c0_i32_1 = arith.constant 0 : i32
    return %c0_i32, %c0_i32_0 : i32, i32
  }
  func.func @transform_7(%arg0: i32) -> (i32, i32) {
    %c0_i32 = arith.constant 0 : i32
    %c0_i32_0 = arith.constant 0 : i32
    %c0_i32_1 = arith.constant 0 : i32
    return %c0_i32, %c0_i32_0 : i32, i32
  }
  func.func @transform_8(%arg0: i32) -> (i32, i32) {
    %c0_i32 = arith.constant 0 : i32
    %c0_i32_0 = arith.constant 0 : i32
    return %arg0, %c0_i32 : i32, i32
  }
}

module attributes {stable_mosaic.version = 14 : i64} {
  func.func @body(%arg0: i32, %arg1: memref<1000x128xf32, #tpu.memory_space<vmem>>, %arg2: memref<1000x128xf32, #tpu.memory_space<vmem>>, %arg3: memref<1000x128xf32, #tpu.memory_space<vmem>>, %arg4: memref<1000x8xf32, #tpu.memory_space<vmem>>, %arg5: memref<1000x8xf32, #tpu.memory_space<vmem>>, %arg6: memref<128x128xf32, #tpu.memory_space<vmem>>, %arg7: memref<128x128xf32, #tpu.memory_space<vmem>>, %arg8: memref<1x128xf32, #tpu.memory_space<vmem>>, %arg9: memref<1000x128xf32, #tpu.memory_space<vmem>>) attributes {dimension_semantics = [#tpu.dimension_semantics<arbitrary>], iteration_bounds = array<i64: 10>, scalar_prefetch = 0 : i64, scratch_operands = 0 : i64, tpu.core_type = #tpu.core_type<tc>, window_params = [{transform_indices = @transform_0, window_bounds = array<i64: 1000, 128>}, {transform_indices = @transform_1, window_bounds = array<i64: 1000, 128>}, {transform_indices = @transform_2, window_bounds = array<i64: 1000, 128>}, {transform_indices = @transform_3, window_bounds = array<i64: 1000, 8>}, {transform_indices = @transform_4, window_bounds = array<i64: 1000, 8>}, {pipeline_mode = #tpu.pipeline_mode<synchronous>, transform_indices = @transform_5, window_bounds = array<i64: 128, 128>}, {pipeline_mode = #tpu.pipeline_mode<synchronous>, transform_indices = @transform_6, window_bounds = array<i64: 128, 128>}, {pipeline_mode = #tpu.pipeline_mode<synchronous>, transform_indices = @transform_7, window_bounds = array<i64: 1, 128>}, {transform_indices = @transform_8, window_bounds = array<i64: 1000, 128>}]} {
    %get3A = arith.constant 0 : index
    %get3A_0 = arith.constant 0 : index
    %get3A_1 = vector.load %arg4[%get3A, %get3A_0] : memref<1000x8xf32, #tpu.memory_space<vmem>>, vector<1000x1xf32>
    %get3A_2 = arith.constant 0 : index
    %get3A_3 = arith.constant 0 : index
    %get3A_4 = vector.load %arg5[%get3A_2, %get3A_3] : memref<1000x8xf32, #tpu.memory_space<vmem>>, vector<1000x1xf32>
    %add3A = arith.addf %get3A_1, %get3A_4 : vector<1000x1xf32>
    %max3A = arith.constant 1.000000e+00 : f32
    %max3A_5 = vector.broadcast %max3A : f32 to vector<1000x1xf32>
    %max3A_6 = arith.maximumf %add3A, %max3A_5 : vector<1000x1xf32>
    %get3A_7 = arith.constant 0 : index
    %get3A_8 = arith.constant 0 : index
    %get3A_9 = vector.load %arg2[%get3A_7, %get3A_8] : memref<1000x128xf32, #tpu.memory_space<vmem>>, vector<1000x128xf32>
    %get3A_10 = arith.constant 0 : index
    %get3A_11 = arith.constant 0 : index
    %get3A_12 = vector.load %arg3[%get3A_10, %get3A_11] : memref<1000x128xf32, #tpu.memory_space<vmem>>, vector<1000x128xf32>
    %add3A_13 = arith.addf %get3A_9, %get3A_12 : vector<1000x128xf32>
    %div3A = vector.broadcast %max3A_6 : vector<1000x1xf32> to vector<1000x128xf32>
    %div3A_14 = arith.divf %add3A_13, %div3A : vector<1000x128xf32>
    %get3A_15 = arith.constant 0 : index
    %get3A_16 = arith.constant 0 : index
    %get3A_17 = vector.load %arg1[%get3A_15, %get3A_16] : memref<1000x128xf32, #tpu.memory_space<vmem>>, vector<1000x128xf32>
    %get3A_18 = arith.constant 0 : index
    %get3A_19 = arith.constant 0 : index
    %get3A_20 = vector.load %arg6[%get3A_18, %get3A_19] : memref<128x128xf32, #tpu.memory_space<vmem>>, vector<128x128xf32>
    %dot_general3A = arith.constant dense<0.000000e+00> : vector<1000x128xf32>
    %dot_general3A_21 = tpu.matmul %get3A_17, %get3A_20, %dot_general3A {dimension_numbers = #tpu.dot_dimension_numbers<[1], [0], [0], [1], [0, 0, 1, 1], [], []>, transpose_lhs_hint = false} : vector<1000x128xf32>, vector<128x128xf32>, vector<1000x128xf32> -> vector<1000x128xf32>
    %get3A_22 = arith.constant 0 : index
    %get3A_23 = arith.constant 0 : index
    %get3A_24 = vector.load %arg7[%get3A_22, %get3A_23] : memref<128x128xf32, #tpu.memory_space<vmem>>, vector<128x128xf32>
    %dot_general3A_25 = arith.constant dense<0.000000e+00> : vector<1000x128xf32>
    %dot_general3A_26 = tpu.matmul %div3A_14, %get3A_24, %dot_general3A_25 {dimension_numbers = #tpu.dot_dimension_numbers<[1], [0], [0], [1], [0, 0, 1, 1], [], []>, transpose_lhs_hint = false} : vector<1000x128xf32>, vector<128x128xf32>, vector<1000x128xf32> -> vector<1000x128xf32>
    %add3A_27 = arith.addf %dot_general3A_21, %dot_general3A_26 : vector<1000x128xf32>
    %get3A_28 = arith.constant 0 : index
    %get3A_29 = arith.constant 0 : index
    %get3A_30 = vector.load %arg8[%get3A_28, %get3A_29] : memref<1x128xf32, #tpu.memory_space<vmem>>, vector<1x128xf32>
    %add3A_31 = vector.broadcast %get3A_30 : vector<1x128xf32> to vector<1000x128xf32>
    %add3A_32 = arith.addf %add3A_27, %add3A_31 : vector<1000x128xf32>
    %max3A_33 = arith.constant 0.000000e+00 : f32
    %max3A_34 = vector.broadcast %max3A_33 : f32 to vector<1000x128xf32>
    %max3A_35 = arith.maximumf %add3A_32, %max3A_34 : vector<1000x128xf32>
    %swap3A = arith.constant 0 : index
    %swap3A_36 = arith.constant 0 : index
    %swap3A_37 = vector.load %arg9[%swap3A, %swap3A_36] : memref<1000x128xf32, #tpu.memory_space<vmem>>, vector<1000x128xf32>
    tpu.vector_store %arg9[%swap3A, %swap3A_36], %max3A_35 {strides = array<i32>} : memref<1000x128xf32, #tpu.memory_space<vmem>>, vector<1000x128xf32>,
    return
  }
  func.func @transform_0(%arg0: i32) -> (i32, i32) {
    %c0_i32 = arith.constant 0 : i32
    %c0_i32_0 = arith.constant 0 : i32
    return %arg0, %c0_i32 : i32, i32
  }
  func.func @transform_1(%arg0: i32) -> (i32, i32) {
    %c0_i32 = arith.constant 0 : i32
    %c0_i32_0 = arith.constant 0 : i32
    return %arg0, %c0_i32 : i32, i32
  }
  func.func @transform_2(%arg0: i32) -> (i32, i32) {
    %add3A = arith.constant 10 : i32
    %add3A_0 = arith.addi %arg0, %add3A : i32
    %c0_i32 = arith.constant 0 : i32
    %c0_i32_1 = arith.constant 0 : i32
    return %add3A_0, %c0_i32 : i32, i32
  }
  func.func @transform_3(%arg0: i32) -> (i32, i32) {
    %c0_i32 = arith.constant 0 : i32
    %c0_i32_0 = arith.constant 0 : i32
    return %arg0, %c0_i32 : i32, i32
  }
  func.func @transform_4(%arg0: i32) -> (i32, i32) {
    %add3A = arith.constant 10 : i32
    %add3A_0 = arith.addi %arg0, %add3A : i32
    %c0_i32 = arith.constant 0 : i32
    %c0_i32_1 = arith.constant 0 : i32
    return %add3A_0, %c0_i32 : i32, i32
  }
  func.func @transform_5(%arg0: i32) -> (i32, i32) {
    %c0_i32 = arith.constant 0 : i32
    %c0_i32_0 = arith.constant 0 : i32
    %c0_i32_1 = arith.constant 0 : i32
    return %c0_i32, %c0_i32_0 : i32, i32
  }
  func.func @transform_6(%arg0: i32) -> (i32, i32) {
    %c0_i32 = arith.constant 0 : i32
    %c0_i32_0 = arith.constant 0 : i32
    %c0_i32_1 = arith.constant 0 : i32
    return %c0_i32, %c0_i32_0 : i32, i32
  }
  func.func @transform_7(%arg0: i32) -> (i32, i32) {
    %c0_i32 = arith.constant 0 : i32
    %c0_i32_0 = arith.constant 0 : i32
    %c0_i32_1 = arith.constant 0 : i32
    return %c0_i32, %c0_i32_0 : i32, i32
  }
  func.func @transform_8(%arg0: i32) -> (i32, i32) {
    %c0_i32 = arith.constant 0 : i32
    %c0_i32_0 = arith.constant 0 : i32
    return %arg0, %c0_i32 : i32, i32
  }
}

</mosaic_0001>

<sc_bundles>
// kernel: kernel.12.cloned.1.call-start
scs
__scs_entry_jumppad:
0x0: {  	(pc) =	sbr.rel $0x88, $3  }
0x1: {  	(tag) =	ssettag $0x0;
	lr =	simm.s32 $0x1  }
0x2: {  	[smem:$0x3F9C] =	sst lr;
	_ =	strace $0xD0000000  }
0x3: {  	_ = 	snop  }
0x4: {  	_ = 	snop  }
0x5: {  	_ = 	snop  }
0x6: {  	_ = 	snop  }
0x7: {  	_ = 	snop  }
__scs_overlays_trampoline_lowered:
0x8: {  	[smem:$0x3FAB] =	sst s0  }
0x9: {  	[smem:$0x3FAC] =	sst s1  }
0xa: {  	[smem:$0x3FAD] =	sst s2  }
0xb: {  	[smem:$0x3FAE] =	sst s3  }
0xc: {  	[smem:$0x3FAF] =	sst s4  }
0xd: {  	[smem:$0x3FB0] =	sst s5  }
0xe: {  	[smem:$0x3FB1] =	sst s6  }
0xf: {  	[smem:$0x3FB2] =	sst s7  }
0x10: {  	[smem:$0x3FB3] =	sst s8  }
0x11: {  	[smem:$0x3FB4] =	sst s9;
	s0 =	simm.s32 @!p0 $0x0  }
0x12: {  	s1 =	sld [smem:$0x3F9A];
	s0 =	simm.s32 @p0 $0x1  }
0x13: {  	[smem:$0x3FB5] =	sst s0;
	s0 =	simm.s32 @!p1 $0x0  }
0x14: {  	s2 =	sld [smem:$0x3F99];
	s0 =	simm.s32 @p1 $0x1  }
0x15: {  	[smem:$0x3FB6] =	sst s0;
	s0 =	simm.s32 @!p2 $0x0  }
0x16: {  	s3 =	sld [smem:$0x3FDB];
	s0 =	simm.s32 @p2 $0x1  }
0x17: {  	s4 =	simm.s32 $0x1BF5;
	[smem:$0x3FB8] =	sst s0  }
0x18: {  	s0 =	sld [smem:$0x3F9B];
	_ =	swait.ge [sflag:s4], $0x0  }
0x19: {  	s7 =	sld [smem:$0x3F9C]  }
0x1a: {  	s8 =	sadd.s32 $0xFFFFE003, lr  }
0x1b: {  	s9 =	sadd.s32 $0xFFFFFEF7, lr;
	s5 =	simm.s32 $0xFFFFFFFF;
	p2 =	slt.u32 s8, $0xFFFFF086  }
0x1c: {  	p1 =	slt.u32 s9, $0xF7A;
	s5 =	simm.s32 @!p2 $0x0  }
0x1d: {  	s5 =	simm.s32 @p1 $0x1;
	p0 =	seq.s32 s7, s2  }
0x1e: {  	s7 =	smul.u32 @!p0 $0xF7A, s2;
	p2 =	seq.s32 @!p0 s5, $0x0  }
0x1f: {  	s9 =	smul.u32 $0xF7A, s1;
	s8 =	simm.s32 @!p0 $0x1BF5;
	p2 =	por !p2, p0  }
0x20: {  	[sflag:s8] =	ssyncset.s32 @!p0 $0xFFFFF086;
	s6 =	sadd.s32 @!p0 s3, s7;
	s7 =	simm.s32 @!p0 $0x108  }
0x21: {  	s3 =	sadd.s32 s3, s9;
	s6 =	sadd.s32 @!p0 $0x88, s6;
	s7 =	simm.s32 @p2 $0x1082  }
0x22: {  	[simem:s7], [sflag:s8] =	dma.local @!p0 [hbm:s6], $0xF7A  }
0x23: {  	s9 =	sor.u32 $0xD0000000, s2;
	s6 =	simm.s32 $0x108;
	_ =	swait.ge @!p0 [sflag:s8], $0x0  }
0x24: {  	s3 =	sadd.s32 $0x88, s3;
	s6 =	simm.s32 @!p1 $0x1082;
	[sflag:s4] =	ssyncset.s32 $0xFFFFF086  }
0x25: {  	[simem:s6], [sflag:s4] =	dma.local [hbm:s3], $0xF7A  }
0x26: {  	[smem:$0x3F9C] =	sst s1;
	(tag) =	ssettag s2;
	_ =	strace s9  }
0x27: {  	s1 =	sld [smem:$0x3FAC]  }
0x28: {  	s2 =	sld [smem:$0x3FAD]  }
0x29: {  	s4 =	sld [smem:$0x3FAF]  }
0x2a: {  	p0 =	seq.s32 s5, $0x0;
	s5 =	sld [smem:$0x3FB0]  }
0x2b: {  	s6 =	sld [smem:$0x3FB1]  }
0x2c: {  	s7 =	sld [smem:$0x3FB2]  }
0x2d: {  	s3 =	simm.s32 $0x108;
	s8 =	sld [smem:$0x3FB3]  }
0x2e: {  	s3 =	simm.s32 @!p0 $0x1082;
	s9 =	sld [smem:$0x3FB4]  }
0x2f: {  	lr =	sadd.s32 s0, s3;
	s0 =	sld [smem:$0x3FAB]  }
0x30: {  	s3 =	sld [smem:$0x3FAE]  }
0x31: {  	[smem:$0x3FB7] =	sst s10  }
0x32: {  	s10 =	sld [smem:$0x3FB5];
	_ =	sdelay $0x3  }
0x33: {  	p0 =	seq.s32 s10, $0x1;
	s10 =	sld [smem:$0x3FB7];
	_ =	sdelay $0x3  }
0x34: {  	[smem:$0x3FB7] =	sst s10  }
0x35: {  	s10 =	sld [smem:$0x3FB6];
	_ =	sdelay $0x3  }
0x36: {  	p1 =	seq.s32 s10, $0x1;
	s10 =	sld [smem:$0x3FB7];
	_ =	sdelay $0x3  }
0x37: {  	[smem:$0x3FB7] =	sst s10  }
0x38: {  	s10 =	sld [smem:$0x3FB8]  }
0x39: {  	_ = 	snop;
	(pc) =	sbr.ind lr, $3  }
0x3a: {  	_ = 	snop  }
0x3b: {  	_ = 	snop  }
0x3c: {  	p2 =	seq.s32 s10, $0x1;
	s10 =	sld [smem:$0x3FB7]  }
0x3d: {  	_ =	shalt  }
0x3e: {  	_ =	shalt  }
0x3f: {  	_ =	shalt  }
0x40: {  	_ =	shalt  }
0x41: {  	_ =	shalt  }
0x42: {  	_ =	shalt  }
0x43: {  	_ =	shalt  }
0x44: {  	_ =	shalt  }
0x45: {  	_ =	shalt  }
0x46: {  	_ =	shalt  }
0x47: {  	_ =	shalt  }
0x48: {  	_ =	shalt  }
0x49: {  	_ =	shalt  }
0x4a: {  	_ =	shalt  }
0x4b: {  	_ =	shalt  }
0x4c: {  	_ =	shalt  }
0x4d: {  	_ =	shalt  }
0x4e: {  	_ =	shalt  }
0x4f: {  	_ =	shalt  }
0x50: {  	_ =	shalt  }
0x51: {  	_ =	shalt  }
0x52: {  	_ =	shalt  }
0x53: {  	_ =	shalt  }
0x54: {  	_ =	shalt  }
0x55: {  	_ =	shalt  }
0x56: {  	_ =	shalt  }
0x57: {  	_ =	shalt  }
0x58: {  	_ =	shalt  }
0x59: {  	_ =	shalt  }
0x5a: {  	_ =	shalt  }
0x5b: {  	_ =	shalt  }
0x5c: {  	_ =	shalt  }
0x5d: {  	_ =	shalt  }
0x5e: {  	_ =	shalt  }
0x5f: {  	_ =	shalt  }
0x60: {  	_ =	shalt  }
0x61: {  	_ =	shalt  }
0x62: {  	_ =	shalt  }
0x63: {  	_ =	shalt  }
0x64: {  	_ =	shalt  }
0x65: {  	_ =	shalt  }
0x66: {  	_ =	shalt  }
0x67: {  	_ =	shalt  }
0x68: {  	_ =	shalt  }
0x69: {  	_ =	shalt  }
0x6a: {  	_ =	shalt  }
0x6b: {  	_ =	shalt  }
0x6c: {  	_ =	shalt  }
0x6d: {  	_ =	shalt  }
0x6e: {  	_ =	shalt  }
0x6f: {  	_ =	shalt  }
0x70: {  	_ =	shalt  }
0x71: {  	_ =	shalt  }
0x72: {  	_ =	shalt  }
0x73: {  	_ =	shalt  }
0x74: {  	_ =	shalt  }
0x75: {  	_ =	shalt  }
0x76: {  	_ =	shalt  }
0x77: {  	_ =	shalt  }
0x78: {  	_ =	shalt  }
0x79: {  	_ =	shalt  }
0x7a: {  	_ =	shalt  }
0x7b: {  	_ =	shalt  }
0x7c: {  	_ =	shalt  }
0x7d: {  	_ =	shalt  }
0x7e: {  	_ =	shalt  }
0x7f: {  	_ =	shalt  }
0x80: {  	_ =	shalt  }
0x81: {  	_ =	shalt  }
0x82: {  	_ =	shalt  }
0x83: {  	_ =	shalt  }
0x84: {  	_ =	shalt  }
0x85: {  	_ =	shalt  }
0x86: {  	_ =	shalt  }
0x87: {  	_ =	shalt  }
.Lfunc_end0:
.L_simem_size_0:
called_computation.1_lowered:
.L_overlay_start_0:
0x88: {  	s2 =	sld [smem:$0x3FD9]  }
0x89: {  	s3 =	sld [smem:$0x3FFE];
	_ =	sdelay $0x1  }
0x8a: {  	s1 =	srdreg.scid  }
0x8b: {  	s0 =	sand.u32 $0x1, s1  }
0x8c: {  	s17 =	sshll.u32 s0, $0xA;
	s2 =	sadd.s32 s3, s2  }
0x8d: {  	s2 =	sadd.s32 s2, s17  }
0x8e: {  	[smem:$0x3FC3] =	sst s2  }
0x8f: {  	_ = 	snop  }
0x90: {  	s2 =	sld [smem:$0x3FC9];
	(tm) =	ssettm $0x1  }
0x91: {  	s18 =	sld [smem:$0x3FFB];
	_ =	sdelay $0x3  }
0x92: {  	_ =	strace s18  }
0x93: {  	s3 =	sld [smem:$0x3FFC];
	_ =	sdelay $0x3  }
0x94: {  	_ =	strace s3  }
0x95: {  	s3 =	sld [smem:$0x3FFD];
	_ =	sdelay $0x3  }
0x96: {  	_ =	strace s3  }
0x97: {  	_ =	strace $0x8FFFFFFF  }
0x98: {  	s19 =	sld [smem:$0x3FDB];
	_ =	sdelay $0x1  }
0x99: {  	s4 =	simm.s32 $_scs_section_size  }
0x9a: {  	s5 =	simm.s32 $_size__tile_overlayer_lowered;
	s6 =	simm.s32 $_tile_overlayer_lowered  }
0x9b: {  	s22 =	simm.s32 $0x1BFF;
	s21 =	sshll.u32 s6, $0x1;
	s3 =	sadd.s32 s4, s19  }
0x9c: {  	s7 =	simm.s32 $0x0;
	s20 =	sshll.u32 s5, $0x1;
	s5 =	sadd.s32 s21, s3  }
0x9d: {  	[timem:s7], [sflag:s22] =	dma.local [hbm:s5], s20  }
0x9e: {  	_ =	swait.ge [sflag:s22], s20  }
0x9f: {  	s4 =	ssub.s32 $0x0, s20;
	[sflag:s22] =	ssyncset.done $0x0  }
0xa0: {  	[sflag:s22] =	ssyncadd.s32 s4;
	_ =	sdelay $0x1  }
0xa1: {  	s23 =	simm.s32 $0x1B8B  }
0xa2: {  	_ =	swait.ge [sflag:s23], $0x1  }
0xa3: {  	[sflag:s23] =	ssyncset.done $0x0  }
0xa4: {  	s25 =	simm.s32 $0x1B8E;
	s24 =	sld [smem:$0x3FFE];
	[sflag:s23] =	ssyncadd.s32 $0xFFFFFFFF  }
0xa5: {  	s26 =	simm.s32 $execute0_lowered;
	[smem:$0x3FD2] =	sst s25  }
0xa6: {  	s5 =	sshll.u32 s26, $0x1;
	_ =	strace $0x80000046;
	[dreg:$0x1] =	wrdreg $0xFFFFFFFF  }
0xa7: {  	s28 =	simm.s32 $_size_execute0_lowered;
	s3 =	sadd.s32 s3, s5;
	[dreg:$0x0] =	wrdreg $0x0  }
0xa8: {  	s5 =	sshll.u32 s28, $0x1;
	[dreg:$0x2] =	wrdreg s3  }
0xa9: {  	[dreg:$0x3] =	wrdreg s5  }
0xaa: {  	[dreg:$0x4] =	wrdreg $0xC0  }
0xab: {  	_ =	task [dreg:s7], $0x5FFFF  }
0xac: {  	[dreg:$0x1] =	wrdreg $0xFFFFFFFF  }
0xad: {  	[dreg:$0x0] =	wrdreg $0x60  }
0xae: {  	[dreg:$0x2] =	wrdreg s2  }
0xaf: {  	[dreg:$0x3] =	wrdreg s24  }
0xb0: {  	[dreg:$0x4] =	wrdreg $0x70000  }
0xb1: {  	[dreg:$0x5] =	wrdreg $0xA  }
0xb2: {  	_ =	task.clear_ibuf [dreg:s7], $0x6FFFF;
	_ =	strace $0x90000046  }
0xb3: {  	s29 =	simm.s32 $0xA;
	_ =	strace $0x80000048  }
0xb4: {  	_ =	swait.ge [sflag:s29], $0x1  }
0xb5: {  	[sflag:s29] =	ssyncadd.s32 $0xFFFFFFFF  }
0xb6: {  	_ =	strace $0x90000048  }
0xb7: {  	_ =	sfence  }
0xb8: {  	s30 =	sld [smem:$0x0];
	_ =	sdelay $0x2  }
0xb9: {  	s31 =	sshll.u32 s1, $0xD;
	s1 =	sshrl.u32 s1, $0x2  }
0xba: {  	s3 =	sand.u32 $0x4000, s31;
	s1 =	sadd.s32 s1, s30  }
0xbb: {  	s0 =	sor.u32 s3, s0;
	s1 =	sshll.u32 s1, $0x11  }
0xbc: {  	s0 =	sor.u32 s1, s0  }
0xbd: {  	s0 =	sadd.s32 $0x8F2B, s0  }
0xbe: {  	[sflag:s0] =	ssyncadd.remote.s32 $0x1  }
0xbf: {  	_ =	sfence.sel $0xFFFF  }
0xc0: {  	[dreg:$0x0] =	wrdreg $0xFFFFFFFF;
	(pc) =	sbr.abs _section_cstart, $3  }
0xc1: {  	[dreg:$0x1] =	wrdreg $0xFFFFFFFF  }
0xc2: {  	_ =	task.clear_ibuf [dreg:s7], $0x2FFFF;
	_ =	strace $0x9FFFFFFF  }
0xc3: {  	(tm) =	ssettm $0x7FFFFFFF  }
tec
execute0_lowered:
.L_overlay_start_1:
0x0: {  	(tag) =	ssettag $0x1  }
0x1: {  	s0 =	rddreg [dreg:$0x0];
	s23 =	stileid.u32  }
0x2: {  	s2 =	rddreg [dreg:$0x1];
	s6 =	smul.u32 $0x50000, s23  }
0x3: {  	s1 =	srdreg.scid;
	s8 =	smul.u32 $0x50, s23  }
0x4: {  	s3 =	rddreg [dreg:$0x2];
	s1 =	sand.u32 $0x1, s1;
	s26 =	smul.u32 $0x500, s23  }
0x5: {  	s4 =	simm.s32 $0x0;
	s31 =	simm.s32 $0x4800;
	s5 =	smul.u32 $0x5000, s1  }
0x6: {  	s28 =	simm.s32 $0x700;
	s9 =	sor.u32 $0x10, s23;
	s7 =	smul.u32 $0x2710, s1  }
0x7: {  	s29 =	simm.s32 $0x380;
	s11 =	sor.u32 $0x20, s23;
	s10 =	smul.u32 $0x50, s9  }
0x8: {  	s30 =	simm.s32 $0x780;
	s13 =	sor.u32 $0x30, s23;
	s12 =	smul.u32 $0x50, s11  }
0x9: {  	[smem:$0x7FF] =	sst s4;
	s16 =	sor.u32 $0x40, s23;
	s15 =	smul.u32 $0x50, s13  }
0xa: {  	s17 =	sor.u32 $0x50, s23;
	s19 =	sor.u32 $0x60, s23;
	s25 =	smul.u32 $0x50, s16  }
0xb: {  	s21 =	sor.u32 $0x70, s23;
	s24 =	sadd.s32 $0x16800, s2;
	s18 =	smul.u32 $0x50, s17  }
0xc: {  	p0 =	sgt.u32 s23, $0xC;
	_ =	strace $0x80000047;
	s20 =	smul.u32 $0x50, s19  }
0xd: {  	s1 =	ssub.s32 $0x2, s1;
	s22 =	smul.u32 $0x50, s21;
	[dreg:$0x5] =	wrdreg s24  }
0xe: {  	s14 =	sshrl.u32 s1, $0x1;
	s6 =	sshrl.u32 s6, $0x2;
	s5 =	sadd.s32 s5, s2  }
0xf: {  	s1 =	ssub.s32 s1, s14;
	s8 =	sadd.s32 s8, s7;
	s10 =	sadd.s32 s7, s10  }
0x10: {  	s12 =	sadd.s32 s7, s12;
	s15 =	sadd.s32 s7, s15;
	s14 =	sadd.s32 s7, s25  }
0x11: {  	s18 =	sadd.s32 s7, s18;
	s20 =	sadd.s32 s7, s20;
	s7 =	sadd.s32 s7, s22  }
0x12: {  	s2 =	sadd.s32 $0x16E00, s2;
	s24 =	sadd.s32 s6, s3;
	s6 =	smul.u32 $0xA000, s23  }
0x13: {  	s5 =	sadd.s32 s26, s5;
	s8 =	sshll.u32 s8, $0x4;
	s10 =	sshll.u32 s10, $0x4  }
0x14: {  	s22 =	sshll.u32 s12, $0x4;
	s25 =	sshll.u32 s15, $0x4;
	s26 =	sshll.u32 s14, $0x4  }
0x15: {  	s14 =	sshll.u32 s18, $0x4;
	s15 =	sshll.u32 s20, $0x4;
	s7 =	sshll.u32 s7, $0x4  }
0x16: {  	s20 =	smul.u32 $0xA000, s13;
	s1 =	smax.u32 s1, $0x1;
	[dreg:$0x6] =	wrdreg s24  }
0x17: {  	s13 =	smul.u32 $0xA000, s19;
	s19 =	sadd.s32 $0x5000, s24;
	[dreg:$0x18] =	wrdreg s1  }
0x18: {  	s23 =	sadd.s32 $0xF000, s24;
	s8 =	sadd.s32 s2, s8;
	[dreg:$0x19] =	wrdreg s19  }
0x19: {  	s12 =	sadd.s32 s2, s26;
	s18 =	sadd.s32 $0x2800, s5;
	[dreg:$0x1d] =	wrdreg s23  }
0x1a: {  	s6 =	sshrl.u32 s6, $0x2;
	s26 =	smul.u32 $0xA000, s16;
	[dreg:$0x7] =	wrdreg s8  }
0x1b: {  	s19 =	simm.s32 $0x180;
	s23 =	simm.s32 $0x280;
	[dreg:$0xb] =	wrdreg s12  }
0x1c: {  	s8 =	smul.u32 $0xA000, s9;
	s9 =	sadd.s32 s2, s10;
	[dreg:$0x4] =	wrdreg s18  }
0x1d: {  	s10 =	sadd.s32 s2, s22;
	s22 =	sadd.s32 $0x2800, s24;
	[dreg:$0x8] =	wrdreg s9  }
0x1e: {  	s16 =	sshrl.u32 s13, $0x2;
	s13 =	simm.s32 $0x2;
	[dreg:$0x9] =	wrdreg s10  }
0x1f: {  	s9 =	smul.u32 $0xA000, s11;
	s10 =	sadd.s32 s2, s25;
	[dreg:$0xf] =	wrdreg s22  }
0x20: {  	s25 =	sadd.s32 s6, s3;
	s11 =	smul.u32 $0xA000, s17;
	[dreg:$0xa] =	wrdreg s10  }
0x21: {  	s22 =	sadd.s32 $0xC800, s24;
	s10 =	sadd.s32 s2, s14;
	[dreg:$0x10] =	wrdreg s25  }
0x22: {  	s8 =	sshrl.u32 s8, $0x2;
	s14 =	smul.u32 $0xA000, s21;
	s25 =	sadd.s32 $0xC800, s5  }
0x23: {  	s21 =	sadd.s32 $0xA000, s24;
	[dreg:$0x1c] =	wrdreg s22;
	s5 =	simm.s32 $0x5  }
0x24: {  	s22 =	simm.s32 $0x600;
	[dreg:$0xc] =	wrdreg s10;
	s10 =	sadd.s32 s2, s15  }
0x25: {  	s2 =	sadd.s32 s2, s7;
	s6 =	sadd.s32 s8, s3;
	[dreg:$0x1b] =	wrdreg s21  }
0x26: {  	s7 =	sshrl.u32 s20, $0x2;
	s15 =	sshrl.u32 s11, $0x2;
	[dreg:$0xd] =	wrdreg s10  }
0x27: {  	s20 =	sadd.s32 $0x7800, s24;
	s8 =	simm.s32 $0x7D;
	[dreg:$0xe] =	wrdreg s2  }
0x28: {  	s21 =	simm.s32 $0x200;
	s10 =	sshrl.u32 s9, $0x2;
	[dreg:$0x11] =	wrdreg s6  }
0x29: {  	s2 =	sshrl.u32 s26, $0x2;
	s7 =	sadd.s32 s7, s3;
	s17 =	sshrl.u32 s14, $0x2  }
0x2a: {  	[dreg:$0x1a] =	wrdreg s20;
	s26 =	sadd.s32 $0x11800, s24;
	s9 =	simm.s32 $0x800  }
0x2b: {  	s14 =	simm.s32 $0x480;
	s20 =	simm.s32 $0x580;
	s24 =	simm.s32 $0x680  }
0x2c: {  	s6 =	simm.s32 $0x0;
	s12 =	sadd.s32 s10, s3;
	[dreg:$0x13] =	wrdreg s7  }
0x2d: {  	s2 =	sadd.s32 s2, s3;
	s18 =	sadd.s32 s17, s3;
	[dreg:$0x1e] =	wrdreg s26  }
0x2e: {  	s7 =	simm.s32 $0x400;
	s10 =	simm.s32 $0x1;
	[dreg:$0x12] =	wrdreg s12  }
0x2f: {  	s17 =	simm.s32 $0x500;
	s26 =	simm.s32 $0x300;
	[dreg:$0x14] =	wrdreg s2  }
0x30: {  	s2 =	sadd.s32 s15, s3;
	[dreg:$0x17] =	wrdreg s18;
	s12 =	simm.s32 $0x1B000  }
0x31: {  	s15 =	simm.s32 $0x3;
	[dreg:$0x15] =	wrdreg s2;
	s2 =	sadd.s32 s16, s3  }
0x32: {  	s18 =	simm.s32 $0x4;
	s16 =	simm.s32 $0x100;
	[dreg:$0x16] =	wrdreg s2  }
.LBB2_1:
0x33: {  	[dreg:$0x1f] =	wrdreg s6  }
0x34: {  	s1 =	rddreg [dreg:$0x5]  }
0x35: {  	[tilespmem:s31], [sflag:$0x5] =	stream.linear.gather [hbm4b:s1+s4], $0x2800, $0x38;
	[tilespmem:$0x1F000] =	vst v63  }
0x36: {  	_ =	swait.ge [sflag:s5], $0x2800  }
0x37: {  	[sflag:s5] =	ssyncset.done $0x0  }
0x38: {  	s11 =	rddreg [dreg:$0x6];
	[sflag:s5] =	ssyncadd.s32 $0xFFFFD800  }
0x39: {  	[spmem:s11] =	stream.linear.scatter [tilespmem:s31], [sflag:$0x5], $0x2800, $0x38;
	[tilespmem:$0x1F000] =	vst v63  }
0x3a: {  	_ =	swait.ge [sflag:s5], $0x2800  }
0x3b: {  	[sflag:s5] =	ssyncset.done $0x0  }
0x3c: {  	s2 =	rddreg [dreg:$0xf];
	[sflag:s5] =	ssyncadd.s32 $0xFFFFD800  }
0x3d: {  	[spmem:s2] =	stream.linear.scatter [tilespmem:s31], [sflag:$0x5], $0x2800, $0x38;
	[tilespmem:$0x1F000] =	vst v63  }
0x3e: {  	_ =	swait.ge [sflag:s5], $0x2800  }
0x3f: {  	[sflag:s5] =	ssyncset.done $0x0  }
0x40: {  	s6 =	rddreg [dreg:$0x19];
	[sflag:s5] =	ssyncadd.s32 $0xFFFFD800  }
0x41: {  	[spmem:s6] =	stream.linear.scatter [tilespmem:s31], [sflag:$0x5], $0x2800, $0x38;
	[tilespmem:$0x1F000] =	vst v63  }
0x42: {  	_ =	swait.ge [sflag:s5], $0x2800  }
0x43: {  	[sflag:s5] =	ssyncset.done $0x0  }
0x44: {  	s11 =	rddreg [dreg:$0x1a];
	[sflag:s5] =	ssyncadd.s32 $0xFFFFD800  }
0x45: {  	[spmem:s11] =	stream.linear.scatter [tilespmem:s31], [sflag:$0x5], $0x2800, $0x38;
	[tilespmem:$0x1F000] =	vst v63  }
0x46: {  	_ =	swait.ge [sflag:s5], $0x2800  }
0x47: {  	[sflag:s5] =	ssyncset.done $0x0  }
0x48: {  	s2 =	rddreg [dreg:$0x1b];
	[sflag:s5] =	ssyncadd.s32 $0xFFFFD800  }
0x49: {  	[spmem:s2] =	stream.linear.scatter [tilespmem:s31], [sflag:$0x5], $0x2800, $0x38;
	[tilespmem:$0x1F000] =	vst v63  }
0x4a: {  	_ =	swait.ge [sflag:s5], $0x2800  }
0x4b: {  	[sflag:s5] =	ssyncset.done $0x0  }
0x4c: {  	s6 =	rddreg [dreg:$0x1c];
	[sflag:s5] =	ssyncadd.s32 $0xFFFFD800  }
0x4d: {  	[spmem:s6] =	stream.linear.scatter [tilespmem:s31], [sflag:$0x5], $0x2800, $0x38;
	[tilespmem:$0x1F000] =	vst v63  }
0x4e: {  	_ =	swait.ge [sflag:s5], $0x2800  }
0x4f: {  	[sflag:s5] =	ssyncset.done $0x0  }
0x50: {  	s11 =	rddreg [dreg:$0x1d];
	[sflag:s5] =	ssyncadd.s32 $0xFFFFD800  }
0x51: {  	[spmem:s11] =	stream.linear.scatter [tilespmem:s31], [sflag:$0x5], $0x2800, $0x38;
	[tilespmem:$0x1F000] =	vst v63  }
0x52: {  	_ =	swait.ge [sflag:s5], $0x2800  }
0x53: {  	[sflag:s5] =	ssyncset.done $0x0  }
0x54: {  	s2 =	rddreg [dreg:$0x1e];
	[sflag:s5] =	ssyncadd.s32 $0xFFFFD800  }
0x55: {  	[spmem:s2] =	stream.linear.scatter [tilespmem:s31], [sflag:$0x5], $0x2800, $0x38;
	[tilespmem:$0x1F000] =	vst v63  }
0x56: {  	_ =	swait.ge [sflag:s5], $0x2800  }
0x57: {  	[sflag:s5] =	ssyncset.done $0x0  }
0x58: {  	[sflag:s5] =	ssyncadd.s32 $0xFFFFD800  }
0x59: {  	s6 =	sadd.s32 $0x0, s25;
	[bflag:$0x0] =	sbarrier.arrive $0xFFFF  }
0x5a: {  	[tilespmem:s4], [sflag:$0x5] =	stream.linear.gather [hbm4b:s6+s4], $0x400, $0x38;
	[tilespmem:$0x1F000] =	vst v63  }
0x5b: {  	_ =	swait.ge [sflag:s5], $0x400  }
0x5c: {  	s11 =	rddreg [dreg:$0x4];
	[sflag:s5] =	ssyncset.done $0x0  }
0x5d: {  	[sflag:s5] =	ssyncadd.s32 $0xFFFFFC00;
	s1 =	sadd.s32 $0x0, s11  }
0x5e: {  	[tilespmem:s7], [sflag:$0x5] =	stream.linear.gather [hbm4b:s1+s4], $0x400, $0x38;
	[tilespmem:$0x1F000] =	vst v63  }
0x5f: {  	_ =	swait.ge [sflag:s5], $0x400  }
0x60: {  	[sflag:s5] =	ssyncset.done $0x0  }
0x61: {  	[sflag:s5] =	ssyncadd.s32 $0xFFFFFC00  }
0x62: {  	[tilespmem:s9], [sflag:$0x1] =	stream.indirect.gather [hbm4b:s0+s8], $0x80, s4, s8, $0xb8;
	[tilespmem:$0x1F000] =	vst v63  }
0x63: {  	_ =	swait.ge [sflag:s10], $0x3E80  }
0x64: {  	[sflag:s10] =	ssyncset.done $0x0  }
0x65: {  	[sflag:s10] =	ssyncadd.s32 $0xFFFFC180  }
0x66: {  	[spmem:s3] =	stream.indirect.scatter.add.f32 [tilespmem:s9], [sflag:$0x3], $0x80, s7, s8, $0xb8;
	[tilespmem:$0x1F000] =	vst v63  }
0x67: {  	s31 =	simm.s32 $0x80  }
0x68: {  	[tilespmem:s12], [sflag:$0x2] =	stream.indirect.gather [hbm4b:s0+s8], $0x80, s31, s8, $0xb8;
	[tilespmem:$0x1F000] =	vst v63  }
0x69: {  	_ =	swait.ge [sflag:s13], $0x3E80  }
0x6a: {  	[sflag:s13] =	ssyncset.done $0x0  }
0x6b: {  	[sflag:s13] =	ssyncadd.s32 $0xFFFFC180  }
0x6c: {  	[spmem:s3] =	stream.indirect.scatter.add.f32 [tilespmem:s12], [sflag:$0x4], $0x80, s14, s8, $0xb8;
	[tilespmem:$0x1F000] =	vst v63  }
0x6d: {  	_ =	swait.ge [sflag:s15], $0x3E80  }
0x6e: {  	[sflag:s15] =	ssyncset.done $0x0  }
0x6f: {  	[sflag:s15] =	ssyncadd.s32 $0xFFFFC180  }
0x70: {  	[tilespmem:s9], [sflag:$0x1] =	stream.indirect.gather [hbm4b:s0+s8], $0x80, s16, s8, $0xb8;
	[tilespmem:$0x1F000] =	vst v63  }
0x71: {  	_ =	swait.ge [sflag:s10], $0x3E80  }
0x72: {  	[sflag:s10] =	ssyncset.done $0x0  }
0x73: {  	[sflag:s10] =	ssyncadd.s32 $0xFFFFC180  }
0x74: {  	[spmem:s3] =	stream.indirect.scatter.add.f32 [tilespmem:s9], [sflag:$0x3], $0x80, s17, s8, $0xb8;
	[tilespmem:$0x1F000] =	vst v63  }
0x75: {  	_ =	swait.ge [sflag:s18], $0x3E80  }
0x76: {  	[sflag:s18] =	ssyncset.done $0x0  }
0x77: {  	[sflag:s18] =	ssyncadd.s32 $0xFFFFC180  }
0x78: {  	[tilespmem:s12], [sflag:$0x2] =	stream.indirect.gather [hbm4b:s0+s8], $0x80, s19, s8, $0xb8;
	[tilespmem:$0x1F000] =	vst v63  }
0x79: {  	_ =	swait.ge [sflag:s13], $0x3E80  }
0x7a: {  	[sflag:s13] =	ssyncset.done $0x0  }
0x7b: {  	[sflag:s13] =	ssyncadd.s32 $0xFFFFC180  }
0x7c: {  	[spmem:s3] =	stream.indirect.scatter.add.f32 [tilespmem:s12], [sflag:$0x4], $0x80, s20, s8, $0xb8;
	[tilespmem:$0x1F000] =	vst v63  }
0x7d: {  	_ =	swait.ge [sflag:s15], $0x3E80  }
0x7e: {  	[sflag:s15] =	ssyncset.done $0x0  }
0x7f: {  	[sflag:s15] =	ssyncadd.s32 $0xFFFFC180  }
0x80: {  	[tilespmem:s9], [sflag:$0x1] =	stream.indirect.gather [hbm4b:s0+s8], $0x80, s21, s8, $0xb8;
	[tilespmem:$0x1F000] =	vst v63  }
0x81: {  	_ =	swait.ge [sflag:s10], $0x3E80  }
0x82: {  	[sflag:s10] =	ssyncset.done $0x0  }
0x83: {  	[sflag:s10] =	ssyncadd.s32 $0xFFFFC180  }
0x84: {  	[spmem:s3] =	stream.indirect.scatter.add.f32 [tilespmem:s9], [sflag:$0x3], $0x80, s22, s8, $0xb8;
	[tilespmem:$0x1F000] =	vst v63  }
0x85: {  	_ =	swait.ge [sflag:s18], $0x3E80  }
0x86: {  	[sflag:s18] =	ssyncset.done $0x0  }
0x87: {  	[sflag:s18] =	ssyncadd.s32 $0xFFFFC180  }
0x88: {  	[tilespmem:s12], [sflag:$0x2] =	stream.indirect.gather [hbm4b:s0+s8], $0x80, s23, s8, $0xb8;
	[tilespmem:$0x1F000] =	vst v63  }
0x89: {  	_ =	swait.ge [sflag:s13], $0x3E80  }
0x8a: {  	[sflag:s13] =	ssyncset.done $0x0  }
0x8b: {  	[sflag:s13] =	ssyncadd.s32 $0xFFFFC180  }
0x8c: {  	[spmem:s3] =	stream.indirect.scatter.add.f32 [tilespmem:s12], [sflag:$0x4], $0x80, s24, s8, $0xb8;
	[tilespmem:$0x1F000] =	vst v63  }
0x8d: {  	_ =	swait.ge [sflag:s15], $0x3E80  }
0x8e: {  	[sflag:s15] =	ssyncset.done $0x0  }
0x8f: {  	[sflag:s15] =	ssyncadd.s32 $0xFFFFC180  }
0x90: {  	[tilespmem:s9], [sflag:$0x1] =	stream.indirect.gather [hbm4b:s0+s8], $0x80, s26, s8, $0xb8;
	[tilespmem:$0x1F000] =	vst v63  }
0x91: {  	_ =	swait.ge [sflag:s10], $0x3E80  }
0x92: {  	[sflag:s10] =	ssyncset.done $0x0  }
0x93: {  	[sflag:s10] =	ssyncadd.s32 $0xFFFFC180  }
0x94: {  	[spmem:s3] =	stream.indirect.scatter.add.f32 [tilespmem:s9], [sflag:$0x3], $0x80, s28, s8, $0xb8;
	[tilespmem:$0x1F000] =	vst v63  }
0x95: {  	_ =	swait.ge [sflag:s18], $0x3E80  }
0x96: {  	[sflag:s18] =	ssyncset.done $0x0  }
0x97: {  	[sflag:s18] =	ssyncadd.s32 $0xFFFFC180  }
0x98: {  	[tilespmem:s12], [sflag:$0x2] =	stream.indirect.gather [hbm4b:s0+s8], $0x80, s29, s8, $0xb8;
	[tilespmem:$0x1F000] =	vst v63  }
0x99: {  	_ =	swait.ge [sflag:s13], $0x3E80  }
0x9a: {  	[sflag:s13] =	ssyncset.done $0x0  }
0x9b: {  	[sflag:s13] =	ssyncadd.s32 $0xFFFFC180  }
0x9c: {  	[spmem:s3] =	stream.indirect.scatter.add.f32 [tilespmem:s12], [sflag:$0x4], $0x80, s30, s8, $0xb8;
	[tilespmem:$0x1F000] =	vst v63  }
0x9d: {  	_ =	swait.ge [sflag:s15], $0x3E80  }
0x9e: {  	[sflag:s15] =	ssyncset.done $0x0  }
0x9f: {  	[sflag:s15] =	ssyncadd.s32 $0xFFFFC180  }
0xa0: {  	_ =	swait.ge [sflag:s18], $0x3E80  }
0xa1: {  	s6 =	simm.s32 $0x100;
	s1 =	simm.s32 $0x80;
	[sflag:s18] =	ssyncset.done $0x0  }
.LBB2_2:
0xa2: {  	s2 =	sadd.s32 s1, s25;
	[sflag:s18] =	ssyncadd.s32 $0xFFFFC180  }
0xa3: {  	[tilespmem:s4], [sflag:$0x5] =	stream.linear.gather [hbm4b:s2+s4], $0x400, $0x38;
	[tilespmem:$0x1F000] =	vst v63  }
0xa4: {  	s11 =	smov.u32 s6;
	s31 =	sadd.s32 $0x80, s6;
	_ =	swait.ge [sflag:s5], $0x400  }
0xa5: {  	p1 =	sne.s32 s6, $0x480;
	s6 =	rddreg [dreg:$0x4];
	[sflag:s5] =	ssyncset.done $0x0  }
0xa6: {  	[sflag:s5] =	ssyncadd.s32 $0xFFFFFC00;
	s2 =	sadd.s32 s1, s6  }
0xa7: {  	[tilespmem:s7], [sflag:$0x5] =	stream.linear.gather [hbm4b:s2+s4], $0x400, $0x38;
	[tilespmem:$0x1F000] =	vst v63  }
0xa8: {  	_ =	swait.ge [sflag:s5], $0x400  }
0xa9: {  	[sflag:s5] =	ssyncset.done $0x0  }
0xaa: {  	[sflag:s5] =	ssyncadd.s32 $0xFFFFFC00  }
0xab: {  	[tilespmem:s9], [sflag:$0x1] =	stream.indirect.gather [hbm4b:s0+s8], $0x80, s4, s8, $0xb8;
	[tilespmem:$0x1F000] =	vst v63  }
0xac: {  	_ =	swait.ge [sflag:s10], $0x3E80  }
0xad: {  	[sflag:s10] =	ssyncset.done $0x0  }
0xae: {  	[sflag:s10] =	ssyncadd.s32 $0xFFFFC180  }
0xaf: {  	[spmem:s3] =	stream.indirect.scatter.add.f32 [tilespmem:s9], [sflag:$0x3], $0x80, s7, s8, $0xb8;
	[tilespmem:$0x1F000] =	vst v63  }
0xb0: {  	s1 =	smov.u32 s11;
	s11 =	simm.s32 $0x80  }
0xb1: {  	[tilespmem:s12], [sflag:$0x2] =	stream.indirect.gather [hbm4b:s0+s8], $0x80, s11, s8, $0xb8;
	[tilespmem:$0x1F000] =	vst v63  }
0xb2: {  	_ =	swait.ge [sflag:s13], $0x3E80  }
0xb3: {  	[sflag:s13] =	ssyncset.done $0x0  }
0xb4: {  	[sflag:s13] =	ssyncadd.s32 $0xFFFFC180  }
0xb5: {  	[spmem:s3] =	stream.indirect.scatter.add.f32 [tilespmem:s12], [sflag:$0x4], $0x80, s14, s8, $0xb8;
	[tilespmem:$0x1F000] =	vst v63  }
0xb6: {  	_ =	swait.ge [sflag:s15], $0x3E80  }
0xb7: {  	[sflag:s15] =	ssyncset.done $0x0  }
0xb8: {  	[sflag:s15] =	ssyncadd.s32 $0xFFFFC180  }
0xb9: {  	[tilespmem:s9], [sflag:$0x1] =	stream.indirect.gather [hbm4b:s0+s8], $0x80, s16, s8, $0xb8;
	[tilespmem:$0x1F000] =	vst v63  }
0xba: {  	_ =	swait.ge [sflag:s10], $0x3E80  }
0xbb: {  	[sflag:s10] =	ssyncset.done $0x0  }
0xbc: {  	[sflag:s10] =	ssyncadd.s32 $0xFFFFC180  }
0xbd: {  	[spmem:s3] =	stream.indirect.scatter.add.f32 [tilespmem:s9], [sflag:$0x3], $0x80, s17, s8, $0xb8;
	[tilespmem:$0x1F000] =	vst v63  }
0xbe: {  	_ =	swait.ge [sflag:s18], $0x3E80  }
0xbf: {  	[sflag:s18] =	ssyncset.done $0x0  }
0xc0: {  	[sflag:s18] =	ssyncadd.s32 $0xFFFFC180  }
0xc1: {  	[tilespmem:s12], [sflag:$0x2] =	stream.indirect.gather [hbm4b:s0+s8], $0x80, s19, s8, $0xb8;
	[tilespmem:$0x1F000] =	vst v63  }
0xc2: {  	_ =	swait.ge [sflag:s13], $0x3E80  }
0xc3: {  	[sflag:s13] =	ssyncset.done $0x0  }
0xc4: {  	[sflag:s13] =	ssyncadd.s32 $0xFFFFC180  }
0xc5: {  	[spmem:s3] =	stream.indirect.scatter.add.f32 [tilespmem:s12], [sflag:$0x4], $0x80, s20, s8, $0xb8;
	[tilespmem:$0x1F000] =	vst v63  }
0xc6: {  	_ =	swait.ge [sflag:s15], $0x3E80  }
0xc7: {  	[sflag:s15] =	ssyncset.done $0x0  }
0xc8: {  	[sflag:s15] =	ssyncadd.s32 $0xFFFFC180  }
0xc9: {  	[tilespmem:s9], [sflag:$0x1] =	stream.indirect.gather [hbm4b:s0+s8], $0x80, s21, s8, $0xb8;
	[tilespmem:$0x1F000] =	vst v63  }
0xca: {  	_ =	swait.ge [sflag:s10], $0x3E80  }
0xcb: {  	[sflag:s10] =	ssyncset.done $0x0  }
0xcc: {  	[sflag:s10] =	ssyncadd.s32 $0xFFFFC180  }
0xcd: {  	[spmem:s3] =	stream.indirect.scatter.add.f32 [tilespmem:s9], [sflag:$0x3], $0x80, s22, s8, $0xb8;
	[tilespmem:$0x1F000] =	vst v63  }
0xce: {  	_ =	swait.ge [sflag:s18], $0x3E80  }
0xcf: {  	[sflag:s18] =	ssyncset.done $0x0  }
0xd0: {  	[sflag:s18] =	ssyncadd.s32 $0xFFFFC180  }
0xd1: {  	[tilespmem:s12], [sflag:$0x2] =	stream.indirect.gather [hbm4b:s0+s8], $0x80, s23, s8, $0xb8;
	[tilespmem:$0x1F000] =	vst v63  }
0xd2: {  	_ =	swait.ge [sflag:s13], $0x3E80  }
0xd3: {  	[sflag:s13] =	ssyncset.done $0x0  }
0xd4: {  	[sflag:s13] =	ssyncadd.s32 $0xFFFFC180  }
0xd5: {  	[spmem:s3] =	stream.indirect.scatter.add.f32 [tilespmem:s12], [sflag:$0x4], $0x80, s24, s8, $0xb8;
	[tilespmem:$0x1F000] =	vst v63  }
0xd6: {  	_ =	swait.ge [sflag:s15], $0x3E80  }
0xd7: {  	[sflag:s15] =	ssyncset.done $0x0  }
0xd8: {  	[sflag:s15] =	ssyncadd.s32 $0xFFFFC180  }
0xd9: {  	[tilespmem:s9], [sflag:$0x1] =	stream.indirect.gather [hbm4b:s0+s8], $0x80, s26, s8, $0xb8;
	[tilespmem:$0x1F000] =	vst v63  }
0xda: {  	_ =	swait.ge [sflag:s10], $0x3E80  }
0xdb: {  	[sflag:s10] =	ssyncset.done $0x0  }
0xdc: {  	[sflag:s10] =	ssyncadd.s32 $0xFFFFC180  }
0xdd: {  	[spmem:s3] =	stream.indirect.scatter.add.f32 [tilespmem:s9], [sflag:$0x3], $0x80, s28, s8, $0xb8;
	[tilespmem:$0x1F000] =	vst v63  }
0xde: {  	_ =	swait.ge [sflag:s18], $0x3E80  }
0xdf: {  	[sflag:s18] =	ssyncset.done $0x0  }
0xe0: {  	[sflag:s18] =	ssyncadd.s32 $0xFFFFC180  }
0xe1: {  	[tilespmem:s12], [sflag:$0x2] =	stream.indirect.gather [hbm4b:s0+s8], $0x80, s29, s8, $0xb8;
	[tilespmem:$0x1F000] =	vst v63  }
0xe2: {  	_ =	swait.ge [sflag:s13], $0x3E80  }
0xe3: {  	[sflag:s13] =	ssyncset.done $0x0  }
0xe4: {  	[sflag:s13] =	ssyncadd.s32 $0xFFFFC180  }
0xe5: {  	[spmem:s3] =	stream.indirect.scatter.add.f32 [tilespmem:s12], [sflag:$0x4], $0x80, s30, s8, $0xb8;
	[tilespmem:$0x1F000] =	vst v63  }
.Ltmp0:
0xe6: {  	_ =	swait.ge [sflag:s15], $0x3E80;
	(pc) =	sbr.rel @p1 .LBB2_2-.Ltmp0, $4  }
0xe7: {  	[sflag:s15] =	ssyncset.done $0x0  }
0xe8: {  	[sflag:s15] =	ssyncadd.s32 $0xFFFFC180  }
0xe9: {  	_ =	swait.ge [sflag:s18], $0x3E80  }
0xea: {  	s6 =	smov.u32 s31;
	[sflag:s18] =	ssyncset.done $0x0  }
0xeb: {  	s2 =	sadd.s32 s1, s25;
	[sflag:s18] =	ssyncadd.s32 $0xFFFFC180  }
0xec: {  	[tilespmem:s4], [sflag:$0x5] =	stream.linear.gather [hbm4b:s2+s4], $0x400, $0x38;
	[tilespmem:$0x1F000] =	vst v63  }
0xed: {  	_ =	swait.ge [sflag:s5], $0x400  }
0xee: {  	s6 =	rddreg [dreg:$0x4];
	[sflag:s5] =	ssyncset.done $0x0  }
0xef: {  	[sflag:s5] =	ssyncadd.s32 $0xFFFFFC00;
	s11 =	sadd.s32 s1, s6  }
0xf0: {  	[tilespmem:s7], [sflag:$0x5] =	stream.linear.gather [hbm4b:s11+s4], $0x400, $0x38;
	[tilespmem:$0x1F000] =	vst v63  }
0xf1: {  	_ =	swait.ge [sflag:s5], $0x400  }
0xf2: {  	[sflag:s5] =	ssyncset.done $0x0  }
0xf3: {  	[sflag:s5] =	ssyncadd.s32 $0xFFFFFC00  }
0xf4: {  	[tilespmem:s9], [sflag:$0x1] =	stream.indirect.gather [hbm4b:s0+s8], $0x80, s4, s8, $0xb8;
	[tilespmem:$0x1F000] =	vst v63  }
0xf5: {  	_ =	swait.ge [sflag:s10], $0x3E80  }
0xf6: {  	[sflag:s10] =	ssyncset.done $0x0  }
0xf7: {  	[sflag:s10] =	ssyncadd.s32 $0xFFFFC180  }
0xf8: {  	[spmem:s3] =	stream.indirect.scatter.add.f32 [tilespmem:s9], [sflag:$0x3], $0x80, s7, s8, $0xb8;
	[tilespmem:$0x1F000] =	vst v63  }
0xf9: {  	s2 =	simm.s32 $0x80  }
0xfa: {  	[tilespmem:s12], [sflag:$0x2] =	stream.indirect.gather [hbm4b:s0+s8], $0x80, s2, s8, $0xb8;
	[tilespmem:$0x1F000] =	vst v63  }
0xfb: {  	_ =	swait.ge [sflag:s13], $0x3E80  }
0xfc: {  	[sflag:s13] =	ssyncset.done $0x0  }
0xfd: {  	[sflag:s13] =	ssyncadd.s32 $0xFFFFC180  }
0xfe: {  	[spmem:s3] =	stream.indirect.scatter.add.f32 [tilespmem:s12], [sflag:$0x4], $0x80, s14, s8, $0xb8;
	[tilespmem:$0x1F000] =	vst v63  }
0xff: {  	_ =	swait.ge [sflag:s15], $0x3E80  }
0x100: {  	[sflag:s15] =	ssyncset.done $0x0  }
0x101: {  	[sflag:s15] =	ssyncadd.s32 $0xFFFFC180  }
0x102: {  	[tilespmem:s9], [sflag:$0x1] =	stream.indirect.gather [hbm4b:s0+s8], $0x80, s16, s8, $0xb8;
	[tilespmem:$0x1F000] =	vst v63  }
0x103: {  	_ =	swait.ge [sflag:s10], $0x3E80  }
0x104: {  	[sflag:s10] =	ssyncset.done $0x0  }
0x105: {  	[sflag:s10] =	ssyncadd.s32 $0xFFFFC180  }
0x106: {  	[spmem:s3] =	stream.indirect.scatter.add.f32 [tilespmem:s9], [sflag:$0x3], $0x80, s17, s8, $0xb8;
	[tilespmem:$0x1F000] =	vst v63  }
0x107: {  	_ =	swait.ge [sflag:s18], $0x3E80  }
0x108: {  	[sflag:s18] =	ssyncset.done $0x0  }
0x109: {  	[sflag:s18] =	ssyncadd.s32 $0xFFFFC180  }
0x10a: {  	[tilespmem:s12], [sflag:$0x2] =	stream.indirect.gather [hbm4b:s0+s8], $0x80, s19, s8, $0xb8;
	[tilespmem:$0x1F000] =	vst v63  }
0x10b: {  	_ =	swait.ge [sflag:s13], $0x3E80  }
0x10c: {  	[sflag:s13] =	ssyncset.done $0x0  }
0x10d: {  	[sflag:s13] =	ssyncadd.s32 $0xFFFFC180  }
0x10e: {  	[spmem:s3] =	stream.indirect.scatter.add.f32 [tilespmem:s12], [sflag:$0x4], $0x80, s20, s8, $0xb8;
	[tilespmem:$0x1F000] =	vst v63  }
0x10f: {  	_ =	swait.ge [sflag:s15], $0x3E80  }
0x110: {  	[sflag:s15] =	ssyncset.done $0x0  }
0x111: {  	[sflag:s15] =	ssyncadd.s32 $0xFFFFC180  }
0x112: {  	[tilespmem:s9], [sflag:$0x1] =	stream.indirect.gather [hbm4b:s0+s8], $0x80, s21, s8, $0xb8;
	[tilespmem:$0x1F000] =	vst v63  }
0x113: {  	_ =	swait.ge [sflag:s10], $0x3E80  }
0x114: {  	[sflag:s10] =	ssyncset.done $0x0  }
0x115: {  	[sflag:s10] =	ssyncadd.s32 $0xFFFFC180  }
0x116: {  	[spmem:s3] =	stream.indirect.scatter.add.f32 [tilespmem:s9], [sflag:$0x3], $0x80, s22, s8, $0xb8;
	[tilespmem:$0x1F000] =	vst v63  }
0x117: {  	_ =	swait.ge [sflag:s18], $0x3E80  }
0x118: {  	[sflag:s18] =	ssyncset.done $0x0  }
0x119: {  	[sflag:s18] =	ssyncadd.s32 $0xFFFFC180  }
0x11a: {  	[tilespmem:s12], [sflag:$0x2] =	stream.indirect.gather [hbm4b:s0+s8], $0x80, s23, s8, $0xb8;
	[tilespmem:$0x1F000] =	vst v63  }
0x11b: {  	_ =	swait.ge [sflag:s13], $0x3E80  }
0x11c: {  	[sflag:s13] =	ssyncset.done $0x0  }
0x11d: {  	[sflag:s13] =	ssyncadd.s32 $0xFFFFC180  }
0x11e: {  	[spmem:s3] =	stream.indirect.scatter.add.f32 [tilespmem:s12], [sflag:$0x4], $0x80, s24, s8, $0xb8;
	[tilespmem:$0x1F000] =	vst v63  }
0x11f: {  	_ =	swait.ge [sflag:s15], $0x3E80  }
0x120: {  	[sflag:s15] =	ssyncset.done $0x0  }
0x121: {  	[sflag:s15] =	ssyncadd.s32 $0xFFFFC180  }
0x122: {  	[tilespmem:s9], [sflag:$0x1] =	stream.indirect.gather [hbm4b:s0+s8], $0x80, s26, s8, $0xb8;
	[tilespmem:$0x1F000] =	vst v63  }
0x123: {  	_ =	swait.ge [sflag:s10], $0x3E80  }
0x124: {  	[sflag:s10] =	ssyncset.done $0x0  }
0x125: {  	[sflag:s10] =	ssyncadd.s32 $0xFFFFC180  }
0x126: {  	[spmem:s3] =	stream.indirect.scatter.add.f32 [tilespmem:s9], [sflag:$0x3], $0x80, s28, s8, $0xb8;
	[tilespmem:$0x1F000] =	vst v63  }
0x127: {  	_ =	swait.ge [sflag:s18], $0x3E80  }
0x128: {  	[sflag:s18] =	ssyncset.done $0x0  }
0x129: {  	[sflag:s18] =	ssyncadd.s32 $0xFFFFC180  }
0x12a: {  	[tilespmem:s12], [sflag:$0x2] =	stream.indirect.gather [hbm4b:s0+s8], $0x80, s29, s8, $0xb8;
	[tilespmem:$0x1F000] =	vst v63  }
0x12b: {  	_ =	swait.ge [sflag:s13], $0x3E80  }
0x12c: {  	[sflag:s13] =	ssyncset.done $0x0  }
0x12d: {  	[sflag:s13] =	ssyncadd.s32 $0xFFFFC180  }
0x12e: {  	[spmem:s3] =	stream.indirect.scatter.add.f32 [tilespmem:s12], [sflag:$0x4], $0x80, s30, s8, $0xb8;
	[tilespmem:$0x1F000] =	vst v63  }
0x12f: {  	_ =	swait.ge [sflag:s15], $0x3E80  }
0x130: {  	[sflag:s15] =	ssyncset.done $0x0  }
0x131: {  	[sflag:s15] =	ssyncadd.s32 $0xFFFFC180  }
0x132: {  	_ =	swait.ge [sflag:s18], $0x3E80  }
0x133: {  	[sflag:s18] =	ssyncset.done $0x0  }
0x134: {  	[sflag:s18] =	ssyncadd.s32 $0xFFFFC180  }
0x135: {  	[bflag:$0x0] =	sbarrier.arrive $0xFFFF  }
0x136: {  	s31 =	simm.s32 $0x4800;
	s6 =	rddreg [dreg:$0x10]  }
0x137: {  	[tilespmem:s31], [sflag:$0x5] =	stream.linear.gather [spmem:s6], $0x2800, $0x38;
	[tilespmem:$0x1F000] =	vst v63  }
0x138: {  	_ =	swait.ge [sflag:s5], $0x2800  }
0x139: {  	[sflag:s5] =	ssyncset.done $0x0  }
0x13a: {  	s11 =	rddreg [dreg:$0x7];
	[sflag:s5] =	ssyncadd.s32 $0xFFFFD800  }
0x13b: {  	[hbm4b:s11+s4] =	stream.linear.scatter [tilespmem:s31], [sflag:$0x5], $0x2800, $0x38;
	[tilespmem:$0x1F000] =	vst v63  }
0x13c: {  	_ =	swait.ge [sflag:s5], $0x2800  }
0x13d: {  	[sflag:s5] =	ssyncset.done $0x0  }
0x13e: {  	s2 =	rddreg [dreg:$0x11];
	[sflag:s5] =	ssyncadd.s32 $0xFFFFD800  }
0x13f: {  	[tilespmem:s31], [sflag:$0x5] =	stream.linear.gather [spmem:s2], $0x2800, $0x38;
	[tilespmem:$0x1F000] =	vst v63  }
0x140: {  	_ =	swait.ge [sflag:s5], $0x2800  }
0x141: {  	[sflag:s5] =	ssyncset.done $0x0  }
0x142: {  	s6 =	rddreg [dreg:$0x8];
	[sflag:s5] =	ssyncadd.s32 $0xFFFFD800  }
0x143: {  	[hbm4b:s6+s4] =	stream.linear.scatter [tilespmem:s31], [sflag:$0x5], $0x2800, $0x38;
	[tilespmem:$0x1F000] =	vst v63  }
0x144: {  	_ =	swait.ge [sflag:s5], $0x2800  }
0x145: {  	[sflag:s5] =	ssyncset.done $0x0  }
0x146: {  	s11 =	rddreg [dreg:$0x12];
	[sflag:s5] =	ssyncadd.s32 $0xFFFFD800  }
0x147: {  	[tilespmem:s31], [sflag:$0x5] =	stream.linear.gather [spmem:s11], $0x2800, $0x38;
	[tilespmem:$0x1F000] =	vst v63  }
0x148: {  	_ =	swait.ge [sflag:s5], $0x2800  }
0x149: {  	[sflag:s5] =	ssyncset.done $0x0  }
0x14a: {  	s2 =	rddreg [dreg:$0x9];
	[sflag:s5] =	ssyncadd.s32 $0xFFFFD800  }
0x14b: {  	[hbm4b:s2+s4] =	stream.linear.scatter [tilespmem:s31], [sflag:$0x5], $0x2800, $0x38;
	[tilespmem:$0x1F000] =	vst v63  }
0x14c: {  	_ =	swait.ge [sflag:s5], $0x2800  }
0x14d: {  	[sflag:s5] =	ssyncset.done $0x0  }
0x14e: {  	s6 =	rddreg [dreg:$0x13];
	[sflag:s5] =	ssyncadd.s32 $0xFFFFD800  }
0x14f: {  	[tilespmem:s31], [sflag:$0x5] =	stream.linear.gather [spmem:s6], $0x2800, $0x38;
	[tilespmem:$0x1F000] =	vst v63  }
0x150: {  	_ =	swait.ge [sflag:s5], $0x2800  }
0x151: {  	[sflag:s5] =	ssyncset.done $0x0  }
0x152: {  	s11 =	rddreg [dreg:$0xa];
	[sflag:s5] =	ssyncadd.s32 $0xFFFFD800  }
0x153: {  	[hbm4b:s11+s4] =	stream.linear.scatter [tilespmem:s31], [sflag:$0x5], $0x2800, $0x38;
	[tilespmem:$0x1F000] =	vst v63  }
0x154: {  	_ =	swait.ge [sflag:s5], $0x2800  }
0x155: {  	[sflag:s5] =	ssyncset.done $0x0  }
0x156: {  	s2 =	rddreg [dreg:$0x14];
	[sflag:s5] =	ssyncadd.s32 $0xFFFFD800  }
0x157: {  	[tilespmem:s31], [sflag:$0x5] =	stream.linear.gather [spmem:s2], $0x2800, $0x38;
	[tilespmem:$0x1F000] =	vst v63  }
0x158: {  	_ =	swait.ge [sflag:s5], $0x2800  }
0x159: {  	[sflag:s5] =	ssyncset.done $0x0  }
0x15a: {  	s6 =	rddreg [dreg:$0xb];
	[sflag:s5] =	ssyncadd.s32 $0xFFFFD800  }
0x15b: {  	[hbm4b:s6+s4] =	stream.linear.scatter [tilespmem:s31], [sflag:$0x5], $0x2800, $0x38;
	[tilespmem:$0x1F000] =	vst v63  }
0x15c: {  	_ =	swait.ge [sflag:s5], $0x2800  }
0x15d: {  	[sflag:s5] =	ssyncset.done $0x0  }
0x15e: {  	s11 =	rddreg [dreg:$0x15];
	[sflag:s5] =	ssyncadd.s32 $0xFFFFD800  }
0x15f: {  	[tilespmem:s31], [sflag:$0x5] =	stream.linear.gather [spmem:s11], $0x2800, $0x38;
	[tilespmem:$0x1F000] =	vst v63  }
0x160: {  	_ =	swait.ge [sflag:s5], $0x2800  }
0x161: {  	[sflag:s5] =	ssyncset.done $0x0  }
0x162: {  	s2 =	rddreg [dreg:$0xc];
	[sflag:s5] =	ssyncadd.s32 $0xFFFFD800  }
0x163: {  	[hbm4b:s2+s4] =	stream.linear.scatter [tilespmem:s31], [sflag:$0x5], $0x2800, $0x38;
	[tilespmem:$0x1F000] =	vst v63  }
0x164: {  	_ =	swait.ge [sflag:s5], $0x2800  }
0x165: {  	[sflag:s5] =	ssyncset.done $0x0  }
0x166: {  	s6 =	rddreg [dreg:$0x16];
	[sflag:s5] =	ssyncadd.s32 $0xFFFFD800  }
0x167: {  	[tilespmem:s31], [sflag:$0x5] =	stream.linear.gather [spmem:s6], $0x2800, $0x38;
	[tilespmem:$0x1F000] =	vst v63  }
0x168: {  	_ =	swait.ge [sflag:s5], $0x2800  }
0x169: {  	[sflag:s5] =	ssyncset.done $0x0  }
0x16a: {  	s11 =	rddreg [dreg:$0xd];
	[sflag:s5] =	ssyncadd.s32 $0xFFFFD800  }
0x16b: {  	[hbm4b:s11+s4] =	stream.linear.scatter [tilespmem:s31], [sflag:$0x5], $0x2800, $0x38;
	[tilespmem:$0x1F000] =	vst v63  }
0x16c: {  	_ =	swait.ge [sflag:s5], $0x2800  }
0x16d: {  	[sflag:s5] =	ssyncset.done $0x0  }
0x16e: {  	s1 =	simm.s32 @!p0 $0x4800;
	s2 =	rddreg [dreg:$0x17];
	[sflag:s5] =	ssyncadd.s32 $0xFFFFD800  }
0x16f: {  	[tilespmem:s1], [sflag:$0x5] =	stream.linear.gather @!p0 [spmem:s2], $0x2800, $0x38;
	[tilespmem:$0x1F000] =	vst v63  }
0x170: {  	s2 =	simm.s32 @!p0 $0x5  }
0x171: {  	_ =	swait.ge @!p0 [sflag:s2], $0x2800  }
0x172: {  	[sflag:s2] =	ssyncset.done @!p0 $0x0  }
0x173: {  	s6 =	simm.s32 @!p0 $0x0;
	s11 =	rddreg [dreg:$0xe];
	[sflag:s2] =	ssyncadd.s32 @!p0 $0xFFFFD800  }
0x174: {  	[hbm4b:s11+s6] =	stream.linear.scatter @!p0 [tilespmem:s1], [sflag:$0x5], $0x2800, $0x38;
	[tilespmem:$0x1F000] =	vst v63  }
0x175: {  	_ =	swait.ge @!p0 [sflag:s2], $0x2800  }
0x176: {  	s1 =	rddreg [dreg:$0x1f]  }
0x177: {  	s11 =	rddreg [dreg:$0x18];
	s6 =	sadd.s32 $0x1, s1  }
0x178: {  	p1 =	sne.s32 s6, s11  }
.Ltmp1:
0x179: {  	_ = 	snop;
	(pc) =	sbr.rel @p1 .LBB2_1-.Ltmp1, $3  }
0x17a: {  	_ =	sdelay $0x1  }
0x17b: {  	[sflag:s2] =	ssyncset.done @!p0 $0x0  }
0x17c: {  	[sflag:s2] =	ssyncadd.s32 @!p0 $0xFFFFD800  }
0x17d: {  	_ =	sfence.sel $0x180000  }
0x17e: {  	[bflag:$0x0] =	sbarrier.arrive $0xFFFF  }
0x17f: {  	_ =	strace $0x90000047  }
0x180: {  	s0 =	stileid.u32;
	[bflag:$0x2] =	sbarrier.arrive $0xFFFF  }
0x181: {  	p0 =	sne.s32 s0, $0x0;
	s0 =	rddreg [dreg:$0x3]  }
0x182: {  	s0 =	sadd.s32 @!p0 $0x100000, s0  }
0x183: {  	[sflag:s0] =	ssyncadd.tile.s32 @!p0 $0x1;
	_ =	shalt  }
.Lfunc_end2:
_tile_overlayer_lowered:
.L_overlay_start_2:
0x184: {  	(tag) =	ssettag $0x2  }
0x185: {  	s0 =	rddreg [dreg:$0x0];
	s2 =	stileid.u32  }
0x186: {  	s1 =	rddreg [dreg:$0x1];
	p0 =	sne.s32 s2, $0x0  }
0x187: {  	s3 =	rddreg [dreg:$0x2];
	[bflag:$0x3] =	sbarrier.arrive $0xFFFF;
	s2 =	simm.s32 @!p0 $0x1C05  }
0x188: {  	[timem:s3], [sflag:s2] =	dma.local @!p0 [hbm:s0], s1  }
0x189: {  	s0 =	simm.s32 @!p0 $0x5  }
0x18a: {  	_ =	swait.ge @!p0 [sflag:s0], s1  }
0x18b: {  	s1 =	ssub.s32 @!p0 $0x0, s1;
	[sflag:s0] =	ssyncset.done @!p0 $0x0  }
0x18c: {  	[sflag:s0] =	ssyncadd.s32 @!p0 s1  }
0x18d: {  	[bflag:$0x3] =	sbarrier.arrive $0xFFFF  }
0x18e: {  	_ =	shalt  }

// kernel: kernel.15.cloned.1.call-start
scs
__scs_entry_jumppad:
0x0: {  	(pc) =	sbr.rel $0x88, $3  }
0x1: {  	(tag) =	ssettag $0x0;
	lr =	simm.s32 $0x1  }
0x2: {  	[smem:$0x3F9C] =	sst lr;
	_ =	strace $0xD0000000  }
0x3: {  	_ = 	snop  }
0x4: {  	_ = 	snop  }
0x5: {  	_ = 	snop  }
0x6: {  	_ = 	snop  }
0x7: {  	_ = 	snop  }
__scs_overlays_trampoline_lowered:
0x8: {  	[smem:$0x3FAB] =	sst s0  }
0x9: {  	[smem:$0x3FAC] =	sst s1  }
0xa: {  	[smem:$0x3FAD] =	sst s2  }
0xb: {  	[smem:$0x3FAE] =	sst s3  }
0xc: {  	[smem:$0x3FAF] =	sst s4  }
0xd: {  	[smem:$0x3FB0] =	sst s5  }
0xe: {  	[smem:$0x3FB1] =	sst s6  }
0xf: {  	[smem:$0x3FB2] =	sst s7  }
0x10: {  	[smem:$0x3FB3] =	sst s8  }
0x11: {  	[smem:$0x3FB4] =	sst s9;
	s0 =	simm.s32 @!p0 $0x0  }
0x12: {  	s1 =	sld [smem:$0x3F9A];
	s0 =	simm.s32 @p0 $0x1  }
0x13: {  	[smem:$0x3FB5] =	sst s0;
	s0 =	simm.s32 @!p1 $0x0  }
0x14: {  	s2 =	sld [smem:$0x3F99];
	s0 =	simm.s32 @p1 $0x1  }
0x15: {  	[smem:$0x3FB6] =	sst s0;
	s0 =	simm.s32 @!p2 $0x0  }
0x16: {  	s3 =	sld [smem:$0x3FDB];
	s0 =	simm.s32 @p2 $0x1  }
0x17: {  	s4 =	simm.s32 $0x1BF5;
	[smem:$0x3FB8] =	sst s0  }
0x18: {  	s0 =	sld [smem:$0x3F9B];
	_ =	swait.ge [sflag:s4], $0x0  }
0x19: {  	s7 =	sld [smem:$0x3F9C]  }
0x1a: {  	s8 =	sadd.s32 $0xFFFFE003, lr  }
0x1b: {  	s9 =	sadd.s32 $0xFFFFFEF7, lr;
	s5 =	simm.s32 $0xFFFFFFFF;
	p2 =	slt.u32 s8, $0xFFFFF086  }
0x1c: {  	p1 =	slt.u32 s9, $0xF7A;
	s5 =	simm.s32 @!p2 $0x0  }
0x1d: {  	s5 =	simm.s32 @p1 $0x1;
	p0 =	seq.s32 s7, s2  }
0x1e: {  	s7 =	smul.u32 @!p0 $0xF7A, s2;
	p2 =	seq.s32 @!p0 s5, $0x0  }
0x1f: {  	s9 =	smul.u32 $0xF7A, s1;
	s8 =	simm.s32 @!p0 $0x1BF5;
	p2 =	por !p2, p0  }
0x20: {  	[sflag:s8] =	ssyncset.s32 @!p0 $0xFFFFF086;
	s6 =	sadd.s32 @!p0 s3, s7;
	s7 =	simm.s32 @!p0 $0x108  }
0x21: {  	s3 =	sadd.s32 s3, s9;
	s6 =	sadd.s32 @!p0 $0x88, s6;
	s7 =	simm.s32 @p2 $0x1082  }
0x22: {  	[simem:s7], [sflag:s8] =	dma.local @!p0 [hbm:s6], $0xF7A  }
0x23: {  	s9 =	sor.u32 $0xD0000000, s2;
	s6 =	simm.s32 $0x108;
	_ =	swait.ge @!p0 [sflag:s8], $0x0  }
0x24: {  	s3 =	sadd.s32 $0x88, s3;
	s6 =	simm.s32 @!p1 $0x1082;
	[sflag:s4] =	ssyncset.s32 $0xFFFFF086  }
0x25: {  	[simem:s6], [sflag:s4] =	dma.local [hbm:s3], $0xF7A  }
0x26: {  	[smem:$0x3F9C] =	sst s1;
	(tag) =	ssettag s2;
	_ =	strace s9  }
0x27: {  	s1 =	sld [smem:$0x3FAC]  }
0x28: {  	s2 =	sld [smem:$0x3FAD]  }
0x29: {  	s4 =	sld [smem:$0x3FAF]  }
0x2a: {  	p0 =	seq.s32 s5, $0x0;
	s5 =	sld [smem:$0x3FB0]  }
0x2b: {  	s6 =	sld [smem:$0x3FB1]  }
0x2c: {  	s7 =	sld [smem:$0x3FB2]  }
0x2d: {  	s3 =	simm.s32 $0x108;
	s8 =	sld [smem:$0x3FB3]  }
0x2e: {  	s3 =	simm.s32 @!p0 $0x1082;
	s9 =	sld [smem:$0x3FB4]  }
0x2f: {  	lr =	sadd.s32 s0, s3;
	s0 =	sld [smem:$0x3FAB]  }
0x30: {  	s3 =	sld [smem:$0x3FAE]  }
0x31: {  	[smem:$0x3FB7] =	sst s10  }
0x32: {  	s10 =	sld [smem:$0x3FB5];
	_ =	sdelay $0x3  }
0x33: {  	p0 =	seq.s32 s10, $0x1;
	s10 =	sld [smem:$0x3FB7];
	_ =	sdelay $0x3  }
0x34: {  	[smem:$0x3FB7] =	sst s10  }
0x35: {  	s10 =	sld [smem:$0x3FB6];
	_ =	sdelay $0x3  }
0x36: {  	p1 =	seq.s32 s10, $0x1;
	s10 =	sld [smem:$0x3FB7];
	_ =	sdelay $0x3  }
0x37: {  	[smem:$0x3FB7] =	sst s10  }
0x38: {  	s10 =	sld [smem:$0x3FB8]  }
0x39: {  	_ = 	snop;
	(pc) =	sbr.ind lr, $3  }
0x3a: {  	_ = 	snop  }
0x3b: {  	_ = 	snop  }
0x3c: {  	p2 =	seq.s32 s10, $0x1;
	s10 =	sld [smem:$0x3FB7]  }
0x3d: {  	_ =	shalt  }
0x3e: {  	_ =	shalt  }
0x3f: {  	_ =	shalt  }
0x40: {  	_ =	shalt  }
0x41: {  	_ =	shalt  }
0x42: {  	_ =	shalt  }
0x43: {  	_ =	shalt  }
0x44: {  	_ =	shalt  }
0x45: {  	_ =	shalt  }
0x46: {  	_ =	shalt  }
0x47: {  	_ =	shalt  }
0x48: {  	_ =	shalt  }
0x49: {  	_ =	shalt  }
0x4a: {  	_ =	shalt  }
0x4b: {  	_ =	shalt  }
0x4c: {  	_ =	shalt  }
0x4d: {  	_ =	shalt  }
0x4e: {  	_ =	shalt  }
0x4f: {  	_ =	shalt  }
0x50: {  	_ =	shalt  }
0x51: {  	_ =	shalt  }
0x52: {  	_ =	shalt  }
0x53: {  	_ =	shalt  }
0x54: {  	_ =	shalt  }
0x55: {  	_ =	shalt  }
0x56: {  	_ =	shalt  }
0x57: {  	_ =	shalt  }
0x58: {  	_ =	shalt  }
0x59: {  	_ =	shalt  }
0x5a: {  	_ =	shalt  }
0x5b: {  	_ =	shalt  }
0x5c: {  	_ =	shalt  }
0x5d: {  	_ =	shalt  }
0x5e: {  	_ =	shalt  }
0x5f: {  	_ =	shalt  }
0x60: {  	_ =	shalt  }
0x61: {  	_ =	shalt  }
0x62: {  	_ =	shalt  }
0x63: {  	_ =	shalt  }
0x64: {  	_ =	shalt  }
0x65: {  	_ =	shalt  }
0x66: {  	_ =	shalt  }
0x67: {  	_ =	shalt  }
0x68: {  	_ =	shalt  }
0x69: {  	_ =	shalt  }
0x6a: {  	_ =	shalt  }
0x6b: {  	_ =	shalt  }
0x6c: {  	_ =	shalt  }
0x6d: {  	_ =	shalt  }
0x6e: {  	_ =	shalt  }
0x6f: {  	_ =	shalt  }
0x70: {  	_ =	shalt  }
0x71: {  	_ =	shalt  }
0x72: {  	_ =	shalt  }
0x73: {  	_ =	shalt  }
0x74: {  	_ =	shalt  }
0x75: {  	_ =	shalt  }
0x76: {  	_ =	shalt  }
0x77: {  	_ =	shalt  }
0x78: {  	_ =	shalt  }
0x79: {  	_ =	shalt  }
0x7a: {  	_ =	shalt  }
0x7b: {  	_ =	shalt  }
0x7c: {  	_ =	shalt  }
0x7d: {  	_ =	shalt  }
0x7e: {  	_ =	shalt  }
0x7f: {  	_ =	shalt  }
0x80: {  	_ =	shalt  }
0x81: {  	_ =	shalt  }
0x82: {  	_ =	shalt  }
0x83: {  	_ =	shalt  }
0x84: {  	_ =	shalt  }
0x85: {  	_ =	shalt  }
0x86: {  	_ =	shalt  }
0x87: {  	_ =	shalt  }
.Lfunc_end0:
.L_simem_size_0:
called_computation.2_lowered:
.L_overlay_start_0:
0x88: {  	s2 =	sld [smem:$0x3FD9]  }
0x89: {  	s3 =	sld [smem:$0x3FFE];
	_ =	sdelay $0x1  }
0x8a: {  	s1 =	srdreg.scid  }
0x8b: {  	s0 =	sand.u32 $0x1, s1  }
0x8c: {  	s17 =	sshll.u32 s0, $0xA;
	s2 =	sadd.s32 s3, s2  }
0x8d: {  	s2 =	sadd.s32 s2, s17  }
0x8e: {  	[smem:$0x3FC3] =	sst s2  }
0x8f: {  	_ = 	snop  }
0x90: {  	s2 =	sld [smem:$0x3FD0];
	(tm) =	ssettm $0x1  }
0x91: {  	s18 =	sld [smem:$0x3FFB];
	_ =	sdelay $0x3  }
0x92: {  	_ =	strace s18  }
0x93: {  	s3 =	sld [smem:$0x3FFC];
	_ =	sdelay $0x3  }
0x94: {  	_ =	strace s3  }
0x95: {  	s3 =	sld [smem:$0x3FFD];
	_ =	sdelay $0x3  }
0x96: {  	_ =	strace s3  }
0x97: {  	_ =	strace $0x8FFFFFFF  }
0x98: {  	s19 =	sld [smem:$0x3FDB];
	_ =	sdelay $0x1  }
0x99: {  	s4 =	simm.s32 $_scs_section_size  }
0x9a: {  	s5 =	simm.s32 $_size__tile_overlayer_lowered;
	s6 =	simm.s32 $_tile_overlayer_lowered  }
0x9b: {  	s22 =	simm.s32 $0x1BFF;
	s21 =	sshll.u32 s6, $0x1;
	s3 =	sadd.s32 s4, s19  }
0x9c: {  	s7 =	simm.s32 $0x0;
	s20 =	sshll.u32 s5, $0x1;
	s5 =	sadd.s32 s21, s3  }
0x9d: {  	[timem:s7], [sflag:s22] =	dma.local [hbm:s5], s20  }
0x9e: {  	_ =	swait.ge [sflag:s22], s20  }
0x9f: {  	s4 =	ssub.s32 $0x0, s20;
	[sflag:s22] =	ssyncset.done $0x0  }
0xa0: {  	[sflag:s22] =	ssyncadd.s32 s4;
	_ =	sdelay $0x1  }
0xa1: {  	s23 =	simm.s32 $0x1B8B  }
0xa2: {  	_ =	swait.ge [sflag:s23], $0x1  }
0xa3: {  	[sflag:s23] =	ssyncset.done $0x0  }
0xa4: {  	s25 =	simm.s32 $0x1B8E;
	s24 =	sld [smem:$0x3FFE];
	[sflag:s23] =	ssyncadd.s32 $0xFFFFFFFF  }
0xa5: {  	s26 =	simm.s32 $execute0_lowered;
	[smem:$0x3FD2] =	sst s25  }
0xa6: {  	s5 =	sshll.u32 s26, $0x1;
	_ =	strace $0x8000004C;
	[dreg:$0x1] =	wrdreg $0xFFFFFFFF  }
0xa7: {  	s28 =	simm.s32 $_size_execute0_lowered;
	s3 =	sadd.s32 s3, s5;
	[dreg:$0x0] =	wrdreg $0x0  }
0xa8: {  	s5 =	sshll.u32 s28, $0x1;
	[dreg:$0x2] =	wrdreg s3  }
0xa9: {  	[dreg:$0x3] =	wrdreg s5  }
0xaa: {  	[dreg:$0x4] =	wrdreg $0xC0  }
0xab: {  	_ =	task [dreg:s7], $0x5FFFF  }
0xac: {  	[dreg:$0x1] =	wrdreg $0xFFFFFFFF  }
0xad: {  	[dreg:$0x0] =	wrdreg $0x60  }
0xae: {  	[dreg:$0x2] =	wrdreg s2  }
0xaf: {  	[dreg:$0x3] =	wrdreg s24  }
0xb0: {  	[dreg:$0x4] =	wrdreg $0x70000  }
0xb1: {  	[dreg:$0x5] =	wrdreg $0x9  }
0xb2: {  	_ =	task.clear_ibuf [dreg:s7], $0x6FFFF;
	_ =	strace $0x9000004C  }
0xb3: {  	s29 =	simm.s32 $0x9;
	_ =	strace $0x8000004E  }
0xb4: {  	_ =	swait.ge [sflag:s29], $0x1  }
0xb5: {  	[sflag:s29] =	ssyncadd.s32 $0xFFFFFFFF  }
0xb6: {  	_ =	strace $0x9000004E  }
0xb7: {  	_ =	sfence  }
0xb8: {  	s30 =	sld [smem:$0x0];
	_ =	sdelay $0x2  }
0xb9: {  	s31 =	sshll.u32 s1, $0xD;
	s1 =	sshrl.u32 s1, $0x2  }
0xba: {  	s3 =	sand.u32 $0x4000, s31;
	s1 =	sadd.s32 s1, s30  }
0xbb: {  	s0 =	sor.u32 s3, s0;
	s1 =	sshll.u32 s1, $0x11  }
0xbc: {  	s0 =	sor.u32 s1, s0  }
0xbd: {  	s0 =	sadd.s32 $0x8F2B, s0  }
0xbe: {  	[sflag:s0] =	ssyncadd.remote.s32 $0x1  }
0xbf: {  	_ =	sfence.sel $0xFFFF  }
0xc0: {  	[dreg:$0x0] =	wrdreg $0xFFFFFFFF;
	(pc) =	sbr.abs _section_cstart, $3  }
0xc1: {  	[dreg:$0x1] =	wrdreg $0xFFFFFFFF  }
0xc2: {  	_ =	task.clear_ibuf [dreg:s7], $0x2FFFF;
	_ =	strace $0x9FFFFFFF  }
0xc3: {  	(tm) =	ssettm $0x7FFFFFFF  }
tec
execute0_lowered:
.L_overlay_start_1:
0x0: {  	(tag) =	ssettag $0x1  }
0x1: {  	s0 =	rddreg [dreg:$0x0];
	s23 =	stileid.u32  }
0x2: {  	s2 =	rddreg [dreg:$0x1];
	s6 =	smul.u32 $0x50000, s23  }
0x3: {  	s1 =	srdreg.scid;
	s8 =	smul.u32 $0x50, s23  }
0x4: {  	s3 =	rddreg [dreg:$0x2];
	s1 =	sand.u32 $0x1, s1;
	s26 =	smul.u32 $0x500, s23  }
0x5: {  	s4 =	simm.s32 $0x0;
	s31 =	simm.s32 $0x4800;
	s5 =	smul.u32 $0x5000, s1  }
0x6: {  	s28 =	simm.s32 $0x700;
	s9 =	sor.u32 $0x10, s23;
	s7 =	smul.u32 $0x2710, s1  }
0x7: {  	s29 =	simm.s32 $0x380;
	s11 =	sor.u32 $0x20, s23;
	s10 =	smul.u32 $0x50, s9  }
0x8: {  	s30 =	simm.s32 $0x780;
	s13 =	sor.u32 $0x30, s23;
	s12 =	smul.u32 $0x50, s11  }
0x9: {  	[smem:$0x7FF] =	sst s4;
	s16 =	sor.u32 $0x40, s23;
	s15 =	smul.u32 $0x50, s13  }
0xa: {  	s17 =	sor.u32 $0x50, s23;
	s19 =	sor.u32 $0x60, s23;
	s25 =	smul.u32 $0x50, s16  }
0xb: {  	s21 =	sor.u32 $0x70, s23;
	s24 =	sadd.s32 $0x16800, s2;
	s18 =	smul.u32 $0x50, s17  }
0xc: {  	p0 =	sgt.u32 s23, $0xC;
	_ =	strace $0x8000004D;
	s20 =	smul.u32 $0x50, s19  }
0xd: {  	s1 =	ssub.s32 $0x2, s1;
	s22 =	smul.u32 $0x50, s21;
	[dreg:$0x5] =	wrdreg s24  }
0xe: {  	s14 =	sshrl.u32 s1, $0x1;
	s6 =	sshrl.u32 s6, $0x2;
	s5 =	sadd.s32 s5, s2  }
0xf: {  	s1 =	ssub.s32 s1, s14;
	s8 =	sadd.s32 s8, s7;
	s10 =	sadd.s32 s7, s10  }
0x10: {  	s12 =	sadd.s32 s7, s12;
	s15 =	sadd.s32 s7, s15;
	s14 =	sadd.s32 s7, s25  }
0x11: {  	s18 =	sadd.s32 s7, s18;
	s20 =	sadd.s32 s7, s20;
	s7 =	sadd.s32 s7, s22  }
0x12: {  	s2 =	sadd.s32 $0x16E00, s2;
	s24 =	sadd.s32 s6, s3;
	s6 =	smul.u32 $0xA000, s23  }
0x13: {  	s5 =	sadd.s32 s26, s5;
	s8 =	sshll.u32 s8, $0x4;
	s10 =	sshll.u32 s10, $0x4  }
0x14: {  	s22 =	sshll.u32 s12, $0x4;
	s25 =	sshll.u32 s15, $0x4;
	s26 =	sshll.u32 s14, $0x4  }
0x15: {  	s14 =	sshll.u32 s18, $0x4;
	s15 =	sshll.u32 s20, $0x4;
	s7 =	sshll.u32 s7, $0x4  }
0x16: {  	s20 =	smul.u32 $0xA000, s13;
	s1 =	smax.u32 s1, $0x1;
	[dreg:$0x6] =	wrdreg s24  }
0x17: {  	s13 =	smul.u32 $0xA000, s19;
	s19 =	sadd.s32 $0x5000, s24;
	[dreg:$0x18] =	wrdreg s1  }
0x18: {  	s23 =	sadd.s32 $0xF000, s24;
	s8 =	sadd.s32 s2, s8;
	[dreg:$0x19] =	wrdreg s19  }
0x19: {  	s12 =	sadd.s32 s2, s26;
	s18 =	sadd.s32 $0x2800, s5;
	[dreg:$0x1d] =	wrdreg s23  }
0x1a: {  	s6 =	sshrl.u32 s6, $0x2;
	s26 =	smul.u32 $0xA000, s16;
	[dreg:$0x7] =	wrdreg s8  }
0x1b: {  	s19 =	simm.s32 $0x180;
	s23 =	simm.s32 $0x280;
	[dreg:$0xb] =	wrdreg s12  }
0x1c: {  	s8 =	smul.u32 $0xA000, s9;
	s9 =	sadd.s32 s2, s10;
	[dreg:$0x4] =	wrdreg s18  }
0x1d: {  	s10 =	sadd.s32 s2, s22;
	s22 =	sadd.s32 $0x2800, s24;
	[dreg:$0x8] =	wrdreg s9  }
0x1e: {  	s16 =	sshrl.u32 s13, $0x2;
	s13 =	simm.s32 $0x2;
	[dreg:$0x9] =	wrdreg s10  }
0x1f: {  	s9 =	smul.u32 $0xA000, s11;
	s10 =	sadd.s32 s2, s25;
	[dreg:$0xf] =	wrdreg s22  }
0x20: {  	s25 =	sadd.s32 s6, s3;
	s11 =	smul.u32 $0xA000, s17;
	[dreg:$0xa] =	wrdreg s10  }
0x21: {  	s22 =	sadd.s32 $0xC800, s24;
	s10 =	sadd.s32 s2, s14;
	[dreg:$0x10] =	wrdreg s25  }
0x22: {  	s8 =	sshrl.u32 s8, $0x2;
	s14 =	smul.u32 $0xA000, s21;
	s25 =	sadd.s32 $0xC800, s5  }
0x23: {  	s21 =	sadd.s32 $0xA000, s24;
	[dreg:$0x1c] =	wrdreg s22;
	s5 =	simm.s32 $0x5  }
0x24: {  	s22 =	simm.s32 $0x600;
	[dreg:$0xc] =	wrdreg s10;
	s10 =	sadd.s32 s2, s15  }
0x25: {  	s2 =	sadd.s32 s2, s7;
	s6 =	sadd.s32 s8, s3;
	[dreg:$0x1b] =	wrdreg s21  }
0x26: {  	s7 =	sshrl.u32 s20, $0x2;
	s15 =	sshrl.u32 s11, $0x2;
	[dreg:$0xd] =	wrdreg s10  }
0x27: {  	s20 =	sadd.s32 $0x7800, s24;
	s8 =	simm.s32 $0x7D;
	[dreg:$0xe] =	wrdreg s2  }
0x28: {  	s21 =	simm.s32 $0x200;
	s10 =	sshrl.u32 s9, $0x2;
	[dreg:$0x11] =	wrdreg s6  }
0x29: {  	s2 =	sshrl.u32 s26, $0x2;
	s7 =	sadd.s32 s7, s3;
	s17 =	sshrl.u32 s14, $0x2  }
0x2a: {  	[dreg:$0x1a] =	wrdreg s20;
	s26 =	sadd.s32 $0x11800, s24;
	s9 =	simm.s32 $0x800  }
0x2b: {  	s14 =	simm.s32 $0x480;
	s20 =	simm.s32 $0x580;
	s24 =	simm.s32 $0x680  }
0x2c: {  	s6 =	simm.s32 $0x0;
	s12 =	sadd.s32 s10, s3;
	[dreg:$0x13] =	wrdreg s7  }
0x2d: {  	s2 =	sadd.s32 s2, s3;
	s18 =	sadd.s32 s17, s3;
	[dreg:$0x1e] =	wrdreg s26  }
0x2e: {  	s7 =	simm.s32 $0x400;
	s10 =	simm.s32 $0x1;
	[dreg:$0x12] =	wrdreg s12  }
0x2f: {  	s17 =	simm.s32 $0x500;
	s26 =	simm.s32 $0x300;
	[dreg:$0x14] =	wrdreg s2  }
0x30: {  	s2 =	sadd.s32 s15, s3;
	[dreg:$0x17] =	wrdreg s18;
	s12 =	simm.s32 $0x1B000  }
0x31: {  	s15 =	simm.s32 $0x3;
	[dreg:$0x15] =	wrdreg s2;
	s2 =	sadd.s32 s16, s3  }
0x32: {  	s18 =	simm.s32 $0x4;
	s16 =	simm.s32 $0x100;
	[dreg:$0x16] =	wrdreg s2  }
.LBB2_1:
0x33: {  	[dreg:$0x1f] =	wrdreg s6  }
0x34: {  	s1 =	rddreg [dreg:$0x5]  }
0x35: {  	[tilespmem:s31], [sflag:$0x5] =	stream.linear.gather [hbm4b:s1+s4], $0x2800, $0x38;
	[tilespmem:$0x1F000] =	vst v63  }
0x36: {  	_ =	swait.ge [sflag:s5], $0x2800  }
0x37: {  	[sflag:s5] =	ssyncset.done $0x0  }
0x38: {  	s11 =	rddreg [dreg:$0x6];
	[sflag:s5] =	ssyncadd.s32 $0xFFFFD800  }
0x39: {  	[spmem:s11] =	stream.linear.scatter [tilespmem:s31], [sflag:$0x5], $0x2800, $0x38;
	[tilespmem:$0x1F000] =	vst v63  }
0x3a: {  	_ =	swait.ge [sflag:s5], $0x2800  }
0x3b: {  	[sflag:s5] =	ssyncset.done $0x0  }
0x3c: {  	s2 =	rddreg [dreg:$0xf];
	[sflag:s5] =	ssyncadd.s32 $0xFFFFD800  }
0x3d: {  	[spmem:s2] =	stream.linear.scatter [tilespmem:s31], [sflag:$0x5], $0x2800, $0x38;
	[tilespmem:$0x1F000] =	vst v63  }
0x3e: {  	_ =	swait.ge [sflag:s5], $0x2800  }
0x3f: {  	[sflag:s5] =	ssyncset.done $0x0  }
0x40: {  	s6 =	rddreg [dreg:$0x19];
	[sflag:s5] =	ssyncadd.s32 $0xFFFFD800  }
0x41: {  	[spmem:s6] =	stream.linear.scatter [tilespmem:s31], [sflag:$0x5], $0x2800, $0x38;
	[tilespmem:$0x1F000] =	vst v63  }
0x42: {  	_ =	swait.ge [sflag:s5], $0x2800  }
0x43: {  	[sflag:s5] =	ssyncset.done $0x0  }
0x44: {  	s11 =	rddreg [dreg:$0x1a];
	[sflag:s5] =	ssyncadd.s32 $0xFFFFD800  }
0x45: {  	[spmem:s11] =	stream.linear.scatter [tilespmem:s31], [sflag:$0x5], $0x2800, $0x38;
	[tilespmem:$0x1F000] =	vst v63  }
0x46: {  	_ =	swait.ge [sflag:s5], $0x2800  }
0x47: {  	[sflag:s5] =	ssyncset.done $0x0  }
0x48: {  	s2 =	rddreg [dreg:$0x1b];
	[sflag:s5] =	ssyncadd.s32 $0xFFFFD800  }
0x49: {  	[spmem:s2] =	stream.linear.scatter [tilespmem:s31], [sflag:$0x5], $0x2800, $0x38;
	[tilespmem:$0x1F000] =	vst v63  }
0x4a: {  	_ =	swait.ge [sflag:s5], $0x2800  }
0x4b: {  	[sflag:s5] =	ssyncset.done $0x0  }
0x4c: {  	s6 =	rddreg [dreg:$0x1c];
	[sflag:s5] =	ssyncadd.s32 $0xFFFFD800  }
0x4d: {  	[spmem:s6] =	stream.linear.scatter [tilespmem:s31], [sflag:$0x5], $0x2800, $0x38;
	[tilespmem:$0x1F000] =	vst v63  }
0x4e: {  	_ =	swait.ge [sflag:s5], $0x2800  }
0x4f: {  	[sflag:s5] =	ssyncset.done $0x0  }
0x50: {  	s11 =	rddreg [dreg:$0x1d];
	[sflag:s5] =	ssyncadd.s32 $0xFFFFD800  }
0x51: {  	[spmem:s11] =	stream.linear.scatter [tilespmem:s31], [sflag:$0x5], $0x2800, $0x38;
	[tilespmem:$0x1F000] =	vst v63  }
0x52: {  	_ =	swait.ge [sflag:s5], $0x2800  }
0x53: {  	[sflag:s5] =	ssyncset.done $0x0  }
0x54: {  	s2 =	rddreg [dreg:$0x1e];
	[sflag:s5] =	ssyncadd.s32 $0xFFFFD800  }
0x55: {  	[spmem:s2] =	stream.linear.scatter [tilespmem:s31], [sflag:$0x5], $0x2800, $0x38;
	[tilespmem:$0x1F000] =	vst v63  }
0x56: {  	_ =	swait.ge [sflag:s5], $0x2800  }
0x57: {  	[sflag:s5] =	ssyncset.done $0x0  }
0x58: {  	[sflag:s5] =	ssyncadd.s32 $0xFFFFD800  }
0x59: {  	s6 =	sadd.s32 $0x0, s25;
	[bflag:$0x0] =	sbarrier.arrive $0xFFFF  }
0x5a: {  	[tilespmem:s4], [sflag:$0x5] =	stream.linear.gather [hbm4b:s6+s4], $0x400, $0x38;
	[tilespmem:$0x1F000] =	vst v63  }
0x5b: {  	_ =	swait.ge [sflag:s5], $0x400  }
0x5c: {  	s11 =	rddreg [dreg:$0x4];
	[sflag:s5] =	ssyncset.done $0x0  }
0x5d: {  	[sflag:s5] =	ssyncadd.s32 $0xFFFFFC00;
	s1 =	sadd.s32 $0x0, s11  }
0x5e: {  	[tilespmem:s7], [sflag:$0x5] =	stream.linear.gather [hbm4b:s1+s4], $0x400, $0x38;
	[tilespmem:$0x1F000] =	vst v63  }
0x5f: {  	_ =	swait.ge [sflag:s5], $0x400  }
0x60: {  	[sflag:s5] =	ssyncset.done $0x0  }
0x61: {  	[sflag:s5] =	ssyncadd.s32 $0xFFFFFC00  }
0x62: {  	[tilespmem:s9], [sflag:$0x1] =	stream.indirect.gather [hbm4b:s0+s8], $0x80, s4, s8, $0xb8;
	[tilespmem:$0x1F000] =	vst v63  }
0x63: {  	_ =	swait.ge [sflag:s10], $0x3E80  }
0x64: {  	[sflag:s10] =	ssyncset.done $0x0  }
0x65: {  	[sflag:s10] =	ssyncadd.s32 $0xFFFFC180  }
0x66: {  	[spmem:s3] =	stream.indirect.scatter.add.f32 [tilespmem:s9], [sflag:$0x3], $0x80, s7, s8, $0xb8;
	[tilespmem:$0x1F000] =	vst v63  }
0x67: {  	s31 =	simm.s32 $0x80  }
0x68: {  	[tilespmem:s12], [sflag:$0x2] =	stream.indirect.gather [hbm4b:s0+s8], $0x80, s31, s8, $0xb8;
	[tilespmem:$0x1F000] =	vst v63  }
0x69: {  	_ =	swait.ge [sflag:s13], $0x3E80  }
0x6a: {  	[sflag:s13] =	ssyncset.done $0x0  }
0x6b: {  	[sflag:s13] =	ssyncadd.s32 $0xFFFFC180  }
0x6c: {  	[spmem:s3] =	stream.indirect.scatter.add.f32 [tilespmem:s12], [sflag:$0x4], $0x80, s14, s8, $0xb8;
	[tilespmem:$0x1F000] =	vst v63  }
0x6d: {  	_ =	swait.ge [sflag:s15], $0x3E80  }
0x6e: {  	[sflag:s15] =	ssyncset.done $0x0  }
0x6f: {  	[sflag:s15] =	ssyncadd.s32 $0xFFFFC180  }
0x70: {  	[tilespmem:s9], [sflag:$0x1] =	stream.indirect.gather [hbm4b:s0+s8], $0x80, s16, s8, $0xb8;
	[tilespmem:$0x1F000] =	vst v63  }
0x71: {  	_ =	swait.ge [sflag:s10], $0x3E80  }
0x72: {  	[sflag:s10] =	ssyncset.done $0x0  }
0x73: {  	[sflag:s10] =	ssyncadd.s32 $0xFFFFC180  }
0x74: {  	[spmem:s3] =	stream.indirect.scatter.add.f32 [tilespmem:s9], [sflag:$0x3], $0x80, s17, s8, $0xb8;
	[tilespmem:$0x1F000] =	vst v63  }
0x75: {  	_ =	swait.ge [sflag:s18], $0x3E80  }
0x76: {  	[sflag:s18] =	ssyncset.done $0x0  }
0x77: {  	[sflag:s18] =	ssyncadd.s32 $0xFFFFC180  }
0x78: {  	[tilespmem:s12], [sflag:$0x2] =	stream.indirect.gather [hbm4b:s0+s8], $0x80, s19, s8, $0xb8;
	[tilespmem:$0x1F000] =	vst v63  }
0x79: {  	_ =	swait.ge [sflag:s13], $0x3E80  }
0x7a: {  	[sflag:s13] =	ssyncset.done $0x0  }
0x7b: {  	[sflag:s13] =	ssyncadd.s32 $0xFFFFC180  }
0x7c: {  	[spmem:s3] =	stream.indirect.scatter.add.f32 [tilespmem:s12], [sflag:$0x4], $0x80, s20, s8, $0xb8;
	[tilespmem:$0x1F000] =	vst v63  }
0x7d: {  	_ =	swait.ge [sflag:s15], $0x3E80  }
0x7e: {  	[sflag:s15] =	ssyncset.done $0x0  }
0x7f: {  	[sflag:s15] =	ssyncadd.s32 $0xFFFFC180  }
0x80: {  	[tilespmem:s9], [sflag:$0x1] =	stream.indirect.gather [hbm4b:s0+s8], $0x80, s21, s8, $0xb8;
	[tilespmem:$0x1F000] =	vst v63  }
0x81: {  	_ =	swait.ge [sflag:s10], $0x3E80  }
0x82: {  	[sflag:s10] =	ssyncset.done $0x0  }
0x83: {  	[sflag:s10] =	ssyncadd.s32 $0xFFFFC180  }
0x84: {  	[spmem:s3] =	stream.indirect.scatter.add.f32 [tilespmem:s9], [sflag:$0x3], $0x80, s22, s8, $0xb8;
	[tilespmem:$0x1F000] =	vst v63  }
0x85: {  	_ =	swait.ge [sflag:s18], $0x3E80  }
0x86: {  	[sflag:s18] =	ssyncset.done $0x0  }
0x87: {  	[sflag:s18] =	ssyncadd.s32 $0xFFFFC180  }
0x88: {  	[tilespmem:s12], [sflag:$0x2] =	stream.indirect.gather [hbm4b:s0+s8], $0x80, s23, s8, $0xb8;
	[tilespmem:$0x1F000] =	vst v63  }
0x89: {  	_ =	swait.ge [sflag:s13], $0x3E80  }
0x8a: {  	[sflag:s13] =	ssyncset.done $0x0  }
0x8b: {  	[sflag:s13] =	ssyncadd.s32 $0xFFFFC180  }
0x8c: {  	[spmem:s3] =	stream.indirect.scatter.add.f32 [tilespmem:s12], [sflag:$0x4], $0x80, s24, s8, $0xb8;
	[tilespmem:$0x1F000] =	vst v63  }
0x8d: {  	_ =	swait.ge [sflag:s15], $0x3E80  }
0x8e: {  	[sflag:s15] =	ssyncset.done $0x0  }
0x8f: {  	[sflag:s15] =	ssyncadd.s32 $0xFFFFC180  }
0x90: {  	[tilespmem:s9], [sflag:$0x1] =	stream.indirect.gather [hbm4b:s0+s8], $0x80, s26, s8, $0xb8;
	[tilespmem:$0x1F000] =	vst v63  }
0x91: {  	_ =	swait.ge [sflag:s10], $0x3E80  }
0x92: {  	[sflag:s10] =	ssyncset.done $0x0  }
0x93: {  	[sflag:s10] =	ssyncadd.s32 $0xFFFFC180  }
0x94: {  	[spmem:s3] =	stream.indirect.scatter.add.f32 [tilespmem:s9], [sflag:$0x3], $0x80, s28, s8, $0xb8;
	[tilespmem:$0x1F000] =	vst v63  }
0x95: {  	_ =	swait.ge [sflag:s18], $0x3E80  }
0x96: {  	[sflag:s18] =	ssyncset.done $0x0  }
0x97: {  	[sflag:s18] =	ssyncadd.s32 $0xFFFFC180  }
0x98: {  	[tilespmem:s12], [sflag:$0x2] =	stream.indirect.gather [hbm4b:s0+s8], $0x80, s29, s8, $0xb8;
	[tilespmem:$0x1F000] =	vst v63  }
0x99: {  	_ =	swait.ge [sflag:s13], $0x3E80  }
0x9a: {  	[sflag:s13] =	ssyncset.done $0x0  }
0x9b: {  	[sflag:s13] =	ssyncadd.s32 $0xFFFFC180  }
0x9c: {  	[spmem:s3] =	stream.indirect.scatter.add.f32 [tilespmem:s12], [sflag:$0x4], $0x80, s30, s8, $0xb8;
	[tilespmem:$0x1F000] =	vst v63  }
0x9d: {  	_ =	swait.ge [sflag:s15], $0x3E80  }
0x9e: {  	[sflag:s15] =	ssyncset.done $0x0  }
0x9f: {  	[sflag:s15] =	ssyncadd.s32 $0xFFFFC180  }
0xa0: {  	_ =	swait.ge [sflag:s18], $0x3E80  }
0xa1: {  	s6 =	simm.s32 $0x100;
	s1 =	simm.s32 $0x80;
	[sflag:s18] =	ssyncset.done $0x0  }
.LBB2_2:
0xa2: {  	s2 =	sadd.s32 s1, s25;
	[sflag:s18] =	ssyncadd.s32 $0xFFFFC180  }
0xa3: {  	[tilespmem:s4], [sflag:$0x5] =	stream.linear.gather [hbm4b:s2+s4], $0x400, $0x38;
	[tilespmem:$0x1F000] =	vst v63  }
0xa4: {  	s11 =	smov.u32 s6;
	s31 =	sadd.s32 $0x80, s6;
	_ =	swait.ge [sflag:s5], $0x400  }
0xa5: {  	p1 =	sne.s32 s6, $0x480;
	s6 =	rddreg [dreg:$0x4];
	[sflag:s5] =	ssyncset.done $0x0  }
0xa6: {  	[sflag:s5] =	ssyncadd.s32 $0xFFFFFC00;
	s2 =	sadd.s32 s1, s6  }
0xa7: {  	[tilespmem:s7], [sflag:$0x5] =	stream.linear.gather [hbm4b:s2+s4], $0x400, $0x38;
	[tilespmem:$0x1F000] =	vst v63  }
0xa8: {  	_ =	swait.ge [sflag:s5], $0x400  }
0xa9: {  	[sflag:s5] =	ssyncset.done $0x0  }
0xaa: {  	[sflag:s5] =	ssyncadd.s32 $0xFFFFFC00  }
0xab: {  	[tilespmem:s9], [sflag:$0x1] =	stream.indirect.gather [hbm4b:s0+s8], $0x80, s4, s8, $0xb8;
	[tilespmem:$0x1F000] =	vst v63  }
0xac: {  	_ =	swait.ge [sflag:s10], $0x3E80  }
0xad: {  	[sflag:s10] =	ssyncset.done $0x0  }
0xae: {  	[sflag:s10] =	ssyncadd.s32 $0xFFFFC180  }
0xaf: {  	[spmem:s3] =	stream.indirect.scatter.add.f32 [tilespmem:s9], [sflag:$0x3], $0x80, s7, s8, $0xb8;
	[tilespmem:$0x1F000] =	vst v63  }
0xb0: {  	s1 =	smov.u32 s11;
	s11 =	simm.s32 $0x80  }
0xb1: {  	[tilespmem:s12], [sflag:$0x2] =	stream.indirect.gather [hbm4b:s0+s8], $0x80, s11, s8, $0xb8;
	[tilespmem:$0x1F000] =	vst v63  }
0xb2: {  	_ =	swait.ge [sflag:s13], $0x3E80  }
0xb3: {  	[sflag:s13] =	ssyncset.done $0x0  }
0xb4: {  	[sflag:s13] =	ssyncadd.s32 $0xFFFFC180  }
0xb5: {  	[spmem:s3] =	stream.indirect.scatter.add.f32 [tilespmem:s12], [sflag:$0x4], $0x80, s14, s8, $0xb8;
	[tilespmem:$0x1F000] =	vst v63  }
0xb6: {  	_ =	swait.ge [sflag:s15], $0x3E80  }
0xb7: {  	[sflag:s15] =	ssyncset.done $0x0  }
0xb8: {  	[sflag:s15] =	ssyncadd.s32 $0xFFFFC180  }
0xb9: {  	[tilespmem:s9], [sflag:$0x1] =	stream.indirect.gather [hbm4b:s0+s8], $0x80, s16, s8, $0xb8;
	[tilespmem:$0x1F000] =	vst v63  }
0xba: {  	_ =	swait.ge [sflag:s10], $0x3E80  }
0xbb: {  	[sflag:s10] =	ssyncset.done $0x0  }
0xbc: {  	[sflag:s10] =	ssyncadd.s32 $0xFFFFC180  }
0xbd: {  	[spmem:s3] =	stream.indirect.scatter.add.f32 [tilespmem:s9], [sflag:$0x3], $0x80, s17, s8, $0xb8;
	[tilespmem:$0x1F000] =	vst v63  }
0xbe: {  	_ =	swait.ge [sflag:s18], $0x3E80  }
0xbf: {  	[sflag:s18] =	ssyncset.done $0x0  }
0xc0: {  	[sflag:s18] =	ssyncadd.s32 $0xFFFFC180  }
0xc1: {  	[tilespmem:s12], [sflag:$0x2] =	stream.indirect.gather [hbm4b:s0+s8], $0x80, s19, s8, $0xb8;
	[tilespmem:$0x1F000] =	vst v63  }
0xc2: {  	_ =	swait.ge [sflag:s13], $0x3E80  }
0xc3: {  	[sflag:s13] =	ssyncset.done $0x0  }
0xc4: {  	[sflag:s13] =	ssyncadd.s32 $0xFFFFC180  }
0xc5: {  	[spmem:s3] =	stream.indirect.scatter.add.f32 [tilespmem:s12], [sflag:$0x4], $0x80, s20, s8, $0xb8;
	[tilespmem:$0x1F000] =	vst v63  }
0xc6: {  	_ =	swait.ge [sflag:s15], $0x3E80  }
0xc7: {  	[sflag:s15] =	ssyncset.done $0x0  }
0xc8: {  	[sflag:s15] =	ssyncadd.s32 $0xFFFFC180  }
0xc9: {  	[tilespmem:s9], [sflag:$0x1] =	stream.indirect.gather [hbm4b:s0+s8], $0x80, s21, s8, $0xb8;
	[tilespmem:$0x1F000] =	vst v63  }
0xca: {  	_ =	swait.ge [sflag:s10], $0x3E80  }
0xcb: {  	[sflag:s10] =	ssyncset.done $0x0  }
0xcc: {  	[sflag:s10] =	ssyncadd.s32 $0xFFFFC180  }
0xcd: {  	[spmem:s3] =	stream.indirect.scatter.add.f32 [tilespmem:s9], [sflag:$0x3], $0x80, s22, s8, $0xb8;
	[tilespmem:$0x1F000] =	vst v63  }
0xce: {  	_ =	swait.ge [sflag:s18], $0x3E80  }
0xcf: {  	[sflag:s18] =	ssyncset.done $0x0  }
0xd0: {  	[sflag:s18] =	ssyncadd.s32 $0xFFFFC180  }
0xd1: {  	[tilespmem:s12], [sflag:$0x2] =	stream.indirect.gather [hbm4b:s0+s8], $0x80, s23, s8, $0xb8;
	[tilespmem:$0x1F000] =	vst v63  }
0xd2: {  	_ =	swait.ge [sflag:s13], $0x3E80  }
0xd3: {  	[sflag:s13] =	ssyncset.done $0x0  }
0xd4: {  	[sflag:s13] =	ssyncadd.s32 $0xFFFFC180  }
0xd5: {  	[spmem:s3] =	stream.indirect.scatter.add.f32 [tilespmem:s12], [sflag:$0x4], $0x80, s24, s8, $0xb8;
	[tilespmem:$0x1F000] =	vst v63  }
0xd6: {  	_ =	swait.ge [sflag:s15], $0x3E80  }
0xd7: {  	[sflag:s15] =	ssyncset.done $0x0  }
0xd8: {  	[sflag:s15] =	ssyncadd.s32 $0xFFFFC180  }
0xd9: {  	[tilespmem:s9], [sflag:$0x1] =	stream.indirect.gather [hbm4b:s0+s8], $0x80, s26, s8, $0xb8;
	[tilespmem:$0x1F000] =	vst v63  }
0xda: {  	_ =	swait.ge [sflag:s10], $0x3E80  }
0xdb: {  	[sflag:s10] =	ssyncset.done $0x0  }
0xdc: {  	[sflag:s10] =	ssyncadd.s32 $0xFFFFC180  }
0xdd: {  	[spmem:s3] =	stream.indirect.scatter.add.f32 [tilespmem:s9], [sflag:$0x3], $0x80, s28, s8, $0xb8;
	[tilespmem:$0x1F000] =	vst v63  }
0xde: {  	_ =	swait.ge [sflag:s18], $0x3E80  }
0xdf: {  	[sflag:s18] =	ssyncset.done $0x0  }
0xe0: {  	[sflag:s18] =	ssyncadd.s32 $0xFFFFC180  }
0xe1: {  	[tilespmem:s12], [sflag:$0x2] =	stream.indirect.gather [hbm4b:s0+s8], $0x80, s29, s8, $0xb8;
	[tilespmem:$0x1F000] =	vst v63  }
0xe2: {  	_ =	swait.ge [sflag:s13], $0x3E80  }
0xe3: {  	[sflag:s13] =	ssyncset.done $0x0  }
0xe4: {  	[sflag:s13] =	ssyncadd.s32 $0xFFFFC180  }
0xe5: {  	[spmem:s3] =	stream.indirect.scatter.add.f32 [tilespmem:s12], [sflag:$0x4], $0x80, s30, s8, $0xb8;
	[tilespmem:$0x1F000] =	vst v63  }
.Ltmp0:
0xe6: {  	_ =	swait.ge [sflag:s15], $0x3E80;
	(pc) =	sbr.rel @p1 .LBB2_2-.Ltmp0, $4  }
0xe7: {  	[sflag:s15] =	ssyncset.done $0x0  }
0xe8: {  	[sflag:s15] =	ssyncadd.s32 $0xFFFFC180  }
0xe9: {  	_ =	swait.ge [sflag:s18], $0x3E80  }
0xea: {  	s6 =	smov.u32 s31;
	[sflag:s18] =	ssyncset.done $0x0  }
0xeb: {  	s2 =	sadd.s32 s1, s25;
	[sflag:s18] =	ssyncadd.s32 $0xFFFFC180  }
0xec: {  	[tilespmem:s4], [sflag:$0x5] =	stream.linear.gather [hbm4b:s2+s4], $0x400, $0x38;
	[tilespmem:$0x1F000] =	vst v63  }
0xed: {  	_ =	swait.ge [sflag:s5], $0x400  }
0xee: {  	s6 =	rddreg [dreg:$0x4];
	[sflag:s5] =	ssyncset.done $0x0  }
0xef: {  	[sflag:s5] =	ssyncadd.s32 $0xFFFFFC00;
	s11 =	sadd.s32 s1, s6  }
0xf0: {  	[tilespmem:s7], [sflag:$0x5] =	stream.linear.gather [hbm4b:s11+s4], $0x400, $0x38;
	[tilespmem:$0x1F000] =	vst v63  }
0xf1: {  	_ =	swait.ge [sflag:s5], $0x400  }
0xf2: {  	[sflag:s5] =	ssyncset.done $0x0  }
0xf3: {  	[sflag:s5] =	ssyncadd.s32 $0xFFFFFC00  }
0xf4: {  	[tilespmem:s9], [sflag:$0x1] =	stream.indirect.gather [hbm4b:s0+s8], $0x80, s4, s8, $0xb8;
	[tilespmem:$0x1F000] =	vst v63  }
0xf5: {  	_ =	swait.ge [sflag:s10], $0x3E80  }
0xf6: {  	[sflag:s10] =	ssyncset.done $0x0  }
0xf7: {  	[sflag:s10] =	ssyncadd.s32 $0xFFFFC180  }
0xf8: {  	[spmem:s3] =	stream.indirect.scatter.add.f32 [tilespmem:s9], [sflag:$0x3], $0x80, s7, s8, $0xb8;
	[tilespmem:$0x1F000] =	vst v63  }
0xf9: {  	s2 =	simm.s32 $0x80  }
0xfa: {  	[tilespmem:s12], [sflag:$0x2] =	stream.indirect.gather [hbm4b:s0+s8], $0x80, s2, s8, $0xb8;
	[tilespmem:$0x1F000] =	vst v63  }
0xfb: {  	_ =	swait.ge [sflag:s13], $0x3E80  }
0xfc: {  	[sflag:s13] =	ssyncset.done $0x0  }
0xfd: {  	[sflag:s13] =	ssyncadd.s32 $0xFFFFC180  }
0xfe: {  	[spmem:s3] =	stream.indirect.scatter.add.f32 [tilespmem:s12], [sflag:$0x4], $0x80, s14, s8, $0xb8;
	[tilespmem:$0x1F000] =	vst v63  }
0xff: {  	_ =	swait.ge [sflag:s15], $0x3E80  }
0x100: {  	[sflag:s15] =	ssyncset.done $0x0  }
0x101: {  	[sflag:s15] =	ssyncadd.s32 $0xFFFFC180  }
0x102: {  	[tilespmem:s9], [sflag:$0x1] =	stream.indirect.gather [hbm4b:s0+s8], $0x80, s16, s8, $0xb8;
	[tilespmem:$0x1F000] =	vst v63  }
0x103: {  	_ =	swait.ge [sflag:s10], $0x3E80  }
0x104: {  	[sflag:s10] =	ssyncset.done $0x0  }
0x105: {  	[sflag:s10] =	ssyncadd.s32 $0xFFFFC180  }
0x106: {  	[spmem:s3] =	stream.indirect.scatter.add.f32 [tilespmem:s9], [sflag:$0x3], $0x80, s17, s8, $0xb8;
	[tilespmem:$0x1F000] =	vst v63  }
0x107: {  	_ =	swait.ge [sflag:s18], $0x3E80  }
0x108: {  	[sflag:s18] =	ssyncset.done $0x0  }
0x109: {  	[sflag:s18] =	ssyncadd.s32 $0xFFFFC180  }
0x10a: {  	[tilespmem:s12], [sflag:$0x2] =	stream.indirect.gather [hbm4b:s0+s8], $0x80, s19, s8, $0xb8;
	[tilespmem:$0x1F000] =	vst v63  }
0x10b: {  	_ =	swait.ge [sflag:s13], $0x3E80  }
0x10c: {  	[sflag:s13] =	ssyncset.done $0x0  }
0x10d: {  	[sflag:s13] =	ssyncadd.s32 $0xFFFFC180  }
0x10e: {  	[spmem:s3] =	stream.indirect.scatter.add.f32 [tilespmem:s12], [sflag:$0x4], $0x80, s20, s8, $0xb8;
	[tilespmem:$0x1F000] =	vst v63  }
0x10f: {  	_ =	swait.ge [sflag:s15], $0x3E80  }
0x110: {  	[sflag:s15] =	ssyncset.done $0x0  }
0x111: {  	[sflag:s15] =	ssyncadd.s32 $0xFFFFC180  }
0x112: {  	[tilespmem:s9], [sflag:$0x1] =	stream.indirect.gather [hbm4b:s0+s8], $0x80, s21, s8, $0xb8;
	[tilespmem:$0x1F000] =	vst v63  }
0x113: {  	_ =	swait.ge [sflag:s10], $0x3E80  }
0x114: {  	[sflag:s10] =	ssyncset.done $0x0  }
0x115: {  	[sflag:s10] =	ssyncadd.s32 $0xFFFFC180  }
0x116: {  	[spmem:s3] =	stream.indirect.scatter.add.f32 [tilespmem:s9], [sflag:$0x3], $0x80, s22, s8, $0xb8;
	[tilespmem:$0x1F000] =	vst v63  }
0x117: {  	_ =	swait.ge [sflag:s18], $0x3E80  }
0x118: {  	[sflag:s18] =	ssyncset.done $0x0  }
0x119: {  	[sflag:s18] =	ssyncadd.s32 $0xFFFFC180  }
0x11a: {  	[tilespmem:s12], [sflag:$0x2] =	stream.indirect.gather [hbm4b:s0+s8], $0x80, s23, s8, $0xb8;
	[tilespmem:$0x1F000] =	vst v63  }
0x11b: {  	_ =	swait.ge [sflag:s13], $0x3E80  }
0x11c: {  	[sflag:s13] =	ssyncset.done $0x0  }
0x11d: {  	[sflag:s13] =	ssyncadd.s32 $0xFFFFC180  }
0x11e: {  	[spmem:s3] =	stream.indirect.scatter.add.f32 [tilespmem:s12], [sflag:$0x4], $0x80, s24, s8, $0xb8;
	[tilespmem:$0x1F000] =	vst v63  }
0x11f: {  	_ =	swait.ge [sflag:s15], $0x3E80  }
0x120: {  	[sflag:s15] =	ssyncset.done $0x0  }
0x121: {  	[sflag:s15] =	ssyncadd.s32 $0xFFFFC180  }
0x122: {  	[tilespmem:s9], [sflag:$0x1] =	stream.indirect.gather [hbm4b:s0+s8], $0x80, s26, s8, $0xb8;
	[tilespmem:$0x1F000] =	vst v63  }
0x123: {  	_ =	swait.ge [sflag:s10], $0x3E80  }
0x124: {  	[sflag:s10] =	ssyncset.done $0x0  }
0x125: {  	[sflag:s10] =	ssyncadd.s32 $0xFFFFC180  }
0x126: {  	[spmem:s3] =	stream.indirect.scatter.add.f32 [tilespmem:s9], [sflag:$0x3], $0x80, s28, s8, $0xb8;
	[tilespmem:$0x1F000] =	vst v63  }
0x127: {  	_ =	swait.ge [sflag:s18], $0x3E80  }
0x128: {  	[sflag:s18] =	ssyncset.done $0x0  }
0x129: {  	[sflag:s18] =	ssyncadd.s32 $0xFFFFC180  }
0x12a: {  	[tilespmem:s12], [sflag:$0x2] =	stream.indirect.gather [hbm4b:s0+s8], $0x80, s29, s8, $0xb8;
	[tilespmem:$0x1F000] =	vst v63  }
0x12b: {  	_ =	swait.ge [sflag:s13], $0x3E80  }
0x12c: {  	[sflag:s13] =	ssyncset.done $0x0  }
0x12d: {  	[sflag:s13] =	ssyncadd.s32 $0xFFFFC180  }
0x12e: {  	[spmem:s3] =	stream.indirect.scatter.add.f32 [tilespmem:s12], [sflag:$0x4], $0x80, s30, s8, $0xb8;
	[tilespmem:$0x1F000] =	vst v63  }
0x12f: {  	_ =	swait.ge [sflag:s15], $0x3E80  }
0x130: {  	[sflag:s15] =	ssyncset.done $0x0  }
0x131: {  	[sflag:s15] =	ssyncadd.s32 $0xFFFFC180  }
0x132: {  	_ =	swait.ge [sflag:s18], $0x3E80  }
0x133: {  	[sflag:s18] =	ssyncset.done $0x0  }
0x134: {  	[sflag:s18] =	ssyncadd.s32 $0xFFFFC180  }
0x135: {  	[bflag:$0x0] =	sbarrier.arrive $0xFFFF  }
0x136: {  	s31 =	simm.s32 $0x4800;
	s6 =	rddreg [dreg:$0x10]  }
0x137: {  	[tilespmem:s31], [sflag:$0x5] =	stream.linear.gather [spmem:s6], $0x2800, $0x38;
	[tilespmem:$0x1F000] =	vst v63  }
0x138: {  	_ =	swait.ge [sflag:s5], $0x2800  }
0x139: {  	[sflag:s5] =	ssyncset.done $0x0  }
0x13a: {  	s11 =	rddreg [dreg:$0x7];
	[sflag:s5] =	ssyncadd.s32 $0xFFFFD800  }
0x13b: {  	[hbm4b:s11+s4] =	stream.linear.scatter [tilespmem:s31], [sflag:$0x5], $0x2800, $0x38;
	[tilespmem:$0x1F000] =	vst v63  }
0x13c: {  	_ =	swait.ge [sflag:s5], $0x2800  }
0x13d: {  	[sflag:s5] =	ssyncset.done $0x0  }
0x13e: {  	s2 =	rddreg [dreg:$0x11];
	[sflag:s5] =	ssyncadd.s32 $0xFFFFD800  }
0x13f: {  	[tilespmem:s31], [sflag:$0x5] =	stream.linear.gather [spmem:s2], $0x2800, $0x38;
	[tilespmem:$0x1F000] =	vst v63  }
0x140: {  	_ =	swait.ge [sflag:s5], $0x2800  }
0x141: {  	[sflag:s5] =	ssyncset.done $0x0  }
0x142: {  	s6 =	rddreg [dreg:$0x8];
	[sflag:s5] =	ssyncadd.s32 $0xFFFFD800  }
0x143: {  	[hbm4b:s6+s4] =	stream.linear.scatter [tilespmem:s31], [sflag:$0x5], $0x2800, $0x38;
	[tilespmem:$0x1F000] =	vst v63  }
0x144: {  	_ =	swait.ge [sflag:s5], $0x2800  }
0x145: {  	[sflag:s5] =	ssyncset.done $0x0  }
0x146: {  	s11 =	rddreg [dreg:$0x12];
	[sflag:s5] =	ssyncadd.s32 $0xFFFFD800  }
0x147: {  	[tilespmem:s31], [sflag:$0x5] =	stream.linear.gather [spmem:s11], $0x2800, $0x38;
	[tilespmem:$0x1F000] =	vst v63  }
0x148: {  	_ =	swait.ge [sflag:s5], $0x2800  }
0x149: {  	[sflag:s5] =	ssyncset.done $0x0  }
0x14a: {  	s2 =	rddreg [dreg:$0x9];
	[sflag:s5] =	ssyncadd.s32 $0xFFFFD800  }
0x14b: {  	[hbm4b:s2+s4] =	stream.linear.scatter [tilespmem:s31], [sflag:$0x5], $0x2800, $0x38;
	[tilespmem:$0x1F000] =	vst v63  }
0x14c: {  	_ =	swait.ge [sflag:s5], $0x2800  }
0x14d: {  	[sflag:s5] =	ssyncset.done $0x0  }
0x14e: {  	s6 =	rddreg [dreg:$0x13];
	[sflag:s5] =	ssyncadd.s32 $0xFFFFD800  }
0x14f: {  	[tilespmem:s31], [sflag:$0x5] =	stream.linear.gather [spmem:s6], $0x2800, $0x38;
	[tilespmem:$0x1F000] =	vst v63  }
0x150: {  	_ =	swait.ge [sflag:s5], $0x2800  }
0x151: {  	[sflag:s5] =	ssyncset.done $0x0  }
0x152: {  	s11 =	rddreg [dreg:$0xa];
	[sflag:s5] =	ssyncadd.s32 $0xFFFFD800  }
0x153: {  	[hbm4b:s11+s4] =	stream.linear.scatter [tilespmem:s31], [sflag:$0x5], $0x2800, $0x38;
	[tilespmem:$0x1F000] =	vst v63  }
0x154: {  	_ =	swait.ge [sflag:s5], $0x2800  }
0x155: {  	[sflag:s5] =	ssyncset.done $0x0  }
0x156: {  	s2 =	rddreg [dreg:$0x14];
	[sflag:s5] =	ssyncadd.s32 $0xFFFFD800  }
0x157: {  	[tilespmem:s31], [sflag:$0x5] =	stream.linear.gather [spmem:s2], $0x2800, $0x38;
	[tilespmem:$0x1F000] =	vst v63  }
0x158: {  	_ =	swait.ge [sflag:s5], $0x2800  }
0x159: {  	[sflag:s5] =	ssyncset.done $0x0  }
0x15a: {  	s6 =	rddreg [dreg:$0xb];
	[sflag:s5] =	ssyncadd.s32 $0xFFFFD800  }
0x15b: {  	[hbm4b:s6+s4] =	stream.linear.scatter [tilespmem:s31], [sflag:$0x5], $0x2800, $0x38;
	[tilespmem:$0x1F000] =	vst v63  }
0x15c: {  	_ =	swait.ge [sflag:s5], $0x2800  }
0x15d: {  	[sflag:s5] =	ssyncset.done $0x0  }
0x15e: {  	s11 =	rddreg [dreg:$0x15];
	[sflag:s5] =	ssyncadd.s32 $0xFFFFD800  }
0x15f: {  	[tilespmem:s31], [sflag:$0x5] =	stream.linear.gather [spmem:s11], $0x2800, $0x38;
	[tilespmem:$0x1F000] =	vst v63  }
0x160: {  	_ =	swait.ge [sflag:s5], $0x2800  }
0x161: {  	[sflag:s5] =	ssyncset.done $0x0  }
0x162: {  	s2 =	rddreg [dreg:$0xc];
	[sflag:s5] =	ssyncadd.s32 $0xFFFFD800  }
0x163: {  	[hbm4b:s2+s4] =	stream.linear.scatter [tilespmem:s31], [sflag:$0x5], $0x2800, $0x38;
	[tilespmem:$0x1F000] =	vst v63  }
0x164: {  	_ =	swait.ge [sflag:s5], $0x2800  }
0x165: {  	[sflag:s5] =	ssyncset.done $0x0  }
0x166: {  	s6 =	rddreg [dreg:$0x16];
	[sflag:s5] =	ssyncadd.s32 $0xFFFFD800  }
0x167: {  	[tilespmem:s31], [sflag:$0x5] =	stream.linear.gather [spmem:s6], $0x2800, $0x38;
	[tilespmem:$0x1F000] =	vst v63  }
0x168: {  	_ =	swait.ge [sflag:s5], $0x2800  }
0x169: {  	[sflag:s5] =	ssyncset.done $0x0  }
0x16a: {  	s11 =	rddreg [dreg:$0xd];
	[sflag:s5] =	ssyncadd.s32 $0xFFFFD800  }
0x16b: {  	[hbm4b:s11+s4] =	stream.linear.scatter [tilespmem:s31], [sflag:$0x5], $0x2800, $0x38;
	[tilespmem:$0x1F000] =	vst v63  }
0x16c: {  	_ =	swait.ge [sflag:s5], $0x2800  }
0x16d: {  	[sflag:s5] =	ssyncset.done $0x0  }
0x16e: {  	s1 =	simm.s32 @!p0 $0x4800;
	s2 =	rddreg [dreg:$0x17];
	[sflag:s5] =	ssyncadd.s32 $0xFFFFD800  }
0x16f: {  	[tilespmem:s1], [sflag:$0x5] =	stream.linear.gather @!p0 [spmem:s2], $0x2800, $0x38;
	[tilespmem:$0x1F000] =	vst v63  }
0x170: {  	s2 =	simm.s32 @!p0 $0x5  }
0x171: {  	_ =	swait.ge @!p0 [sflag:s2], $0x2800  }
0x172: {  	[sflag:s2] =	ssyncset.done @!p0 $0x0  }
0x173: {  	s6 =	simm.s32 @!p0 $0x0;
	s11 =	rddreg [dreg:$0xe];
	[sflag:s2] =	ssyncadd.s32 @!p0 $0xFFFFD800  }
0x174: {  	[hbm4b:s11+s6] =	stream.linear.scatter @!p0 [tilespmem:s1], [sflag:$0x5], $0x2800, $0x38;
	[tilespmem:$0x1F000] =	vst v63  }
0x175: {  	_ =	swait.ge @!p0 [sflag:s2], $0x2800  }
0x176: {  	s1 =	rddreg [dreg:$0x1f]  }
0x177: {  	s11 =	rddreg [dreg:$0x18];
	s6 =	sadd.s32 $0x1, s1  }
0x178: {  	p1 =	sne.s32 s6, s11  }
.Ltmp1:
0x179: {  	_ = 	snop;
	(pc) =	sbr.rel @p1 .LBB2_1-.Ltmp1, $3  }
0x17a: {  	_ =	sdelay $0x1  }
0x17b: {  	[sflag:s2] =	ssyncset.done @!p0 $0x0  }
0x17c: {  	[sflag:s2] =	ssyncadd.s32 @!p0 $0xFFFFD800  }
0x17d: {  	_ =	sfence.sel $0x180000  }
0x17e: {  	[bflag:$0x0] =	sbarrier.arrive $0xFFFF  }
0x17f: {  	_ =	strace $0x9000004D  }
0x180: {  	s0 =	stileid.u32;
	[bflag:$0x2] =	sbarrier.arrive $0xFFFF  }
0x181: {  	p0 =	sne.s32 s0, $0x0;
	s0 =	rddreg [dreg:$0x3]  }
0x182: {  	s0 =	sadd.s32 @!p0 $0x100000, s0  }
0x183: {  	[sflag:s0] =	ssyncadd.tile.s32 @!p0 $0x1;
	_ =	shalt  }
.Lfunc_end2:
_tile_overlayer_lowered:
.L_overlay_start_2:
0x184: {  	(tag) =	ssettag $0x2  }
0x185: {  	s0 =	rddreg [dreg:$0x0];
	s2 =	stileid.u32  }
0x186: {  	s1 =	rddreg [dreg:$0x1];
	p0 =	sne.s32 s2, $0x0  }
0x187: {  	s3 =	rddreg [dreg:$0x2];
	[bflag:$0x3] =	sbarrier.arrive $0xFFFF;
	s2 =	simm.s32 @!p0 $0x1C05  }
0x188: {  	[timem:s3], [sflag:s2] =	dma.local @!p0 [hbm:s0], s1  }
0x189: {  	s0 =	simm.s32 @!p0 $0x5  }
0x18a: {  	_ =	swait.ge @!p0 [sflag:s0], s1  }
0x18b: {  	s1 =	ssub.s32 @!p0 $0x0, s1;
	[sflag:s0] =	ssyncset.done @!p0 $0x0  }
0x18c: {  	[sflag:s0] =	ssyncadd.s32 @!p0 s1  }
0x18d: {  	[bflag:$0x3] =	sbarrier.arrive $0xFFFF  }
0x18e: {  	_ =	shalt  }

// kernel: kernel.18.cloned.1.call-start
scs
__scs_entry_jumppad:
0x0: {  	(pc) =	sbr.rel $0x88, $3  }
0x1: {  	(tag) =	ssettag $0x0;
	lr =	simm.s32 $0x1  }
0x2: {  	[smem:$0x3F9C] =	sst lr;
	_ =	strace $0xD0000000  }
0x3: {  	_ = 	snop  }
0x4: {  	_ = 	snop  }
0x5: {  	_ = 	snop  }
0x6: {  	_ = 	snop  }
0x7: {  	_ = 	snop  }
__scs_overlays_trampoline_lowered:
0x8: {  	[smem:$0x3FAB] =	sst s0  }
0x9: {  	[smem:$0x3FAC] =	sst s1  }
0xa: {  	[smem:$0x3FAD] =	sst s2  }
0xb: {  	[smem:$0x3FAE] =	sst s3  }
0xc: {  	[smem:$0x3FAF] =	sst s4  }
0xd: {  	[smem:$0x3FB0] =	sst s5  }
0xe: {  	[smem:$0x3FB1] =	sst s6  }
0xf: {  	[smem:$0x3FB2] =	sst s7  }
0x10: {  	[smem:$0x3FB3] =	sst s8  }
0x11: {  	[smem:$0x3FB4] =	sst s9;
	s0 =	simm.s32 @!p0 $0x0  }
0x12: {  	s1 =	sld [smem:$0x3F9A];
	s0 =	simm.s32 @p0 $0x1  }
0x13: {  	[smem:$0x3FB5] =	sst s0;
	s0 =	simm.s32 @!p1 $0x0  }
0x14: {  	s2 =	sld [smem:$0x3F99];
	s0 =	simm.s32 @p1 $0x1  }
0x15: {  	[smem:$0x3FB6] =	sst s0;
	s0 =	simm.s32 @!p2 $0x0  }
0x16: {  	s3 =	sld [smem:$0x3FDB];
	s0 =	simm.s32 @p2 $0x1  }
0x17: {  	s4 =	simm.s32 $0x1BF5;
	[smem:$0x3FB8] =	sst s0  }
0x18: {  	s0 =	sld [smem:$0x3F9B];
	_ =	swait.ge [sflag:s4], $0x0  }
0x19: {  	s7 =	sld [smem:$0x3F9C]  }
0x1a: {  	s8 =	sadd.s32 $0xFFFFE003, lr  }
0x1b: {  	s9 =	sadd.s32 $0xFFFFFEF7, lr;
	s5 =	simm.s32 $0xFFFFFFFF;
	p2 =	slt.u32 s8, $0xFFFFF086  }
0x1c: {  	p1 =	slt.u32 s9, $0xF7A;
	s5 =	simm.s32 @!p2 $0x0  }
0x1d: {  	s5 =	simm.s32 @p1 $0x1;
	p0 =	seq.s32 s7, s2  }
0x1e: {  	s7 =	smul.u32 @!p0 $0xF7A, s2;
	p2 =	seq.s32 @!p0 s5, $0x0  }
0x1f: {  	s9 =	smul.u32 $0xF7A, s1;
	s8 =	simm.s32 @!p0 $0x1BF5;
	p2 =	por !p2, p0  }
0x20: {  	[sflag:s8] =	ssyncset.s32 @!p0 $0xFFFFF086;
	s6 =	sadd.s32 @!p0 s3, s7;
	s7 =	simm.s32 @!p0 $0x108  }
0x21: {  	s3 =	sadd.s32 s3, s9;
	s6 =	sadd.s32 @!p0 $0x88, s6;
	s7 =	simm.s32 @p2 $0x1082  }
0x22: {  	[simem:s7], [sflag:s8] =	dma.local @!p0 [hbm:s6], $0xF7A  }
0x23: {  	s9 =	sor.u32 $0xD0000000, s2;
	s6 =	simm.s32 $0x108;
	_ =	swait.ge @!p0 [sflag:s8], $0x0  }
0x24: {  	s3 =	sadd.s32 $0x88, s3;
	s6 =	simm.s32 @!p1 $0x1082;
	[sflag:s4] =	ssyncset.s32 $0xFFFFF086  }
0x25: {  	[simem:s6], [sflag:s4] =	dma.local [hbm:s3], $0xF7A  }
0x26: {  	[smem:$0x3F9C] =	sst s1;
	(tag) =	ssettag s2;
	_ =	strace s9  }
0x27: {  	s1 =	sld [smem:$0x3FAC]  }
0x28: {  	s2 =	sld [smem:$0x3FAD]  }
0x29: {  	s4 =	sld [smem:$0x3FAF]  }
0x2a: {  	p0 =	seq.s32 s5, $0x0;
	s5 =	sld [smem:$0x3FB0]  }
0x2b: {  	s6 =	sld [smem:$0x3FB1]  }
0x2c: {  	s7 =	sld [smem:$0x3FB2]  }
0x2d: {  	s3 =	simm.s32 $0x108;
	s8 =	sld [smem:$0x3FB3]  }
0x2e: {  	s3 =	simm.s32 @!p0 $0x1082;
	s9 =	sld [smem:$0x3FB4]  }
0x2f: {  	lr =	sadd.s32 s0, s3;
	s0 =	sld [smem:$0x3FAB]  }
0x30: {  	s3 =	sld [smem:$0x3FAE]  }
0x31: {  	[smem:$0x3FB7] =	sst s10  }
0x32: {  	s10 =	sld [smem:$0x3FB5];
	_ =	sdelay $0x3  }
0x33: {  	p0 =	seq.s32 s10, $0x1;
	s10 =	sld [smem:$0x3FB7];
	_ =	sdelay $0x3  }
0x34: {  	[smem:$0x3FB7] =	sst s10  }
0x35: {  	s10 =	sld [smem:$0x3FB6];
	_ =	sdelay $0x3  }
0x36: {  	p1 =	seq.s32 s10, $0x1;
	s10 =	sld [smem:$0x3FB7];
	_ =	sdelay $0x3  }
0x37: {  	[smem:$0x3FB7] =	sst s10  }
0x38: {  	s10 =	sld [smem:$0x3FB8]  }
0x39: {  	_ = 	snop;
	(pc) =	sbr.ind lr, $3  }
0x3a: {  	_ = 	snop  }
0x3b: {  	_ = 	snop  }
0x3c: {  	p2 =	seq.s32 s10, $0x1;
	s10 =	sld [smem:$0x3FB7]  }
0x3d: {  	_ =	shalt  }
0x3e: {  	_ =	shalt  }
0x3f: {  	_ =	shalt  }
0x40: {  	_ =	shalt  }
0x41: {  	_ =	shalt  }
0x42: {  	_ =	shalt  }
0x43: {  	_ =	shalt  }
0x44: {  	_ =	shalt  }
0x45: {  	_ =	shalt  }
0x46: {  	_ =	shalt  }
0x47: {  	_ =	shalt  }
0x48: {  	_ =	shalt  }
0x49: {  	_ =	shalt  }
0x4a: {  	_ =	shalt  }
0x4b: {  	_ =	shalt  }
0x4c: {  	_ =	shalt  }
0x4d: {  	_ =	shalt  }
0x4e: {  	_ =	shalt  }
0x4f: {  	_ =	shalt  }
0x50: {  	_ =	shalt  }
0x51: {  	_ =	shalt  }
0x52: {  	_ =	shalt  }
0x53: {  	_ =	shalt  }
0x54: {  	_ =	shalt  }
0x55: {  	_ =	shalt  }
0x56: {  	_ =	shalt  }
0x57: {  	_ =	shalt  }
0x58: {  	_ =	shalt  }
0x59: {  	_ =	shalt  }
0x5a: {  	_ =	shalt  }
0x5b: {  	_ =	shalt  }
0x5c: {  	_ =	shalt  }
0x5d: {  	_ =	shalt  }
0x5e: {  	_ =	shalt  }
0x5f: {  	_ =	shalt  }
0x60: {  	_ =	shalt  }
0x61: {  	_ =	shalt  }
0x62: {  	_ =	shalt  }
0x63: {  	_ =	shalt  }
0x64: {  	_ =	shalt  }
0x65: {  	_ =	shalt  }
0x66: {  	_ =	shalt  }
0x67: {  	_ =	shalt  }
0x68: {  	_ =	shalt  }
0x69: {  	_ =	shalt  }
0x6a: {  	_ =	shalt  }
0x6b: {  	_ =	shalt  }
0x6c: {  	_ =	shalt  }
0x6d: {  	_ =	shalt  }
0x6e: {  	_ =	shalt  }
0x6f: {  	_ =	shalt  }
0x70: {  	_ =	shalt  }
0x71: {  	_ =	shalt  }
0x72: {  	_ =	shalt  }
0x73: {  	_ =	shalt  }
0x74: {  	_ =	shalt  }
0x75: {  	_ =	shalt  }
0x76: {  	_ =	shalt  }
0x77: {  	_ =	shalt  }
0x78: {  	_ =	shalt  }
0x79: {  	_ =	shalt  }
0x7a: {  	_ =	shalt  }
0x7b: {  	_ =	shalt  }
0x7c: {  	_ =	shalt  }
0x7d: {  	_ =	shalt  }
0x7e: {  	_ =	shalt  }
0x7f: {  	_ =	shalt  }
0x80: {  	_ =	shalt  }
0x81: {  	_ =	shalt  }
0x82: {  	_ =	shalt  }
0x83: {  	_ =	shalt  }
0x84: {  	_ =	shalt  }
0x85: {  	_ =	shalt  }
0x86: {  	_ =	shalt  }
0x87: {  	_ =	shalt  }
.Lfunc_end0:
.L_simem_size_0:
called_computation.3_lowered:
.L_overlay_start_0:
0x88: {  	s2 =	sld [smem:$0x3FD9]  }
0x89: {  	s3 =	sld [smem:$0x3FFE];
	_ =	sdelay $0x1  }
0x8a: {  	s1 =	srdreg.scid  }
0x8b: {  	s0 =	sand.u32 $0x1, s1  }
0x8c: {  	s17 =	sshll.u32 s0, $0xA;
	s2 =	sadd.s32 s3, s2  }
0x8d: {  	s2 =	sadd.s32 s2, s17  }
0x8e: {  	[smem:$0x3FC3] =	sst s2  }
0x8f: {  	_ = 	snop  }
0x90: {  	s2 =	sld [smem:$0x3FD0];
	(tm) =	ssettm $0x1  }
0x91: {  	s18 =	sld [smem:$0x3FFB];
	_ =	sdelay $0x3  }
0x92: {  	_ =	strace s18  }
0x93: {  	s3 =	sld [smem:$0x3FFC];
	_ =	sdelay $0x3  }
0x94: {  	_ =	strace s3  }
0x95: {  	s3 =	sld [smem:$0x3FFD];
	_ =	sdelay $0x3  }
0x96: {  	_ =	strace s3  }
0x97: {  	_ =	strace $0x8FFFFFFF  }
0x98: {  	s19 =	sld [smem:$0x3FDB];
	_ =	sdelay $0x1  }
0x99: {  	s4 =	simm.s32 $_scs_section_size  }
0x9a: {  	s5 =	simm.s32 $_size__tile_overlayer_lowered;
	s6 =	simm.s32 $_tile_overlayer_lowered  }
0x9b: {  	s22 =	simm.s32 $0x1BFF;
	s21 =	sshll.u32 s6, $0x1;
	s3 =	sadd.s32 s4, s19  }
0x9c: {  	s7 =	simm.s32 $0x0;
	s20 =	sshll.u32 s5, $0x1;
	s5 =	sadd.s32 s21, s3  }
0x9d: {  	[timem:s7], [sflag:s22] =	dma.local [hbm:s5], s20  }
0x9e: {  	_ =	swait.ge [sflag:s22], s20  }
0x9f: {  	s4 =	ssub.s32 $0x0, s20;
	[sflag:s22] =	ssyncset.done $0x0  }
0xa0: {  	[sflag:s22] =	ssyncadd.s32 s4;
	_ =	sdelay $0x1  }
0xa1: {  	s23 =	simm.s32 $0x1B8B  }
0xa2: {  	_ =	swait.ge [sflag:s23], $0x1  }
0xa3: {  	[sflag:s23] =	ssyncset.done $0x0  }
0xa4: {  	s25 =	simm.s32 $0x1B8E;
	s24 =	sld [smem:$0x3FFE];
	[sflag:s23] =	ssyncadd.s32 $0xFFFFFFFF  }
0xa5: {  	s26 =	simm.s32 $execute0_lowered;
	[smem:$0x3FD2] =	sst s25  }
0xa6: {  	s5 =	sshll.u32 s26, $0x1;
	_ =	strace $0x8000004F;
	[dreg:$0x1] =	wrdreg $0xFFFFFFFF  }
0xa7: {  	s28 =	simm.s32 $_size_execute0_lowered;
	s3 =	sadd.s32 s3, s5;
	[dreg:$0x0] =	wrdreg $0x0  }
0xa8: {  	s5 =	sshll.u32 s28, $0x1;
	[dreg:$0x2] =	wrdreg s3  }
0xa9: {  	[dreg:$0x3] =	wrdreg s5  }
0xaa: {  	[dreg:$0x4] =	wrdreg $0xC0  }
0xab: {  	_ =	task [dreg:s7], $0x5FFFF  }
0xac: {  	[dreg:$0x1] =	wrdreg $0xFFFFFFFF  }
0xad: {  	[dreg:$0x0] =	wrdreg $0x60  }
0xae: {  	[dreg:$0x2] =	wrdreg s2  }
0xaf: {  	[dreg:$0x3] =	wrdreg s24  }
0xb0: {  	[dreg:$0x4] =	wrdreg $0x70000  }
0xb1: {  	[dreg:$0x5] =	wrdreg $0x9  }
0xb2: {  	_ =	task.clear_ibuf [dreg:s7], $0x6FFFF;
	_ =	strace $0x9000004F  }
0xb3: {  	s29 =	simm.s32 $0x9;
	_ =	strace $0x80000051  }
0xb4: {  	_ =	swait.ge [sflag:s29], $0x1  }
0xb5: {  	[sflag:s29] =	ssyncadd.s32 $0xFFFFFFFF  }
0xb6: {  	_ =	strace $0x90000051  }
0xb7: {  	_ =	sfence  }
0xb8: {  	s30 =	sld [smem:$0x0];
	_ =	sdelay $0x2  }
0xb9: {  	s31 =	sshll.u32 s1, $0xD;
	s1 =	sshrl.u32 s1, $0x2  }
0xba: {  	s3 =	sand.u32 $0x4000, s31;
	s1 =	sadd.s32 s1, s30  }
0xbb: {  	s0 =	sor.u32 s3, s0;
	s1 =	sshll.u32 s1, $0x11  }
0xbc: {  	s0 =	sor.u32 s1, s0  }
0xbd: {  	s0 =	sadd.s32 $0x8F2B, s0  }
0xbe: {  	[sflag:s0] =	ssyncadd.remote.s32 $0x1  }
0xbf: {  	_ =	sfence.sel $0xFFFF  }
0xc0: {  	[dreg:$0x0] =	wrdreg $0xFFFFFFFF;
	(pc) =	sbr.abs _section_cstart, $3  }
0xc1: {  	[dreg:$0x1] =	wrdreg $0xFFFFFFFF  }
0xc2: {  	_ =	task.clear_ibuf [dreg:s7], $0x2FFFF;
	_ =	strace $0x9FFFFFFF  }
0xc3: {  	(tm) =	ssettm $0x7FFFFFFF  }
tec
execute0_lowered:
.L_overlay_start_1:
0x0: {  	(tag) =	ssettag $0x1  }
0x1: {  	s0 =	rddreg [dreg:$0x0];
	s23 =	stileid.u32  }
0x2: {  	s2 =	rddreg [dreg:$0x1];
	s6 =	smul.u32 $0x50000, s23  }
0x3: {  	s1 =	srdreg.scid;
	s8 =	smul.u32 $0x50, s23  }
0x4: {  	s3 =	rddreg [dreg:$0x2];
	s1 =	sand.u32 $0x1, s1;
	s26 =	smul.u32 $0x500, s23  }
0x5: {  	s4 =	simm.s32 $0x0;
	s31 =	simm.s32 $0x4800;
	s5 =	smul.u32 $0x5000, s1  }
0x6: {  	s28 =	simm.s32 $0x700;
	s9 =	sor.u32 $0x10, s23;
	s7 =	smul.u32 $0x2710, s1  }
0x7: {  	s29 =	simm.s32 $0x380;
	s11 =	sor.u32 $0x20, s23;
	s10 =	smul.u32 $0x50, s9  }
0x8: {  	s30 =	simm.s32 $0x780;
	s13 =	sor.u32 $0x30, s23;
	s12 =	smul.u32 $0x50, s11  }
0x9: {  	[smem:$0x7FF] =	sst s4;
	s16 =	sor.u32 $0x40, s23;
	s15 =	smul.u32 $0x50, s13  }
0xa: {  	s17 =	sor.u32 $0x50, s23;
	s19 =	sor.u32 $0x60, s23;
	s25 =	smul.u32 $0x50, s16  }
0xb: {  	s21 =	sor.u32 $0x70, s23;
	s24 =	sadd.s32 $0x16800, s2;
	s18 =	smul.u32 $0x50, s17  }
0xc: {  	p0 =	sgt.u32 s23, $0xC;
	_ =	strace $0x80000050;
	s20 =	smul.u32 $0x50, s19  }
0xd: {  	s1 =	ssub.s32 $0x2, s1;
	s22 =	smul.u32 $0x50, s21;
	[dreg:$0x5] =	wrdreg s24  }
0xe: {  	s14 =	sshrl.u32 s1, $0x1;
	s6 =	sshrl.u32 s6, $0x2;
	s5 =	sadd.s32 s5, s2  }
0xf: {  	s1 =	ssub.s32 s1, s14;
	s8 =	sadd.s32 s8, s7;
	s10 =	sadd.s32 s7, s10  }
0x10: {  	s12 =	sadd.s32 s7, s12;
	s15 =	sadd.s32 s7, s15;
	s14 =	sadd.s32 s7, s25  }
0x11: {  	s18 =	sadd.s32 s7, s18;
	s20 =	sadd.s32 s7, s20;
	s7 =	sadd.s32 s7, s22  }
0x12: {  	s2 =	sadd.s32 $0x16E00, s2;
	s24 =	sadd.s32 s6, s3;
	s6 =	smul.u32 $0xA000, s23  }
0x13: {  	s5 =	sadd.s32 s26, s5;
	s8 =	sshll.u32 s8, $0x4;
	s10 =	sshll.u32 s10, $0x4  }
0x14: {  	s22 =	sshll.u32 s12, $0x4;
	s25 =	sshll.u32 s15, $0x4;
	s26 =	sshll.u32 s14, $0x4  }
0x15: {  	s14 =	sshll.u32 s18, $0x4;
	s15 =	sshll.u32 s20, $0x4;
	s7 =	sshll.u32 s7, $0x4  }
0x16: {  	s20 =	smul.u32 $0xA000, s13;
	s1 =	smax.u32 s1, $0x1;
	[dreg:$0x6] =	wrdreg s24  }
0x17: {  	s13 =	smul.u32 $0xA000, s19;
	s19 =	sadd.s32 $0x5000, s24;
	[dreg:$0x18] =	wrdreg s1  }
0x18: {  	s23 =	sadd.s32 $0xF000, s24;
	s8 =	sadd.s32 s2, s8;
	[dreg:$0x19] =	wrdreg s19  }
0x19: {  	s12 =	sadd.s32 s2, s26;
	s18 =	sadd.s32 $0x2800, s5;
	[dreg:$0x1d] =	wrdreg s23  }
0x1a: {  	s6 =	sshrl.u32 s6, $0x2;
	s26 =	smul.u32 $0xA000, s16;
	[dreg:$0x7] =	wrdreg s8  }
0x1b: {  	s19 =	simm.s32 $0x180;
	s23 =	simm.s32 $0x280;
	[dreg:$0xb] =	wrdreg s12  }
0x1c: {  	s8 =	smul.u32 $0xA000, s9;
	s9 =	sadd.s32 s2, s10;
	[dreg:$0x4] =	wrdreg s18  }
0x1d: {  	s10 =	sadd.s32 s2, s22;
	s22 =	sadd.s32 $0x2800, s24;
	[dreg:$0x8] =	wrdreg s9  }
0x1e: {  	s16 =	sshrl.u32 s13, $0x2;
	s13 =	simm.s32 $0x2;
	[dreg:$0x9] =	wrdreg s10  }
0x1f: {  	s9 =	smul.u32 $0xA000, s11;
	s10 =	sadd.s32 s2, s25;
	[dreg:$0xf] =	wrdreg s22  }
0x20: {  	s25 =	sadd.s32 s6, s3;
	s11 =	smul.u32 $0xA000, s17;
	[dreg:$0xa] =	wrdreg s10  }
0x21: {  	s22 =	sadd.s32 $0xC800, s24;
	s10 =	sadd.s32 s2, s14;
	[dreg:$0x10] =	wrdreg s25  }
0x22: {  	s8 =	sshrl.u32 s8, $0x2;
	s14 =	smul.u32 $0xA000, s21;
	s25 =	sadd.s32 $0xC800, s5  }
0x23: {  	s21 =	sadd.s32 $0xA000, s24;
	[dreg:$0x1c] =	wrdreg s22;
	s5 =	simm.s32 $0x5  }
0x24: {  	s22 =	simm.s32 $0x600;
	[dreg:$0xc] =	wrdreg s10;
	s10 =	sadd.s32 s2, s15  }
0x25: {  	s2 =	sadd.s32 s2, s7;
	s6 =	sadd.s32 s8, s3;
	[dreg:$0x1b] =	wrdreg s21  }
0x26: {  	s7 =	sshrl.u32 s20, $0x2;
	s15 =	sshrl.u32 s11, $0x2;
	[dreg:$0xd] =	wrdreg s10  }
0x27: {  	s20 =	sadd.s32 $0x7800, s24;
	s8 =	simm.s32 $0x7D;
	[dreg:$0xe] =	wrdreg s2  }
0x28: {  	s21 =	simm.s32 $0x200;
	s10 =	sshrl.u32 s9, $0x2;
	[dreg:$0x11] =	wrdreg s6  }
0x29: {  	s2 =	sshrl.u32 s26, $0x2;
	s7 =	sadd.s32 s7, s3;
	s17 =	sshrl.u32 s14, $0x2  }
0x2a: {  	[dreg:$0x1a] =	wrdreg s20;
	s26 =	sadd.s32 $0x11800, s24;
	s9 =	simm.s32 $0x800  }
0x2b: {  	s14 =	simm.s32 $0x480;
	s20 =	simm.s32 $0x580;
	s24 =	simm.s32 $0x680  }
0x2c: {  	s6 =	simm.s32 $0x0;
	s12 =	sadd.s32 s10, s3;
	[dreg:$0x13] =	wrdreg s7  }
0x2d: {  	s2 =	sadd.s32 s2, s3;
	s18 =	sadd.s32 s17, s3;
	[dreg:$0x1e] =	wrdreg s26  }
0x2e: {  	s7 =	simm.s32 $0x400;
	s10 =	simm.s32 $0x1;
	[dreg:$0x12] =	wrdreg s12  }
0x2f: {  	s17 =	simm.s32 $0x500;
	s26 =	simm.s32 $0x300;
	[dreg:$0x14] =	wrdreg s2  }
0x30: {  	s2 =	sadd.s32 s15, s3;
	[dreg:$0x17] =	wrdreg s18;
	s12 =	simm.s32 $0x1B000  }
0x31: {  	s15 =	simm.s32 $0x3;
	[dreg:$0x15] =	wrdreg s2;
	s2 =	sadd.s32 s16, s3  }
0x32: {  	s18 =	simm.s32 $0x4;
	s16 =	simm.s32 $0x100;
	[dreg:$0x16] =	wrdreg s2  }
.LBB2_1:
0x33: {  	[dreg:$0x1f] =	wrdreg s6  }
0x34: {  	s1 =	rddreg [dreg:$0x5]  }
0x35: {  	[tilespmem:s31], [sflag:$0x5] =	stream.linear.gather [hbm4b:s1+s4], $0x2800, $0x38;
	[tilespmem:$0x1F000] =	vst v63  }
0x36: {  	_ =	swait.ge [sflag:s5], $0x2800  }
0x37: {  	[sflag:s5] =	ssyncset.done $0x0  }
0x38: {  	s11 =	rddreg [dreg:$0x6];
	[sflag:s5] =	ssyncadd.s32 $0xFFFFD800  }
0x39: {  	[spmem:s11] =	stream.linear.scatter [tilespmem:s31], [sflag:$0x5], $0x2800, $0x38;
	[tilespmem:$0x1F000] =	vst v63  }
0x3a: {  	_ =	swait.ge [sflag:s5], $0x2800  }
0x3b: {  	[sflag:s5] =	ssyncset.done $0x0  }
0x3c: {  	s2 =	rddreg [dreg:$0xf];
	[sflag:s5] =	ssyncadd.s32 $0xFFFFD800  }
0x3d: {  	[spmem:s2] =	stream.linear.scatter [tilespmem:s31], [sflag:$0x5], $0x2800, $0x38;
	[tilespmem:$0x1F000] =	vst v63  }
0x3e: {  	_ =	swait.ge [sflag:s5], $0x2800  }
0x3f: {  	[sflag:s5] =	ssyncset.done $0x0  }
0x40: {  	s6 =	rddreg [dreg:$0x19];
	[sflag:s5] =	ssyncadd.s32 $0xFFFFD800  }
0x41: {  	[spmem:s6] =	stream.linear.scatter [tilespmem:s31], [sflag:$0x5], $0x2800, $0x38;
	[tilespmem:$0x1F000] =	vst v63  }
0x42: {  	_ =	swait.ge [sflag:s5], $0x2800  }
0x43: {  	[sflag:s5] =	ssyncset.done $0x0  }
0x44: {  	s11 =	rddreg [dreg:$0x1a];
	[sflag:s5] =	ssyncadd.s32 $0xFFFFD800  }
0x45: {  	[spmem:s11] =	stream.linear.scatter [tilespmem:s31], [sflag:$0x5], $0x2800, $0x38;
	[tilespmem:$0x1F000] =	vst v63  }
0x46: {  	_ =	swait.ge [sflag:s5], $0x2800  }
0x47: {  	[sflag:s5] =	ssyncset.done $0x0  }
0x48: {  	s2 =	rddreg [dreg:$0x1b];
	[sflag:s5] =	ssyncadd.s32 $0xFFFFD800  }
0x49: {  	[spmem:s2] =	stream.linear.scatter [tilespmem:s31], [sflag:$0x5], $0x2800, $0x38;
	[tilespmem:$0x1F000] =	vst v63  }
0x4a: {  	_ =	swait.ge [sflag:s5], $0x2800  }
0x4b: {  	[sflag:s5] =	ssyncset.done $0x0  }
0x4c: {  	s6 =	rddreg [dreg:$0x1c];
	[sflag:s5] =	ssyncadd.s32 $0xFFFFD800  }
0x4d: {  	[spmem:s6] =	stream.linear.scatter [tilespmem:s31], [sflag:$0x5], $0x2800, $0x38;
	[tilespmem:$0x1F000] =	vst v63  }
0x4e: {  	_ =	swait.ge [sflag:s5], $0x2800  }
0x4f: {  	[sflag:s5] =	ssyncset.done $0x0  }
0x50: {  	s11 =	rddreg [dreg:$0x1d];
	[sflag:s5] =	ssyncadd.s32 $0xFFFFD800  }
0x51: {  	[spmem:s11] =	stream.linear.scatter [tilespmem:s31], [sflag:$0x5], $0x2800, $0x38;
	[tilespmem:$0x1F000] =	vst v63  }
0x52: {  	_ =	swait.ge [sflag:s5], $0x2800  }
0x53: {  	[sflag:s5] =	ssyncset.done $0x0  }
0x54: {  	s2 =	rddreg [dreg:$0x1e];
	[sflag:s5] =	ssyncadd.s32 $0xFFFFD800  }
0x55: {  	[spmem:s2] =	stream.linear.scatter [tilespmem:s31], [sflag:$0x5], $0x2800, $0x38;
	[tilespmem:$0x1F000] =	vst v63  }
0x56: {  	_ =	swait.ge [sflag:s5], $0x2800  }
0x57: {  	[sflag:s5] =	ssyncset.done $0x0  }
0x58: {  	[sflag:s5] =	ssyncadd.s32 $0xFFFFD800  }
0x59: {  	s6 =	sadd.s32 $0x0, s25;
	[bflag:$0x0] =	sbarrier.arrive $0xFFFF  }
0x5a: {  	[tilespmem:s4], [sflag:$0x5] =	stream.linear.gather [hbm4b:s6+s4], $0x400, $0x38;
	[tilespmem:$0x1F000] =	vst v63  }
0x5b: {  	_ =	swait.ge [sflag:s5], $0x400  }
0x5c: {  	s11 =	rddreg [dreg:$0x4];
	[sflag:s5] =	ssyncset.done $0x0  }
0x5d: {  	[sflag:s5] =	ssyncadd.s32 $0xFFFFFC00;
	s1 =	sadd.s32 $0x0, s11  }
0x5e: {  	[tilespmem:s7], [sflag:$0x5] =	stream.linear.gather [hbm4b:s1+s4], $0x400, $0x38;
	[tilespmem:$0x1F000] =	vst v63  }
0x5f: {  	_ =	swait.ge [sflag:s5], $0x400  }
0x60: {  	[sflag:s5] =	ssyncset.done $0x0  }
0x61: {  	[sflag:s5] =	ssyncadd.s32 $0xFFFFFC00  }
0x62: {  	[tilespmem:s9], [sflag:$0x1] =	stream.indirect.gather [hbm4b:s0+s8], $0x80, s4, s8, $0xb8;
	[tilespmem:$0x1F000] =	vst v63  }
0x63: {  	_ =	swait.ge [sflag:s10], $0x3E80  }
0x64: {  	[sflag:s10] =	ssyncset.done $0x0  }
0x65: {  	[sflag:s10] =	ssyncadd.s32 $0xFFFFC180  }
0x66: {  	[spmem:s3] =	stream.indirect.scatter.add.f32 [tilespmem:s9], [sflag:$0x3], $0x80, s7, s8, $0xb8;
	[tilespmem:$0x1F000] =	vst v63  }
0x67: {  	s31 =	simm.s32 $0x80  }
0x68: {  	[tilespmem:s12], [sflag:$0x2] =	stream.indirect.gather [hbm4b:s0+s8], $0x80, s31, s8, $0xb8;
	[tilespmem:$0x1F000] =	vst v63  }
0x69: {  	_ =	swait.ge [sflag:s13], $0x3E80  }
0x6a: {  	[sflag:s13] =	ssyncset.done $0x0  }
0x6b: {  	[sflag:s13] =	ssyncadd.s32 $0xFFFFC180  }
0x6c: {  	[spmem:s3] =	stream.indirect.scatter.add.f32 [tilespmem:s12], [sflag:$0x4], $0x80, s14, s8, $0xb8;
	[tilespmem:$0x1F000] =	vst v63  }
0x6d: {  	_ =	swait.ge [sflag:s15], $0x3E80  }
0x6e: {  	[sflag:s15] =	ssyncset.done $0x0  }
0x6f: {  	[sflag:s15] =	ssyncadd.s32 $0xFFFFC180  }
0x70: {  	[tilespmem:s9], [sflag:$0x1] =	stream.indirect.gather [hbm4b:s0+s8], $0x80, s16, s8, $0xb8;
	[tilespmem:$0x1F000] =	vst v63  }
0x71: {  	_ =	swait.ge [sflag:s10], $0x3E80  }
0x72: {  	[sflag:s10] =	ssyncset.done $0x0  }
0x73: {  	[sflag:s10] =	ssyncadd.s32 $0xFFFFC180  }
0x74: {  	[spmem:s3] =	stream.indirect.scatter.add.f32 [tilespmem:s9], [sflag:$0x3], $0x80, s17, s8, $0xb8;
	[tilespmem:$0x1F000] =	vst v63  }
0x75: {  	_ =	swait.ge [sflag:s18], $0x3E80  }
0x76: {  	[sflag:s18] =	ssyncset.done $0x0  }
0x77: {  	[sflag:s18] =	ssyncadd.s32 $0xFFFFC180  }
0x78: {  	[tilespmem:s12], [sflag:$0x2] =	stream.indirect.gather [hbm4b:s0+s8], $0x80, s19, s8, $0xb8;
	[tilespmem:$0x1F000] =	vst v63  }
0x79: {  	_ =	swait.ge [sflag:s13], $0x3E80  }
0x7a: {  	[sflag:s13] =	ssyncset.done $0x0  }
0x7b: {  	[sflag:s13] =	ssyncadd.s32 $0xFFFFC180  }
0x7c: {  	[spmem:s3] =	stream.indirect.scatter.add.f32 [tilespmem:s12], [sflag:$0x4], $0x80, s20, s8, $0xb8;
	[tilespmem:$0x1F000] =	vst v63  }
0x7d: {  	_ =	swait.ge [sflag:s15], $0x3E80  }
0x7e: {  	[sflag:s15] =	ssyncset.done $0x0  }
0x7f: {  	[sflag:s15] =	ssyncadd.s32 $0xFFFFC180  }
0x80: {  	[tilespmem:s9], [sflag:$0x1] =	stream.indirect.gather [hbm4b:s0+s8], $0x80, s21, s8, $0xb8;
	[tilespmem:$0x1F000] =	vst v63  }
0x81: {  	_ =	swait.ge [sflag:s10], $0x3E80  }
0x82: {  	[sflag:s10] =	ssyncset.done $0x0  }
0x83: {  	[sflag:s10] =	ssyncadd.s32 $0xFFFFC180  }
0x84: {  	[spmem:s3] =	stream.indirect.scatter.add.f32 [tilespmem:s9], [sflag:$0x3], $0x80, s22, s8, $0xb8;
	[tilespmem:$0x1F000] =	vst v63  }
0x85: {  	_ =	swait.ge [sflag:s18], $0x3E80  }
0x86: {  	[sflag:s18] =	ssyncset.done $0x0  }
0x87: {  	[sflag:s18] =	ssyncadd.s32 $0xFFFFC180  }
0x88: {  	[tilespmem:s12], [sflag:$0x2] =	stream.indirect.gather [hbm4b:s0+s8], $0x80, s23, s8, $0xb8;
	[tilespmem:$0x1F000] =	vst v63  }
0x89: {  	_ =	swait.ge [sflag:s13], $0x3E80  }
0x8a: {  	[sflag:s13] =	ssyncset.done $0x0  }
0x8b: {  	[sflag:s13] =	ssyncadd.s32 $0xFFFFC180  }
0x8c: {  	[spmem:s3] =	stream.indirect.scatter.add.f32 [tilespmem:s12], [sflag:$0x4], $0x80, s24, s8, $0xb8;
	[tilespmem:$0x1F000] =	vst v63  }
0x8d: {  	_ =	swait.ge [sflag:s15], $0x3E80  }
0x8e: {  	[sflag:s15] =	ssyncset.done $0x0  }
0x8f: {  	[sflag:s15] =	ssyncadd.s32 $0xFFFFC180  }
0x90: {  	[tilespmem:s9], [sflag:$0x1] =	stream.indirect.gather [hbm4b:s0+s8], $0x80, s26, s8, $0xb8;
	[tilespmem:$0x1F000] =	vst v63  }
0x91: {  	_ =	swait.ge [sflag:s10], $0x3E80  }
0x92: {  	[sflag:s10] =	ssyncset.done $0x0  }
0x93: {  	[sflag:s10] =	ssyncadd.s32 $0xFFFFC180  }
0x94: {  	[spmem:s3] =	stream.indirect.scatter.add.f32 [tilespmem:s9], [sflag:$0x3], $0x80, s28, s8, $0xb8;
	[tilespmem:$0x1F000] =	vst v63  }
0x95: {  	_ =	swait.ge [sflag:s18], $0x3E80  }
0x96: {  	[sflag:s18] =	ssyncset.done $0x0  }
0x97: {  	[sflag:s18] =	ssyncadd.s32 $0xFFFFC180  }
0x98: {  	[tilespmem:s12], [sflag:$0x2] =	stream.indirect.gather [hbm4b:s0+s8], $0x80, s29, s8, $0xb8;
	[tilespmem:$0x1F000] =	vst v63  }
0x99: {  	_ =	swait.ge [sflag:s13], $0x3E80  }
0x9a: {  	[sflag:s13] =	ssyncset.done $0x0  }
0x9b: {  	[sflag:s13] =	ssyncadd.s32 $0xFFFFC180  }
0x9c: {  	[spmem:s3] =	stream.indirect.scatter.add.f32 [tilespmem:s12], [sflag:$0x4], $0x80, s30, s8, $0xb8;
	[tilespmem:$0x1F000] =	vst v63  }
0x9d: {  	_ =	swait.ge [sflag:s15], $0x3E80  }
0x9e: {  	[sflag:s15] =	ssyncset.done $0x0  }
0x9f: {  	[sflag:s15] =	ssyncadd.s32 $0xFFFFC180  }
0xa0: {  	_ =	swait.ge [sflag:s18], $0x3E80  }
0xa1: {  	s6 =	simm.s32 $0x100;
	s1 =	simm.s32 $0x80;
	[sflag:s18] =	ssyncset.done $0x0  }
.LBB2_2:
0xa2: {  	s2 =	sadd.s32 s1, s25;
	[sflag:s18] =	ssyncadd.s32 $0xFFFFC180  }
0xa3: {  	[tilespmem:s4], [sflag:$0x5] =	stream.linear.gather [hbm4b:s2+s4], $0x400, $0x38;
	[tilespmem:$0x1F000] =	vst v63  }
0xa4: {  	s11 =	smov.u32 s6;
	s31 =	sadd.s32 $0x80, s6;
	_ =	swait.ge [sflag:s5], $0x400  }
0xa5: {  	p1 =	sne.s32 s6, $0x480;
	s6 =	rddreg [dreg:$0x4];
	[sflag:s5] =	ssyncset.done $0x0  }
0xa6: {  	[sflag:s5] =	ssyncadd.s32 $0xFFFFFC00;
	s2 =	sadd.s32 s1, s6  }
0xa7: {  	[tilespmem:s7], [sflag:$0x5] =	stream.linear.gather [hbm4b:s2+s4], $0x400, $0x38;
	[tilespmem:$0x1F000] =	vst v63  }
0xa8: {  	_ =	swait.ge [sflag:s5], $0x400  }
0xa9: {  	[sflag:s5] =	ssyncset.done $0x0  }
0xaa: {  	[sflag:s5] =	ssyncadd.s32 $0xFFFFFC00  }
0xab: {  	[tilespmem:s9], [sflag:$0x1] =	stream.indirect.gather [hbm4b:s0+s8], $0x80, s4, s8, $0xb8;
	[tilespmem:$0x1F000] =	vst v63  }
0xac: {  	_ =	swait.ge [sflag:s10], $0x3E80  }
0xad: {  	[sflag:s10] =	ssyncset.done $0x0  }
0xae: {  	[sflag:s10] =	ssyncadd.s32 $0xFFFFC180  }
0xaf: {  	[spmem:s3] =	stream.indirect.scatter.add.f32 [tilespmem:s9], [sflag:$0x3], $0x80, s7, s8, $0xb8;
	[tilespmem:$0x1F000] =	vst v63  }
0xb0: {  	s1 =	smov.u32 s11;
	s11 =	simm.s32 $0x80  }
0xb1: {  	[tilespmem:s12], [sflag:$0x2] =	stream.indirect.gather [hbm4b:s0+s8], $0x80, s11, s8, $0xb8;
	[tilespmem:$0x1F000] =	vst v63  }
0xb2: {  	_ =	swait.ge [sflag:s13], $0x3E80  }
0xb3: {  	[sflag:s13] =	ssyncset.done $0x0  }
0xb4: {  	[sflag:s13] =	ssyncadd.s32 $0xFFFFC180  }
0xb5: {  	[spmem:s3] =	stream.indirect.scatter.add.f32 [tilespmem:s12], [sflag:$0x4], $0x80, s14, s8, $0xb8;
	[tilespmem:$0x1F000] =	vst v63  }
0xb6: {  	_ =	swait.ge [sflag:s15], $0x3E80  }
0xb7: {  	[sflag:s15] =	ssyncset.done $0x0  }
0xb8: {  	[sflag:s15] =	ssyncadd.s32 $0xFFFFC180  }
0xb9: {  	[tilespmem:s9], [sflag:$0x1] =	stream.indirect.gather [hbm4b:s0+s8], $0x80, s16, s8, $0xb8;
	[tilespmem:$0x1F000] =	vst v63  }
0xba: {  	_ =	swait.ge [sflag:s10], $0x3E80  }
0xbb: {  	[sflag:s10] =	ssyncset.done $0x0  }
0xbc: {  	[sflag:s10] =	ssyncadd.s32 $0xFFFFC180  }
0xbd: {  	[spmem:s3] =	stream.indirect.scatter.add.f32 [tilespmem:s9], [sflag:$0x3], $0x80, s17, s8, $0xb8;
	[tilespmem:$0x1F000] =	vst v63  }
0xbe: {  	_ =	swait.ge [sflag:s18], $0x3E80  }
0xbf: {  	[sflag:s18] =	ssyncset.done $0x0  }
0xc0: {  	[sflag:s18] =	ssyncadd.s32 $0xFFFFC180  }
0xc1: {  	[tilespmem:s12], [sflag:$0x2] =	stream.indirect.gather [hbm4b:s0+s8], $0x80, s19, s8, $0xb8;
	[tilespmem:$0x1F000] =	vst v63  }
0xc2: {  	_ =	swait.ge [sflag:s13], $0x3E80  }
0xc3: {  	[sflag:s13] =	ssyncset.done $0x0  }
0xc4: {  	[sflag:s13] =	ssyncadd.s32 $0xFFFFC180  }
0xc5: {  	[spmem:s3] =	stream.indirect.scatter.add.f32 [tilespmem:s12], [sflag:$0x4], $0x80, s20, s8, $0xb8;
	[tilespmem:$0x1F000] =	vst v63  }
0xc6: {  	_ =	swait.ge [sflag:s15], $0x3E80  }
0xc7: {  	[sflag:s15] =	ssyncset.done $0x0  }
0xc8: {  	[sflag:s15] =	ssyncadd.s32 $0xFFFFC180  }
0xc9: {  	[tilespmem:s9], [sflag:$0x1] =	stream.indirect.gather [hbm4b:s0+s8], $0x80, s21, s8, $0xb8;
	[tilespmem:$0x1F000] =	vst v63  }
0xca: {  	_ =	swait.ge [sflag:s10], $0x3E80  }
0xcb: {  	[sflag:s10] =	ssyncset.done $0x0  }
0xcc: {  	[sflag:s10] =	ssyncadd.s32 $0xFFFFC180  }
0xcd: {  	[spmem:s3] =	stream.indirect.scatter.add.f32 [tilespmem:s9], [sflag:$0x3], $0x80, s22, s8, $0xb8;
	[tilespmem:$0x1F000] =	vst v63  }
0xce: {  	_ =	swait.ge [sflag:s18], $0x3E80  }
0xcf: {  	[sflag:s18] =	ssyncset.done $0x0  }
0xd0: {  	[sflag:s18] =	ssyncadd.s32 $0xFFFFC180  }
0xd1: {  	[tilespmem:s12], [sflag:$0x2] =	stream.indirect.gather [hbm4b:s0+s8], $0x80, s23, s8, $0xb8;
	[tilespmem:$0x1F000] =	vst v63  }
0xd2: {  	_ =	swait.ge [sflag:s13], $0x3E80  }
0xd3: {  	[sflag:s13] =	ssyncset.done $0x0  }
0xd4: {  	[sflag:s13] =	ssyncadd.s32 $0xFFFFC180  }
0xd5: {  	[spmem:s3] =	stream.indirect.scatter.add.f32 [tilespmem:s12], [sflag:$0x4], $0x80, s24, s8, $0xb8;
	[tilespmem:$0x1F000] =	vst v63  }
0xd6: {  	_ =	swait.ge [sflag:s15], $0x3E80  }
0xd7: {  	[sflag:s15] =	ssyncset.done $0x0  }
0xd8: {  	[sflag:s15] =	ssyncadd.s32 $0xFFFFC180  }
0xd9: {  	[tilespmem:s9], [sflag:$0x1] =	stream.indirect.gather [hbm4b:s0+s8], $0x80, s26, s8, $0xb8;
	[tilespmem:$0x1F000] =	vst v63  }
0xda: {  	_ =	swait.ge [sflag:s10], $0x3E80  }
0xdb: {  	[sflag:s10] =	ssyncset.done $0x0  }
0xdc: {  	[sflag:s10] =	ssyncadd.s32 $0xFFFFC180  }
0xdd: {  	[spmem:s3] =	stream.indirect.scatter.add.f32 [tilespmem:s9], [sflag:$0x3], $0x80, s28, s8, $0xb8;
	[tilespmem:$0x1F000] =	vst v63  }
0xde: {  	_ =	swait.ge [sflag:s18], $0x3E80  }
0xdf: {  	[sflag:s18] =	ssyncset.done $0x0  }
0xe0: {  	[sflag:s18] =	ssyncadd.s32 $0xFFFFC180  }
0xe1: {  	[tilespmem:s12], [sflag:$0x2] =	stream.indirect.gather [hbm4b:s0+s8], $0x80, s29, s8, $0xb8;
	[tilespmem:$0x1F000] =	vst v63  }
0xe2: {  	_ =	swait.ge [sflag:s13], $0x3E80  }
0xe3: {  	[sflag:s13] =	ssyncset.done $0x0  }
0xe4: {  	[sflag:s13] =	ssyncadd.s32 $0xFFFFC180  }
0xe5: {  	[spmem:s3] =	stream.indirect.scatter.add.f32 [tilespmem:s12], [sflag:$0x4], $0x80, s30, s8, $0xb8;
	[tilespmem:$0x1F000] =	vst v63  }
.Ltmp0:
0xe6: {  	_ =	swait.ge [sflag:s15], $0x3E80;
	(pc) =	sbr.rel @p1 .LBB2_2-.Ltmp0, $4  }
0xe7: {  	[sflag:s15] =	ssyncset.done $0x0  }
0xe8: {  	[sflag:s15] =	ssyncadd.s32 $0xFFFFC180  }
0xe9: {  	_ =	swait.ge [sflag:s18], $0x3E80  }
0xea: {  	s6 =	smov.u32 s31;
	[sflag:s18] =	ssyncset.done $0x0  }
0xeb: {  	s2 =	sadd.s32 s1, s25;
	[sflag:s18] =	ssyncadd.s32 $0xFFFFC180  }
0xec: {  	[tilespmem:s4], [sflag:$0x5] =	stream.linear.gather [hbm4b:s2+s4], $0x400, $0x38;
	[tilespmem:$0x1F000] =	vst v63  }
0xed: {  	_ =	swait.ge [sflag:s5], $0x400  }
0xee: {  	s6 =	rddreg [dreg:$0x4];
	[sflag:s5] =	ssyncset.done $0x0  }
0xef: {  	[sflag:s5] =	ssyncadd.s32 $0xFFFFFC00;
	s11 =	sadd.s32 s1, s6  }
0xf0: {  	[tilespmem:s7], [sflag:$0x5] =	stream.linear.gather [hbm4b:s11+s4], $0x400, $0x38;
	[tilespmem:$0x1F000] =	vst v63  }
0xf1: {  	_ =	swait.ge [sflag:s5], $0x400  }
0xf2: {  	[sflag:s5] =	ssyncset.done $0x0  }
0xf3: {  	[sflag:s5] =	ssyncadd.s32 $0xFFFFFC00  }
0xf4: {  	[tilespmem:s9], [sflag:$0x1] =	stream.indirect.gather [hbm4b:s0+s8], $0x80, s4, s8, $0xb8;
	[tilespmem:$0x1F000] =	vst v63  }
0xf5: {  	_ =	swait.ge [sflag:s10], $0x3E80  }
0xf6: {  	[sflag:s10] =	ssyncset.done $0x0  }
0xf7: {  	[sflag:s10] =	ssyncadd.s32 $0xFFFFC180  }
0xf8: {  	[spmem:s3] =	stream.indirect.scatter.add.f32 [tilespmem:s9], [sflag:$0x3], $0x80, s7, s8, $0xb8;
	[tilespmem:$0x1F000] =	vst v63  }
0xf9: {  	s2 =	simm.s32 $0x80  }
0xfa: {  	[tilespmem:s12], [sflag:$0x2] =	stream.indirect.gather [hbm4b:s0+s8], $0x80, s2, s8, $0xb8;
	[tilespmem:$0x1F000] =	vst v63  }
0xfb: {  	_ =	swait.ge [sflag:s13], $0x3E80  }
0xfc: {  	[sflag:s13] =	ssyncset.done $0x0  }
0xfd: {  	[sflag:s13] =	ssyncadd.s32 $0xFFFFC180  }
0xfe: {  	[spmem:s3] =	stream.indirect.scatter.add.f32 [tilespmem:s12], [sflag:$0x4], $0x80, s14, s8, $0xb8;
	[tilespmem:$0x1F000] =	vst v63  }
0xff: {  	_ =	swait.ge [sflag:s15], $0x3E80  }
0x100: {  	[sflag:s15] =	ssyncset.done $0x0  }
0x101: {  	[sflag:s15] =	ssyncadd.s32 $0xFFFFC180  }
0x102: {  	[tilespmem:s9], [sflag:$0x1] =	stream.indirect.gather [hbm4b:s0+s8], $0x80, s16, s8, $0xb8;
	[tilespmem:$0x1F000] =	vst v63  }
0x103: {  	_ =	swait.ge [sflag:s10], $0x3E80  }
0x104: {  	[sflag:s10] =	ssyncset.done $0x0  }
0x105: {  	[sflag:s10] =	ssyncadd.s32 $0xFFFFC180  }
0x106: {  	[spmem:s3] =	stream.indirect.scatter.add.f32 [tilespmem:s9], [sflag:$0x3], $0x80, s17, s8, $0xb8;
	[tilespmem:$0x1F000] =	vst v63  }
0x107: {  	_ =	swait.ge [sflag:s18], $0x3E80  }
0x108: {  	[sflag:s18] =	ssyncset.done $0x0  }
0x109: {  	[sflag:s18] =	ssyncadd.s32 $0xFFFFC180  }
0x10a: {  	[tilespmem:s12], [sflag:$0x2] =	stream.indirect.gather [hbm4b:s0+s8], $0x80, s19, s8, $0xb8;
	[tilespmem:$0x1F000] =	vst v63  }
0x10b: {  	_ =	swait.ge [sflag:s13], $0x3E80  }
0x10c: {  	[sflag:s13] =	ssyncset.done $0x0  }
0x10d: {  	[sflag:s13] =	ssyncadd.s32 $0xFFFFC180  }
0x10e: {  	[spmem:s3] =	stream.indirect.scatter.add.f32 [tilespmem:s12], [sflag:$0x4], $0x80, s20, s8, $0xb8;
	[tilespmem:$0x1F000] =	vst v63  }
0x10f: {  	_ =	swait.ge [sflag:s15], $0x3E80  }
0x110: {  	[sflag:s15] =	ssyncset.done $0x0  }
0x111: {  	[sflag:s15] =	ssyncadd.s32 $0xFFFFC180  }
0x112: {  	[tilespmem:s9], [sflag:$0x1] =	stream.indirect.gather [hbm4b:s0+s8], $0x80, s21, s8, $0xb8;
	[tilespmem:$0x1F000] =	vst v63  }
0x113: {  	_ =	swait.ge [sflag:s10], $0x3E80  }
0x114: {  	[sflag:s10] =	ssyncset.done $0x0  }
0x115: {  	[sflag:s10] =	ssyncadd.s32 $0xFFFFC180  }
0x116: {  	[spmem:s3] =	stream.indirect.scatter.add.f32 [tilespmem:s9], [sflag:$0x3], $0x80, s22, s8, $0xb8;
	[tilespmem:$0x1F000] =	vst v63  }
0x117: {  	_ =	swait.ge [sflag:s18], $0x3E80  }
0x118: {  	[sflag:s18] =	ssyncset.done $0x0  }
0x119: {  	[sflag:s18] =	ssyncadd.s32 $0xFFFFC180  }
0x11a: {  	[tilespmem:s12], [sflag:$0x2] =	stream.indirect.gather [hbm4b:s0+s8], $0x80, s23, s8, $0xb8;
	[tilespmem:$0x1F000] =	vst v63  }
0x11b: {  	_ =	swait.ge [sflag:s13], $0x3E80  }
0x11c: {  	[sflag:s13] =	ssyncset.done $0x0  }
0x11d: {  	[sflag:s13] =	ssyncadd.s32 $0xFFFFC180  }
0x11e: {  	[spmem:s3] =	stream.indirect.scatter.add.f32 [tilespmem:s12], [sflag:$0x4], $0x80, s24, s8, $0xb8;
	[tilespmem:$0x1F000] =	vst v63  }
0x11f: {  	_ =	swait.ge [sflag:s15], $0x3E80  }
0x120: {  	[sflag:s15] =	ssyncset.done $0x0  }
0x121: {  	[sflag:s15] =	ssyncadd.s32 $0xFFFFC180  }
0x122: {  	[tilespmem:s9], [sflag:$0x1] =	stream.indirect.gather [hbm4b:s0+s8], $0x80, s26, s8, $0xb8;
	[tilespmem:$0x1F000] =	vst v63  }
0x123: {  	_ =	swait.ge [sflag:s10], $0x3E80  }
0x124: {  	[sflag:s10] =	ssyncset.done $0x0  }
0x125: {  	[sflag:s10] =	ssyncadd.s32 $0xFFFFC180  }
0x126: {  	[spmem:s3] =	stream.indirect.scatter.add.f32 [tilespmem:s9], [sflag:$0x3], $0x80, s28, s8, $0xb8;
	[tilespmem:$0x1F000] =	vst v63  }
0x127: {  	_ =	swait.ge [sflag:s18], $0x3E80  }
0x128: {  	[sflag:s18] =	ssyncset.done $0x0  }
0x129: {  	[sflag:s18] =	ssyncadd.s32 $0xFFFFC180  }
0x12a: {  	[tilespmem:s12], [sflag:$0x2] =	stream.indirect.gather [hbm4b:s0+s8], $0x80, s29, s8, $0xb8;
	[tilespmem:$0x1F000] =	vst v63  }
0x12b: {  	_ =	swait.ge [sflag:s13], $0x3E80  }
0x12c: {  	[sflag:s13] =	ssyncset.done $0x0  }
0x12d: {  	[sflag:s13] =	ssyncadd.s32 $0xFFFFC180  }
0x12e: {  	[spmem:s3] =	stream.indirect.scatter.add.f32 [tilespmem:s12], [sflag:$0x4], $0x80, s30, s8, $0xb8;
	[tilespmem:$0x1F000] =	vst v63  }
0x12f: {  	_ =	swait.ge [sflag:s15], $0x3E80  }
0x130: {  	[sflag:s15] =	ssyncset.done $0x0  }
0x131: {  	[sflag:s15] =	ssyncadd.s32 $0xFFFFC180  }
0x132: {  	_ =	swait.ge [sflag:s18], $0x3E80  }
0x133: {  	[sflag:s18] =	ssyncset.done $0x0  }
0x134: {  	[sflag:s18] =	ssyncadd.s32 $0xFFFFC180  }
0x135: {  	[bflag:$0x0] =	sbarrier.arrive $0xFFFF  }
0x136: {  	s31 =	simm.s32 $0x4800;
	s6 =	rddreg [dreg:$0x10]  }
0x137: {  	[tilespmem:s31], [sflag:$0x5] =	stream.linear.gather [spmem:s6], $0x2800, $0x38;
	[tilespmem:$0x1F000] =	vst v63  }
0x138: {  	_ =	swait.ge [sflag:s5], $0x2800  }
0x139: {  	[sflag:s5] =	ssyncset.done $0x0  }
0x13a: {  	s11 =	rddreg [dreg:$0x7];
	[sflag:s5] =	ssyncadd.s32 $0xFFFFD800  }
0x13b: {  	[hbm4b:s11+s4] =	stream.linear.scatter [tilespmem:s31], [sflag:$0x5], $0x2800, $0x38;
	[tilespmem:$0x1F000] =	vst v63  }
0x13c: {  	_ =	swait.ge [sflag:s5], $0x2800  }
0x13d: {  	[sflag:s5] =	ssyncset.done $0x0  }
0x13e: {  	s2 =	rddreg [dreg:$0x11];
	[sflag:s5] =	ssyncadd.s32 $0xFFFFD800  }
0x13f: {  	[tilespmem:s31], [sflag:$0x5] =	stream.linear.gather [spmem:s2], $0x2800, $0x38;
	[tilespmem:$0x1F000] =	vst v63  }
0x140: {  	_ =	swait.ge [sflag:s5], $0x2800  }
0x141: {  	[sflag:s5] =	ssyncset.done $0x0  }
0x142: {  	s6 =	rddreg [dreg:$0x8];
	[sflag:s5] =	ssyncadd.s32 $0xFFFFD800  }
0x143: {  	[hbm4b:s6+s4] =	stream.linear.scatter [tilespmem:s31], [sflag:$0x5], $0x2800, $0x38;
	[tilespmem:$0x1F000] =	vst v63  }
0x144: {  	_ =	swait.ge [sflag:s5], $0x2800  }
0x145: {  	[sflag:s5] =	ssyncset.done $0x0  }
0x146: {  	s11 =	rddreg [dreg:$0x12];
	[sflag:s5] =	ssyncadd.s32 $0xFFFFD800  }
0x147: {  	[tilespmem:s31], [sflag:$0x5] =	stream.linear.gather [spmem:s11], $0x2800, $0x38;
	[tilespmem:$0x1F000] =	vst v63  }
0x148: {  	_ =	swait.ge [sflag:s5], $0x2800  }
0x149: {  	[sflag:s5] =	ssyncset.done $0x0  }
0x14a: {  	s2 =	rddreg [dreg:$0x9];
	[sflag:s5] =	ssyncadd.s32 $0xFFFFD800  }
0x14b: {  	[hbm4b:s2+s4] =	stream.linear.scatter [tilespmem:s31], [sflag:$0x5], $0x2800, $0x38;
	[tilespmem:$0x1F000] =	vst v63  }
0x14c: {  	_ =	swait.ge [sflag:s5], $0x2800  }
0x14d: {  	[sflag:s5] =	ssyncset.done $0x0  }
0x14e: {  	s6 =	rddreg [dreg:$0x13];
	[sflag:s5] =	ssyncadd.s32 $0xFFFFD800  }
0x14f: {  	[tilespmem:s31], [sflag:$0x5] =	stream.linear.gather [spmem:s6], $0x2800, $0x38;
	[tilespmem:$0x1F000] =	vst v63  }
0x150: {  	_ =	swait.ge [sflag:s5], $0x2800  }
0x151: {  	[sflag:s5] =	ssyncset.done $0x0  }
0x152: {  	s11 =	rddreg [dreg:$0xa];
	[sflag:s5] =	ssyncadd.s32 $0xFFFFD800  }
0x153: {  	[hbm4b:s11+s4] =	stream.linear.scatter [tilespmem:s31], [sflag:$0x5], $0x2800, $0x38;
	[tilespmem:$0x1F000] =	vst v63  }
0x154: {  	_ =	swait.ge [sflag:s5], $0x2800  }
0x155: {  	[sflag:s5] =	ssyncset.done $0x0  }
0x156: {  	s2 =	rddreg [dreg:$0x14];
	[sflag:s5] =	ssyncadd.s32 $0xFFFFD800  }
0x157: {  	[tilespmem:s31], [sflag:$0x5] =	stream.linear.gather [spmem:s2], $0x2800, $0x38;
	[tilespmem:$0x1F000] =	vst v63  }
0x158: {  	_ =	swait.ge [sflag:s5], $0x2800  }
0x159: {  	[sflag:s5] =	ssyncset.done $0x0  }
0x15a: {  	s6 =	rddreg [dreg:$0xb];
	[sflag:s5] =	ssyncadd.s32 $0xFFFFD800  }
0x15b: {  	[hbm4b:s6+s4] =	stream.linear.scatter [tilespmem:s31], [sflag:$0x5], $0x2800, $0x38;
	[tilespmem:$0x1F000] =	vst v63  }
0x15c: {  	_ =	swait.ge [sflag:s5], $0x2800  }
0x15d: {  	[sflag:s5] =	ssyncset.done $0x0  }
0x15e: {  	s11 =	rddreg [dreg:$0x15];
	[sflag:s5] =	ssyncadd.s32 $0xFFFFD800  }
0x15f: {  	[tilespmem:s31], [sflag:$0x5] =	stream.linear.gather [spmem:s11], $0x2800, $0x38;
	[tilespmem:$0x1F000] =	vst v63  }
0x160: {  	_ =	swait.ge [sflag:s5], $0x2800  }
0x161: {  	[sflag:s5] =	ssyncset.done $0x0  }
0x162: {  	s2 =	rddreg [dreg:$0xc];
	[sflag:s5] =	ssyncadd.s32 $0xFFFFD800  }
0x163: {  	[hbm4b:s2+s4] =	stream.linear.scatter [tilespmem:s31], [sflag:$0x5], $0x2800, $0x38;
	[tilespmem:$0x1F000] =	vst v63  }
0x164: {  	_ =	swait.ge [sflag:s5], $0x2800  }
0x165: {  	[sflag:s5] =	ssyncset.done $0x0  }
0x166: {  	s6 =	rddreg [dreg:$0x16];
	[sflag:s5] =	ssyncadd.s32 $0xFFFFD800  }
0x167: {  	[tilespmem:s31], [sflag:$0x5] =	stream.linear.gather [spmem:s6], $0x2800, $0x38;
	[tilespmem:$0x1F000] =	vst v63  }
0x168: {  	_ =	swait.ge [sflag:s5], $0x2800  }
0x169: {  	[sflag:s5] =	ssyncset.done $0x0  }
0x16a: {  	s11 =	rddreg [dreg:$0xd];
	[sflag:s5] =	ssyncadd.s32 $0xFFFFD800  }
0x16b: {  	[hbm4b:s11+s4] =	stream.linear.scatter [tilespmem:s31], [sflag:$0x5], $0x2800, $0x38;
	[tilespmem:$0x1F000] =	vst v63  }
0x16c: {  	_ =	swait.ge [sflag:s5], $0x2800  }
0x16d: {  	[sflag:s5] =	ssyncset.done $0x0  }
0x16e: {  	s1 =	simm.s32 @!p0 $0x4800;
	s2 =	rddreg [dreg:$0x17];
	[sflag:s5] =	ssyncadd.s32 $0xFFFFD800  }
0x16f: {  	[tilespmem:s1], [sflag:$0x5] =	stream.linear.gather @!p0 [spmem:s2], $0x2800, $0x38;
	[tilespmem:$0x1F000] =	vst v63  }
0x170: {  	s2 =	simm.s32 @!p0 $0x5  }
0x171: {  	_ =	swait.ge @!p0 [sflag:s2], $0x2800  }
0x172: {  	[sflag:s2] =	ssyncset.done @!p0 $0x0  }
0x173: {  	s6 =	simm.s32 @!p0 $0x0;
	s11 =	rddreg [dreg:$0xe];
	[sflag:s2] =	ssyncadd.s32 @!p0 $0xFFFFD800  }
0x174: {  	[hbm4b:s11+s6] =	stream.linear.scatter @!p0 [tilespmem:s1], [sflag:$0x5], $0x2800, $0x38;
	[tilespmem:$0x1F000] =	vst v63  }
0x175: {  	_ =	swait.ge @!p0 [sflag:s2], $0x2800  }
0x176: {  	s1 =	rddreg [dreg:$0x1f]  }
0x177: {  	s11 =	rddreg [dreg:$0x18];
	s6 =	sadd.s32 $0x1, s1  }
0x178: {  	p1 =	sne.s32 s6, s11  }
.Ltmp1:
0x179: {  	_ = 	snop;
	(pc) =	sbr.rel @p1 .LBB2_1-.Ltmp1, $3  }
0x17a: {  	_ =	sdelay $0x1  }
0x17b: {  	[sflag:s2] =	ssyncset.done @!p0 $0x0  }
0x17c: {  	[sflag:s2] =	ssyncadd.s32 @!p0 $0xFFFFD800  }
0x17d: {  	_ =	sfence.sel $0x180000  }
0x17e: {  	[bflag:$0x0] =	sbarrier.arrive $0xFFFF  }
0x17f: {  	_ =	strace $0x90000050  }
0x180: {  	s0 =	stileid.u32;
	[bflag:$0x2] =	sbarrier.arrive $0xFFFF  }
0x181: {  	p0 =	sne.s32 s0, $0x0;
	s0 =	rddreg [dreg:$0x3]  }
0x182: {  	s0 =	sadd.s32 @!p0 $0x100000, s0  }
0x183: {  	[sflag:s0] =	ssyncadd.tile.s32 @!p0 $0x1;
	_ =	shalt  }
.Lfunc_end2:
_tile_overlayer_lowered:
.L_overlay_start_2:
0x184: {  	(tag) =	ssettag $0x2  }
0x185: {  	s0 =	rddreg [dreg:$0x0];
	s2 =	stileid.u32  }
0x186: {  	s1 =	rddreg [dreg:$0x1];
	p0 =	sne.s32 s2, $0x0  }
0x187: {  	s3 =	rddreg [dreg:$0x2];
	[bflag:$0x3] =	sbarrier.arrive $0xFFFF;
	s2 =	simm.s32 @!p0 $0x1C05  }
0x188: {  	[timem:s3], [sflag:s2] =	dma.local @!p0 [hbm:s0], s1  }
0x189: {  	s0 =	simm.s32 @!p0 $0x5  }
0x18a: {  	_ =	swait.ge @!p0 [sflag:s0], s1  }
0x18b: {  	s1 =	ssub.s32 @!p0 $0x0, s1;
	[sflag:s0] =	ssyncset.done @!p0 $0x0  }
0x18c: {  	[sflag:s0] =	ssyncadd.s32 @!p0 s1  }
0x18d: {  	[bflag:$0x3] =	sbarrier.arrive $0xFFFF  }
0x18e: {  	_ =	shalt  }

// kernel: kernel.9.cloned.1.call-start
scs
__scs_entry_jumppad:
0x0: {  	(pc) =	sbr.rel $0x88, $3  }
0x1: {  	(tag) =	ssettag $0x0;
	lr =	simm.s32 $0x1  }
0x2: {  	[smem:$0x3F9C] =	sst lr;
	_ =	strace $0xD0000000  }
0x3: {  	_ = 	snop  }
0x4: {  	_ = 	snop  }
0x5: {  	_ = 	snop  }
0x6: {  	_ = 	snop  }
0x7: {  	_ = 	snop  }
__scs_overlays_trampoline_lowered:
0x8: {  	[smem:$0x3FAB] =	sst s0  }
0x9: {  	[smem:$0x3FAC] =	sst s1  }
0xa: {  	[smem:$0x3FAD] =	sst s2  }
0xb: {  	[smem:$0x3FAE] =	sst s3  }
0xc: {  	[smem:$0x3FAF] =	sst s4  }
0xd: {  	[smem:$0x3FB0] =	sst s5  }
0xe: {  	[smem:$0x3FB1] =	sst s6  }
0xf: {  	[smem:$0x3FB2] =	sst s7  }
0x10: {  	[smem:$0x3FB3] =	sst s8  }
0x11: {  	[smem:$0x3FB4] =	sst s9;
	s0 =	simm.s32 @!p0 $0x0  }
0x12: {  	s1 =	sld [smem:$0x3F9A];
	s0 =	simm.s32 @p0 $0x1  }
0x13: {  	[smem:$0x3FB5] =	sst s0;
	s0 =	simm.s32 @!p1 $0x0  }
0x14: {  	s2 =	sld [smem:$0x3F99];
	s0 =	simm.s32 @p1 $0x1  }
0x15: {  	[smem:$0x3FB6] =	sst s0;
	s0 =	simm.s32 @!p2 $0x0  }
0x16: {  	s3 =	sld [smem:$0x3FDB];
	s0 =	simm.s32 @p2 $0x1  }
0x17: {  	s4 =	simm.s32 $0x1BF5;
	[smem:$0x3FB8] =	sst s0  }
0x18: {  	s0 =	sld [smem:$0x3F9B];
	_ =	swait.ge [sflag:s4], $0x0  }
0x19: {  	s7 =	sld [smem:$0x3F9C]  }
0x1a: {  	s8 =	sadd.s32 $0xFFFFE003, lr  }
0x1b: {  	s9 =	sadd.s32 $0xFFFFFEF7, lr;
	s5 =	simm.s32 $0xFFFFFFFF;
	p2 =	slt.u32 s8, $0xFFFFF086  }
0x1c: {  	p1 =	slt.u32 s9, $0xF7A;
	s5 =	simm.s32 @!p2 $0x0  }
0x1d: {  	s5 =	simm.s32 @p1 $0x1;
	p0 =	seq.s32 s7, s2  }
0x1e: {  	s7 =	smul.u32 @!p0 $0xF7A, s2;
	p2 =	seq.s32 @!p0 s5, $0x0  }
0x1f: {  	s9 =	smul.u32 $0xF7A, s1;
	s8 =	simm.s32 @!p0 $0x1BF5;
	p2 =	por !p2, p0  }
0x20: {  	[sflag:s8] =	ssyncset.s32 @!p0 $0xFFFFF086;
	s6 =	sadd.s32 @!p0 s3, s7;
	s7 =	simm.s32 @!p0 $0x108  }
0x21: {  	s3 =	sadd.s32 s3, s9;
	s6 =	sadd.s32 @!p0 $0x88, s6;
	s7 =	simm.s32 @p2 $0x1082  }
0x22: {  	[simem:s7], [sflag:s8] =	dma.local @!p0 [hbm:s6], $0xF7A  }
0x23: {  	s9 =	sor.u32 $0xD0000000, s2;
	s6 =	simm.s32 $0x108;
	_ =	swait.ge @!p0 [sflag:s8], $0x0  }
0x24: {  	s3 =	sadd.s32 $0x88, s3;
	s6 =	simm.s32 @!p1 $0x1082;
	[sflag:s4] =	ssyncset.s32 $0xFFFFF086  }
0x25: {  	[simem:s6], [sflag:s4] =	dma.local [hbm:s3], $0xF7A  }
0x26: {  	[smem:$0x3F9C] =	sst s1;
	(tag) =	ssettag s2;
	_ =	strace s9  }
0x27: {  	s1 =	sld [smem:$0x3FAC]  }
0x28: {  	s2 =	sld [smem:$0x3FAD]  }
0x29: {  	s4 =	sld [smem:$0x3FAF]  }
0x2a: {  	p0 =	seq.s32 s5, $0x0;
	s5 =	sld [smem:$0x3FB0]  }
0x2b: {  	s6 =	sld [smem:$0x3FB1]  }
0x2c: {  	s7 =	sld [smem:$0x3FB2]  }
0x2d: {  	s3 =	simm.s32 $0x108;
	s8 =	sld [smem:$0x3FB3]  }
0x2e: {  	s3 =	simm.s32 @!p0 $0x1082;
	s9 =	sld [smem:$0x3FB4]  }
0x2f: {  	lr =	sadd.s32 s0, s3;
	s0 =	sld [smem:$0x3FAB]  }
0x30: {  	s3 =	sld [smem:$0x3FAE]  }
0x31: {  	[smem:$0x3FB7] =	sst s10  }
0x32: {  	s10 =	sld [smem:$0x3FB5];
	_ =	sdelay $0x3  }
0x33: {  	p0 =	seq.s32 s10, $0x1;
	s10 =	sld [smem:$0x3FB7];
	_ =	sdelay $0x3  }
0x34: {  	[smem:$0x3FB7] =	sst s10  }
0x35: {  	s10 =	sld [smem:$0x3FB6];
	_ =	sdelay $0x3  }
0x36: {  	p1 =	seq.s32 s10, $0x1;
	s10 =	sld [smem:$0x3FB7];
	_ =	sdelay $0x3  }
0x37: {  	[smem:$0x3FB7] =	sst s10  }
0x38: {  	s10 =	sld [smem:$0x3FB8]  }
0x39: {  	_ = 	snop;
	(pc) =	sbr.ind lr, $3  }
0x3a: {  	_ = 	snop  }
0x3b: {  	_ = 	snop  }
0x3c: {  	p2 =	seq.s32 s10, $0x1;
	s10 =	sld [smem:$0x3FB7]  }
0x3d: {  	_ =	shalt  }
0x3e: {  	_ =	shalt  }
0x3f: {  	_ =	shalt  }
0x40: {  	_ =	shalt  }
0x41: {  	_ =	shalt  }
0x42: {  	_ =	shalt  }
0x43: {  	_ =	shalt  }
0x44: {  	_ =	shalt  }
0x45: {  	_ =	shalt  }
0x46: {  	_ =	shalt  }
0x47: {  	_ =	shalt  }
0x48: {  	_ =	shalt  }
0x49: {  	_ =	shalt  }
0x4a: {  	_ =	shalt  }
0x4b: {  	_ =	shalt  }
0x4c: {  	_ =	shalt  }
0x4d: {  	_ =	shalt  }
0x4e: {  	_ =	shalt  }
0x4f: {  	_ =	shalt  }
0x50: {  	_ =	shalt  }
0x51: {  	_ =	shalt  }
0x52: {  	_ =	shalt  }
0x53: {  	_ =	shalt  }
0x54: {  	_ =	shalt  }
0x55: {  	_ =	shalt  }
0x56: {  	_ =	shalt  }
0x57: {  	_ =	shalt  }
0x58: {  	_ =	shalt  }
0x59: {  	_ =	shalt  }
0x5a: {  	_ =	shalt  }
0x5b: {  	_ =	shalt  }
0x5c: {  	_ =	shalt  }
0x5d: {  	_ =	shalt  }
0x5e: {  	_ =	shalt  }
0x5f: {  	_ =	shalt  }
0x60: {  	_ =	shalt  }
0x61: {  	_ =	shalt  }
0x62: {  	_ =	shalt  }
0x63: {  	_ =	shalt  }
0x64: {  	_ =	shalt  }
0x65: {  	_ =	shalt  }
0x66: {  	_ =	shalt  }
0x67: {  	_ =	shalt  }
0x68: {  	_ =	shalt  }
0x69: {  	_ =	shalt  }
0x6a: {  	_ =	shalt  }
0x6b: {  	_ =	shalt  }
0x6c: {  	_ =	shalt  }
0x6d: {  	_ =	shalt  }
0x6e: {  	_ =	shalt  }
0x6f: {  	_ =	shalt  }
0x70: {  	_ =	shalt  }
0x71: {  	_ =	shalt  }
0x72: {  	_ =	shalt  }
0x73: {  	_ =	shalt  }
0x74: {  	_ =	shalt  }
0x75: {  	_ =	shalt  }
0x76: {  	_ =	shalt  }
0x77: {  	_ =	shalt  }
0x78: {  	_ =	shalt  }
0x79: {  	_ =	shalt  }
0x7a: {  	_ =	shalt  }
0x7b: {  	_ =	shalt  }
0x7c: {  	_ =	shalt  }
0x7d: {  	_ =	shalt  }
0x7e: {  	_ =	shalt  }
0x7f: {  	_ =	shalt  }
0x80: {  	_ =	shalt  }
0x81: {  	_ =	shalt  }
0x82: {  	_ =	shalt  }
0x83: {  	_ =	shalt  }
0x84: {  	_ =	shalt  }
0x85: {  	_ =	shalt  }
0x86: {  	_ =	shalt  }
0x87: {  	_ =	shalt  }
.Lfunc_end0:
.L_simem_size_0:
called_computation_lowered:
.L_overlay_start_0:
0x88: {  	s2 =	sld [smem:$0x3FD9]  }
0x89: {  	s3 =	sld [smem:$0x3FFE];
	_ =	sdelay $0x1  }
0x8a: {  	s1 =	srdreg.scid  }
0x8b: {  	s0 =	sand.u32 $0x1, s1  }
0x8c: {  	s17 =	sshll.u32 s0, $0xA;
	s2 =	sadd.s32 s3, s2  }
0x8d: {  	s2 =	sadd.s32 s2, s17  }
0x8e: {  	[smem:$0x3FC3] =	sst s2  }
0x8f: {  	_ = 	snop  }
0x90: {  	s18 =	sld [smem:$0x3FD0];
	(tm) =	ssettm $0x1  }
0x91: {  	s19 =	sld [smem:$0x3FFB];
	_ =	sdelay $0x3  }
0x92: {  	_ =	strace s19  }
0x93: {  	s2 =	sld [smem:$0x3FFC];
	_ =	sdelay $0x3  }
0x94: {  	_ =	strace s2  }
0x95: {  	s2 =	sld [smem:$0x3FFD];
	_ =	sdelay $0x3  }
0x96: {  	_ =	strace s2  }
0x97: {  	_ =	strace $0x8FFFFFFF  }
0x98: {  	s20 =	sld [smem:$0x3FDB];
	_ =	sdelay $0x1  }
0x99: {  	s4 =	simm.s32 $_scs_section_size  }
0x9a: {  	s5 =	simm.s32 $_size__tile_overlayer_lowered;
	s6 =	simm.s32 $_tile_overlayer_lowered  }
0x9b: {  	s7 =	simm.s32 $0x1BFF;
	s21 =	sshll.u32 s6, $0x1;
	s4 =	sadd.s32 s4, s20  }
0x9c: {  	s22 =	simm.s32 $0x0;
	s5 =	sshll.u32 s5, $0x1;
	s6 =	sadd.s32 s21, s4  }
0x9d: {  	[timem:s22], [sflag:s7] =	dma.local [hbm:s6], s5  }
0x9e: {  	_ =	swait.ge [sflag:s7], s5  }
0x9f: {  	s5 =	ssub.s32 $0x0, s5;
	[sflag:s7] =	ssyncset.done $0x0  }
0xa0: {  	[sflag:s7] =	ssyncadd.s32 s5;
	_ =	sdelay $0x1  }
0xa1: {  	s23 =	simm.s32 $0x1B8B  }
0xa2: {  	_ =	swait.ge [sflag:s23], $0x1  }
0xa3: {  	[sflag:s23] =	ssyncset.done $0x0  }
0xa4: {  	[sflag:s23] =	ssyncadd.s32 $0xFFFFFFFF  }
0xa5: {  	s5 =	sld [smem:$0x0]  }
0xa6: {  	s6 =	sand.u32 $0xFFFFFFFE, s1  }
0xa7: {  	p0 =	sne.s32 s1, s6  }
0xa8: {  	s6 =	sshll.u32 @p0 s6, $0xE  }
0xa9: {  	s6 =	sadd.s32 @p0 $0x11B8D, s6;
	s7 =	sshll.u32 @p0 s5, $0x11  }
0xaa: {  	s6 =	sor.u32 @p0 s7, s6  }
0xab: {  	[sflag:s6] =	ssyncadd.remote.s32 @p0 $0x1;
	_ =	sdelay $0x1  }
0xac: {  	s6 =	simm.s32 @p0 $0x1B8D  }
0xad: {  	_ =	swait.eq @p0 [sflag:s6], $0x1  }
0xae: {  	[sflag:s6] =	ssyncadd.s32 @p0 $0xFFFFFFFF  }
0xaf: {  	s7 =	sshll.u32 @!p0 s1, $0xE  }
0xb0: {  	s7 =	sor.u32 @!p0 $0x4000, s7;
	s6 =	simm.s32 @!p0 $0x1B8D  }
0xb1: {  	s5 =	sshll.u32 @!p0 s5, $0x11;
	s7 =	sadd.s32 @!p0 $0x11B8D, s7;
	_ =	swait.eq @!p0 [sflag:s6], $0x1  }
0xb2: {  	s5 =	sor.u32 @!p0 s5, s7;
	[sflag:s6] =	ssyncadd.s32 @!p0 $0xFFFFFFFF  }
0xb3: {  	s25 =	simm.s32 $0x1B8E;
	s24 =	sld [smem:$0x3FFE];
	[sflag:s5] =	ssyncadd.remote.s32 @!p0 $0x1  }
0xb4: {  	s26 =	simm.s32 $execute0_lowered;
	[smem:$0x3FD2] =	sst s25  }
0xb5: {  	s6 =	sshll.u32 s26, $0x1;
	_ =	strace $0x80000049;
	[dreg:$0x1] =	wrdreg $0xFFFFFFFF  }
0xb6: {  	s28 =	simm.s32 $_size_execute0_lowered;
	s4 =	sadd.s32 s4, s6;
	[dreg:$0x0] =	wrdreg $0x0  }
0xb7: {  	s6 =	sshll.u32 s28, $0x1;
	[dreg:$0x2] =	wrdreg s4  }
0xb8: {  	[dreg:$0x3] =	wrdreg s6  }
0xb9: {  	[dreg:$0x4] =	wrdreg $0xC0  }
0xba: {  	_ =	task [dreg:s22], $0x5FFFF  }
0xbb: {  	[dreg:$0x1] =	wrdreg $0xFFFFFFFF  }
0xbc: {  	[dreg:$0x0] =	wrdreg $0x60  }
0xbd: {  	[dreg:$0x2] =	wrdreg s24  }
0xbe: {  	[dreg:$0x3] =	wrdreg s18  }
0xbf: {  	[dreg:$0x4] =	wrdreg $0x6C000  }
0xc0: {  	[dreg:$0x5] =	wrdreg $0x9  }
0xc1: {  	_ =	task.clear_ibuf [dreg:s22], $0x6FFFF;
	_ =	strace $0x90000049  }
0xc2: {  	s29 =	simm.s32 $0x9;
	_ =	strace $0x8000004B  }
0xc3: {  	_ =	swait.ge [sflag:s29], $0x1  }
0xc4: {  	[sflag:s29] =	ssyncadd.s32 $0xFFFFFFFF  }
0xc5: {  	_ =	strace $0x9000004B  }
0xc6: {  	_ =	sfence  }
0xc7: {  	s30 =	sld [smem:$0x0];
	_ =	sdelay $0x2  }
0xc8: {  	s31 =	sshll.u32 s1, $0xD;
	s1 =	sshrl.u32 s1, $0x2  }
0xc9: {  	s4 =	sand.u32 $0x4000, s31;
	s1 =	sadd.s32 s1, s30  }
0xca: {  	s0 =	sor.u32 s4, s0;
	s1 =	sshll.u32 s1, $0x11  }
0xcb: {  	s0 =	sor.u32 s1, s0  }
0xcc: {  	s0 =	sadd.s32 $0x8F2B, s0  }
0xcd: {  	[sflag:s0] =	ssyncadd.remote.s32 $0x1  }
0xce: {  	_ =	sfence.sel $0xFFFF  }
0xcf: {  	[dreg:$0x0] =	wrdreg $0xFFFFFFFF;
	(pc) =	sbr.abs _section_cstart, $3  }
0xd0: {  	[dreg:$0x1] =	wrdreg $0xFFFFFFFF  }
0xd1: {  	_ =	task.clear_ibuf [dreg:s22], $0x2FFFF;
	_ =	strace $0x9FFFFFFF  }
0xd2: {  	(tm) =	ssettm $0x7FFFFFFF  }
0xd3: {  	_ =	shalt  }
tec
execute0_lowered:
.L_overlay_start_1:
0x0: {  	(tag) =	ssettag $0x1  }
0x1: {  	s26 =	stileid.u32  }
0x2: {  	s1 =	srdreg.scid;
	s5 =	smul.u32 $0x50000, s26  }
0x3: {  	s1 =	sand.u32 $0x1, s1;
	s7 =	smul.u32 $0x50, s26  }
0x4: {  	s3 =	smul.u32 $0x5000, s1  }
0x5: {  	s8 =	sor.u32 $0x10, s26;
	s6 =	smul.u32 $0x2710, s1  }
0x6: {  	s0 =	rddreg [dreg:$0x0];
	s11 =	sor.u32 $0x20, s26;
	s10 =	smul.u32 $0x50, s8  }
0x7: {  	s2 =	rddreg [dreg:$0x2];
	s13 =	sor.u32 $0x30, s26;
	s12 =	smul.u32 $0x50, s11  }
0x8: {  	s4 =	simm.s32 $0x0;
	s16 =	sor.u32 $0x40, s26;
	s15 =	smul.u32 $0x50, s13  }
0x9: {  	[smem:$0x7FF] =	sst s4;
	s17 =	sor.u32 $0x50, s26;
	s24 =	smul.u32 $0x50, s16  }
0xa: {  	s9 =	sadd.s32 $0x65000, s0;
	s19 =	sor.u32 $0x60, s26;
	s18 =	smul.u32 $0x50, s17  }
0xb: {  	s21 =	sor.u32 $0x70, s26;
	p0 =	sgt.u32 s26, $0xC;
	s20 =	smul.u32 $0x50, s19  }
0xc: {  	_ =	strace $0x8000004A;
	s1 =	ssub.s32 $0x2, s1;
	s22 =	smul.u32 $0x50, s21  }
0xd: {  	s8 =	smul.u32 $0xA000, s8;
	s14 =	sshrl.u32 s1, $0x1;
	s5 =	sshrl.u32 s5, $0x2  }
0xe: {  	s3 =	sadd.s32 s3, s0;
	s1 =	ssub.s32 s1, s14;
	s7 =	sadd.s32 s7, s6  }
0xf: {  	s10 =	sadd.s32 s6, s10;
	s12 =	sadd.s32 s6, s12;
	s15 =	sadd.s32 s6, s15  }
0x10: {  	s14 =	sadd.s32 s6, s24;
	s18 =	sadd.s32 s6, s18;
	s20 =	sadd.s32 s6, s20  }
0x11: {  	s6 =	sadd.s32 s6, s22;
	s22 =	smul.u32 $0xA000, s26;
	s0 =	sadd.s32 $0x16800, s0  }
0x12: {  	s7 =	sshll.u32 s7, $0x4;
	s25 =	sshll.u32 s10, $0x4;
	s10 =	sshll.u32 s12, $0x4  }
0x13: {  	s12 =	sshll.u32 s15, $0x4;
	s15 =	sshll.u32 s14, $0x4;
	s24 =	sshll.u32 s18, $0x4  }
0x14: {  	s6 =	sshll.u32 s6, $0x4;
	[dreg:$0xc] =	wrdreg s0;
	s14 =	sadd.s32 s5, s2  }
0x15: {  	s18 =	smul.u32 $0xA000, s17;
	s7 =	sadd.s32 s9, s7;
	s23 =	sadd.s32 s9, s15  }
0x16: {  	s6 =	sadd.s32 s9, s6;
	s15 =	smul.u32 $0xA000, s16;
	s16 =	sshrl.u32 s8, $0x2  }
0x17: {  	s28 =	sadd.s32 $0x7800, s14;
	s29 =	sadd.s32 $0xA000, s14;
	s30 =	sadd.s32 $0xC800, s14  }
0x18: {  	s31 =	sadd.s32 $0xF000, s14;
	s8 =	simm.s32 $0x100;
	[dreg:$0x4] =	wrdreg s7  }
0x19: {  	s7 =	sadd.s32 s9, s25;
	[dreg:$0x8] =	wrdreg s23;
	s25 =	sshll.u32 s20, $0x4  }
0x1a: {  	[dreg:$0xb] =	wrdreg s6;
	s6 =	sadd.s32 s16, s2;
	s20 =	smul.u32 $0xA000, s19  }
0x1b: {  	s23 =	smul.u32 $0xA000, s21;
	s16 =	simm.s32 $0x0;
	[dreg:$0x5] =	wrdreg s7  }
0x1c: {  	s7 =	sadd.s32 s9, s10;
	s10 =	smul.u32 $0xA000, s11;
	[dreg:$0xf] =	wrdreg s6  }
0x1d: {  	s11 =	sshrl.u32 s22, $0x2;
	[dreg:$0x6] =	wrdreg s7;
	s7 =	sadd.s32 s9, s12  }
0x1e: {  	s12 =	smul.u32 $0xA000, s13;
	s13 =	sadd.s32 $0x2800, s14;
	[dreg:$0x7] =	wrdreg s7  }
0x1f: {  	s5 =	sadd.s32 s11, s2;
	s11 =	simm.s32 $0x280;
	[dreg:$0xd] =	wrdreg s13  }
0x20: {  	s7 =	sadd.s32 s9, s24;
	[dreg:$0xe] =	wrdreg s5;
	s0 =	sshrl.u32 s10, $0x2  }
0x21: {  	s5 =	sshrl.u32 s15, $0x2;
	s24 =	sshrl.u32 s18, $0x2;
	s10 =	simm.s32 $0x200  }
0x22: {  	s13 =	simm.s32 $0x380;
	s15 =	simm.s32 $0x1;
	[dreg:$0x9] =	wrdreg s7  }
0x23: {  	s7 =	sadd.s32 s9, s25;
	s9 =	smul.u32 $0x500, s26;
	s0 =	sadd.s32 s0, s2  }
0x24: {  	s22 =	sshrl.u32 s12, $0x2;
	s5 =	sadd.s32 s5, s2;
	s21 =	sadd.s32 s24, s2  }
0x25: {  	s25 =	sshrl.u32 s23, $0x2;
	s24 =	smax.u32 s1, $0x1;
	[dreg:$0xa] =	wrdreg s7  }
0x26: {  	s26 =	sadd.s32 $0x5000, s14;
	s1 =	simm.s32 $0x2;
	[dreg:$0x10] =	wrdreg s0  }
0x27: {  	s12 =	simm.s32 $0x300;
	s6 =	sadd.s32 s22, s2;
	[dreg:$0x12] =	wrdreg s5  }
0x28: {  	s0 =	sshrl.u32 s20, $0x2;
	s23 =	sadd.s32 s25, s2;
	s5 =	simm.s32 $0x400  }
0x29: {  	s7 =	simm.s32 $0x80;
	s3 =	sadd.s32 s9, s3;
	[dreg:$0x11] =	wrdreg s6  }
0x2a: {  	s22 =	sadd.s32 s0, s2;
	s0 =	sadd.s32 $0x11800, s14;
	s6 =	simm.s32 $0x7D  }
0x2b: {  	s9 =	simm.s32 $0x180;
	s25 =	sadd.s32 $0x2800, s3;
	s3 =	simm.s32 $0x4400  }
.LBB2_1:
0x2c: {  	s17 =	rddreg [dreg:$0xc]  }
0x2d: {  	[tilespmem:s3], [sflag:$0x2] =	stream.linear.gather [hbm4b:s17+s4], $0x2800, $0x38;
	[tilespmem:$0x1AC00] =	vst v63  }
0x2e: {  	_ =	swait.ge [sflag:s1], $0x2800  }
0x2f: {  	[sflag:s1] =	ssyncset.done $0x0  }
0x30: {  	[sflag:s1] =	ssyncadd.s32 $0xFFFFD800  }
0x31: {  	[spmem:s14] =	stream.linear.scatter [tilespmem:s3], [sflag:$0x2], $0x2800, $0x38;
	[tilespmem:$0x1AC00] =	vst v63  }
0x32: {  	_ =	swait.ge [sflag:s1], $0x2800  }
0x33: {  	[sflag:s1] =	ssyncset.done $0x0  }
0x34: {  	s18 =	rddreg [dreg:$0xd];
	[sflag:s1] =	ssyncadd.s32 $0xFFFFD800  }
0x35: {  	[spmem:s18] =	stream.linear.scatter [tilespmem:s3], [sflag:$0x2], $0x2800, $0x38;
	[tilespmem:$0x1AC00] =	vst v63  }
0x36: {  	_ =	swait.ge [sflag:s1], $0x2800  }
0x37: {  	[sflag:s1] =	ssyncset.done $0x0  }
0x38: {  	[sflag:s1] =	ssyncadd.s32 $0xFFFFD800  }
0x39: {  	[spmem:s26] =	stream.linear.scatter [tilespmem:s3], [sflag:$0x2], $0x2800, $0x38;
	[tilespmem:$0x1AC00] =	vst v63  }
0x3a: {  	_ =	swait.ge [sflag:s1], $0x2800  }
0x3b: {  	[sflag:s1] =	ssyncset.done $0x0  }
0x3c: {  	[sflag:s1] =	ssyncadd.s32 $0xFFFFD800  }
0x3d: {  	[spmem:s28] =	stream.linear.scatter [tilespmem:s3], [sflag:$0x2], $0x2800, $0x38;
	[tilespmem:$0x1AC00] =	vst v63  }
0x3e: {  	_ =	swait.ge [sflag:s1], $0x2800  }
0x3f: {  	[sflag:s1] =	ssyncset.done $0x0  }
0x40: {  	[sflag:s1] =	ssyncadd.s32 $0xFFFFD800  }
0x41: {  	[spmem:s29] =	stream.linear.scatter [tilespmem:s3], [sflag:$0x2], $0x2800, $0x38;
	[tilespmem:$0x1AC00] =	vst v63  }
0x42: {  	_ =	swait.ge [sflag:s1], $0x2800  }
0x43: {  	[sflag:s1] =	ssyncset.done $0x0  }
0x44: {  	[sflag:s1] =	ssyncadd.s32 $0xFFFFD800  }
0x45: {  	[spmem:s30] =	stream.linear.scatter [tilespmem:s3], [sflag:$0x2], $0x2800, $0x38;
	[tilespmem:$0x1AC00] =	vst v63  }
0x46: {  	_ =	swait.ge [sflag:s1], $0x2800  }
0x47: {  	[sflag:s1] =	ssyncset.done $0x0  }
0x48: {  	[sflag:s1] =	ssyncadd.s32 $0xFFFFD800  }
0x49: {  	[spmem:s31] =	stream.linear.scatter [tilespmem:s3], [sflag:$0x2], $0x2800, $0x38;
	[tilespmem:$0x1AC00] =	vst v63  }
0x4a: {  	_ =	swait.ge [sflag:s1], $0x2800  }
0x4b: {  	[sflag:s1] =	ssyncset.done $0x0  }
0x4c: {  	[sflag:s1] =	ssyncadd.s32 $0xFFFFD800  }
0x4d: {  	[spmem:s0] =	stream.linear.scatter [tilespmem:s3], [sflag:$0x2], $0x2800, $0x38;
	[tilespmem:$0x1AC00] =	vst v63  }
0x4e: {  	_ =	swait.ge [sflag:s1], $0x2800  }
0x4f: {  	[sflag:s1] =	ssyncset.done $0x0  }
0x50: {  	[sflag:s1] =	ssyncadd.s32 $0xFFFFD800  }
0x51: {  	s19 =	rddreg [dreg:$0x1]  }
0x52: {  	[tilespmem:s5], [sflag:$0x2] =	stream.linear.gather [hbm4b:s19+s4], $0x3E80, $0x38;
	[tilespmem:$0x1AC00] =	vst v63  }
0x53: {  	_ =	swait.ge [sflag:s1], $0x3E80  }
0x54: {  	[sflag:s1] =	ssyncset.done $0x0  }
0x55: {  	[sflag:s1] =	ssyncadd.s32 $0xFFFFC180  }
0x56: {  	s20 =	sadd.s32 $0x0, s25;
	[bflag:$0x0] =	sbarrier.arrive $0xFFFF  }
0x57: {  	[tilespmem:s4], [sflag:$0x2] =	stream.linear.gather [hbm4b:s20+s4], $0x400, $0x38;
	[tilespmem:$0x1AC00] =	vst v63  }
0x58: {  	_ =	swait.ge [sflag:s1], $0x400  }
0x59: {  	[sflag:s1] =	ssyncset.done $0x0  }
0x5a: {  	[sflag:s1] =	ssyncadd.s32 $0xFFFFFC00  }
0x5b: {  	[spmem:s2] =	stream.indirect.scatter.add.f32 [tilespmem:s5], [sflag:$0x1], $0x80, s4, s6, $0xb8;
	[tilespmem:$0x1AC00] =	vst v63  }
0x5c: {  	_ = 	snop  }
0x5d: {  	[spmem:s2] =	stream.indirect.scatter.add.f32 [tilespmem:s5], [sflag:$0x1], $0x80, s7, s6, $0xb8;
	[tilespmem:$0x1AC00] =	vst v63  }
0x5e: {  	_ = 	snop  }
0x5f: {  	[spmem:s2] =	stream.indirect.scatter.add.f32 [tilespmem:s5], [sflag:$0x1], $0x80, s8, s6, $0xb8;
	[tilespmem:$0x1AC00] =	vst v63  }
0x60: {  	_ = 	snop  }
0x61: {  	[spmem:s2] =	stream.indirect.scatter.add.f32 [tilespmem:s5], [sflag:$0x1], $0x80, s9, s6, $0xb8;
	[tilespmem:$0x1AC00] =	vst v63  }
0x62: {  	_ = 	snop  }
0x63: {  	[spmem:s2] =	stream.indirect.scatter.add.f32 [tilespmem:s5], [sflag:$0x1], $0x80, s10, s6, $0xb8;
	[tilespmem:$0x1AC00] =	vst v63  }
0x64: {  	_ = 	snop  }
0x65: {  	[spmem:s2] =	stream.indirect.scatter.add.f32 [tilespmem:s5], [sflag:$0x1], $0x80, s11, s6, $0xb8;
	[tilespmem:$0x1AC00] =	vst v63  }
0x66: {  	_ = 	snop  }
0x67: {  	[spmem:s2] =	stream.indirect.scatter.add.f32 [tilespmem:s5], [sflag:$0x1], $0x80, s12, s6, $0xb8;
	[tilespmem:$0x1AC00] =	vst v63  }
0x68: {  	_ = 	snop  }
0x69: {  	[spmem:s2] =	stream.indirect.scatter.add.f32 [tilespmem:s5], [sflag:$0x1], $0x80, s13, s6, $0xb8;
	[tilespmem:$0x1AC00] =	vst v63  }
0x6a: {  	_ =	swait.ge [sflag:s15], $0x3E80  }
0x6b: {  	[sflag:s15] =	ssyncset.done $0x0  }
0x6c: {  	[sflag:s15] =	ssyncadd.s32 $0xFFFFC180  }
0x6d: {  	_ =	swait.ge [sflag:s15], $0x3E80  }
0x6e: {  	[sflag:s15] =	ssyncset.done $0x0  }
0x6f: {  	[sflag:s15] =	ssyncadd.s32 $0xFFFFC180  }
0x70: {  	_ =	swait.ge [sflag:s15], $0x3E80  }
0x71: {  	[sflag:s15] =	ssyncset.done $0x0  }
0x72: {  	[sflag:s15] =	ssyncadd.s32 $0xFFFFC180  }
0x73: {  	_ =	swait.ge [sflag:s15], $0x3E80  }
0x74: {  	[sflag:s15] =	ssyncset.done $0x0  }
0x75: {  	[sflag:s15] =	ssyncadd.s32 $0xFFFFC180  }
0x76: {  	_ =	swait.ge [sflag:s15], $0x3E80  }
0x77: {  	[sflag:s15] =	ssyncset.done $0x0  }
0x78: {  	[sflag:s15] =	ssyncadd.s32 $0xFFFFC180  }
0x79: {  	_ =	swait.ge [sflag:s15], $0x3E80  }
0x7a: {  	[sflag:s15] =	ssyncset.done $0x0  }
0x7b: {  	[sflag:s15] =	ssyncadd.s32 $0xFFFFC180  }
0x7c: {  	_ =	swait.ge [sflag:s15], $0x3E80  }
0x7d: {  	[sflag:s15] =	ssyncset.done $0x0  }
0x7e: {  	[sflag:s15] =	ssyncadd.s32 $0xFFFFC180  }
0x7f: {  	_ =	swait.ge [sflag:s15], $0x3E80  }
0x80: {  	s17 =	simm.s32 $0x80;
	s18 =	simm.s32 $0x100;
	[sflag:s15] =	ssyncset.done $0x0  }
.LBB2_2:
0x81: {  	s20 =	sadd.s32 s17, s25  }
0x82: {  	[sflag:s15] =	ssyncadd.s32 $0xFFFFC180;
	s17 =	smov.u32 s18;
	s19 =	sadd.s32 $0x80, s18  }
0x83: {  	[tilespmem:s4], [sflag:$0x2] =	stream.linear.gather [hbm4b:s20+s4], $0x400, $0x38;
	[tilespmem:$0x1AC00] =	vst v63  }
0x84: {  	p1 =	sne.s32 s18, $0x480;
	_ =	swait.ge [sflag:s1], $0x400  }
0x85: {  	[sflag:s1] =	ssyncset.done $0x0  }
0x86: {  	[sflag:s1] =	ssyncadd.s32 $0xFFFFFC00  }
0x87: {  	[spmem:s2] =	stream.indirect.scatter.add.f32 [tilespmem:s5], [sflag:$0x1], $0x80, s4, s6, $0xb8;
	[tilespmem:$0x1AC00] =	vst v63  }
0x88: {  	_ = 	snop  }
0x89: {  	[spmem:s2] =	stream.indirect.scatter.add.f32 [tilespmem:s5], [sflag:$0x1], $0x80, s7, s6, $0xb8;
	[tilespmem:$0x1AC00] =	vst v63  }
0x8a: {  	_ = 	snop  }
0x8b: {  	[spmem:s2] =	stream.indirect.scatter.add.f32 [tilespmem:s5], [sflag:$0x1], $0x80, s8, s6, $0xb8;
	[tilespmem:$0x1AC00] =	vst v63  }
0x8c: {  	_ = 	snop  }
0x8d: {  	[spmem:s2] =	stream.indirect.scatter.add.f32 [tilespmem:s5], [sflag:$0x1], $0x80, s9, s6, $0xb8;
	[tilespmem:$0x1AC00] =	vst v63  }
0x8e: {  	_ = 	snop  }
0x8f: {  	[spmem:s2] =	stream.indirect.scatter.add.f32 [tilespmem:s5], [sflag:$0x1], $0x80, s10, s6, $0xb8;
	[tilespmem:$0x1AC00] =	vst v63  }
0x90: {  	_ = 	snop  }
0x91: {  	[spmem:s2] =	stream.indirect.scatter.add.f32 [tilespmem:s5], [sflag:$0x1], $0x80, s11, s6, $0xb8;
	[tilespmem:$0x1AC00] =	vst v63  }
0x92: {  	_ = 	snop  }
0x93: {  	[spmem:s2] =	stream.indirect.scatter.add.f32 [tilespmem:s5], [sflag:$0x1], $0x80, s12, s6, $0xb8;
	[tilespmem:$0x1AC00] =	vst v63  }
0x94: {  	_ = 	snop  }
0x95: {  	[spmem:s2] =	stream.indirect.scatter.add.f32 [tilespmem:s5], [sflag:$0x1], $0x80, s13, s6, $0xb8;
	[tilespmem:$0x1AC00] =	vst v63  }
0x96: {  	_ =	swait.ge [sflag:s15], $0x3E80  }
0x97: {  	[sflag:s15] =	ssyncset.done $0x0  }
0x98: {  	[sflag:s15] =	ssyncadd.s32 $0xFFFFC180  }
0x99: {  	_ =	swait.ge [sflag:s15], $0x3E80  }
0x9a: {  	[sflag:s15] =	ssyncset.done $0x0  }
0x9b: {  	[sflag:s15] =	ssyncadd.s32 $0xFFFFC180  }
0x9c: {  	_ =	swait.ge [sflag:s15], $0x3E80  }
0x9d: {  	[sflag:s15] =	ssyncset.done $0x0  }
0x9e: {  	[sflag:s15] =	ssyncadd.s32 $0xFFFFC180  }
0x9f: {  	_ =	swait.ge [sflag:s15], $0x3E80  }
0xa0: {  	[sflag:s15] =	ssyncset.done $0x0  }
0xa1: {  	[sflag:s15] =	ssyncadd.s32 $0xFFFFC180  }
0xa2: {  	_ =	swait.ge [sflag:s15], $0x3E80  }
0xa3: {  	[sflag:s15] =	ssyncset.done $0x0  }
0xa4: {  	[sflag:s15] =	ssyncadd.s32 $0xFFFFC180  }
0xa5: {  	_ =	swait.ge [sflag:s15], $0x3E80  }
0xa6: {  	[sflag:s15] =	ssyncset.done $0x0  }
0xa7: {  	[sflag:s15] =	ssyncadd.s32 $0xFFFFC180  }
.Ltmp0:
0xa8: {  	_ =	swait.ge [sflag:s15], $0x3E80;
	(pc) =	sbr.rel @p1 .LBB2_2-.Ltmp0, $4  }
0xa9: {  	[sflag:s15] =	ssyncset.done $0x0  }
0xaa: {  	[sflag:s15] =	ssyncadd.s32 $0xFFFFC180  }
0xab: {  	_ =	swait.ge [sflag:s15], $0x3E80  }
0xac: {  	s18 =	smov.u32 s19;
	[sflag:s15] =	ssyncset.done $0x0  }
0xad: {  	s17 =	sadd.s32 s17, s25;
	[sflag:s15] =	ssyncadd.s32 $0xFFFFC180  }
0xae: {  	[tilespmem:s4], [sflag:$0x2] =	stream.linear.gather [hbm4b:s17+s4], $0x400, $0x38;
	[tilespmem:$0x1AC00] =	vst v63  }
0xaf: {  	_ =	swait.ge [sflag:s1], $0x400  }
0xb0: {  	[sflag:s1] =	ssyncset.done $0x0  }
0xb1: {  	[sflag:s1] =	ssyncadd.s32 $0xFFFFFC00  }
0xb2: {  	[spmem:s2] =	stream.indirect.scatter.add.f32 [tilespmem:s5], [sflag:$0x1], $0x80, s4, s6, $0xb8;
	[tilespmem:$0x1AC00] =	vst v63  }
0xb3: {  	_ = 	snop  }
0xb4: {  	[spmem:s2] =	stream.indirect.scatter.add.f32 [tilespmem:s5], [sflag:$0x1], $0x80, s7, s6, $0xb8;
	[tilespmem:$0x1AC00] =	vst v63  }
0xb5: {  	_ = 	snop  }
0xb6: {  	[spmem:s2] =	stream.indirect.scatter.add.f32 [tilespmem:s5], [sflag:$0x1], $0x80, s8, s6, $0xb8;
	[tilespmem:$0x1AC00] =	vst v63  }
0xb7: {  	_ = 	snop  }
0xb8: {  	[spmem:s2] =	stream.indirect.scatter.add.f32 [tilespmem:s5], [sflag:$0x1], $0x80, s9, s6, $0xb8;
	[tilespmem:$0x1AC00] =	vst v63  }
0xb9: {  	_ = 	snop  }
0xba: {  	[spmem:s2] =	stream.indirect.scatter.add.f32 [tilespmem:s5], [sflag:$0x1], $0x80, s10, s6, $0xb8;
	[tilespmem:$0x1AC00] =	vst v63  }
0xbb: {  	_ = 	snop  }
0xbc: {  	[spmem:s2] =	stream.indirect.scatter.add.f32 [tilespmem:s5], [sflag:$0x1], $0x80, s11, s6, $0xb8;
	[tilespmem:$0x1AC00] =	vst v63  }
0xbd: {  	_ = 	snop  }
0xbe: {  	[spmem:s2] =	stream.indirect.scatter.add.f32 [tilespmem:s5], [sflag:$0x1], $0x80, s12, s6, $0xb8;
	[tilespmem:$0x1AC00] =	vst v63  }
0xbf: {  	_ = 	snop  }
0xc0: {  	[spmem:s2] =	stream.indirect.scatter.add.f32 [tilespmem:s5], [sflag:$0x1], $0x80, s13, s6, $0xb8;
	[tilespmem:$0x1AC00] =	vst v63  }
0xc1: {  	_ =	swait.ge [sflag:s15], $0x3E80  }
0xc2: {  	[sflag:s15] =	ssyncset.done $0x0  }
0xc3: {  	[sflag:s15] =	ssyncadd.s32 $0xFFFFC180  }
0xc4: {  	_ =	swait.ge [sflag:s15], $0x3E80  }
0xc5: {  	[sflag:s15] =	ssyncset.done $0x0  }
0xc6: {  	[sflag:s15] =	ssyncadd.s32 $0xFFFFC180  }
0xc7: {  	_ =	swait.ge [sflag:s15], $0x3E80  }
0xc8: {  	[sflag:s15] =	ssyncset.done $0x0  }
0xc9: {  	[sflag:s15] =	ssyncadd.s32 $0xFFFFC180  }
0xca: {  	_ =	swait.ge [sflag:s15], $0x3E80  }
0xcb: {  	[sflag:s15] =	ssyncset.done $0x0  }
0xcc: {  	[sflag:s15] =	ssyncadd.s32 $0xFFFFC180  }
0xcd: {  	_ =	swait.ge [sflag:s15], $0x3E80  }
0xce: {  	[sflag:s15] =	ssyncset.done $0x0  }
0xcf: {  	[sflag:s15] =	ssyncadd.s32 $0xFFFFC180  }
0xd0: {  	_ =	swait.ge [sflag:s15], $0x3E80  }
0xd1: {  	[sflag:s15] =	ssyncset.done $0x0  }
0xd2: {  	[sflag:s15] =	ssyncadd.s32 $0xFFFFC180  }
0xd3: {  	_ =	swait.ge [sflag:s15], $0x3E80  }
0xd4: {  	[sflag:s15] =	ssyncset.done $0x0  }
0xd5: {  	[sflag:s15] =	ssyncadd.s32 $0xFFFFC180  }
0xd6: {  	_ =	swait.ge [sflag:s15], $0x3E80  }
0xd7: {  	[sflag:s15] =	ssyncset.done $0x0  }
0xd8: {  	[sflag:s15] =	ssyncadd.s32 $0xFFFFC180  }
0xd9: {  	[bflag:$0x0] =	sbarrier.arrive $0xFFFF  }
0xda: {  	s18 =	rddreg [dreg:$0xe]  }
0xdb: {  	[tilespmem:s3], [sflag:$0x2] =	stream.linear.gather [spmem:s18], $0x2800, $0x38;
	[tilespmem:$0x1AC00] =	vst v63  }
0xdc: {  	_ =	swait.ge [sflag:s1], $0x2800  }
0xdd: {  	[sflag:s1] =	ssyncset.done $0x0  }
0xde: {  	s19 =	rddreg [dreg:$0x4];
	[sflag:s1] =	ssyncadd.s32 $0xFFFFD800  }
0xdf: {  	[hbm4b:s19+s4] =	stream.linear.scatter [tilespmem:s3], [sflag:$0x2], $0x2800, $0x38;
	[tilespmem:$0x1AC00] =	vst v63  }
0xe0: {  	_ =	swait.ge [sflag:s1], $0x2800  }
0xe1: {  	[sflag:s1] =	ssyncset.done $0x0  }
0xe2: {  	s20 =	rddreg [dreg:$0xf];
	[sflag:s1] =	ssyncadd.s32 $0xFFFFD800  }
0xe3: {  	[tilespmem:s3], [sflag:$0x2] =	stream.linear.gather [spmem:s20], $0x2800, $0x38;
	[tilespmem:$0x1AC00] =	vst v63  }
0xe4: {  	_ =	swait.ge [sflag:s1], $0x2800  }
0xe5: {  	[sflag:s1] =	ssyncset.done $0x0  }
0xe6: {  	s18 =	rddreg [dreg:$0x5];
	[sflag:s1] =	ssyncadd.s32 $0xFFFFD800  }
0xe7: {  	[hbm4b:s18+s4] =	stream.linear.scatter [tilespmem:s3], [sflag:$0x2], $0x2800, $0x38;
	[tilespmem:$0x1AC00] =	vst v63  }
0xe8: {  	_ =	swait.ge [sflag:s1], $0x2800  }
0xe9: {  	[sflag:s1] =	ssyncset.done $0x0  }
0xea: {  	s19 =	rddreg [dreg:$0x10];
	[sflag:s1] =	ssyncadd.s32 $0xFFFFD800  }
0xeb: {  	[tilespmem:s3], [sflag:$0x2] =	stream.linear.gather [spmem:s19], $0x2800, $0x38;
	[tilespmem:$0x1AC00] =	vst v63  }
0xec: {  	_ =	swait.ge [sflag:s1], $0x2800  }
0xed: {  	[sflag:s1] =	ssyncset.done $0x0  }
0xee: {  	s20 =	rddreg [dreg:$0x6];
	[sflag:s1] =	ssyncadd.s32 $0xFFFFD800  }
0xef: {  	[hbm4b:s20+s4] =	stream.linear.scatter [tilespmem:s3], [sflag:$0x2], $0x2800, $0x38;
	[tilespmem:$0x1AC00] =	vst v63  }
0xf0: {  	_ =	swait.ge [sflag:s1], $0x2800  }
0xf1: {  	[sflag:s1] =	ssyncset.done $0x0  }
0xf2: {  	s18 =	rddreg [dreg:$0x11];
	[sflag:s1] =	ssyncadd.s32 $0xFFFFD800  }
0xf3: {  	[tilespmem:s3], [sflag:$0x2] =	stream.linear.gather [spmem:s18], $0x2800, $0x38;
	[tilespmem:$0x1AC00] =	vst v63  }
0xf4: {  	_ =	swait.ge [sflag:s1], $0x2800  }
0xf5: {  	[sflag:s1] =	ssyncset.done $0x0  }
0xf6: {  	s19 =	rddreg [dreg:$0x7];
	[sflag:s1] =	ssyncadd.s32 $0xFFFFD800  }
0xf7: {  	[hbm4b:s19+s4] =	stream.linear.scatter [tilespmem:s3], [sflag:$0x2], $0x2800, $0x38;
	[tilespmem:$0x1AC00] =	vst v63  }
0xf8: {  	_ =	swait.ge [sflag:s1], $0x2800  }
0xf9: {  	[sflag:s1] =	ssyncset.done $0x0  }
0xfa: {  	s20 =	rddreg [dreg:$0x12];
	[sflag:s1] =	ssyncadd.s32 $0xFFFFD800  }
0xfb: {  	[tilespmem:s3], [sflag:$0x2] =	stream.linear.gather [spmem:s20], $0x2800, $0x38;
	[tilespmem:$0x1AC00] =	vst v63  }
0xfc: {  	_ =	swait.ge [sflag:s1], $0x2800  }
0xfd: {  	[sflag:s1] =	ssyncset.done $0x0  }
0xfe: {  	s18 =	rddreg [dreg:$0x8];
	[sflag:s1] =	ssyncadd.s32 $0xFFFFD800  }
0xff: {  	[hbm4b:s18+s4] =	stream.linear.scatter [tilespmem:s3], [sflag:$0x2], $0x2800, $0x38;
	[tilespmem:$0x1AC00] =	vst v63  }
0x100: {  	_ =	swait.ge [sflag:s1], $0x2800  }
0x101: {  	[sflag:s1] =	ssyncset.done $0x0  }
0x102: {  	[sflag:s1] =	ssyncadd.s32 $0xFFFFD800  }
0x103: {  	[tilespmem:s3], [sflag:$0x2] =	stream.linear.gather [spmem:s21], $0x2800, $0x38;
	[tilespmem:$0x1AC00] =	vst v63  }
0x104: {  	_ =	swait.ge [sflag:s1], $0x2800  }
0x105: {  	[sflag:s1] =	ssyncset.done $0x0  }
0x106: {  	s19 =	rddreg [dreg:$0x9];
	[sflag:s1] =	ssyncadd.s32 $0xFFFFD800  }
0x107: {  	[hbm4b:s19+s4] =	stream.linear.scatter [tilespmem:s3], [sflag:$0x2], $0x2800, $0x38;
	[tilespmem:$0x1AC00] =	vst v63  }
0x108: {  	_ =	swait.ge [sflag:s1], $0x2800  }
0x109: {  	[sflag:s1] =	ssyncset.done $0x0  }
0x10a: {  	[sflag:s1] =	ssyncadd.s32 $0xFFFFD800  }
0x10b: {  	[tilespmem:s3], [sflag:$0x2] =	stream.linear.gather [spmem:s22], $0x2800, $0x38;
	[tilespmem:$0x1AC00] =	vst v63  }
0x10c: {  	_ =	swait.ge [sflag:s1], $0x2800  }
0x10d: {  	[sflag:s1] =	ssyncset.done $0x0  }
0x10e: {  	s20 =	rddreg [dreg:$0xa];
	[sflag:s1] =	ssyncadd.s32 $0xFFFFD800  }
0x10f: {  	[hbm4b:s20+s4] =	stream.linear.scatter [tilespmem:s3], [sflag:$0x2], $0x2800, $0x38;
	[tilespmem:$0x1AC00] =	vst v63  }
0x110: {  	_ =	swait.ge [sflag:s1], $0x2800  }
0x111: {  	[sflag:s1] =	ssyncset.done $0x0  }
0x112: {  	s17 =	simm.s32 @!p0 $0x4400;
	s18 =	simm.s32 @!p0 $0x2;
	[sflag:s1] =	ssyncadd.s32 $0xFFFFD800  }
0x113: {  	[tilespmem:s17], [sflag:$0x2] =	stream.linear.gather @!p0 [spmem:s23], $0x2800, $0x38;
	[tilespmem:$0x1AC00] =	vst v63  }
0x114: {  	s16 =	sadd.s32 $0x1, s16;
	_ =	swait.ge @!p0 [sflag:s18], $0x2800  }
0x115: {  	p1 =	sne.s32 s16, s24;
	s19 =	simm.s32 @!p0 $0x0;
	[sflag:s18] =	ssyncset.done @!p0 $0x0  }
.Ltmp1:
0x116: {  	s20 =	rddreg [dreg:$0xb];
	[sflag:s18] =	ssyncadd.s32 @!p0 $0xFFFFD800;
	(pc) =	sbr.rel @p1 .LBB2_1-.Ltmp1, $4  }
0x117: {  	[hbm4b:s20+s19] =	stream.linear.scatter @!p0 [tilespmem:s17], [sflag:$0x2], $0x2800, $0x38;
	[tilespmem:$0x1AC00] =	vst v63  }
0x118: {  	_ =	swait.ge @!p0 [sflag:s18], $0x2800  }
0x119: {  	[sflag:s18] =	ssyncset.done @!p0 $0x0  }
0x11a: {  	[sflag:s18] =	ssyncadd.s32 @!p0 $0xFFFFD800  }
0x11b: {  	_ =	sfence.sel $0x180000  }
0x11c: {  	[bflag:$0x0] =	sbarrier.arrive $0xFFFF  }
0x11d: {  	_ =	strace $0x9000004A  }
0x11e: {  	s0 =	stileid.u32;
	[bflag:$0x2] =	sbarrier.arrive $0xFFFF  }
0x11f: {  	p0 =	sne.s32 s0, $0x0;
	s0 =	rddreg [dreg:$0x3]  }
0x120: {  	s0 =	sadd.s32 @!p0 $0x100000, s0  }
0x121: {  	[sflag:s0] =	ssyncadd.tile.s32 @!p0 $0x1;
	_ =	shalt  }
.Lfunc_end2:
_tile_overlayer_lowered:
.L_overlay_start_2:
0x122: {  	(tag) =	ssettag $0x2  }
0x123: {  	s0 =	rddreg [dreg:$0x0];
	s2 =	stileid.u32  }
0x124: {  	s1 =	rddreg [dreg:$0x1];
	p0 =	sne.s32 s2, $0x0  }
0x125: {  	s3 =	rddreg [dreg:$0x2];
	[bflag:$0x3] =	sbarrier.arrive $0xFFFF;
	s2 =	simm.s32 @!p0 $0x1C02  }
0x126: {  	[timem:s3], [sflag:s2] =	dma.local @!p0 [hbm:s0], s1  }
0x127: {  	s0 =	simm.s32 @!p0 $0x2  }
0x128: {  	_ =	swait.ge @!p0 [sflag:s0], s1  }
0x129: {  	s1 =	ssub.s32 @!p0 $0x0, s1;
	[sflag:s0] =	ssyncset.done @!p0 $0x0  }
0x12a: {  	[sflag:s0] =	ssyncadd.s32 @!p0 s1  }
0x12b: {  	[bflag:$0x3] =	sbarrier.arrive $0xFFFF  }
0x12c: {  	_ =	shalt  }

</sc_bundles>
